<compile_context>
chip_gen: v7x
topology: tpu7x:2x2x1
jax: 0.10.2.dev20260603
libtpu: 0.0.44.dev20260713+nightly
codegen_flags: <defaults>
</compile_context>

<pallas_src>
import functools

import jax
import jax.numpy as jnp
from jax import lax
from jax.experimental import pallas as pl
from jax.experimental.pallas import tpu as pltpu
from jax.experimental.pallas import tpu_sc as plsc

C = 128
H = 512
W = 512
OH, OW = H // 2, W // 2
S = H * W
OS = OH * OW
NGROUP = C // 8
RP_PER_CH = OH
RP_PER_CHUNK = 4
CHUNK_S = RP_PER_CHUNK * 2 * W
CHUNK_OS = RP_PER_CHUNK * OW
NCHUNK = (S // 2) // CHUNK_S


def _pool_body(x_hbm, out_hbm, buf0, buf1, obuf0, obuf1,
               isem0, isem1, osem0, osem1):
    cid = lax.axis_index("c")
    sid = lax.axis_index("s")
    wid = sid * 2 + cid
    grp = wid // 2
    half = wid % 2
    ch0 = grp * 8
    s_base = half * (S // 2)
    o_base = half * (OS // 2)
    iota2 = lax.iota(jnp.int32, 16) * 2
    bufs = (buf0, buf1)
    obufs = (obuf0, obuf1)
    isems = (isem0, isem1)
    osems = (osem0, osem1)

    def in_copy(g, b):
        return pltpu.make_async_copy(
            x_hbm.at[pl.ds(ch0, 8), pl.ds(s_base + g * CHUNK_S, CHUNK_S)],
            bufs[b], isems[b])

    def out_copy(g, b):
        return pltpu.make_async_copy(
            obufs[b],
            out_hbm.at[pl.ds(ch0, 8), pl.ds(o_base + g * CHUNK_OS, CHUNK_OS)],
            osems[b])

    in_copy(0, 0).start()
    in_copy(1, 1).start()

    iota16 = lax.iota(jnp.int32, 16)
    j_even = (2 * iota16) % 16
    j_odd = j_even + 1
    low_lanes = iota16 < 8

    def compute_chunk(buf, obuf):
        @plsc.parallel_loop(0, RP_PER_CHUNK * 8, unroll=2)
        def q_body(q):
            rp = q // 8
            ch = q % 8
            b0 = rp * (2 * W)
            for j in range(OW // 16):
                col0 = b0 + j * 32
                u1 = buf[ch, pl.ds(col0, 16)]
                u2 = buf[ch, pl.ds(col0 + 16, 16)]
                v1 = buf[ch, pl.ds(col0 + W, 16)]
                v2 = buf[ch, pl.ds(col0 + W + 16, 16)]
                m1 = jnp.maximum(u1, v1)
                m2 = jnp.maximum(u2, v2)
                e = jnp.where(low_lanes, m1[j_even], m2[j_even])
                o = jnp.where(low_lanes, m1[j_odd], m2[j_odd])
                obuf[ch, pl.ds(rp * OW + j * 16, 16)] = jnp.maximum(e, o)

    def pair_body(i, carry):
        for b in range(2):
            g = 2 * i + b
            in_copy(g, b).wait()

            @pl.when(i > 0)
            def _():
                out_copy(g - 2, b).wait()

            compute_chunk(bufs[b], obufs[b])
            out_copy(g, b).start()

            @pl.when(i < NCHUNK // 2 - 1)
            def _():
                in_copy(g + 2, b).start()

        return carry

    lax.fori_loop(0, NCHUNK // 2, pair_body, 0)
    out_copy(NCHUNK - 2, 0).wait()
    out_copy(NCHUNK - 1, 1).wait()


def kernel(input, pooling_mask, number_pool):
    del pooling_mask, number_pool
    x = input.reshape(C, S)
    mesh = plsc.VectorSubcoreMesh(core_axis_name="c", subcore_axis_name="s")
    pool = functools.partial(
        pl.kernel,
        mesh=mesh,
        out_type=jax.ShapeDtypeStruct((C, OS), jnp.float32),
        scratch_types=[
            pltpu.VMEM((8, CHUNK_S), jnp.float32),
            pltpu.VMEM((8, CHUNK_S), jnp.float32),
            pltpu.VMEM((8, CHUNK_OS), jnp.float32),
            pltpu.VMEM((8, CHUNK_OS), jnp.float32),
            pltpu.SemaphoreType.DMA,
            pltpu.SemaphoreType.DMA,
            pltpu.SemaphoreType.DMA,
            pltpu.SemaphoreType.DMA,
        ],
        compiler_params=pltpu.CompilerParams(
            needs_layout_passes=False,
            use_tc_tiling_on_sc=True,
        ),
    )(_pool_body)
    out = pool(x)
    return out.reshape(1, C, OS)

# --- scband reference (transcript-rebuilt; emitter-appended) ---
"""Pipeline reference for scband-irregular-max-pool2d-8684423872930 (READ-ONLY COPY).

The authoritative reference and input builder live on the scoring server;
editing this copy changes nothing except your own understanding.
"""

import jax, jax.numpy as jnp
import numpy as np


def _maxpool2x2(x):
    b, c, h, w = x.shape
    x = x.reshape(b, c, h // 2, 2, w // 2, 2)
    return jnp.max(x, axis=(3, 5))


def setup_inputs(seed: int = 0):
    key = jax.random.key(seed)
    x = jax.random.normal(jax.random.fold_in(key, 0), (1, 128, 262144), dtype=jnp.float32)
    pooling_mask = jnp.ones((1, 1, 512, 512), dtype=jnp.int32).astype(jnp.int64) if jax.config.jax_enable_x64 else jnp.ones((1, 1, 512, 512), dtype=jnp.int32)
    return {"input": x, "pooling_mask": pooling_mask, "number_pool": 1}


def reference(input, pooling_mask, number_pool):
    start_idx = 0
    for i in range(0, 1 - 1):
        start_idx += 0
    graph_higher_res = input[:, :, :start_idx]
    graph_current_res = input[:, :, start_idx:]
    step = 2 ** (1 - 1)
    mask_cur = pooling_mask[:, :, ::step, ::step]
    _, _, H, W = mask_cur.shape
    _, C, _ = input.shape
    current_res_mask = (mask_cur >= number_pool - 1)
    dont_touch = (mask_cur == number_pool - 1)
    output_dont_touch = jnp.where(dont_touch.reshape(-1)[:0], graph_current_res[:, :, :0], graph_current_res[:, :, :0])
    touch_mask = (mask_cur >= number_pool)[:, :, ::2, ::2]
    pooling_input = jnp.where(current_res_mask.reshape(1, 1, H * W), graph_current_res, jnp.full((1, C, H * W), -jnp.inf, dtype=input.dtype))
    pooling_input = pooling_input.reshape(1, C, H, W)
    pooled = _maxpool2x2(pooling_input)
    pooled = pooled.reshape(1, C, -1)
    output_lower_res = jnp.where(touch_mask.reshape(1, 1, -1), pooled, jnp.full_like(pooled, -jnp.inf))
    return jnp.concatenate([graph_higher_res, output_dont_touch, output_lower_res], axis=2)

if __name__ == "__main__":
    import jax
    _d = setup_inputs()
    print(jax.jit(kernel)(*tuple(_d.values())))

</pallas_src>

<mosaic_0001>
#map = affine_map<(d0, d1) -> (0, 0)>
module attributes {stable_mosaic.version = 14 : i64} {
  func.func @_pool_body(%arg0: i32, %arg1: i32, %arg2: memref<128x262144xf32, #tpu.memory_space<hbm>>, %arg3: memref<128x65536xf32, #tpu.memory_space<hbm>>, %arg4: memref<8x4096xf32, #tpu.memory_space<vmem>>, %arg5: memref<8x4096xf32, #tpu.memory_space<vmem>>, %arg6: memref<8x1024xf32, #tpu.memory_space<vmem>>, %arg7: memref<8x1024xf32, #tpu.memory_space<vmem>>, %arg8: memref<!tpu.dma_semaphore, #tpu.memory_space<semaphore_mem>>, %arg9: memref<!tpu.dma_semaphore, #tpu.memory_space<semaphore_mem>>, %arg10: memref<!tpu.dma_semaphore, #tpu.memory_space<semaphore_mem>>, %arg11: memref<!tpu.dma_semaphore, #tpu.memory_space<semaphore_mem>>) attributes {dimension_semantics = [#tpu.dimension_semantics<core_parallel>, #tpu.dimension_semantics<subcore_parallel>], iteration_bounds = array<i64: 2, 16>, scalar_prefetch = 0 : i64, scratch_operands = 8 : i64, tpu.core_type = #tpu.core_type<sc_vector_subcore>, window_params = [{transform_indices = #map}, {transform_indices = #map}]} {
    %mul3A = arith.constant 2 : i32
    %mul3A_0 = arith.muli %arg1, %mul3A : i32
    %add3A = arith.addi %mul3A_0, %arg0 : i32
    %jit3A = arith.constant 2 : i32
    %div3A = arith.divsi %add3A, %jit3A : i32
    %sign3A = arith.constant 0 : i32
    %sign3A_1 = arith.cmpi sgt, %add3A, %sign3A : i32
    %sign3A_2 = arith.extui %sign3A_1 : i1 to i32
    %sign3A_3 = arith.constant 0 : i32
    %sign3A_4 = arith.cmpi slt, %add3A, %sign3A_3 : i32
    %sign3A_5 = arith.extui %sign3A_4 : i1 to i32
    %sign3A_6 = arith.subi %sign3A_2, %sign3A_5 : i32
    %sign3A_7 = arith.constant 0 : i32
    %sign3A_8 = arith.cmpi sgt, %jit3A, %sign3A_7 : i32
    %sign3A_9 = arith.extui %sign3A_8 : i1 to i32
    %sign3A_10 = arith.constant 0 : i32
    %sign3A_11 = arith.cmpi slt, %jit3A, %sign3A_10 : i32
    %sign3A_12 = arith.extui %sign3A_11 : i1 to i32
    %sign3A_13 = arith.subi %sign3A_9, %sign3A_12 : i32
    %ne3A = arith.cmpi ne, %sign3A_6, %sign3A_13 : i32
    %rem3A = arith.remsi %add3A, %jit3A : i32
    %ne3A_14 = arith.constant 0 : i32
    %ne3A_15 = arith.cmpi ne, %rem3A, %ne3A_14 : i32
    %and3A = arith.andi %ne3A, %ne3A_15 : i1
    %sub3A = arith.constant 1 : i32
    %sub3A_16 = arith.subi %div3A, %sub3A : i32
    %select_n3A = arith.select %and3A, %sub3A_16, %div3A : i32
    %jit3A_17 = arith.constant 2 : i32
    %eq3A = arith.constant 0 : i32
    %eq3A_18 = arith.cmpi eq, %jit3A_17, %eq3A : i32
    %jit3A_19 = arith.constant 1 : i32
    %select_n3A_20 = arith.select %eq3A_18, %jit3A_19, %jit3A_17 : i32
    %rem3A_21 = arith.remsi %add3A, %select_n3A_20 : i32
    %ne3A_22 = arith.constant 0 : i32
    %ne3A_23 = arith.cmpi ne, %rem3A_21, %ne3A_22 : i32
    %lt3A = arith.constant 0 : i32
    %lt3A_24 = arith.cmpi slt, %rem3A_21, %lt3A : i32
    %lt3A_25 = arith.constant 0 : i32
    %lt3A_26 = arith.cmpi slt, %select_n3A_20, %lt3A_25 : i32
    %ne3A_27 = arith.xori %lt3A_24, %lt3A_26 : i1
    %and3A_28 = arith.andi %ne3A_27, %ne3A_23 : i1
    %add3A_29 = arith.addi %rem3A_21, %select_n3A_20 : i32
    %select_n3A_30 = arith.select %and3A_28, %add3A_29, %rem3A_21 : i32
    %mul3A_31 = arith.constant 8 : i32
    %mul3A_32 = arith.muli %select_n3A, %mul3A_31 : i32
    %mul3A_33 = arith.constant 131072 : i32
    %mul3A_34 = arith.muli %select_n3A_30, %mul3A_33 : i32
    %mul3A_35 = arith.constant 32768 : i32
    %mul3A_36 = arith.muli %select_n3A_30, %mul3A_35 : i32
    %iota3A = tpu.iota {dimensions = array<i32: 0>} : vector<16xi32>
    %mul3A_37 = arith.constant 2 : i32
    %mul3A_38 = vector.broadcast %mul3A_37 : i32 to vector<16xi32>
    %mul3A_39 = arith.muli %iota3A, %mul3A_38 : vector<16xi32>
    %add3A_40 = arith.constant 0 : i32
    %add3A_41 = arith.addi %mul3A_34, %add3A_40 : i32
    %dma_start3A = tpu.memref_slice %arg2[%mul3A_32, %add3A_41] : memref<128x262144xf32, #tpu.memory_space<hbm>> -> memref<8x4096xf32, #tpu.memory_space<hbm>>
    %dma_start3A_42 = tpu.memref_slice %arg2[%mul3A_32, %add3A_41] : memref<128x262144xf32, #tpu.memory_space<hbm>> -> memref<8x4096xf32, #tpu.memory_space<hbm>>
    tpu.enqueue_dma source(%dma_start3A_42 : memref<8x4096xf32, #tpu.memory_space<hbm>>) target(%arg4 : memref<8x4096xf32, #tpu.memory_space<vmem>>) target_semaphore(%arg8 : memref<!tpu.dma_semaphore, #tpu.memory_space<semaphore_mem>>)
    %add3A_43 = arith.constant 4096 : i32
    %add3A_44 = arith.addi %mul3A_34, %add3A_43 : i32
    %dma_start3A_45 = tpu.memref_slice %arg2[%mul3A_32, %add3A_44] : memref<128x262144xf32, #tpu.memory_space<hbm>> -> memref<8x4096xf32, #tpu.memory_space<hbm>>
    %dma_start3A_46 = tpu.memref_slice %arg2[%mul3A_32, %add3A_44] : memref<128x262144xf32, #tpu.memory_space<hbm>> -> memref<8x4096xf32, #tpu.memory_space<hbm>>
    tpu.enqueue_dma source(%dma_start3A_46 : memref<8x4096xf32, #tpu.memory_space<hbm>>) target(%arg5 : memref<8x4096xf32, #tpu.memory_space<vmem>>) target_semaphore(%arg9 : memref<!tpu.dma_semaphore, #tpu.memory_space<semaphore_mem>>)
    %iota3A_47 = tpu.iota {dimensions = array<i32: 0>} : vector<16xi32>
    %mul3A_48 = arith.constant 2 : i32
    %mul3A_49 = vector.broadcast %mul3A_48 : i32 to vector<16xi32>
    %mul3A_50 = arith.muli %mul3A_49, %iota3A_47 : vector<16xi32>
    %jit3A_51 = arith.constant 16 : i32
    %eq3A_52 = arith.constant 0 : i32
    %eq3A_53 = arith.cmpi eq, %jit3A_51, %eq3A_52 : i32
    %jit3A_54 = arith.constant 1 : i32
    %select_n3A_55 = arith.select %eq3A_53, %jit3A_54, %jit3A_51 : i32
    %rem3A_56 = vector.broadcast %select_n3A_55 : i32 to vector<16xi32>
    %rem3A_57 = arith.remsi %mul3A_50, %rem3A_56 : vector<16xi32>
    %ne3A_58 = arith.constant 0 : i32
    %ne3A_59 = vector.broadcast %ne3A_58 : i32 to vector<16xi32>
    %ne3A_60 = arith.cmpi ne, %rem3A_57, %ne3A_59 : vector<16xi32>
    %lt3A_61 = arith.constant 0 : i32
    %lt3A_62 = vector.broadcast %lt3A_61 : i32 to vector<16xi32>
    %lt3A_63 = arith.cmpi slt, %rem3A_57, %lt3A_62 : vector<16xi32>
    %lt3A_64 = arith.constant 0 : i32
    %lt3A_65 = arith.cmpi slt, %select_n3A_55, %lt3A_64 : i32
    %ne3A_66 = vector.broadcast %lt3A_65 : i1 to vector<16xi1>
    %ne3A_67 = vector.broadcast %ne3A_66 : vector<16xi1> to vector<16xi1>
    %ne3A_68 = arith.xori %lt3A_63, %ne3A_67 : vector<16xi1>
    %and3A_69 = arith.andi %ne3A_68, %ne3A_60 : vector<16xi1>
    %add3A_70 = vector.broadcast %select_n3A_55 : i32 to vector<16xi32>
    %add3A_71 = arith.addi %rem3A_57, %add3A_70 : vector<16xi32>
    %select_n3A_72 = arith.select %and3A_69, %add3A_71, %rem3A_57 : vector<16xi1>, vector<16xi32>
    %add3A_73 = arith.constant 1 : i32
    %add3A_74 = vector.broadcast %add3A_73 : i32 to vector<16xi32>
    %add3A_75 = arith.addi %select_n3A_72, %add3A_74 : vector<16xi32>
    %lt3A_76 = arith.constant 8 : i32
    %lt3A_77 = vector.broadcast %lt3A_76 : i32 to vector<16xi32>
    %lt3A_78 = arith.cmpi slt, %iota3A_47, %lt3A_77 : vector<16xi32>
    %scan3A = arith.constant 0 : i32
    %scan3A_79 = arith.constant 0 : i32
    %scan3A_80 = arith.constant 16 : i32
    %scan3A_81 = arith.addi %scan3A_79, %scan3A_80 : i32
    %scan3A_82 = arith.constant 1 : i32
    scf.for %scan3A_91 = %scan3A_79 to %scan3A_81 step %scan3A_82  : i32 {
      %mul3A_92 = arith.constant 2 : i32
      %mul3A_93 = arith.muli %mul3A_92, %scan3A_91 : i32
      %add3A_94 = arith.constant 0 : i32
      %add3A_95 = arith.addi %mul3A_93, %add3A_94 : i32
      %mul3A_96 = arith.constant 4096 : i32
      %mul3A_97 = arith.muli %add3A_95, %mul3A_96 : i32
      %add3A_98 = arith.addi %mul3A_34, %mul3A_97 : i32
      %dma_wait3A_99 = tpu.memref_slice %arg2[%mul3A_32, %add3A_98] : memref<128x262144xf32, #tpu.memory_space<hbm>> -> memref<8x4096xf32, #tpu.memory_space<hbm>>
      %dma_wait3A_100 = tpu.memref_slice %arg2[%mul3A_32, %add3A_98] : memref<128x262144xf32, #tpu.memory_space<hbm>> -> memref<8x4096xf32, #tpu.memory_space<hbm>>
      tpu.wait_dma2 semaphore(%arg8 : memref<!tpu.dma_semaphore, #tpu.memory_space<semaphore_mem>>) src(%dma_wait3A_100 : memref<8x4096xf32, #tpu.memory_space<hbm>>) dst(%arg4 : memref<8x4096xf32, #tpu.memory_space<vmem>>)
      %gt3A = arith.constant 0 : i32
      %gt3A_101 = arith.cmpi sgt, %scan3A_91, %gt3A : i32
      %convert_element_type3A = arith.extui %gt3A_101 : i1 to i32
      %cond3A = arith.constant 0 : i32
      %cond3A_102 = arith.cmpi ne, %convert_element_type3A, %cond3A : i32
      scf.if %cond3A_102 {
        %sub3A_142 = arith.constant 2 : i32
        %sub3A_143 = arith.subi %add3A_95, %sub3A_142 : i32
        %mul3A_144 = arith.constant 1024 : i32
        %mul3A_145 = arith.muli %sub3A_143, %mul3A_144 : i32
        %add3A_146 = arith.addi %mul3A_36, %mul3A_145 : i32
        %dma_wait3A_147 = tpu.memref_slice %arg3[%mul3A_32, %add3A_146] : memref<128x65536xf32, #tpu.memory_space<hbm>> -> memref<8x1024xf32, #tpu.memory_space<hbm>>
        %dma_wait3A_148 = tpu.memref_slice %arg3[%mul3A_32, %add3A_146] : memref<128x65536xf32, #tpu.memory_space<hbm>> -> memref<8x1024xf32, #tpu.memory_space<hbm>>
        tpu.wait_dma2 semaphore(%arg10 : memref<!tpu.dma_semaphore, #tpu.memory_space<semaphore_mem>>) src(%arg6 : memref<8x1024xf32, #tpu.memory_space<vmem>>) dst(%dma_wait3A_148 : memref<8x1024xf32, #tpu.memory_space<hbm>>)
      } else {
      }
      %parallel_loop3A = arith.constant 0 : i32
      %parallel_loop3A_103 = arith.constant 32 : i32
      %parallel_loop3A_104 = arith.constant 1 : i32
      scf.for %parallel_loop3A_142 = %parallel_loop3A to %parallel_loop3A_103 step %parallel_loop3A_104  : i32 {
        %parallel_loop3A_143 = arith.constant 8 : i32
        %parallel_loop3A_144 = arith.divsi %parallel_loop3A_142, %parallel_loop3A_143 : i32
        %parallel_loop3A_145 = arith.constant 0 : i32
        %parallel_loop3A_146 = arith.cmpi sgt, %parallel_loop3A_142, %parallel_loop3A_145 : i32
        %parallel_loop3A_147 = arith.extui %parallel_loop3A_146 : i1 to i32
        %parallel_loop3A_148 = arith.constant 0 : i32
        %parallel_loop3A_149 = arith.cmpi slt, %parallel_loop3A_142, %parallel_loop3A_148 : i32
        %parallel_loop3A_150 = arith.extui %parallel_loop3A_149 : i1 to i32
        %parallel_loop3A_151 = arith.subi %parallel_loop3A_147, %parallel_loop3A_150 : i32
        %parallel_loop3A_152 = arith.constant 0 : i32
        %parallel_loop3A_153 = arith.cmpi sgt, %parallel_loop3A_143, %parallel_loop3A_152 : i32
        %parallel_loop3A_154 = arith.extui %parallel_loop3A_153 : i1 to i32
        %parallel_loop3A_155 = arith.constant 0 : i32
        %parallel_loop3A_156 = arith.cmpi slt, %parallel_loop3A_143, %parallel_loop3A_155 : i32
        %parallel_loop3A_157 = arith.extui %parallel_loop3A_156 : i1 to i32
        %parallel_loop3A_158 = arith.subi %parallel_loop3A_154, %parallel_loop3A_157 : i32
        %parallel_loop3A_159 = arith.cmpi ne, %parallel_loop3A_151, %parallel_loop3A_158 : i32
        %parallel_loop3A_160 = arith.remsi %parallel_loop3A_142, %parallel_loop3A_143 : i32
        %parallel_loop3A_161 = arith.constant 0 : i32
        %parallel_loop3A_162 = arith.cmpi ne, %parallel_loop3A_160, %parallel_loop3A_161 : i32
        %parallel_loop3A_163 = arith.andi %parallel_loop3A_159, %parallel_loop3A_162 : i1
        %parallel_loop3A_164 = arith.constant 1 : i32
        %parallel_loop3A_165 = arith.subi %parallel_loop3A_144, %parallel_loop3A_164 : i32
        %parallel_loop3A_166 = arith.select %parallel_loop3A_163, %parallel_loop3A_165, %parallel_loop3A_144 : i32
        %parallel_loop3A_167 = arith.constant 8 : i32
        %parallel_loop3A_168 = arith.constant 0 : i32
        %parallel_loop3A_169 = arith.cmpi eq, %parallel_loop3A_167, %parallel_loop3A_168 : i32
        %parallel_loop3A_170 = arith.constant 1 : i32
        %parallel_loop3A_171 = arith.select %parallel_loop3A_169, %parallel_loop3A_170, %parallel_loop3A_167 : i32
        %parallel_loop3A_172 = arith.remsi %parallel_loop3A_142, %parallel_loop3A_171 : i32
        %parallel_loop3A_173 = arith.constant 0 : i32
        %parallel_loop3A_174 = arith.cmpi ne, %parallel_loop3A_172, %parallel_loop3A_173 : i32
        %parallel_loop3A_175 = arith.constant 0 : i32
        %parallel_loop3A_176 = arith.cmpi slt, %parallel_loop3A_172, %parallel_loop3A_175 : i32
        %parallel_loop3A_177 = arith.constant 0 : i32
        %parallel_loop3A_178 = arith.cmpi slt, %parallel_loop3A_171, %parallel_loop3A_177 : i32
        %parallel_loop3A_179 = arith.xori %parallel_loop3A_176, %parallel_loop3A_178 : i1
        %parallel_loop3A_180 = arith.andi %parallel_loop3A_179, %parallel_loop3A_174 : i1
        %parallel_loop3A_181 = arith.addi %parallel_loop3A_172, %parallel_loop3A_171 : i32
        %parallel_loop3A_182 = arith.select %parallel_loop3A_180, %parallel_loop3A_181, %parallel_loop3A_172 : i32
        %parallel_loop3A_183 = arith.constant 1024 : i32
        %parallel_loop3A_184 = arith.muli %parallel_loop3A_166, %parallel_loop3A_183 : i32
        %parallel_loop3A_185 = arith.constant 0 : i32
        %parallel_loop3A_186 = arith.addi %parallel_loop3A_184, %parallel_loop3A_185 : i32
        %parallel_loop3A_187 = arith.index_cast %parallel_loop3A_182 : i32 to index
        %parallel_loop3A_188 = arith.index_cast %parallel_loop3A_186 : i32 to index
        %parallel_loop3A_189 = tpu.vector_load %arg4[%parallel_loop3A_187, %parallel_loop3A_188] {strides = array<i32>} : memref<8x4096xf32, #tpu.memory_space<vmem>>, vector<16xf32>,
        %parallel_loop3A_190 = arith.constant 16 : i32
        %parallel_loop3A_191 = arith.addi %parallel_loop3A_186, %parallel_loop3A_190 : i32
        %parallel_loop3A_192 = arith.index_cast %parallel_loop3A_182 : i32 to index
        %parallel_loop3A_193 = arith.index_cast %parallel_loop3A_191 : i32 to index
        %parallel_loop3A_194 = tpu.vector_load %arg4[%parallel_loop3A_192, %parallel_loop3A_193] {strides = array<i32>} : memref<8x4096xf32, #tpu.memory_space<vmem>>, vector<16xf32>,
        %parallel_loop3A_195 = arith.constant 512 : i32
        %parallel_loop3A_196 = arith.addi %parallel_loop3A_186, %parallel_loop3A_195 : i32
        %parallel_loop3A_197 = arith.index_cast %parallel_loop3A_182 : i32 to index
        %parallel_loop3A_198 = arith.index_cast %parallel_loop3A_196 : i32 to index
        %parallel_loop3A_199 = tpu.vector_load %arg4[%parallel_loop3A_197, %parallel_loop3A_198] {strides = array<i32>} : memref<8x4096xf32, #tpu.memory_space<vmem>>, vector<16xf32>,
        %parallel_loop3A_200 = arith.constant 512 : i32
        %parallel_loop3A_201 = arith.addi %parallel_loop3A_186, %parallel_loop3A_200 : i32
        %parallel_loop3A_202 = arith.constant 16 : i32
        %parallel_loop3A_203 = arith.addi %parallel_loop3A_201, %parallel_loop3A_202 : i32
        %parallel_loop3A_204 = arith.index_cast %parallel_loop3A_182 : i32 to index
        %parallel_loop3A_205 = arith.index_cast %parallel_loop3A_203 : i32 to index
        %parallel_loop3A_206 = tpu.vector_load %arg4[%parallel_loop3A_204, %parallel_loop3A_205] {strides = array<i32>} : memref<8x4096xf32, #tpu.memory_space<vmem>>, vector<16xf32>,
        %parallel_loop3A_207 = arith.maximumf %parallel_loop3A_189, %parallel_loop3A_199 : vector<16xf32>
        %parallel_loop3A_208 = arith.maximumf %parallel_loop3A_194, %parallel_loop3A_206 : vector<16xf32>
        %parallel_loop3A_209 = arith.constant 0 : i32
        %parallel_loop3A_210 = vector.broadcast %parallel_loop3A_209 : i32 to vector<16xi32>
        %parallel_loop3A_211 = arith.cmpi slt, %select_n3A_72, %parallel_loop3A_210 : vector<16xi32>
        %parallel_loop3A_212 = arith.constant 16 : i32
        %parallel_loop3A_213 = vector.broadcast %parallel_loop3A_212 : i32 to vector<16xi32>
        %parallel_loop3A_214 = arith.addi %select_n3A_72, %parallel_loop3A_213 : vector<16xi32>
        %parallel_loop3A_215 = arith.select %parallel_loop3A_211, %parallel_loop3A_214, %select_n3A_72 : vector<16xi1>, vector<16xi32>
        %parallel_loop3A_216 = vector.shape_cast %parallel_loop3A_215 : vector<16xi32> to vector<16x1xi32>
        %parallel_loop3A_217 = vector.shape_cast %parallel_loop3A_216 : vector<16x1xi32> to vector<16xi32>
        %parallel_loop3A_218 = tpu.dynamic_gather %parallel_loop3A_207[%parallel_loop3A_217] in [0] : vector<16xf32>, vector<16xi32> -> vector<16xf32>
        %parallel_loop3A_219 = arith.constant 0 : i32
        %parallel_loop3A_220 = vector.broadcast %parallel_loop3A_219 : i32 to vector<16xi32>
        %parallel_loop3A_221 = arith.cmpi slt, %select_n3A_72, %parallel_loop3A_220 : vector<16xi32>
        %parallel_loop3A_222 = arith.constant 16 : i32
        %parallel_loop3A_223 = vector.broadcast %parallel_loop3A_222 : i32 to vector<16xi32>
        %parallel_loop3A_224 = arith.addi %select_n3A_72, %parallel_loop3A_223 : vector<16xi32>
        %parallel_loop3A_225 = arith.select %parallel_loop3A_221, %parallel_loop3A_224, %select_n3A_72 : vector<16xi1>, vector<16xi32>
        %parallel_loop3A_226 = vector.shape_cast %parallel_loop3A_225 : vector<16xi32> to vector<16x1xi32>
        %parallel_loop3A_227 = vector.shape_cast %parallel_loop3A_226 : vector<16x1xi32> to vector<16xi32>
        %parallel_loop3A_228 = tpu.dynamic_gather %parallel_loop3A_208[%parallel_loop3A_227] in [0] : vector<16xf32>, vector<16xi32> -> vector<16xf32>
        %parallel_loop3A_229 = arith.select %lt3A_78, %parallel_loop3A_218, %parallel_loop3A_228 : vector<16xi1>, vector<16xf32>
        %parallel_loop3A_230 = arith.constant 0 : i32
        %parallel_loop3A_231 = vector.broadcast %parallel_loop3A_230 : i32 to vector<16xi32>
        %parallel_loop3A_232 = arith.cmpi slt, %add3A_75, %parallel_loop3A_231 : vector<16xi32>
        %parallel_loop3A_233 = arith.constant 16 : i32
        %parallel_loop3A_234 = vector.broadcast %parallel_loop3A_233 : i32 to vector<16xi32>
        %parallel_loop3A_235 = arith.addi %add3A_75, %parallel_loop3A_234 : vector<16xi32>
        %parallel_loop3A_236 = arith.select %parallel_loop3A_232, %parallel_loop3A_235, %add3A_75 : vector<16xi1>, vector<16xi32>
        %parallel_loop3A_237 = vector.shape_cast %parallel_loop3A_236 : vector<16xi32> to vector<16x1xi32>
        %parallel_loop3A_238 = vector.shape_cast %parallel_loop3A_237 : vector<16x1xi32> to vector<16xi32>
        %parallel_loop3A_239 = tpu.dynamic_gather %parallel_loop3A_207[%parallel_loop3A_238] in [0] : vector<16xf32>, vector<16xi32> -> vector<16xf32>
        %parallel_loop3A_240 = arith.constant 0 : i32
        %parallel_loop3A_241 = vector.broadcast %parallel_loop3A_240 : i32 to vector<16xi32>
        %parallel_loop3A_242 = arith.cmpi slt, %add3A_75, %parallel_loop3A_241 : vector<16xi32>
        %parallel_loop3A_243 = arith.constant 16 : i32
        %parallel_loop3A_244 = vector.broadcast %parallel_loop3A_243 : i32 to vector<16xi32>
        %parallel_loop3A_245 = arith.addi %add3A_75, %parallel_loop3A_244 : vector<16xi32>
        %parallel_loop3A_246 = arith.select %parallel_loop3A_242, %parallel_loop3A_245, %add3A_75 : vector<16xi1>, vector<16xi32>
        %parallel_loop3A_247 = vector.shape_cast %parallel_loop3A_246 : vector<16xi32> to vector<16x1xi32>
        %parallel_loop3A_248 = vector.shape_cast %parallel_loop3A_247 : vector<16x1xi32> to vector<16xi32>
        %parallel_loop3A_249 = tpu.dynamic_gather %parallel_loop3A_208[%parallel_loop3A_248] in [0] : vector<16xf32>, vector<16xi32> -> vector<16xf32>
        %parallel_loop3A_250 = arith.select %lt3A_78, %parallel_loop3A_239, %parallel_loop3A_249 : vector<16xi1>, vector<16xf32>
        %parallel_loop3A_251 = arith.maximumf %parallel_loop3A_229, %parallel_loop3A_250 : vector<16xf32>
        %parallel_loop3A_252 = arith.constant 256 : i32
        %parallel_loop3A_253 = arith.muli %parallel_loop3A_166, %parallel_loop3A_252 : i32
        %parallel_loop3A_254 = arith.constant 0 : i32
        %parallel_loop3A_255 = arith.addi %parallel_loop3A_253, %parallel_loop3A_254 : i32
        %parallel_loop3A_256 = arith.index_cast %parallel_loop3A_182 : i32 to index
        %parallel_loop3A_257 = arith.index_cast %parallel_loop3A_255 : i32 to index
        %parallel_loop3A_258 = tpu.vector_load %arg6[%parallel_loop3A_256, %parallel_loop3A_257] {strides = array<i32>} : memref<8x1024xf32, #tpu.memory_space<vmem>>, vector<16xf32>,
        tpu.vector_store %arg6[%parallel_loop3A_256, %parallel_loop3A_257], %parallel_loop3A_251 {strides = array<i32>} : memref<8x1024xf32, #tpu.memory_space<vmem>>, vector<16xf32>,
        %parallel_loop3A_259 = arith.constant 32 : i32
        %parallel_loop3A_260 = arith.addi %parallel_loop3A_184, %parallel_loop3A_259 : i32
        %parallel_loop3A_261 = arith.index_cast %parallel_loop3A_182 : i32 to index
        %parallel_loop3A_262 = arith.index_cast %parallel_loop3A_260 : i32 to index
        %parallel_loop3A_263 = tpu.vector_load %arg4[%parallel_loop3A_261, %parallel_loop3A_262] {strides = array<i32>} : memref<8x4096xf32, #tpu.memory_space<vmem>>, vector<16xf32>,
        %parallel_loop3A_264 = arith.constant 16 : i32
        %parallel_loop3A_265 = arith.addi %parallel_loop3A_260, %parallel_loop3A_264 : i32
        %parallel_loop3A_266 = arith.index_cast %parallel_loop3A_182 : i32 to index
        %parallel_loop3A_267 = arith.index_cast %parallel_loop3A_265 : i32 to index
        %parallel_loop3A_268 = tpu.vector_load %arg4[%parallel_loop3A_266, %parallel_loop3A_267] {strides = array<i32>} : memref<8x4096xf32, #tpu.memory_space<vmem>>, vector<16xf32>,
        %parallel_loop3A_269 = arith.constant 512 : i32
        %parallel_loop3A_270 = arith.addi %parallel_loop3A_260, %parallel_loop3A_269 : i32
        %parallel_loop3A_271 = arith.index_cast %parallel_loop3A_182 : i32 to index
        %parallel_loop3A_272 = arith.index_cast %parallel_loop3A_270 : i32 to index
        %parallel_loop3A_273 = tpu.vector_load %arg4[%parallel_loop3A_271, %parallel_loop3A_272] {strides = array<i32>} : memref<8x4096xf32, #tpu.memory_space<vmem>>, vector<16xf32>,
        %parallel_loop3A_274 = arith.constant 512 : i32
        %parallel_loop3A_275 = arith.addi %parallel_loop3A_260, %parallel_loop3A_274 : i32
        %parallel_loop3A_276 = arith.constant 16 : i32
        %parallel_loop3A_277 = arith.addi %parallel_loop3A_275, %parallel_loop3A_276 : i32
        %parallel_loop3A_278 = arith.index_cast %parallel_loop3A_182 : i32 to index
        %parallel_loop3A_279 = arith.index_cast %parallel_loop3A_277 : i32 to index
        %parallel_loop3A_280 = tpu.vector_load %arg4[%parallel_loop3A_278, %parallel_loop3A_279] {strides = array<i32>} : memref<8x4096xf32, #tpu.memory_space<vmem>>, vector<16xf32>,
        %parallel_loop3A_281 = arith.maximumf %parallel_loop3A_263, %parallel_loop3A_273 : vector<16xf32>
        %parallel_loop3A_282 = arith.maximumf %parallel_loop3A_268, %parallel_loop3A_280 : vector<16xf32>
        %parallel_loop3A_283 = arith.constant 0 : i32
        %parallel_loop3A_284 = vector.broadcast %parallel_loop3A_283 : i32 to vector<16xi32>
        %parallel_loop3A_285 = arith.cmpi slt, %select_n3A_72, %parallel_loop3A_284 : vector<16xi32>
        %parallel_loop3A_286 = arith.constant 16 : i32
        %parallel_loop3A_287 = vector.broadcast %parallel_loop3A_286 : i32 to vector<16xi32>
        %parallel_loop3A_288 = arith.addi %select_n3A_72, %parallel_loop3A_287 : vector<16xi32>
        %parallel_loop3A_289 = arith.select %parallel_loop3A_285, %parallel_loop3A_288, %select_n3A_72 : vector<16xi1>, vector<16xi32>
        %parallel_loop3A_290 = vector.shape_cast %parallel_loop3A_289 : vector<16xi32> to vector<16x1xi32>
        %parallel_loop3A_291 = vector.shape_cast %parallel_loop3A_290 : vector<16x1xi32> to vector<16xi32>
        %parallel_loop3A_292 = tpu.dynamic_gather %parallel_loop3A_281[%parallel_loop3A_291] in [0] : vector<16xf32>, vector<16xi32> -> vector<16xf32>
        %parallel_loop3A_293 = arith.constant 0 : i32
        %parallel_loop3A_294 = vector.broadcast %parallel_loop3A_293 : i32 to vector<16xi32>
        %parallel_loop3A_295 = arith.cmpi slt, %select_n3A_72, %parallel_loop3A_294 : vector<16xi32>
        %parallel_loop3A_296 = arith.constant 16 : i32
        %parallel_loop3A_297 = vector.broadcast %parallel_loop3A_296 : i32 to vector<16xi32>
        %parallel_loop3A_298 = arith.addi %select_n3A_72, %parallel_loop3A_297 : vector<16xi32>
        %parallel_loop3A_299 = arith.select %parallel_loop3A_295, %parallel_loop3A_298, %select_n3A_72 : vector<16xi1>, vector<16xi32>
        %parallel_loop3A_300 = vector.shape_cast %parallel_loop3A_299 : vector<16xi32> to vector<16x1xi32>
        %parallel_loop3A_301 = vector.shape_cast %parallel_loop3A_300 : vector<16x1xi32> to vector<16xi32>
        %parallel_loop3A_302 = tpu.dynamic_gather %parallel_loop3A_282[%parallel_loop3A_301] in [0] : vector<16xf32>, vector<16xi32> -> vector<16xf32>
        %parallel_loop3A_303 = arith.select %lt3A_78, %parallel_loop3A_292, %parallel_loop3A_302 : vector<16xi1>, vector<16xf32>
        %parallel_loop3A_304 = arith.constant 0 : i32
        %parallel_loop3A_305 = vector.broadcast %parallel_loop3A_304 : i32 to vector<16xi32>
        %parallel_loop3A_306 = arith.cmpi slt, %add3A_75, %parallel_loop3A_305 : vector<16xi32>
        %parallel_loop3A_307 = arith.constant 16 : i32
        %parallel_loop3A_308 = vector.broadcast %parallel_loop3A_307 : i32 to vector<16xi32>
        %parallel_loop3A_309 = arith.addi %add3A_75, %parallel_loop3A_308 : vector<16xi32>
        %parallel_loop3A_310 = arith.select %parallel_loop3A_306, %parallel_loop3A_309, %add3A_75 : vector<16xi1>, vector<16xi32>
        %parallel_loop3A_311 = vector.shape_cast %parallel_loop3A_310 : vector<16xi32> to vector<16x1xi32>
        %parallel_loop3A_312 = vector.shape_cast %parallel_loop3A_311 : vector<16x1xi32> to vector<16xi32>
        %parallel_loop3A_313 = tpu.dynamic_gather %parallel_loop3A_281[%parallel_loop3A_312] in [0] : vector<16xf32>, vector<16xi32> -> vector<16xf32>
        %parallel_loop3A_314 = arith.constant 0 : i32
        %parallel_loop3A_315 = vector.broadcast %parallel_loop3A_314 : i32 to vector<16xi32>
        %parallel_loop3A_316 = arith.cmpi slt, %add3A_75, %parallel_loop3A_315 : vector<16xi32>
        %parallel_loop3A_317 = arith.constant 16 : i32
        %parallel_loop3A_318 = vector.broadcast %parallel_loop3A_317 : i32 to vector<16xi32>
        %parallel_loop3A_319 = arith.addi %add3A_75, %parallel_loop3A_318 : vector<16xi32>
        %parallel_loop3A_320 = arith.select %parallel_loop3A_316, %parallel_loop3A_319, %add3A_75 : vector<16xi1>, vector<16xi32>
        %parallel_loop3A_321 = vector.shape_cast %parallel_loop3A_320 : vector<16xi32> to vector<16x1xi32>
        %parallel_loop3A_322 = vector.shape_cast %parallel_loop3A_321 : vector<16x1xi32> to vector<16xi32>
        %parallel_loop3A_323 = tpu.dynamic_gather %parallel_loop3A_282[%parallel_loop3A_322] in [0] : vector<16xf32>, vector<16xi32> -> vector<16xf32>
        %parallel_loop3A_324 = arith.select %lt3A_78, %parallel_loop3A_313, %parallel_loop3A_323 : vector<16xi1>, vector<16xf32>
        %parallel_loop3A_325 = arith.maximumf %parallel_loop3A_303, %parallel_loop3A_324 : vector<16xf32>
        %parallel_loop3A_326 = arith.constant 256 : i32
        %parallel_loop3A_327 = arith.muli %parallel_loop3A_166, %parallel_loop3A_326 : i32
        %parallel_loop3A_328 = arith.constant 16 : i32
        %parallel_loop3A_329 = arith.addi %parallel_loop3A_327, %parallel_loop3A_328 : i32
        %parallel_loop3A_330 = arith.index_cast %parallel_loop3A_182 : i32 to index
        %parallel_loop3A_331 = arith.index_cast %parallel_loop3A_329 : i32 to index
        %parallel_loop3A_332 = tpu.vector_load %arg6[%parallel_loop3A_330, %parallel_loop3A_331] {strides = array<i32>} : memref<8x1024xf32, #tpu.memory_space<vmem>>, vector<16xf32>,
        tpu.vector_store %arg6[%parallel_loop3A_330, %parallel_loop3A_331], %parallel_loop3A_325 {strides = array<i32>} : memref<8x1024xf32, #tpu.memory_space<vmem>>, vector<16xf32>,
        %parallel_loop3A_333 = arith.constant 64 : i32
        %parallel_loop3A_334 = arith.addi %parallel_loop3A_184, %parallel_loop3A_333 : i32
        %parallel_loop3A_335 = arith.index_cast %parallel_loop3A_182 : i32 to index
        %parallel_loop3A_336 = arith.index_cast %parallel_loop3A_334 : i32 to index
        %parallel_loop3A_337 = tpu.vector_load %arg4[%parallel_loop3A_335, %parallel_loop3A_336] {strides = array<i32>} : memref<8x4096xf32, #tpu.memory_space<vmem>>, vector<16xf32>,
        %parallel_loop3A_338 = arith.constant 16 : i32
        %parallel_loop3A_339 = arith.addi %parallel_loop3A_334, %parallel_loop3A_338 : i32
        %parallel_loop3A_340 = arith.index_cast %parallel_loop3A_182 : i32 to index
        %parallel_loop3A_341 = arith.index_cast %parallel_loop3A_339 : i32 to index
        %parallel_loop3A_342 = tpu.vector_load %arg4[%parallel_loop3A_340, %parallel_loop3A_341] {strides = array<i32>} : memref<8x4096xf32, #tpu.memory_space<vmem>>, vector<16xf32>,
        %parallel_loop3A_343 = arith.constant 512 : i32
        %parallel_loop3A_344 = arith.addi %parallel_loop3A_334, %parallel_loop3A_343 : i32
        %parallel_loop3A_345 = arith.index_cast %parallel_loop3A_182 : i32 to index
        %parallel_loop3A_346 = arith.index_cast %parallel_loop3A_344 : i32 to index
        %parallel_loop3A_347 = tpu.vector_load %arg4[%parallel_loop3A_345, %parallel_loop3A_346] {strides = array<i32>} : memref<8x4096xf32, #tpu.memory_space<vmem>>, vector<16xf32>,
        %parallel_loop3A_348 = arith.constant 512 : i32
        %parallel_loop3A_349 = arith.addi %parallel_loop3A_334, %parallel_loop3A_348 : i32
        %parallel_loop3A_350 = arith.constant 16 : i32
        %parallel_loop3A_351 = arith.addi %parallel_loop3A_349, %parallel_loop3A_350 : i32
        %parallel_loop3A_352 = arith.index_cast %parallel_loop3A_182 : i32 to index
        %parallel_loop3A_353 = arith.index_cast %parallel_loop3A_351 : i32 to index
        %parallel_loop3A_354 = tpu.vector_load %arg4[%parallel_loop3A_352, %parallel_loop3A_353] {strides = array<i32>} : memref<8x4096xf32, #tpu.memory_space<vmem>>, vector<16xf32>,
        %parallel_loop3A_355 = arith.maximumf %parallel_loop3A_337, %parallel_loop3A_347 : vector<16xf32>
        %parallel_loop3A_356 = arith.maximumf %parallel_loop3A_342, %parallel_loop3A_354 : vector<16xf32>
        %parallel_loop3A_357 = arith.constant 0 : i32
        %parallel_loop3A_358 = vector.broadcast %parallel_loop3A_357 : i32 to vector<16xi32>
        %parallel_loop3A_359 = arith.cmpi slt, %select_n3A_72, %parallel_loop3A_358 : vector<16xi32>
        %parallel_loop3A_360 = arith.constant 16 : i32
        %parallel_loop3A_361 = vector.broadcast %parallel_loop3A_360 : i32 to vector<16xi32>
        %parallel_loop3A_362 = arith.addi %select_n3A_72, %parallel_loop3A_361 : vector<16xi32>
        %parallel_loop3A_363 = arith.select %parallel_loop3A_359, %parallel_loop3A_362, %select_n3A_72 : vector<16xi1>, vector<16xi32>
        %parallel_loop3A_364 = vector.shape_cast %parallel_loop3A_363 : vector<16xi32> to vector<16x1xi32>
        %parallel_loop3A_365 = vector.shape_cast %parallel_loop3A_364 : vector<16x1xi32> to vector<16xi32>
        %parallel_loop3A_366 = tpu.dynamic_gather %parallel_loop3A_355[%parallel_loop3A_365] in [0] : vector<16xf32>, vector<16xi32> -> vector<16xf32>
        %parallel_loop3A_367 = arith.constant 0 : i32
        %parallel_loop3A_368 = vector.broadcast %parallel_loop3A_367 : i32 to vector<16xi32>
        %parallel_loop3A_369 = arith.cmpi slt, %select_n3A_72, %parallel_loop3A_368 : vector<16xi32>
        %parallel_loop3A_370 = arith.constant 16 : i32
        %parallel_loop3A_371 = vector.broadcast %parallel_loop3A_370 : i32 to vector<16xi32>
        %parallel_loop3A_372 = arith.addi %select_n3A_72, %parallel_loop3A_371 : vector<16xi32>
        %parallel_loop3A_373 = arith.select %parallel_loop3A_369, %parallel_loop3A_372, %select_n3A_72 : vector<16xi1>, vector<16xi32>
        %parallel_loop3A_374 = vector.shape_cast %parallel_loop3A_373 : vector<16xi32> to vector<16x1xi32>
        %parallel_loop3A_375 = vector.shape_cast %parallel_loop3A_374 : vector<16x1xi32> to vector<16xi32>
        %parallel_loop3A_376 = tpu.dynamic_gather %parallel_loop3A_356[%parallel_loop3A_375] in [0] : vector<16xf32>, vector<16xi32> -> vector<16xf32>
        %parallel_loop3A_377 = arith.select %lt3A_78, %parallel_loop3A_366, %parallel_loop3A_376 : vector<16xi1>, vector<16xf32>
        %parallel_loop3A_378 = arith.constant 0 : i32
        %parallel_loop3A_379 = vector.broadcast %parallel_loop3A_378 : i32 to vector<16xi32>
        %parallel_loop3A_380 = arith.cmpi slt, %add3A_75, %parallel_loop3A_379 : vector<16xi32>
        %parallel_loop3A_381 = arith.constant 16 : i32
        %parallel_loop3A_382 = vector.broadcast %parallel_loop3A_381 : i32 to vector<16xi32>
        %parallel_loop3A_383 = arith.addi %add3A_75, %parallel_loop3A_382 : vector<16xi32>
        %parallel_loop3A_384 = arith.select %parallel_loop3A_380, %parallel_loop3A_383, %add3A_75 : vector<16xi1>, vector<16xi32>
        %parallel_loop3A_385 = vector.shape_cast %parallel_loop3A_384 : vector<16xi32> to vector<16x1xi32>
        %parallel_loop3A_386 = vector.shape_cast %parallel_loop3A_385 : vector<16x1xi32> to vector<16xi32>
        %parallel_loop3A_387 = tpu.dynamic_gather %parallel_loop3A_355[%parallel_loop3A_386] in [0] : vector<16xf32>, vector<16xi32> -> vector<16xf32>
        %parallel_loop3A_388 = arith.constant 0 : i32
        %parallel_loop3A_389 = vector.broadcast %parallel_loop3A_388 : i32 to vector<16xi32>
        %parallel_loop3A_390 = arith.cmpi slt, %add3A_75, %parallel_loop3A_389 : vector<16xi32>
        %parallel_loop3A_391 = arith.constant 16 : i32
        %parallel_loop3A_392 = vector.broadcast %parallel_loop3A_391 : i32 to vector<16xi32>
        %parallel_loop3A_393 = arith.addi %add3A_75, %parallel_loop3A_392 : vector<16xi32>
        %parallel_loop3A_394 = arith.select %parallel_loop3A_390, %parallel_loop3A_393, %add3A_75 : vector<16xi1>, vector<16xi32>
        %parallel_loop3A_395 = vector.shape_cast %parallel_loop3A_394 : vector<16xi32> to vector<16x1xi32>
        %parallel_loop3A_396 = vector.shape_cast %parallel_loop3A_395 : vector<16x1xi32> to vector<16xi32>
        %parallel_loop3A_397 = tpu.dynamic_gather %parallel_loop3A_356[%parallel_loop3A_396] in [0] : vector<16xf32>, vector<16xi32> -> vector<16xf32>
        %parallel_loop3A_398 = arith.select %lt3A_78, %parallel_loop3A_387, %parallel_loop3A_397 : vector<16xi1>, vector<16xf32>
        %parallel_loop3A_399 = arith.maximumf %parallel_loop3A_377, %parallel_loop3A_398 : vector<16xf32>
        %parallel_loop3A_400 = arith.constant 256 : i32
        %parallel_loop3A_401 = arith.muli %parallel_loop3A_166, %parallel_loop3A_400 : i32
        %parallel_loop3A_402 = arith.constant 32 : i32
        %parallel_loop3A_403 = arith.addi %parallel_loop3A_401, %parallel_loop3A_402 : i32
        %parallel_loop3A_404 = arith.index_cast %parallel_loop3A_182 : i32 to index
        %parallel_loop3A_405 = arith.index_cast %parallel_loop3A_403 : i32 to index
        %parallel_loop3A_406 = tpu.vector_load %arg6[%parallel_loop3A_404, %parallel_loop3A_405] {strides = array<i32>} : memref<8x1024xf32, #tpu.memory_space<vmem>>, vector<16xf32>,
        tpu.vector_store %arg6[%parallel_loop3A_404, %parallel_loop3A_405], %parallel_loop3A_399 {strides = array<i32>} : memref<8x1024xf32, #tpu.memory_space<vmem>>, vector<16xf32>,
        %parallel_loop3A_407 = arith.constant 96 : i32
        %parallel_loop3A_408 = arith.addi %parallel_loop3A_184, %parallel_loop3A_407 : i32
        %parallel_loop3A_409 = arith.index_cast %parallel_loop3A_182 : i32 to index
        %parallel_loop3A_410 = arith.index_cast %parallel_loop3A_408 : i32 to index
        %parallel_loop3A_411 = tpu.vector_load %arg4[%parallel_loop3A_409, %parallel_loop3A_410] {strides = array<i32>} : memref<8x4096xf32, #tpu.memory_space<vmem>>, vector<16xf32>,
        %parallel_loop3A_412 = arith.constant 16 : i32
        %parallel_loop3A_413 = arith.addi %parallel_loop3A_408, %parallel_loop3A_412 : i32
        %parallel_loop3A_414 = arith.index_cast %parallel_loop3A_182 : i32 to index
        %parallel_loop3A_415 = arith.index_cast %parallel_loop3A_413 : i32 to index
        %parallel_loop3A_416 = tpu.vector_load %arg4[%parallel_loop3A_414, %parallel_loop3A_415] {strides = array<i32>} : memref<8x4096xf32, #tpu.memory_space<vmem>>, vector<16xf32>,
        %parallel_loop3A_417 = arith.constant 512 : i32
        %parallel_loop3A_418 = arith.addi %parallel_loop3A_408, %parallel_loop3A_417 : i32
        %parallel_loop3A_419 = arith.index_cast %parallel_loop3A_182 : i32 to index
        %parallel_loop3A_420 = arith.index_cast %parallel_loop3A_418 : i32 to index
        %parallel_loop3A_421 = tpu.vector_load %arg4[%parallel_loop3A_419, %parallel_loop3A_420] {strides = array<i32>} : memref<8x4096xf32, #tpu.memory_space<vmem>>, vector<16xf32>,
        %parallel_loop3A_422 = arith.constant 512 : i32
        %parallel_loop3A_423 = arith.addi %parallel_loop3A_408, %parallel_loop3A_422 : i32
        %parallel_loop3A_424 = arith.constant 16 : i32
        %parallel_loop3A_425 = arith.addi %parallel_loop3A_423, %parallel_loop3A_424 : i32
        %parallel_loop3A_426 = arith.index_cast %parallel_loop3A_182 : i32 to index
        %parallel_loop3A_427 = arith.index_cast %parallel_loop3A_425 : i32 to index
        %parallel_loop3A_428 = tpu.vector_load %arg4[%parallel_loop3A_426, %parallel_loop3A_427] {strides = array<i32>} : memref<8x4096xf32, #tpu.memory_space<vmem>>, vector<16xf32>,
        %parallel_loop3A_429 = arith.maximumf %parallel_loop3A_411, %parallel_loop3A_421 : vector<16xf32>
        %parallel_loop3A_430 = arith.maximumf %parallel_loop3A_416, %parallel_loop3A_428 : vector<16xf32>
        %parallel_loop3A_431 = arith.constant 0 : i32
        %parallel_loop3A_432 = vector.broadcast %parallel_loop3A_431 : i32 to vector<16xi32>
        %parallel_loop3A_433 = arith.cmpi slt, %select_n3A_72, %parallel_loop3A_432 : vector<16xi32>
        %parallel_loop3A_434 = arith.constant 16 : i32
        %parallel_loop3A_435 = vector.broadcast %parallel_loop3A_434 : i32 to vector<16xi32>
        %parallel_loop3A_436 = arith.addi %select_n3A_72, %parallel_loop3A_435 : vector<16xi32>
        %parallel_loop3A_437 = arith.select %parallel_loop3A_433, %parallel_loop3A_436, %select_n3A_72 : vector<16xi1>, vector<16xi32>
        %parallel_loop3A_438 = vector.shape_cast %parallel_loop3A_437 : vector<16xi32> to vector<16x1xi32>
        %parallel_loop3A_439 = vector.shape_cast %parallel_loop3A_438 : vector<16x1xi32> to vector<16xi32>
        %parallel_loop3A_440 = tpu.dynamic_gather %parallel_loop3A_429[%parallel_loop3A_439] in [0] : vector<16xf32>, vector<16xi32> -> vector<16xf32>
        %parallel_loop3A_441 = arith.constant 0 : i32
        %parallel_loop3A_442 = vector.broadcast %parallel_loop3A_441 : i32 to vector<16xi32>
        %parallel_loop3A_443 = arith.cmpi slt, %select_n3A_72, %parallel_loop3A_442 : vector<16xi32>
        %parallel_loop3A_444 = arith.constant 16 : i32
        %parallel_loop3A_445 = vector.broadcast %parallel_loop3A_444 : i32 to vector<16xi32>
        %parallel_loop3A_446 = arith.addi %select_n3A_72, %parallel_loop3A_445 : vector<16xi32>
        %parallel_loop3A_447 = arith.select %parallel_loop3A_443, %parallel_loop3A_446, %select_n3A_72 : vector<16xi1>, vector<16xi32>
        %parallel_loop3A_448 = vector.shape_cast %parallel_loop3A_447 : vector<16xi32> to vector<16x1xi32>
        %parallel_loop3A_449 = vector.shape_cast %parallel_loop3A_448 : vector<16x1xi32> to vector<16xi32>
        %parallel_loop3A_450 = tpu.dynamic_gather %parallel_loop3A_430[%parallel_loop3A_449] in [0] : vector<16xf32>, vector<16xi32> -> vector<16xf32>
        %parallel_loop3A_451 = arith.select %lt3A_78, %parallel_loop3A_440, %parallel_loop3A_450 : vector<16xi1>, vector<16xf32>
        %parallel_loop3A_452 = arith.constant 0 : i32
        %parallel_loop3A_453 = vector.broadcast %parallel_loop3A_452 : i32 to vector<16xi32>
        %parallel_loop3A_454 = arith.cmpi slt, %add3A_75, %parallel_loop3A_453 : vector<16xi32>
        %parallel_loop3A_455 = arith.constant 16 : i32
        %parallel_loop3A_456 = vector.broadcast %parallel_loop3A_455 : i32 to vector<16xi32>
        %parallel_loop3A_457 = arith.addi %add3A_75, %parallel_loop3A_456 : vector<16xi32>
        %parallel_loop3A_458 = arith.select %parallel_loop3A_454, %parallel_loop3A_457, %add3A_75 : vector<16xi1>, vector<16xi32>
        %parallel_loop3A_459 = vector.shape_cast %parallel_loop3A_458 : vector<16xi32> to vector<16x1xi32>
        %parallel_loop3A_460 = vector.shape_cast %parallel_loop3A_459 : vector<16x1xi32> to vector<16xi32>
        %parallel_loop3A_461 = tpu.dynamic_gather %parallel_loop3A_429[%parallel_loop3A_460] in [0] : vector<16xf32>, vector<16xi32> -> vector<16xf32>
        %parallel_loop3A_462 = arith.constant 0 : i32
        %parallel_loop3A_463 = vector.broadcast %parallel_loop3A_462 : i32 to vector<16xi32>
        %parallel_loop3A_464 = arith.cmpi slt, %add3A_75, %parallel_loop3A_463 : vector<16xi32>
        %parallel_loop3A_465 = arith.constant 16 : i32
        %parallel_loop3A_466 = vector.broadcast %parallel_loop3A_465 : i32 to vector<16xi32>
        %parallel_loop3A_467 = arith.addi %add3A_75, %parallel_loop3A_466 : vector<16xi32>
        %parallel_loop3A_468 = arith.select %parallel_loop3A_464, %parallel_loop3A_467, %add3A_75 : vector<16xi1>, vector<16xi32>
        %parallel_loop3A_469 = vector.shape_cast %parallel_loop3A_468 : vector<16xi32> to vector<16x1xi32>
        %parallel_loop3A_470 = vector.shape_cast %parallel_loop3A_469 : vector<16x1xi32> to vector<16xi32>
        %parallel_loop3A_471 = tpu.dynamic_gather %parallel_loop3A_430[%parallel_loop3A_470] in [0] : vector<16xf32>, vector<16xi32> -> vector<16xf32>
        %parallel_loop3A_472 = arith.select %lt3A_78, %parallel_loop3A_461, %parallel_loop3A_471 : vector<16xi1>, vector<16xf32>
        %parallel_loop3A_473 = arith.maximumf %parallel_loop3A_451, %parallel_loop3A_472 : vector<16xf32>
        %parallel_loop3A_474 = arith.constant 256 : i32
        %parallel_loop3A_475 = arith.muli %parallel_loop3A_166, %parallel_loop3A_474 : i32
        %parallel_loop3A_476 = arith.constant 48 : i32
        %parallel_loop3A_477 = arith.addi %parallel_loop3A_475, %parallel_loop3A_476 : i32
        %parallel_loop3A_478 = arith.index_cast %parallel_loop3A_182 : i32 to index
        %parallel_loop3A_479 = arith.index_cast %parallel_loop3A_477 : i32 to index
        %parallel_loop3A_480 = tpu.vector_load %arg6[%parallel_loop3A_478, %parallel_loop3A_479] {strides = array<i32>} : memref<8x1024xf32, #tpu.memory_space<vmem>>, vector<16xf32>,
        tpu.vector_store %arg6[%parallel_loop3A_478, %parallel_loop3A_479], %parallel_loop3A_473 {strides = array<i32>} : memref<8x1024xf32, #tpu.memory_space<vmem>>, vector<16xf32>,
        %parallel_loop3A_481 = arith.constant 128 : i32
        %parallel_loop3A_482 = arith.addi %parallel_loop3A_184, %parallel_loop3A_481 : i32
        %parallel_loop3A_483 = arith.index_cast %parallel_loop3A_182 : i32 to index
        %parallel_loop3A_484 = arith.index_cast %parallel_loop3A_482 : i32 to index
        %parallel_loop3A_485 = tpu.vector_load %arg4[%parallel_loop3A_483, %parallel_loop3A_484] {strides = array<i32>} : memref<8x4096xf32, #tpu.memory_space<vmem>>, vector<16xf32>,
        %parallel_loop3A_486 = arith.constant 16 : i32
        %parallel_loop3A_487 = arith.addi %parallel_loop3A_482, %parallel_loop3A_486 : i32
        %parallel_loop3A_488 = arith.index_cast %parallel_loop3A_182 : i32 to index
        %parallel_loop3A_489 = arith.index_cast %parallel_loop3A_487 : i32 to index
        %parallel_loop3A_490 = tpu.vector_load %arg4[%parallel_loop3A_488, %parallel_loop3A_489] {strides = array<i32>} : memref<8x4096xf32, #tpu.memory_space<vmem>>, vector<16xf32>,
        %parallel_loop3A_491 = arith.constant 512 : i32
        %parallel_loop3A_492 = arith.addi %parallel_loop3A_482, %parallel_loop3A_491 : i32
        %parallel_loop3A_493 = arith.index_cast %parallel_loop3A_182 : i32 to index
        %parallel_loop3A_494 = arith.index_cast %parallel_loop3A_492 : i32 to index
        %parallel_loop3A_495 = tpu.vector_load %arg4[%parallel_loop3A_493, %parallel_loop3A_494] {strides = array<i32>} : memref<8x4096xf32, #tpu.memory_space<vmem>>, vector<16xf32>,
        %parallel_loop3A_496 = arith.constant 512 : i32
        %parallel_loop3A_497 = arith.addi %parallel_loop3A_482, %parallel_loop3A_496 : i32
        %parallel_loop3A_498 = arith.constant 16 : i32
        %parallel_loop3A_499 = arith.addi %parallel_loop3A_497, %parallel_loop3A_498 : i32
        %parallel_loop3A_500 = arith.index_cast %parallel_loop3A_182 : i32 to index
        %parallel_loop3A_501 = arith.index_cast %parallel_loop3A_499 : i32 to index
        %parallel_loop3A_502 = tpu.vector_load %arg4[%parallel_loop3A_500, %parallel_loop3A_501] {strides = array<i32>} : memref<8x4096xf32, #tpu.memory_space<vmem>>, vector<16xf32>,
        %parallel_loop3A_503 = arith.maximumf %parallel_loop3A_485, %parallel_loop3A_495 : vector<16xf32>
        %parallel_loop3A_504 = arith.maximumf %parallel_loop3A_490, %parallel_loop3A_502 : vector<16xf32>
        %parallel_loop3A_505 = arith.constant 0 : i32
        %parallel_loop3A_506 = vector.broadcast %parallel_loop3A_505 : i32 to vector<16xi32>
        %parallel_loop3A_507 = arith.cmpi slt, %select_n3A_72, %parallel_loop3A_506 : vector<16xi32>
        %parallel_loop3A_508 = arith.constant 16 : i32
        %parallel_loop3A_509 = vector.broadcast %parallel_loop3A_508 : i32 to vector<16xi32>
        %parallel_loop3A_510 = arith.addi %select_n3A_72, %parallel_loop3A_509 : vector<16xi32>
        %parallel_loop3A_511 = arith.select %parallel_loop3A_507, %parallel_loop3A_510, %select_n3A_72 : vector<16xi1>, vector<16xi32>
        %parallel_loop3A_512 = vector.shape_cast %parallel_loop3A_511 : vector<16xi32> to vector<16x1xi32>
        %parallel_loop3A_513 = vector.shape_cast %parallel_loop3A_512 : vector<16x1xi32> to vector<16xi32>
        %parallel_loop3A_514 = tpu.dynamic_gather %parallel_loop3A_503[%parallel_loop3A_513] in [0] : vector<16xf32>, vector<16xi32> -> vector<16xf32>
        %parallel_loop3A_515 = arith.constant 0 : i32
        %parallel_loop3A_516 = vector.broadcast %parallel_loop3A_515 : i32 to vector<16xi32>
        %parallel_loop3A_517 = arith.cmpi slt, %select_n3A_72, %parallel_loop3A_516 : vector<16xi32>
        %parallel_loop3A_518 = arith.constant 16 : i32
        %parallel_loop3A_519 = vector.broadcast %parallel_loop3A_518 : i32 to vector<16xi32>
        %parallel_loop3A_520 = arith.addi %select_n3A_72, %parallel_loop3A_519 : vector<16xi32>
        %parallel_loop3A_521 = arith.select %parallel_loop3A_517, %parallel_loop3A_520, %select_n3A_72 : vector<16xi1>, vector<16xi32>
        %parallel_loop3A_522 = vector.shape_cast %parallel_loop3A_521 : vector<16xi32> to vector<16x1xi32>
        %parallel_loop3A_523 = vector.shape_cast %parallel_loop3A_522 : vector<16x1xi32> to vector<16xi32>
        %parallel_loop3A_524 = tpu.dynamic_gather %parallel_loop3A_504[%parallel_loop3A_523] in [0] : vector<16xf32>, vector<16xi32> -> vector<16xf32>
        %parallel_loop3A_525 = arith.select %lt3A_78, %parallel_loop3A_514, %parallel_loop3A_524 : vector<16xi1>, vector<16xf32>
        %parallel_loop3A_526 = arith.constant 0 : i32
        %parallel_loop3A_527 = vector.broadcast %parallel_loop3A_526 : i32 to vector<16xi32>
        %parallel_loop3A_528 = arith.cmpi slt, %add3A_75, %parallel_loop3A_527 : vector<16xi32>
        %parallel_loop3A_529 = arith.constant 16 : i32
        %parallel_loop3A_530 = vector.broadcast %parallel_loop3A_529 : i32 to vector<16xi32>
        %parallel_loop3A_531 = arith.addi %add3A_75, %parallel_loop3A_530 : vector<16xi32>
        %parallel_loop3A_532 = arith.select %parallel_loop3A_528, %parallel_loop3A_531, %add3A_75 : vector<16xi1>, vector<16xi32>
        %parallel_loop3A_533 = vector.shape_cast %parallel_loop3A_532 : vector<16xi32> to vector<16x1xi32>
        %parallel_loop3A_534 = vector.shape_cast %parallel_loop3A_533 : vector<16x1xi32> to vector<16xi32>
        %parallel_loop3A_535 = tpu.dynamic_gather %parallel_loop3A_503[%parallel_loop3A_534] in [0] : vector<16xf32>, vector<16xi32> -> vector<16xf32>
        %parallel_loop3A_536 = arith.constant 0 : i32
        %parallel_loop3A_537 = vector.broadcast %parallel_loop3A_536 : i32 to vector<16xi32>
        %parallel_loop3A_538 = arith.cmpi slt, %add3A_75, %parallel_loop3A_537 : vector<16xi32>
        %parallel_loop3A_539 = arith.constant 16 : i32
        %parallel_loop3A_540 = vector.broadcast %parallel_loop3A_539 : i32 to vector<16xi32>
        %parallel_loop3A_541 = arith.addi %add3A_75, %parallel_loop3A_540 : vector<16xi32>
        %parallel_loop3A_542 = arith.select %parallel_loop3A_538, %parallel_loop3A_541, %add3A_75 : vector<16xi1>, vector<16xi32>
        %parallel_loop3A_543 = vector.shape_cast %parallel_loop3A_542 : vector<16xi32> to vector<16x1xi32>
        %parallel_loop3A_544 = vector.shape_cast %parallel_loop3A_543 : vector<16x1xi32> to vector<16xi32>
        %parallel_loop3A_545 = tpu.dynamic_gather %parallel_loop3A_504[%parallel_loop3A_544] in [0] : vector<16xf32>, vector<16xi32> -> vector<16xf32>
        %parallel_loop3A_546 = arith.select %lt3A_78, %parallel_loop3A_535, %parallel_loop3A_545 : vector<16xi1>, vector<16xf32>
        %parallel_loop3A_547 = arith.maximumf %parallel_loop3A_525, %parallel_loop3A_546 : vector<16xf32>
        %parallel_loop3A_548 = arith.constant 256 : i32
        %parallel_loop3A_549 = arith.muli %parallel_loop3A_166, %parallel_loop3A_548 : i32
        %parallel_loop3A_550 = arith.constant 64 : i32
        %parallel_loop3A_551 = arith.addi %parallel_loop3A_549, %parallel_loop3A_550 : i32
        %parallel_loop3A_552 = arith.index_cast %parallel_loop3A_182 : i32 to index
        %parallel_loop3A_553 = arith.index_cast %parallel_loop3A_551 : i32 to index
        %parallel_loop3A_554 = tpu.vector_load %arg6[%parallel_loop3A_552, %parallel_loop3A_553] {strides = array<i32>} : memref<8x1024xf32, #tpu.memory_space<vmem>>, vector<16xf32>,
        tpu.vector_store %arg6[%parallel_loop3A_552, %parallel_loop3A_553], %parallel_loop3A_547 {strides = array<i32>} : memref<8x1024xf32, #tpu.memory_space<vmem>>, vector<16xf32>,
        %parallel_loop3A_555 = arith.constant 160 : i32
        %parallel_loop3A_556 = arith.addi %parallel_loop3A_184, %parallel_loop3A_555 : i32
        %parallel_loop3A_557 = arith.index_cast %parallel_loop3A_182 : i32 to index
        %parallel_loop3A_558 = arith.index_cast %parallel_loop3A_556 : i32 to index
        %parallel_loop3A_559 = tpu.vector_load %arg4[%parallel_loop3A_557, %parallel_loop3A_558] {strides = array<i32>} : memref<8x4096xf32, #tpu.memory_space<vmem>>, vector<16xf32>,
        %parallel_loop3A_560 = arith.constant 16 : i32
        %parallel_loop3A_561 = arith.addi %parallel_loop3A_556, %parallel_loop3A_560 : i32
        %parallel_loop3A_562 = arith.index_cast %parallel_loop3A_182 : i32 to index
        %parallel_loop3A_563 = arith.index_cast %parallel_loop3A_561 : i32 to index
        %parallel_loop3A_564 = tpu.vector_load %arg4[%parallel_loop3A_562, %parallel_loop3A_563] {strides = array<i32>} : memref<8x4096xf32, #tpu.memory_space<vmem>>, vector<16xf32>,
        %parallel_loop3A_565 = arith.constant 512 : i32
        %parallel_loop3A_566 = arith.addi %parallel_loop3A_556, %parallel_loop3A_565 : i32
        %parallel_loop3A_567 = arith.index_cast %parallel_loop3A_182 : i32 to index
        %parallel_loop3A_568 = arith.index_cast %parallel_loop3A_566 : i32 to index
        %parallel_loop3A_569 = tpu.vector_load %arg4[%parallel_loop3A_567, %parallel_loop3A_568] {strides = array<i32>} : memref<8x4096xf32, #tpu.memory_space<vmem>>, vector<16xf32>,
        %parallel_loop3A_570 = arith.constant 512 : i32
        %parallel_loop3A_571 = arith.addi %parallel_loop3A_556, %parallel_loop3A_570 : i32
        %parallel_loop3A_572 = arith.constant 16 : i32
        %parallel_loop3A_573 = arith.addi %parallel_loop3A_571, %parallel_loop3A_572 : i32
        %parallel_loop3A_574 = arith.index_cast %parallel_loop3A_182 : i32 to index
        %parallel_loop3A_575 = arith.index_cast %parallel_loop3A_573 : i32 to index
        %parallel_loop3A_576 = tpu.vector_load %arg4[%parallel_loop3A_574, %parallel_loop3A_575] {strides = array<i32>} : memref<8x4096xf32, #tpu.memory_space<vmem>>, vector<16xf32>,
        %parallel_loop3A_577 = arith.maximumf %parallel_loop3A_559, %parallel_loop3A_569 : vector<16xf32>
        %parallel_loop3A_578 = arith.maximumf %parallel_loop3A_564, %parallel_loop3A_576 : vector<16xf32>
        %parallel_loop3A_579 = arith.constant 0 : i32
        %parallel_loop3A_580 = vector.broadcast %parallel_loop3A_579 : i32 to vector<16xi32>
        %parallel_loop3A_581 = arith.cmpi slt, %select_n3A_72, %parallel_loop3A_580 : vector<16xi32>
        %parallel_loop3A_582 = arith.constant 16 : i32
        %parallel_loop3A_583 = vector.broadcast %parallel_loop3A_582 : i32 to vector<16xi32>
        %parallel_loop3A_584 = arith.addi %select_n3A_72, %parallel_loop3A_583 : vector<16xi32>
        %parallel_loop3A_585 = arith.select %parallel_loop3A_581, %parallel_loop3A_584, %select_n3A_72 : vector<16xi1>, vector<16xi32>
        %parallel_loop3A_586 = vector.shape_cast %parallel_loop3A_585 : vector<16xi32> to vector<16x1xi32>
        %parallel_loop3A_587 = vector.shape_cast %parallel_loop3A_586 : vector<16x1xi32> to vector<16xi32>
        %parallel_loop3A_588 = tpu.dynamic_gather %parallel_loop3A_577[%parallel_loop3A_587] in [0] : vector<16xf32>, vector<16xi32> -> vector<16xf32>
        %parallel_loop3A_589 = arith.constant 0 : i32
        %parallel_loop3A_590 = vector.broadcast %parallel_loop3A_589 : i32 to vector<16xi32>
        %parallel_loop3A_591 = arith.cmpi slt, %select_n3A_72, %parallel_loop3A_590 : vector<16xi32>
        %parallel_loop3A_592 = arith.constant 16 : i32
        %parallel_loop3A_593 = vector.broadcast %parallel_loop3A_592 : i32 to vector<16xi32>
        %parallel_loop3A_594 = arith.addi %select_n3A_72, %parallel_loop3A_593 : vector<16xi32>
        %parallel_loop3A_595 = arith.select %parallel_loop3A_591, %parallel_loop3A_594, %select_n3A_72 : vector<16xi1>, vector<16xi32>
        %parallel_loop3A_596 = vector.shape_cast %parallel_loop3A_595 : vector<16xi32> to vector<16x1xi32>
        %parallel_loop3A_597 = vector.shape_cast %parallel_loop3A_596 : vector<16x1xi32> to vector<16xi32>
        %parallel_loop3A_598 = tpu.dynamic_gather %parallel_loop3A_578[%parallel_loop3A_597] in [0] : vector<16xf32>, vector<16xi32> -> vector<16xf32>
        %parallel_loop3A_599 = arith.select %lt3A_78, %parallel_loop3A_588, %parallel_loop3A_598 : vector<16xi1>, vector<16xf32>
        %parallel_loop3A_600 = arith.constant 0 : i32
        %parallel_loop3A_601 = vector.broadcast %parallel_loop3A_600 : i32 to vector<16xi32>
        %parallel_loop3A_602 = arith.cmpi slt, %add3A_75, %parallel_loop3A_601 : vector<16xi32>
        %parallel_loop3A_603 = arith.constant 16 : i32
        %parallel_loop3A_604 = vector.broadcast %parallel_loop3A_603 : i32 to vector<16xi32>
        %parallel_loop3A_605 = arith.addi %add3A_75, %parallel_loop3A_604 : vector<16xi32>
        %parallel_loop3A_606 = arith.select %parallel_loop3A_602, %parallel_loop3A_605, %add3A_75 : vector<16xi1>, vector<16xi32>
        %parallel_loop3A_607 = vector.shape_cast %parallel_loop3A_606 : vector<16xi32> to vector<16x1xi32>
        %parallel_loop3A_608 = vector.shape_cast %parallel_loop3A_607 : vector<16x1xi32> to vector<16xi32>
        %parallel_loop3A_609 = tpu.dynamic_gather %parallel_loop3A_577[%parallel_loop3A_608] in [0] : vector<16xf32>, vector<16xi32> -> vector<16xf32>
        %parallel_loop3A_610 = arith.constant 0 : i32
        %parallel_loop3A_611 = vector.broadcast %parallel_loop3A_610 : i32 to vector<16xi32>
        %parallel_loop3A_612 = arith.cmpi slt, %add3A_75, %parallel_loop3A_611 : vector<16xi32>
        %parallel_loop3A_613 = arith.constant 16 : i32
        %parallel_loop3A_614 = vector.broadcast %parallel_loop3A_613 : i32 to vector<16xi32>
        %parallel_loop3A_615 = arith.addi %add3A_75, %parallel_loop3A_614 : vector<16xi32>
        %parallel_loop3A_616 = arith.select %parallel_loop3A_612, %parallel_loop3A_615, %add3A_75 : vector<16xi1>, vector<16xi32>
        %parallel_loop3A_617 = vector.shape_cast %parallel_loop3A_616 : vector<16xi32> to vector<16x1xi32>
        %parallel_loop3A_618 = vector.shape_cast %parallel_loop3A_617 : vector<16x1xi32> to vector<16xi32>
        %parallel_loop3A_619 = tpu.dynamic_gather %parallel_loop3A_578[%parallel_loop3A_618] in [0] : vector<16xf32>, vector<16xi32> -> vector<16xf32>
        %parallel_loop3A_620 = arith.select %lt3A_78, %parallel_loop3A_609, %parallel_loop3A_619 : vector<16xi1>, vector<16xf32>
        %parallel_loop3A_621 = arith.maximumf %parallel_loop3A_599, %parallel_loop3A_620 : vector<16xf32>
        %parallel_loop3A_622 = arith.constant 256 : i32
        %parallel_loop3A_623 = arith.muli %parallel_loop3A_166, %parallel_loop3A_622 : i32
        %parallel_loop3A_624 = arith.constant 80 : i32
        %parallel_loop3A_625 = arith.addi %parallel_loop3A_623, %parallel_loop3A_624 : i32
        %parallel_loop3A_626 = arith.index_cast %parallel_loop3A_182 : i32 to index
        %parallel_loop3A_627 = arith.index_cast %parallel_loop3A_625 : i32 to index
        %parallel_loop3A_628 = tpu.vector_load %arg6[%parallel_loop3A_626, %parallel_loop3A_627] {strides = array<i32>} : memref<8x1024xf32, #tpu.memory_space<vmem>>, vector<16xf32>,
        tpu.vector_store %arg6[%parallel_loop3A_626, %parallel_loop3A_627], %parallel_loop3A_621 {strides = array<i32>} : memref<8x1024xf32, #tpu.memory_space<vmem>>, vector<16xf32>,
        %parallel_loop3A_629 = arith.constant 192 : i32
        %parallel_loop3A_630 = arith.addi %parallel_loop3A_184, %parallel_loop3A_629 : i32
        %parallel_loop3A_631 = arith.index_cast %parallel_loop3A_182 : i32 to index
        %parallel_loop3A_632 = arith.index_cast %parallel_loop3A_630 : i32 to index
        %parallel_loop3A_633 = tpu.vector_load %arg4[%parallel_loop3A_631, %parallel_loop3A_632] {strides = array<i32>} : memref<8x4096xf32, #tpu.memory_space<vmem>>, vector<16xf32>,
        %parallel_loop3A_634 = arith.constant 16 : i32
        %parallel_loop3A_635 = arith.addi %parallel_loop3A_630, %parallel_loop3A_634 : i32
        %parallel_loop3A_636 = arith.index_cast %parallel_loop3A_182 : i32 to index
        %parallel_loop3A_637 = arith.index_cast %parallel_loop3A_635 : i32 to index
        %parallel_loop3A_638 = tpu.vector_load %arg4[%parallel_loop3A_636, %parallel_loop3A_637] {strides = array<i32>} : memref<8x4096xf32, #tpu.memory_space<vmem>>, vector<16xf32>,
        %parallel_loop3A_639 = arith.constant 512 : i32
        %parallel_loop3A_640 = arith.addi %parallel_loop3A_630, %parallel_loop3A_639 : i32
        %parallel_loop3A_641 = arith.index_cast %parallel_loop3A_182 : i32 to index
        %parallel_loop3A_642 = arith.index_cast %parallel_loop3A_640 : i32 to index
        %parallel_loop3A_643 = tpu.vector_load %arg4[%parallel_loop3A_641, %parallel_loop3A_642] {strides = array<i32>} : memref<8x4096xf32, #tpu.memory_space<vmem>>, vector<16xf32>,
        %parallel_loop3A_644 = arith.constant 512 : i32
        %parallel_loop3A_645 = arith.addi %parallel_loop3A_630, %parallel_loop3A_644 : i32
        %parallel_loop3A_646 = arith.constant 16 : i32
        %parallel_loop3A_647 = arith.addi %parallel_loop3A_645, %parallel_loop3A_646 : i32
        %parallel_loop3A_648 = arith.index_cast %parallel_loop3A_182 : i32 to index
        %parallel_loop3A_649 = arith.index_cast %parallel_loop3A_647 : i32 to index
        %parallel_loop3A_650 = tpu.vector_load %arg4[%parallel_loop3A_648, %parallel_loop3A_649] {strides = array<i32>} : memref<8x4096xf32, #tpu.memory_space<vmem>>, vector<16xf32>,
        %parallel_loop3A_651 = arith.maximumf %parallel_loop3A_633, %parallel_loop3A_643 : vector<16xf32>
        %parallel_loop3A_652 = arith.maximumf %parallel_loop3A_638, %parallel_loop3A_650 : vector<16xf32>
        %parallel_loop3A_653 = arith.constant 0 : i32
        %parallel_loop3A_654 = vector.broadcast %parallel_loop3A_653 : i32 to vector<16xi32>
        %parallel_loop3A_655 = arith.cmpi slt, %select_n3A_72, %parallel_loop3A_654 : vector<16xi32>
        %parallel_loop3A_656 = arith.constant 16 : i32
        %parallel_loop3A_657 = vector.broadcast %parallel_loop3A_656 : i32 to vector<16xi32>
        %parallel_loop3A_658 = arith.addi %select_n3A_72, %parallel_loop3A_657 : vector<16xi32>
        %parallel_loop3A_659 = arith.select %parallel_loop3A_655, %parallel_loop3A_658, %select_n3A_72 : vector<16xi1>, vector<16xi32>
        %parallel_loop3A_660 = vector.shape_cast %parallel_loop3A_659 : vector<16xi32> to vector<16x1xi32>
        %parallel_loop3A_661 = vector.shape_cast %parallel_loop3A_660 : vector<16x1xi32> to vector<16xi32>
        %parallel_loop3A_662 = tpu.dynamic_gather %parallel_loop3A_651[%parallel_loop3A_661] in [0] : vector<16xf32>, vector<16xi32> -> vector<16xf32>
        %parallel_loop3A_663 = arith.constant 0 : i32
        %parallel_loop3A_664 = vector.broadcast %parallel_loop3A_663 : i32 to vector<16xi32>
        %parallel_loop3A_665 = arith.cmpi slt, %select_n3A_72, %parallel_loop3A_664 : vector<16xi32>
        %parallel_loop3A_666 = arith.constant 16 : i32
        %parallel_loop3A_667 = vector.broadcast %parallel_loop3A_666 : i32 to vector<16xi32>
        %parallel_loop3A_668 = arith.addi %select_n3A_72, %parallel_loop3A_667 : vector<16xi32>
        %parallel_loop3A_669 = arith.select %parallel_loop3A_665, %parallel_loop3A_668, %select_n3A_72 : vector<16xi1>, vector<16xi32>
        %parallel_loop3A_670 = vector.shape_cast %parallel_loop3A_669 : vector<16xi32> to vector<16x1xi32>
        %parallel_loop3A_671 = vector.shape_cast %parallel_loop3A_670 : vector<16x1xi32> to vector<16xi32>
        %parallel_loop3A_672 = tpu.dynamic_gather %parallel_loop3A_652[%parallel_loop3A_671] in [0] : vector<16xf32>, vector<16xi32> -> vector<16xf32>
        %parallel_loop3A_673 = arith.select %lt3A_78, %parallel_loop3A_662, %parallel_loop3A_672 : vector<16xi1>, vector<16xf32>
        %parallel_loop3A_674 = arith.constant 0 : i32
        %parallel_loop3A_675 = vector.broadcast %parallel_loop3A_674 : i32 to vector<16xi32>
        %parallel_loop3A_676 = arith.cmpi slt, %add3A_75, %parallel_loop3A_675 : vector<16xi32>
        %parallel_loop3A_677 = arith.constant 16 : i32
        %parallel_loop3A_678 = vector.broadcast %parallel_loop3A_677 : i32 to vector<16xi32>
        %parallel_loop3A_679 = arith.addi %add3A_75, %parallel_loop3A_678 : vector<16xi32>
        %parallel_loop3A_680 = arith.select %parallel_loop3A_676, %parallel_loop3A_679, %add3A_75 : vector<16xi1>, vector<16xi32>
        %parallel_loop3A_681 = vector.shape_cast %parallel_loop3A_680 : vector<16xi32> to vector<16x1xi32>
        %parallel_loop3A_682 = vector.shape_cast %parallel_loop3A_681 : vector<16x1xi32> to vector<16xi32>
        %parallel_loop3A_683 = tpu.dynamic_gather %parallel_loop3A_651[%parallel_loop3A_682] in [0] : vector<16xf32>, vector<16xi32> -> vector<16xf32>
        %parallel_loop3A_684 = arith.constant 0 : i32
        %parallel_loop3A_685 = vector.broadcast %parallel_loop3A_684 : i32 to vector<16xi32>
        %parallel_loop3A_686 = arith.cmpi slt, %add3A_75, %parallel_loop3A_685 : vector<16xi32>
        %parallel_loop3A_687 = arith.constant 16 : i32
        %parallel_loop3A_688 = vector.broadcast %parallel_loop3A_687 : i32 to vector<16xi32>
        %parallel_loop3A_689 = arith.addi %add3A_75, %parallel_loop3A_688 : vector<16xi32>
        %parallel_loop3A_690 = arith.select %parallel_loop3A_686, %parallel_loop3A_689, %add3A_75 : vector<16xi1>, vector<16xi32>
        %parallel_loop3A_691 = vector.shape_cast %parallel_loop3A_690 : vector<16xi32> to vector<16x1xi32>
        %parallel_loop3A_692 = vector.shape_cast %parallel_loop3A_691 : vector<16x1xi32> to vector<16xi32>
        %parallel_loop3A_693 = tpu.dynamic_gather %parallel_loop3A_652[%parallel_loop3A_692] in [0] : vector<16xf32>, vector<16xi32> -> vector<16xf32>
        %parallel_loop3A_694 = arith.select %lt3A_78, %parallel_loop3A_683, %parallel_loop3A_693 : vector<16xi1>, vector<16xf32>
        %parallel_loop3A_695 = arith.maximumf %parallel_loop3A_673, %parallel_loop3A_694 : vector<16xf32>
        %parallel_loop3A_696 = arith.constant 256 : i32
        %parallel_loop3A_697 = arith.muli %parallel_loop3A_166, %parallel_loop3A_696 : i32
        %parallel_loop3A_698 = arith.constant 96 : i32
        %parallel_loop3A_699 = arith.addi %parallel_loop3A_697, %parallel_loop3A_698 : i32
        %parallel_loop3A_700 = arith.index_cast %parallel_loop3A_182 : i32 to index
        %parallel_loop3A_701 = arith.index_cast %parallel_loop3A_699 : i32 to index
        %parallel_loop3A_702 = tpu.vector_load %arg6[%parallel_loop3A_700, %parallel_loop3A_701] {strides = array<i32>} : memref<8x1024xf32, #tpu.memory_space<vmem>>, vector<16xf32>,
        tpu.vector_store %arg6[%parallel_loop3A_700, %parallel_loop3A_701], %parallel_loop3A_695 {strides = array<i32>} : memref<8x1024xf32, #tpu.memory_space<vmem>>, vector<16xf32>,
        %parallel_loop3A_703 = arith.constant 224 : i32
        %parallel_loop3A_704 = arith.addi %parallel_loop3A_184, %parallel_loop3A_703 : i32
        %parallel_loop3A_705 = arith.index_cast %parallel_loop3A_182 : i32 to index
        %parallel_loop3A_706 = arith.index_cast %parallel_loop3A_704 : i32 to index
        %parallel_loop3A_707 = tpu.vector_load %arg4[%parallel_loop3A_705, %parallel_loop3A_706] {strides = array<i32>} : memref<8x4096xf32, #tpu.memory_space<vmem>>, vector<16xf32>,
        %parallel_loop3A_708 = arith.constant 16 : i32
        %parallel_loop3A_709 = arith.addi %parallel_loop3A_704, %parallel_loop3A_708 : i32
        %parallel_loop3A_710 = arith.index_cast %parallel_loop3A_182 : i32 to index
        %parallel_loop3A_711 = arith.index_cast %parallel_loop3A_709 : i32 to index
        %parallel_loop3A_712 = tpu.vector_load %arg4[%parallel_loop3A_710, %parallel_loop3A_711] {strides = array<i32>} : memref<8x4096xf32, #tpu.memory_space<vmem>>, vector<16xf32>,
        %parallel_loop3A_713 = arith.constant 512 : i32
        %parallel_loop3A_714 = arith.addi %parallel_loop3A_704, %parallel_loop3A_713 : i32
        %parallel_loop3A_715 = arith.index_cast %parallel_loop3A_182 : i32 to index
        %parallel_loop3A_716 = arith.index_cast %parallel_loop3A_714 : i32 to index
        %parallel_loop3A_717 = tpu.vector_load %arg4[%parallel_loop3A_715, %parallel_loop3A_716] {strides = array<i32>} : memref<8x4096xf32, #tpu.memory_space<vmem>>, vector<16xf32>,
        %parallel_loop3A_718 = arith.constant 512 : i32
        %parallel_loop3A_719 = arith.addi %parallel_loop3A_704, %parallel_loop3A_718 : i32
        %parallel_loop3A_720 = arith.constant 16 : i32
        %parallel_loop3A_721 = arith.addi %parallel_loop3A_719, %parallel_loop3A_720 : i32
        %parallel_loop3A_722 = arith.index_cast %parallel_loop3A_182 : i32 to index
        %parallel_loop3A_723 = arith.index_cast %parallel_loop3A_721 : i32 to index
        %parallel_loop3A_724 = tpu.vector_load %arg4[%parallel_loop3A_722, %parallel_loop3A_723] {strides = array<i32>} : memref<8x4096xf32, #tpu.memory_space<vmem>>, vector<16xf32>,
        %parallel_loop3A_725 = arith.maximumf %parallel_loop3A_707, %parallel_loop3A_717 : vector<16xf32>
        %parallel_loop3A_726 = arith.maximumf %parallel_loop3A_712, %parallel_loop3A_724 : vector<16xf32>
        %parallel_loop3A_727 = arith.constant 0 : i32
        %parallel_loop3A_728 = vector.broadcast %parallel_loop3A_727 : i32 to vector<16xi32>
        %parallel_loop3A_729 = arith.cmpi slt, %select_n3A_72, %parallel_loop3A_728 : vector<16xi32>
        %parallel_loop3A_730 = arith.constant 16 : i32
        %parallel_loop3A_731 = vector.broadcast %parallel_loop3A_730 : i32 to vector<16xi32>
        %parallel_loop3A_732 = arith.addi %select_n3A_72, %parallel_loop3A_731 : vector<16xi32>
        %parallel_loop3A_733 = arith.select %parallel_loop3A_729, %parallel_loop3A_732, %select_n3A_72 : vector<16xi1>, vector<16xi32>
        %parallel_loop3A_734 = vector.shape_cast %parallel_loop3A_733 : vector<16xi32> to vector<16x1xi32>
        %parallel_loop3A_735 = vector.shape_cast %parallel_loop3A_734 : vector<16x1xi32> to vector<16xi32>
        %parallel_loop3A_736 = tpu.dynamic_gather %parallel_loop3A_725[%parallel_loop3A_735] in [0] : vector<16xf32>, vector<16xi32> -> vector<16xf32>
        %parallel_loop3A_737 = arith.constant 0 : i32
        %parallel_loop3A_738 = vector.broadcast %parallel_loop3A_737 : i32 to vector<16xi32>
        %parallel_loop3A_739 = arith.cmpi slt, %select_n3A_72, %parallel_loop3A_738 : vector<16xi32>
        %parallel_loop3A_740 = arith.constant 16 : i32
        %parallel_loop3A_741 = vector.broadcast %parallel_loop3A_740 : i32 to vector<16xi32>
        %parallel_loop3A_742 = arith.addi %select_n3A_72, %parallel_loop3A_741 : vector<16xi32>
        %parallel_loop3A_743 = arith.select %parallel_loop3A_739, %parallel_loop3A_742, %select_n3A_72 : vector<16xi1>, vector<16xi32>
        %parallel_loop3A_744 = vector.shape_cast %parallel_loop3A_743 : vector<16xi32> to vector<16x1xi32>
        %parallel_loop3A_745 = vector.shape_cast %parallel_loop3A_744 : vector<16x1xi32> to vector<16xi32>
        %parallel_loop3A_746 = tpu.dynamic_gather %parallel_loop3A_726[%parallel_loop3A_745] in [0] : vector<16xf32>, vector<16xi32> -> vector<16xf32>
        %parallel_loop3A_747 = arith.select %lt3A_78, %parallel_loop3A_736, %parallel_loop3A_746 : vector<16xi1>, vector<16xf32>
        %parallel_loop3A_748 = arith.constant 0 : i32
        %parallel_loop3A_749 = vector.broadcast %parallel_loop3A_748 : i32 to vector<16xi32>
        %parallel_loop3A_750 = arith.cmpi slt, %add3A_75, %parallel_loop3A_749 : vector<16xi32>
        %parallel_loop3A_751 = arith.constant 16 : i32
        %parallel_loop3A_752 = vector.broadcast %parallel_loop3A_751 : i32 to vector<16xi32>
        %parallel_loop3A_753 = arith.addi %add3A_75, %parallel_loop3A_752 : vector<16xi32>
        %parallel_loop3A_754 = arith.select %parallel_loop3A_750, %parallel_loop3A_753, %add3A_75 : vector<16xi1>, vector<16xi32>
        %parallel_loop3A_755 = vector.shape_cast %parallel_loop3A_754 : vector<16xi32> to vector<16x1xi32>
        %parallel_loop3A_756 = vector.shape_cast %parallel_loop3A_755 : vector<16x1xi32> to vector<16xi32>
        %parallel_loop3A_757 = tpu.dynamic_gather %parallel_loop3A_725[%parallel_loop3A_756] in [0] : vector<16xf32>, vector<16xi32> -> vector<16xf32>
        %parallel_loop3A_758 = arith.constant 0 : i32
        %parallel_loop3A_759 = vector.broadcast %parallel_loop3A_758 : i32 to vector<16xi32>
        %parallel_loop3A_760 = arith.cmpi slt, %add3A_75, %parallel_loop3A_759 : vector<16xi32>
        %parallel_loop3A_761 = arith.constant 16 : i32
        %parallel_loop3A_762 = vector.broadcast %parallel_loop3A_761 : i32 to vector<16xi32>
        %parallel_loop3A_763 = arith.addi %add3A_75, %parallel_loop3A_762 : vector<16xi32>
        %parallel_loop3A_764 = arith.select %parallel_loop3A_760, %parallel_loop3A_763, %add3A_75 : vector<16xi1>, vector<16xi32>
        %parallel_loop3A_765 = vector.shape_cast %parallel_loop3A_764 : vector<16xi32> to vector<16x1xi32>
        %parallel_loop3A_766 = vector.shape_cast %parallel_loop3A_765 : vector<16x1xi32> to vector<16xi32>
        %parallel_loop3A_767 = tpu.dynamic_gather %parallel_loop3A_726[%parallel_loop3A_766] in [0] : vector<16xf32>, vector<16xi32> -> vector<16xf32>
        %parallel_loop3A_768 = arith.select %lt3A_78, %parallel_loop3A_757, %parallel_loop3A_767 : vector<16xi1>, vector<16xf32>
        %parallel_loop3A_769 = arith.maximumf %parallel_loop3A_747, %parallel_loop3A_768 : vector<16xf32>
        %parallel_loop3A_770 = arith.constant 256 : i32
        %parallel_loop3A_771 = arith.muli %parallel_loop3A_166, %parallel_loop3A_770 : i32
        %parallel_loop3A_772 = arith.constant 112 : i32
        %parallel_loop3A_773 = arith.addi %parallel_loop3A_771, %parallel_loop3A_772 : i32
        %parallel_loop3A_774 = arith.index_cast %parallel_loop3A_182 : i32 to index
        %parallel_loop3A_775 = arith.index_cast %parallel_loop3A_773 : i32 to index
        %parallel_loop3A_776 = tpu.vector_load %arg6[%parallel_loop3A_774, %parallel_loop3A_775] {strides = array<i32>} : memref<8x1024xf32, #tpu.memory_space<vmem>>, vector<16xf32>,
        tpu.vector_store %arg6[%parallel_loop3A_774, %parallel_loop3A_775], %parallel_loop3A_769 {strides = array<i32>} : memref<8x1024xf32, #tpu.memory_space<vmem>>, vector<16xf32>,
        %parallel_loop3A_777 = arith.constant 256 : i32
        %parallel_loop3A_778 = arith.addi %parallel_loop3A_184, %parallel_loop3A_777 : i32
        %parallel_loop3A_779 = arith.index_cast %parallel_loop3A_182 : i32 to index
        %parallel_loop3A_780 = arith.index_cast %parallel_loop3A_778 : i32 to index
        %parallel_loop3A_781 = tpu.vector_load %arg4[%parallel_loop3A_779, %parallel_loop3A_780] {strides = array<i32>} : memref<8x4096xf32, #tpu.memory_space<vmem>>, vector<16xf32>,
        %parallel_loop3A_782 = arith.constant 16 : i32
        %parallel_loop3A_783 = arith.addi %parallel_loop3A_778, %parallel_loop3A_782 : i32
        %parallel_loop3A_784 = arith.index_cast %parallel_loop3A_182 : i32 to index
        %parallel_loop3A_785 = arith.index_cast %parallel_loop3A_783 : i32 to index
        %parallel_loop3A_786 = tpu.vector_load %arg4[%parallel_loop3A_784, %parallel_loop3A_785] {strides = array<i32>} : memref<8x4096xf32, #tpu.memory_space<vmem>>, vector<16xf32>,
        %parallel_loop3A_787 = arith.constant 512 : i32
        %parallel_loop3A_788 = arith.addi %parallel_loop3A_778, %parallel_loop3A_787 : i32
        %parallel_loop3A_789 = arith.index_cast %parallel_loop3A_182 : i32 to index
        %parallel_loop3A_790 = arith.index_cast %parallel_loop3A_788 : i32 to index
        %parallel_loop3A_791 = tpu.vector_load %arg4[%parallel_loop3A_789, %parallel_loop3A_790] {strides = array<i32>} : memref<8x4096xf32, #tpu.memory_space<vmem>>, vector<16xf32>,
        %parallel_loop3A_792 = arith.constant 512 : i32
        %parallel_loop3A_793 = arith.addi %parallel_loop3A_778, %parallel_loop3A_792 : i32
        %parallel_loop3A_794 = arith.constant 16 : i32
        %parallel_loop3A_795 = arith.addi %parallel_loop3A_793, %parallel_loop3A_794 : i32
        %parallel_loop3A_796 = arith.index_cast %parallel_loop3A_182 : i32 to index
        %parallel_loop3A_797 = arith.index_cast %parallel_loop3A_795 : i32 to index
        %parallel_loop3A_798 = tpu.vector_load %arg4[%parallel_loop3A_796, %parallel_loop3A_797] {strides = array<i32>} : memref<8x4096xf32, #tpu.memory_space<vmem>>, vector<16xf32>,
        %parallel_loop3A_799 = arith.maximumf %parallel_loop3A_781, %parallel_loop3A_791 : vector<16xf32>
        %parallel_loop3A_800 = arith.maximumf %parallel_loop3A_786, %parallel_loop3A_798 : vector<16xf32>
        %parallel_loop3A_801 = arith.constant 0 : i32
        %parallel_loop3A_802 = vector.broadcast %parallel_loop3A_801 : i32 to vector<16xi32>
        %parallel_loop3A_803 = arith.cmpi slt, %select_n3A_72, %parallel_loop3A_802 : vector<16xi32>
        %parallel_loop3A_804 = arith.constant 16 : i32
        %parallel_loop3A_805 = vector.broadcast %parallel_loop3A_804 : i32 to vector<16xi32>
        %parallel_loop3A_806 = arith.addi %select_n3A_72, %parallel_loop3A_805 : vector<16xi32>
        %parallel_loop3A_807 = arith.select %parallel_loop3A_803, %parallel_loop3A_806, %select_n3A_72 : vector<16xi1>, vector<16xi32>
        %parallel_loop3A_808 = vector.shape_cast %parallel_loop3A_807 : vector<16xi32> to vector<16x1xi32>
        %parallel_loop3A_809 = vector.shape_cast %parallel_loop3A_808 : vector<16x1xi32> to vector<16xi32>
        %parallel_loop3A_810 = tpu.dynamic_gather %parallel_loop3A_799[%parallel_loop3A_809] in [0] : vector<16xf32>, vector<16xi32> -> vector<16xf32>
        %parallel_loop3A_811 = arith.constant 0 : i32
        %parallel_loop3A_812 = vector.broadcast %parallel_loop3A_811 : i32 to vector<16xi32>
        %parallel_loop3A_813 = arith.cmpi slt, %select_n3A_72, %parallel_loop3A_812 : vector<16xi32>
        %parallel_loop3A_814 = arith.constant 16 : i32
        %parallel_loop3A_815 = vector.broadcast %parallel_loop3A_814 : i32 to vector<16xi32>
        %parallel_loop3A_816 = arith.addi %select_n3A_72, %parallel_loop3A_815 : vector<16xi32>
        %parallel_loop3A_817 = arith.select %parallel_loop3A_813, %parallel_loop3A_816, %select_n3A_72 : vector<16xi1>, vector<16xi32>
        %parallel_loop3A_818 = vector.shape_cast %parallel_loop3A_817 : vector<16xi32> to vector<16x1xi32>
        %parallel_loop3A_819 = vector.shape_cast %parallel_loop3A_818 : vector<16x1xi32> to vector<16xi32>
        %parallel_loop3A_820 = tpu.dynamic_gather %parallel_loop3A_800[%parallel_loop3A_819] in [0] : vector<16xf32>, vector<16xi32> -> vector<16xf32>
        %parallel_loop3A_821 = arith.select %lt3A_78, %parallel_loop3A_810, %parallel_loop3A_820 : vector<16xi1>, vector<16xf32>
        %parallel_loop3A_822 = arith.constant 0 : i32
        %parallel_loop3A_823 = vector.broadcast %parallel_loop3A_822 : i32 to vector<16xi32>
        %parallel_loop3A_824 = arith.cmpi slt, %add3A_75, %parallel_loop3A_823 : vector<16xi32>
        %parallel_loop3A_825 = arith.constant 16 : i32
        %parallel_loop3A_826 = vector.broadcast %parallel_loop3A_825 : i32 to vector<16xi32>
        %parallel_loop3A_827 = arith.addi %add3A_75, %parallel_loop3A_826 : vector<16xi32>
        %parallel_loop3A_828 = arith.select %parallel_loop3A_824, %parallel_loop3A_827, %add3A_75 : vector<16xi1>, vector<16xi32>
        %parallel_loop3A_829 = vector.shape_cast %parallel_loop3A_828 : vector<16xi32> to vector<16x1xi32>
        %parallel_loop3A_830 = vector.shape_cast %parallel_loop3A_829 : vector<16x1xi32> to vector<16xi32>
        %parallel_loop3A_831 = tpu.dynamic_gather %parallel_loop3A_799[%parallel_loop3A_830] in [0] : vector<16xf32>, vector<16xi32> -> vector<16xf32>
        %parallel_loop3A_832 = arith.constant 0 : i32
        %parallel_loop3A_833 = vector.broadcast %parallel_loop3A_832 : i32 to vector<16xi32>
        %parallel_loop3A_834 = arith.cmpi slt, %add3A_75, %parallel_loop3A_833 : vector<16xi32>
        %parallel_loop3A_835 = arith.constant 16 : i32
        %parallel_loop3A_836 = vector.broadcast %parallel_loop3A_835 : i32 to vector<16xi32>
        %parallel_loop3A_837 = arith.addi %add3A_75, %parallel_loop3A_836 : vector<16xi32>
        %parallel_loop3A_838 = arith.select %parallel_loop3A_834, %parallel_loop3A_837, %add3A_75 : vector<16xi1>, vector<16xi32>
        %parallel_loop3A_839 = vector.shape_cast %parallel_loop3A_838 : vector<16xi32> to vector<16x1xi32>
        %parallel_loop3A_840 = vector.shape_cast %parallel_loop3A_839 : vector<16x1xi32> to vector<16xi32>
        %parallel_loop3A_841 = tpu.dynamic_gather %parallel_loop3A_800[%parallel_loop3A_840] in [0] : vector<16xf32>, vector<16xi32> -> vector<16xf32>
        %parallel_loop3A_842 = arith.select %lt3A_78, %parallel_loop3A_831, %parallel_loop3A_841 : vector<16xi1>, vector<16xf32>
        %parallel_loop3A_843 = arith.maximumf %parallel_loop3A_821, %parallel_loop3A_842 : vector<16xf32>
        %parallel_loop3A_844 = arith.constant 256 : i32
        %parallel_loop3A_845 = arith.muli %parallel_loop3A_166, %parallel_loop3A_844 : i32
        %parallel_loop3A_846 = arith.constant 128 : i32
        %parallel_loop3A_847 = arith.addi %parallel_loop3A_845, %parallel_loop3A_846 : i32
        %parallel_loop3A_848 = arith.index_cast %parallel_loop3A_182 : i32 to index
        %parallel_loop3A_849 = arith.index_cast %parallel_loop3A_847 : i32 to index
        %parallel_loop3A_850 = tpu.vector_load %arg6[%parallel_loop3A_848, %parallel_loop3A_849] {strides = array<i32>} : memref<8x1024xf32, #tpu.memory_space<vmem>>, vector<16xf32>,
        tpu.vector_store %arg6[%parallel_loop3A_848, %parallel_loop3A_849], %parallel_loop3A_843 {strides = array<i32>} : memref<8x1024xf32, #tpu.memory_space<vmem>>, vector<16xf32>,
        %parallel_loop3A_851 = arith.constant 288 : i32
        %parallel_loop3A_852 = arith.addi %parallel_loop3A_184, %parallel_loop3A_851 : i32
        %parallel_loop3A_853 = arith.index_cast %parallel_loop3A_182 : i32 to index
        %parallel_loop3A_854 = arith.index_cast %parallel_loop3A_852 : i32 to index
        %parallel_loop3A_855 = tpu.vector_load %arg4[%parallel_loop3A_853, %parallel_loop3A_854] {strides = array<i32>} : memref<8x4096xf32, #tpu.memory_space<vmem>>, vector<16xf32>,
        %parallel_loop3A_856 = arith.constant 16 : i32
        %parallel_loop3A_857 = arith.addi %parallel_loop3A_852, %parallel_loop3A_856 : i32
        %parallel_loop3A_858 = arith.index_cast %parallel_loop3A_182 : i32 to index
        %parallel_loop3A_859 = arith.index_cast %parallel_loop3A_857 : i32 to index
        %parallel_loop3A_860 = tpu.vector_load %arg4[%parallel_loop3A_858, %parallel_loop3A_859] {strides = array<i32>} : memref<8x4096xf32, #tpu.memory_space<vmem>>, vector<16xf32>,
        %parallel_loop3A_861 = arith.constant 512 : i32
        %parallel_loop3A_862 = arith.addi %parallel_loop3A_852, %parallel_loop3A_861 : i32
        %parallel_loop3A_863 = arith.index_cast %parallel_loop3A_182 : i32 to index
        %parallel_loop3A_864 = arith.index_cast %parallel_loop3A_862 : i32 to index
        %parallel_loop3A_865 = tpu.vector_load %arg4[%parallel_loop3A_863, %parallel_loop3A_864] {strides = array<i32>} : memref<8x4096xf32, #tpu.memory_space<vmem>>, vector<16xf32>,
        %parallel_loop3A_866 = arith.constant 512 : i32
        %parallel_loop3A_867 = arith.addi %parallel_loop3A_852, %parallel_loop3A_866 : i32
        %parallel_loop3A_868 = arith.constant 16 : i32
        %parallel_loop3A_869 = arith.addi %parallel_loop3A_867, %parallel_loop3A_868 : i32
        %parallel_loop3A_870 = arith.index_cast %parallel_loop3A_182 : i32 to index
        %parallel_loop3A_871 = arith.index_cast %parallel_loop3A_869 : i32 to index
        %parallel_loop3A_872 = tpu.vector_load %arg4[%parallel_loop3A_870, %parallel_loop3A_871] {strides = array<i32>} : memref<8x4096xf32, #tpu.memory_space<vmem>>, vector<16xf32>,
        %parallel_loop3A_873 = arith.maximumf %parallel_loop3A_855, %parallel_loop3A_865 : vector<16xf32>
        %parallel_loop3A_874 = arith.maximumf %parallel_loop3A_860, %parallel_loop3A_872 : vector<16xf32>
        %parallel_loop3A_875 = arith.constant 0 : i32
        %parallel_loop3A_876 = vector.broadcast %parallel_loop3A_875 : i32 to vector<16xi32>
        %parallel_loop3A_877 = arith.cmpi slt, %select_n3A_72, %parallel_loop3A_876 : vector<16xi32>
        %parallel_loop3A_878 = arith.constant 16 : i32
        %parallel_loop3A_879 = vector.broadcast %parallel_loop3A_878 : i32 to vector<16xi32>
        %parallel_loop3A_880 = arith.addi %select_n3A_72, %parallel_loop3A_879 : vector<16xi32>
        %parallel_loop3A_881 = arith.select %parallel_loop3A_877, %parallel_loop3A_880, %select_n3A_72 : vector<16xi1>, vector<16xi32>
        %parallel_loop3A_882 = vector.shape_cast %parallel_loop3A_881 : vector<16xi32> to vector<16x1xi32>
        %parallel_loop3A_883 = vector.shape_cast %parallel_loop3A_882 : vector<16x1xi32> to vector<16xi32>
        %parallel_loop3A_884 = tpu.dynamic_gather %parallel_loop3A_873[%parallel_loop3A_883] in [0] : vector<16xf32>, vector<16xi32> -> vector<16xf32>
        %parallel_loop3A_885 = arith.constant 0 : i32
        %parallel_loop3A_886 = vector.broadcast %parallel_loop3A_885 : i32 to vector<16xi32>
        %parallel_loop3A_887 = arith.cmpi slt, %select_n3A_72, %parallel_loop3A_886 : vector<16xi32>
        %parallel_loop3A_888 = arith.constant 16 : i32
        %parallel_loop3A_889 = vector.broadcast %parallel_loop3A_888 : i32 to vector<16xi32>
        %parallel_loop3A_890 = arith.addi %select_n3A_72, %parallel_loop3A_889 : vector<16xi32>
        %parallel_loop3A_891 = arith.select %parallel_loop3A_887, %parallel_loop3A_890, %select_n3A_72 : vector<16xi1>, vector<16xi32>
        %parallel_loop3A_892 = vector.shape_cast %parallel_loop3A_891 : vector<16xi32> to vector<16x1xi32>
        %parallel_loop3A_893 = vector.shape_cast %parallel_loop3A_892 : vector<16x1xi32> to vector<16xi32>
        %parallel_loop3A_894 = tpu.dynamic_gather %parallel_loop3A_874[%parallel_loop3A_893] in [0] : vector<16xf32>, vector<16xi32> -> vector<16xf32>
        %parallel_loop3A_895 = arith.select %lt3A_78, %parallel_loop3A_884, %parallel_loop3A_894 : vector<16xi1>, vector<16xf32>
        %parallel_loop3A_896 = arith.constant 0 : i32
        %parallel_loop3A_897 = vector.broadcast %parallel_loop3A_896 : i32 to vector<16xi32>
        %parallel_loop3A_898 = arith.cmpi slt, %add3A_75, %parallel_loop3A_897 : vector<16xi32>
        %parallel_loop3A_899 = arith.constant 16 : i32
        %parallel_loop3A_900 = vector.broadcast %parallel_loop3A_899 : i32 to vector<16xi32>
        %parallel_loop3A_901 = arith.addi %add3A_75, %parallel_loop3A_900 : vector<16xi32>
        %parallel_loop3A_902 = arith.select %parallel_loop3A_898, %parallel_loop3A_901, %add3A_75 : vector<16xi1>, vector<16xi32>
        %parallel_loop3A_903 = vector.shape_cast %parallel_loop3A_902 : vector<16xi32> to vector<16x1xi32>
        %parallel_loop3A_904 = vector.shape_cast %parallel_loop3A_903 : vector<16x1xi32> to vector<16xi32>
        %parallel_loop3A_905 = tpu.dynamic_gather %parallel_loop3A_873[%parallel_loop3A_904] in [0] : vector<16xf32>, vector<16xi32> -> vector<16xf32>
        %parallel_loop3A_906 = arith.constant 0 : i32
        %parallel_loop3A_907 = vector.broadcast %parallel_loop3A_906 : i32 to vector<16xi32>
        %parallel_loop3A_908 = arith.cmpi slt, %add3A_75, %parallel_loop3A_907 : vector<16xi32>
        %parallel_loop3A_909 = arith.constant 16 : i32
        %parallel_loop3A_910 = vector.broadcast %parallel_loop3A_909 : i32 to vector<16xi32>
        %parallel_loop3A_911 = arith.addi %add3A_75, %parallel_loop3A_910 : vector<16xi32>
        %parallel_loop3A_912 = arith.select %parallel_loop3A_908, %parallel_loop3A_911, %add3A_75 : vector<16xi1>, vector<16xi32>
        %parallel_loop3A_913 = vector.shape_cast %parallel_loop3A_912 : vector<16xi32> to vector<16x1xi32>
        %parallel_loop3A_914 = vector.shape_cast %parallel_loop3A_913 : vector<16x1xi32> to vector<16xi32>
        %parallel_loop3A_915 = tpu.dynamic_gather %parallel_loop3A_874[%parallel_loop3A_914] in [0] : vector<16xf32>, vector<16xi32> -> vector<16xf32>
        %parallel_loop3A_916 = arith.select %lt3A_78, %parallel_loop3A_905, %parallel_loop3A_915 : vector<16xi1>, vector<16xf32>
        %parallel_loop3A_917 = arith.maximumf %parallel_loop3A_895, %parallel_loop3A_916 : vector<16xf32>
        %parallel_loop3A_918 = arith.constant 256 : i32
        %parallel_loop3A_919 = arith.muli %parallel_loop3A_166, %parallel_loop3A_918 : i32
        %parallel_loop3A_920 = arith.constant 144 : i32
        %parallel_loop3A_921 = arith.addi %parallel_loop3A_919, %parallel_loop3A_920 : i32
        %parallel_loop3A_922 = arith.index_cast %parallel_loop3A_182 : i32 to index
        %parallel_loop3A_923 = arith.index_cast %parallel_loop3A_921 : i32 to index
        %parallel_loop3A_924 = tpu.vector_load %arg6[%parallel_loop3A_922, %parallel_loop3A_923] {strides = array<i32>} : memref<8x1024xf32, #tpu.memory_space<vmem>>, vector<16xf32>,
        tpu.vector_store %arg6[%parallel_loop3A_922, %parallel_loop3A_923], %parallel_loop3A_917 {strides = array<i32>} : memref<8x1024xf32, #tpu.memory_space<vmem>>, vector<16xf32>,
        %parallel_loop3A_925 = arith.constant 320 : i32
        %parallel_loop3A_926 = arith.addi %parallel_loop3A_184, %parallel_loop3A_925 : i32
        %parallel_loop3A_927 = arith.index_cast %parallel_loop3A_182 : i32 to index
        %parallel_loop3A_928 = arith.index_cast %parallel_loop3A_926 : i32 to index
        %parallel_loop3A_929 = tpu.vector_load %arg4[%parallel_loop3A_927, %parallel_loop3A_928] {strides = array<i32>} : memref<8x4096xf32, #tpu.memory_space<vmem>>, vector<16xf32>,
        %parallel_loop3A_930 = arith.constant 16 : i32
        %parallel_loop3A_931 = arith.addi %parallel_loop3A_926, %parallel_loop3A_930 : i32
        %parallel_loop3A_932 = arith.index_cast %parallel_loop3A_182 : i32 to index
        %parallel_loop3A_933 = arith.index_cast %parallel_loop3A_931 : i32 to index
        %parallel_loop3A_934 = tpu.vector_load %arg4[%parallel_loop3A_932, %parallel_loop3A_933] {strides = array<i32>} : memref<8x4096xf32, #tpu.memory_space<vmem>>, vector<16xf32>,
        %parallel_loop3A_935 = arith.constant 512 : i32
        %parallel_loop3A_936 = arith.addi %parallel_loop3A_926, %parallel_loop3A_935 : i32
        %parallel_loop3A_937 = arith.index_cast %parallel_loop3A_182 : i32 to index
        %parallel_loop3A_938 = arith.index_cast %parallel_loop3A_936 : i32 to index
        %parallel_loop3A_939 = tpu.vector_load %arg4[%parallel_loop3A_937, %parallel_loop3A_938] {strides = array<i32>} : memref<8x4096xf32, #tpu.memory_space<vmem>>, vector<16xf32>,
        %parallel_loop3A_940 = arith.constant 512 : i32
        %parallel_loop3A_941 = arith.addi %parallel_loop3A_926, %parallel_loop3A_940 : i32
        %parallel_loop3A_942 = arith.constant 16 : i32
        %parallel_loop3A_943 = arith.addi %parallel_loop3A_941, %parallel_loop3A_942 : i32
        %parallel_loop3A_944 = arith.index_cast %parallel_loop3A_182 : i32 to index
        %parallel_loop3A_945 = arith.index_cast %parallel_loop3A_943 : i32 to index
        %parallel_loop3A_946 = tpu.vector_load %arg4[%parallel_loop3A_944, %parallel_loop3A_945] {strides = array<i32>} : memref<8x4096xf32, #tpu.memory_space<vmem>>, vector<16xf32>,
        %parallel_loop3A_947 = arith.maximumf %parallel_loop3A_929, %parallel_loop3A_939 : vector<16xf32>
        %parallel_loop3A_948 = arith.maximumf %parallel_loop3A_934, %parallel_loop3A_946 : vector<16xf32>
        %parallel_loop3A_949 = arith.constant 0 : i32
        %parallel_loop3A_950 = vector.broadcast %parallel_loop3A_949 : i32 to vector<16xi32>
        %parallel_loop3A_951 = arith.cmpi slt, %select_n3A_72, %parallel_loop3A_950 : vector<16xi32>
        %parallel_loop3A_952 = arith.constant 16 : i32
        %parallel_loop3A_953 = vector.broadcast %parallel_loop3A_952 : i32 to vector<16xi32>
        %parallel_loop3A_954 = arith.addi %select_n3A_72, %parallel_loop3A_953 : vector<16xi32>
        %parallel_loop3A_955 = arith.select %parallel_loop3A_951, %parallel_loop3A_954, %select_n3A_72 : vector<16xi1>, vector<16xi32>
        %parallel_loop3A_956 = vector.shape_cast %parallel_loop3A_955 : vector<16xi32> to vector<16x1xi32>
        %parallel_loop3A_957 = vector.shape_cast %parallel_loop3A_956 : vector<16x1xi32> to vector<16xi32>
        %parallel_loop3A_958 = tpu.dynamic_gather %parallel_loop3A_947[%parallel_loop3A_957] in [0] : vector<16xf32>, vector<16xi32> -> vector<16xf32>
        %parallel_loop3A_959 = arith.constant 0 : i32
        %parallel_loop3A_960 = vector.broadcast %parallel_loop3A_959 : i32 to vector<16xi32>
        %parallel_loop3A_961 = arith.cmpi slt, %select_n3A_72, %parallel_loop3A_960 : vector<16xi32>
        %parallel_loop3A_962 = arith.constant 16 : i32
        %parallel_loop3A_963 = vector.broadcast %parallel_loop3A_962 : i32 to vector<16xi32>
        %parallel_loop3A_964 = arith.addi %select_n3A_72, %parallel_loop3A_963 : vector<16xi32>
        %parallel_loop3A_965 = arith.select %parallel_loop3A_961, %parallel_loop3A_964, %select_n3A_72 : vector<16xi1>, vector<16xi32>
        %parallel_loop3A_966 = vector.shape_cast %parallel_loop3A_965 : vector<16xi32> to vector<16x1xi32>
        %parallel_loop3A_967 = vector.shape_cast %parallel_loop3A_966 : vector<16x1xi32> to vector<16xi32>
        %parallel_loop3A_968 = tpu.dynamic_gather %parallel_loop3A_948[%parallel_loop3A_967] in [0] : vector<16xf32>, vector<16xi32> -> vector<16xf32>
        %parallel_loop3A_969 = arith.select %lt3A_78, %parallel_loop3A_958, %parallel_loop3A_968 : vector<16xi1>, vector<16xf32>
        %parallel_loop3A_970 = arith.constant 0 : i32
        %parallel_loop3A_971 = vector.broadcast %parallel_loop3A_970 : i32 to vector<16xi32>
        %parallel_loop3A_972 = arith.cmpi slt, %add3A_75, %parallel_loop3A_971 : vector<16xi32>
        %parallel_loop3A_973 = arith.constant 16 : i32
        %parallel_loop3A_974 = vector.broadcast %parallel_loop3A_973 : i32 to vector<16xi32>
        %parallel_loop3A_975 = arith.addi %add3A_75, %parallel_loop3A_974 : vector<16xi32>
        %parallel_loop3A_976 = arith.select %parallel_loop3A_972, %parallel_loop3A_975, %add3A_75 : vector<16xi1>, vector<16xi32>
        %parallel_loop3A_977 = vector.shape_cast %parallel_loop3A_976 : vector<16xi32> to vector<16x1xi32>
        %parallel_loop3A_978 = vector.shape_cast %parallel_loop3A_977 : vector<16x1xi32> to vector<16xi32>
        %parallel_loop3A_979 = tpu.dynamic_gather %parallel_loop3A_947[%parallel_loop3A_978] in [0] : vector<16xf32>, vector<16xi32> -> vector<16xf32>
        %parallel_loop3A_980 = arith.constant 0 : i32
        %parallel_loop3A_981 = vector.broadcast %parallel_loop3A_980 : i32 to vector<16xi32>
        %parallel_loop3A_982 = arith.cmpi slt, %add3A_75, %parallel_loop3A_981 : vector<16xi32>
        %parallel_loop3A_983 = arith.constant 16 : i32
        %parallel_loop3A_984 = vector.broadcast %parallel_loop3A_983 : i32 to vector<16xi32>
        %parallel_loop3A_985 = arith.addi %add3A_75, %parallel_loop3A_984 : vector<16xi32>
        %parallel_loop3A_986 = arith.select %parallel_loop3A_982, %parallel_loop3A_985, %add3A_75 : vector<16xi1>, vector<16xi32>
        %parallel_loop3A_987 = vector.shape_cast %parallel_loop3A_986 : vector<16xi32> to vector<16x1xi32>
        %parallel_loop3A_988 = vector.shape_cast %parallel_loop3A_987 : vector<16x1xi32> to vector<16xi32>
        %parallel_loop3A_989 = tpu.dynamic_gather %parallel_loop3A_948[%parallel_loop3A_988] in [0] : vector<16xf32>, vector<16xi32> -> vector<16xf32>
        %parallel_loop3A_990 = arith.select %lt3A_78, %parallel_loop3A_979, %parallel_loop3A_989 : vector<16xi1>, vector<16xf32>
        %parallel_loop3A_991 = arith.maximumf %parallel_loop3A_969, %parallel_loop3A_990 : vector<16xf32>
        %parallel_loop3A_992 = arith.constant 256 : i32
        %parallel_loop3A_993 = arith.muli %parallel_loop3A_166, %parallel_loop3A_992 : i32
        %parallel_loop3A_994 = arith.constant 160 : i32
        %parallel_loop3A_995 = arith.addi %parallel_loop3A_993, %parallel_loop3A_994 : i32
        %parallel_loop3A_996 = arith.index_cast %parallel_loop3A_182 : i32 to index
        %parallel_loop3A_997 = arith.index_cast %parallel_loop3A_995 : i32 to index
        %parallel_loop3A_998 = tpu.vector_load %arg6[%parallel_loop3A_996, %parallel_loop3A_997] {strides = array<i32>} : memref<8x1024xf32, #tpu.memory_space<vmem>>, vector<16xf32>,
        tpu.vector_store %arg6[%parallel_loop3A_996, %parallel_loop3A_997], %parallel_loop3A_991 {strides = array<i32>} : memref<8x1024xf32, #tpu.memory_space<vmem>>, vector<16xf32>,
        %parallel_loop3A_999 = arith.constant 352 : i32
        %parallel_loop3A_1000 = arith.addi %parallel_loop3A_184, %parallel_loop3A_999 : i32
        %parallel_loop3A_1001 = arith.index_cast %parallel_loop3A_182 : i32 to index
        %parallel_loop3A_1002 = arith.index_cast %parallel_loop3A_1000 : i32 to index
        %parallel_loop3A_1003 = tpu.vector_load %arg4[%parallel_loop3A_1001, %parallel_loop3A_1002] {strides = array<i32>} : memref<8x4096xf32, #tpu.memory_space<vmem>>, vector<16xf32>,
        %parallel_loop3A_1004 = arith.constant 16 : i32
        %parallel_loop3A_1005 = arith.addi %parallel_loop3A_1000, %parallel_loop3A_1004 : i32
        %parallel_loop3A_1006 = arith.index_cast %parallel_loop3A_182 : i32 to index
        %parallel_loop3A_1007 = arith.index_cast %parallel_loop3A_1005 : i32 to index
        %parallel_loop3A_1008 = tpu.vector_load %arg4[%parallel_loop3A_1006, %parallel_loop3A_1007] {strides = array<i32>} : memref<8x4096xf32, #tpu.memory_space<vmem>>, vector<16xf32>,
        %parallel_loop3A_1009 = arith.constant 512 : i32
        %parallel_loop3A_1010 = arith.addi %parallel_loop3A_1000, %parallel_loop3A_1009 : i32
        %parallel_loop3A_1011 = arith.index_cast %parallel_loop3A_182 : i32 to index
        %parallel_loop3A_1012 = arith.index_cast %parallel_loop3A_1010 : i32 to index
        %parallel_loop3A_1013 = tpu.vector_load %arg4[%parallel_loop3A_1011, %parallel_loop3A_1012] {strides = array<i32>} : memref<8x4096xf32, #tpu.memory_space<vmem>>, vector<16xf32>,
        %parallel_loop3A_1014 = arith.constant 512 : i32
        %parallel_loop3A_1015 = arith.addi %parallel_loop3A_1000, %parallel_loop3A_1014 : i32
        %parallel_loop3A_1016 = arith.constant 16 : i32
        %parallel_loop3A_1017 = arith.addi %parallel_loop3A_1015, %parallel_loop3A_1016 : i32
        %parallel_loop3A_1018 = arith.index_cast %parallel_loop3A_182 : i32 to index
        %parallel_loop3A_1019 = arith.index_cast %parallel_loop3A_1017 : i32 to index
        %parallel_loop3A_1020 = tpu.vector_load %arg4[%parallel_loop3A_1018, %parallel_loop3A_1019] {strides = array<i32>} : memref<8x4096xf32, #tpu.memory_space<vmem>>, vector<16xf32>,
        %parallel_loop3A_1021 = arith.maximumf %parallel_loop3A_1003, %parallel_loop3A_1013 : vector<16xf32>
        %parallel_loop3A_1022 = arith.maximumf %parallel_loop3A_1008, %parallel_loop3A_1020 : vector<16xf32>
        %parallel_loop3A_1023 = arith.constant 0 : i32
        %parallel_loop3A_1024 = vector.broadcast %parallel_loop3A_1023 : i32 to vector<16xi32>
        %parallel_loop3A_1025 = arith.cmpi slt, %select_n3A_72, %parallel_loop3A_1024 : vector<16xi32>
        %parallel_loop3A_1026 = arith.constant 16 : i32
        %parallel_loop3A_1027 = vector.broadcast %parallel_loop3A_1026 : i32 to vector<16xi32>
        %parallel_loop3A_1028 = arith.addi %select_n3A_72, %parallel_loop3A_1027 : vector<16xi32>
        %parallel_loop3A_1029 = arith.select %parallel_loop3A_1025, %parallel_loop3A_1028, %select_n3A_72 : vector<16xi1>, vector<16xi32>
        %parallel_loop3A_1030 = vector.shape_cast %parallel_loop3A_1029 : vector<16xi32> to vector<16x1xi32>
        %parallel_loop3A_1031 = vector.shape_cast %parallel_loop3A_1030 : vector<16x1xi32> to vector<16xi32>
        %parallel_loop3A_1032 = tpu.dynamic_gather %parallel_loop3A_1021[%parallel_loop3A_1031] in [0] : vector<16xf32>, vector<16xi32> -> vector<16xf32>
        %parallel_loop3A_1033 = arith.constant 0 : i32
        %parallel_loop3A_1034 = vector.broadcast %parallel_loop3A_1033 : i32 to vector<16xi32>
        %parallel_loop3A_1035 = arith.cmpi slt, %select_n3A_72, %parallel_loop3A_1034 : vector<16xi32>
        %parallel_loop3A_1036 = arith.constant 16 : i32
        %parallel_loop3A_1037 = vector.broadcast %parallel_loop3A_1036 : i32 to vector<16xi32>
        %parallel_loop3A_1038 = arith.addi %select_n3A_72, %parallel_loop3A_1037 : vector<16xi32>
        %parallel_loop3A_1039 = arith.select %parallel_loop3A_1035, %parallel_loop3A_1038, %select_n3A_72 : vector<16xi1>, vector<16xi32>
        %parallel_loop3A_1040 = vector.shape_cast %parallel_loop3A_1039 : vector<16xi32> to vector<16x1xi32>
        %parallel_loop3A_1041 = vector.shape_cast %parallel_loop3A_1040 : vector<16x1xi32> to vector<16xi32>
        %parallel_loop3A_1042 = tpu.dynamic_gather %parallel_loop3A_1022[%parallel_loop3A_1041] in [0] : vector<16xf32>, vector<16xi32> -> vector<16xf32>
        %parallel_loop3A_1043 = arith.select %lt3A_78, %parallel_loop3A_1032, %parallel_loop3A_1042 : vector<16xi1>, vector<16xf32>
        %parallel_loop3A_1044 = arith.constant 0 : i32
        %parallel_loop3A_1045 = vector.broadcast %parallel_loop3A_1044 : i32 to vector<16xi32>
        %parallel_loop3A_1046 = arith.cmpi slt, %add3A_75, %parallel_loop3A_1045 : vector<16xi32>
        %parallel_loop3A_1047 = arith.constant 16 : i32
        %parallel_loop3A_1048 = vector.broadcast %parallel_loop3A_1047 : i32 to vector<16xi32>
        %parallel_loop3A_1049 = arith.addi %add3A_75, %parallel_loop3A_1048 : vector<16xi32>
        %parallel_loop3A_1050 = arith.select %parallel_loop3A_1046, %parallel_loop3A_1049, %add3A_75 : vector<16xi1>, vector<16xi32>
        %parallel_loop3A_1051 = vector.shape_cast %parallel_loop3A_1050 : vector<16xi32> to vector<16x1xi32>
        %parallel_loop3A_1052 = vector.shape_cast %parallel_loop3A_1051 : vector<16x1xi32> to vector<16xi32>
        %parallel_loop3A_1053 = tpu.dynamic_gather %parallel_loop3A_1021[%parallel_loop3A_1052] in [0] : vector<16xf32>, vector<16xi32> -> vector<16xf32>
        %parallel_loop3A_1054 = arith.constant 0 : i32
        %parallel_loop3A_1055 = vector.broadcast %parallel_loop3A_1054 : i32 to vector<16xi32>
        %parallel_loop3A_1056 = arith.cmpi slt, %add3A_75, %parallel_loop3A_1055 : vector<16xi32>
        %parallel_loop3A_1057 = arith.constant 16 : i32
        %parallel_loop3A_1058 = vector.broadcast %parallel_loop3A_1057 : i32 to vector<16xi32>
        %parallel_loop3A_1059 = arith.addi %add3A_75, %parallel_loop3A_1058 : vector<16xi32>
        %parallel_loop3A_1060 = arith.select %parallel_loop3A_1056, %parallel_loop3A_1059, %add3A_75 : vector<16xi1>, vector<16xi32>
        %parallel_loop3A_1061 = vector.shape_cast %parallel_loop3A_1060 : vector<16xi32> to vector<16x1xi32>
        %parallel_loop3A_1062 = vector.shape_cast %parallel_loop3A_1061 : vector<16x1xi32> to vector<16xi32>
        %parallel_loop3A_1063 = tpu.dynamic_gather %parallel_loop3A_1022[%parallel_loop3A_1062] in [0] : vector<16xf32>, vector<16xi32> -> vector<16xf32>
        %parallel_loop3A_1064 = arith.select %lt3A_78, %parallel_loop3A_1053, %parallel_loop3A_1063 : vector<16xi1>, vector<16xf32>
        %parallel_loop3A_1065 = arith.maximumf %parallel_loop3A_1043, %parallel_loop3A_1064 : vector<16xf32>
        %parallel_loop3A_1066 = arith.constant 256 : i32
        %parallel_loop3A_1067 = arith.muli %parallel_loop3A_166, %parallel_loop3A_1066 : i32
        %parallel_loop3A_1068 = arith.constant 176 : i32
        %parallel_loop3A_1069 = arith.addi %parallel_loop3A_1067, %parallel_loop3A_1068 : i32
        %parallel_loop3A_1070 = arith.index_cast %parallel_loop3A_182 : i32 to index
        %parallel_loop3A_1071 = arith.index_cast %parallel_loop3A_1069 : i32 to index
        %parallel_loop3A_1072 = tpu.vector_load %arg6[%parallel_loop3A_1070, %parallel_loop3A_1071] {strides = array<i32>} : memref<8x1024xf32, #tpu.memory_space<vmem>>, vector<16xf32>,
        tpu.vector_store %arg6[%parallel_loop3A_1070, %parallel_loop3A_1071], %parallel_loop3A_1065 {strides = array<i32>} : memref<8x1024xf32, #tpu.memory_space<vmem>>, vector<16xf32>,
        %parallel_loop3A_1073 = arith.constant 384 : i32
        %parallel_loop3A_1074 = arith.addi %parallel_loop3A_184, %parallel_loop3A_1073 : i32
        %parallel_loop3A_1075 = arith.index_cast %parallel_loop3A_182 : i32 to index
        %parallel_loop3A_1076 = arith.index_cast %parallel_loop3A_1074 : i32 to index
        %parallel_loop3A_1077 = tpu.vector_load %arg4[%parallel_loop3A_1075, %parallel_loop3A_1076] {strides = array<i32>} : memref<8x4096xf32, #tpu.memory_space<vmem>>, vector<16xf32>,
        %parallel_loop3A_1078 = arith.constant 16 : i32
        %parallel_loop3A_1079 = arith.addi %parallel_loop3A_1074, %parallel_loop3A_1078 : i32
        %parallel_loop3A_1080 = arith.index_cast %parallel_loop3A_182 : i32 to index
        %parallel_loop3A_1081 = arith.index_cast %parallel_loop3A_1079 : i32 to index
        %parallel_loop3A_1082 = tpu.vector_load %arg4[%parallel_loop3A_1080, %parallel_loop3A_1081] {strides = array<i32>} : memref<8x4096xf32, #tpu.memory_space<vmem>>, vector<16xf32>,
        %parallel_loop3A_1083 = arith.constant 512 : i32
        %parallel_loop3A_1084 = arith.addi %parallel_loop3A_1074, %parallel_loop3A_1083 : i32
        %parallel_loop3A_1085 = arith.index_cast %parallel_loop3A_182 : i32 to index
        %parallel_loop3A_1086 = arith.index_cast %parallel_loop3A_1084 : i32 to index
        %parallel_loop3A_1087 = tpu.vector_load %arg4[%parallel_loop3A_1085, %parallel_loop3A_1086] {strides = array<i32>} : memref<8x4096xf32, #tpu.memory_space<vmem>>, vector<16xf32>,
        %parallel_loop3A_1088 = arith.constant 512 : i32
        %parallel_loop3A_1089 = arith.addi %parallel_loop3A_1074, %parallel_loop3A_1088 : i32
        %parallel_loop3A_1090 = arith.constant 16 : i32
        %parallel_loop3A_1091 = arith.addi %parallel_loop3A_1089, %parallel_loop3A_1090 : i32
        %parallel_loop3A_1092 = arith.index_cast %parallel_loop3A_182 : i32 to index
        %parallel_loop3A_1093 = arith.index_cast %parallel_loop3A_1091 : i32 to index
        %parallel_loop3A_1094 = tpu.vector_load %arg4[%parallel_loop3A_1092, %parallel_loop3A_1093] {strides = array<i32>} : memref<8x4096xf32, #tpu.memory_space<vmem>>, vector<16xf32>,
        %parallel_loop3A_1095 = arith.maximumf %parallel_loop3A_1077, %parallel_loop3A_1087 : vector<16xf32>
        %parallel_loop3A_1096 = arith.maximumf %parallel_loop3A_1082, %parallel_loop3A_1094 : vector<16xf32>
        %parallel_loop3A_1097 = arith.constant 0 : i32
        %parallel_loop3A_1098 = vector.broadcast %parallel_loop3A_1097 : i32 to vector<16xi32>
        %parallel_loop3A_1099 = arith.cmpi slt, %select_n3A_72, %parallel_loop3A_1098 : vector<16xi32>
        %parallel_loop3A_1100 = arith.constant 16 : i32
        %parallel_loop3A_1101 = vector.broadcast %parallel_loop3A_1100 : i32 to vector<16xi32>
        %parallel_loop3A_1102 = arith.addi %select_n3A_72, %parallel_loop3A_1101 : vector<16xi32>
        %parallel_loop3A_1103 = arith.select %parallel_loop3A_1099, %parallel_loop3A_1102, %select_n3A_72 : vector<16xi1>, vector<16xi32>
        %parallel_loop3A_1104 = vector.shape_cast %parallel_loop3A_1103 : vector<16xi32> to vector<16x1xi32>
        %parallel_loop3A_1105 = vector.shape_cast %parallel_loop3A_1104 : vector<16x1xi32> to vector<16xi32>
        %parallel_loop3A_1106 = tpu.dynamic_gather %parallel_loop3A_1095[%parallel_loop3A_1105] in [0] : vector<16xf32>, vector<16xi32> -> vector<16xf32>
        %parallel_loop3A_1107 = arith.constant 0 : i32
        %parallel_loop3A_1108 = vector.broadcast %parallel_loop3A_1107 : i32 to vector<16xi32>
        %parallel_loop3A_1109 = arith.cmpi slt, %select_n3A_72, %parallel_loop3A_1108 : vector<16xi32>
        %parallel_loop3A_1110 = arith.constant 16 : i32
        %parallel_loop3A_1111 = vector.broadcast %parallel_loop3A_1110 : i32 to vector<16xi32>
        %parallel_loop3A_1112 = arith.addi %select_n3A_72, %parallel_loop3A_1111 : vector<16xi32>
        %parallel_loop3A_1113 = arith.select %parallel_loop3A_1109, %parallel_loop3A_1112, %select_n3A_72 : vector<16xi1>, vector<16xi32>
        %parallel_loop3A_1114 = vector.shape_cast %parallel_loop3A_1113 : vector<16xi32> to vector<16x1xi32>
        %parallel_loop3A_1115 = vector.shape_cast %parallel_loop3A_1114 : vector<16x1xi32> to vector<16xi32>
        %parallel_loop3A_1116 = tpu.dynamic_gather %parallel_loop3A_1096[%parallel_loop3A_1115] in [0] : vector<16xf32>, vector<16xi32> -> vector<16xf32>
        %parallel_loop3A_1117 = arith.select %lt3A_78, %parallel_loop3A_1106, %parallel_loop3A_1116 : vector<16xi1>, vector<16xf32>
        %parallel_loop3A_1118 = arith.constant 0 : i32
        %parallel_loop3A_1119 = vector.broadcast %parallel_loop3A_1118 : i32 to vector<16xi32>
        %parallel_loop3A_1120 = arith.cmpi slt, %add3A_75, %parallel_loop3A_1119 : vector<16xi32>
        %parallel_loop3A_1121 = arith.constant 16 : i32
        %parallel_loop3A_1122 = vector.broadcast %parallel_loop3A_1121 : i32 to vector<16xi32>
        %parallel_loop3A_1123 = arith.addi %add3A_75, %parallel_loop3A_1122 : vector<16xi32>
        %parallel_loop3A_1124 = arith.select %parallel_loop3A_1120, %parallel_loop3A_1123, %add3A_75 : vector<16xi1>, vector<16xi32>
        %parallel_loop3A_1125 = vector.shape_cast %parallel_loop3A_1124 : vector<16xi32> to vector<16x1xi32>
        %parallel_loop3A_1126 = vector.shape_cast %parallel_loop3A_1125 : vector<16x1xi32> to vector<16xi32>
        %parallel_loop3A_1127 = tpu.dynamic_gather %parallel_loop3A_1095[%parallel_loop3A_1126] in [0] : vector<16xf32>, vector<16xi32> -> vector<16xf32>
        %parallel_loop3A_1128 = arith.constant 0 : i32
        %parallel_loop3A_1129 = vector.broadcast %parallel_loop3A_1128 : i32 to vector<16xi32>
        %parallel_loop3A_1130 = arith.cmpi slt, %add3A_75, %parallel_loop3A_1129 : vector<16xi32>
        %parallel_loop3A_1131 = arith.constant 16 : i32
        %parallel_loop3A_1132 = vector.broadcast %parallel_loop3A_1131 : i32 to vector<16xi32>
        %parallel_loop3A_1133 = arith.addi %add3A_75, %parallel_loop3A_1132 : vector<16xi32>
        %parallel_loop3A_1134 = arith.select %parallel_loop3A_1130, %parallel_loop3A_1133, %add3A_75 : vector<16xi1>, vector<16xi32>
        %parallel_loop3A_1135 = vector.shape_cast %parallel_loop3A_1134 : vector<16xi32> to vector<16x1xi32>
        %parallel_loop3A_1136 = vector.shape_cast %parallel_loop3A_1135 : vector<16x1xi32> to vector<16xi32>
        %parallel_loop3A_1137 = tpu.dynamic_gather %parallel_loop3A_1096[%parallel_loop3A_1136] in [0] : vector<16xf32>, vector<16xi32> -> vector<16xf32>
        %parallel_loop3A_1138 = arith.select %lt3A_78, %parallel_loop3A_1127, %parallel_loop3A_1137 : vector<16xi1>, vector<16xf32>
        %parallel_loop3A_1139 = arith.maximumf %parallel_loop3A_1117, %parallel_loop3A_1138 : vector<16xf32>
        %parallel_loop3A_1140 = arith.constant 256 : i32
        %parallel_loop3A_1141 = arith.muli %parallel_loop3A_166, %parallel_loop3A_1140 : i32
        %parallel_loop3A_1142 = arith.constant 192 : i32
        %parallel_loop3A_1143 = arith.addi %parallel_loop3A_1141, %parallel_loop3A_1142 : i32
        %parallel_loop3A_1144 = arith.index_cast %parallel_loop3A_182 : i32 to index
        %parallel_loop3A_1145 = arith.index_cast %parallel_loop3A_1143 : i32 to index
        %parallel_loop3A_1146 = tpu.vector_load %arg6[%parallel_loop3A_1144, %parallel_loop3A_1145] {strides = array<i32>} : memref<8x1024xf32, #tpu.memory_space<vmem>>, vector<16xf32>,
        tpu.vector_store %arg6[%parallel_loop3A_1144, %parallel_loop3A_1145], %parallel_loop3A_1139 {strides = array<i32>} : memref<8x1024xf32, #tpu.memory_space<vmem>>, vector<16xf32>,
        %parallel_loop3A_1147 = arith.constant 416 : i32
        %parallel_loop3A_1148 = arith.addi %parallel_loop3A_184, %parallel_loop3A_1147 : i32
        %parallel_loop3A_1149 = arith.index_cast %parallel_loop3A_182 : i32 to index
        %parallel_loop3A_1150 = arith.index_cast %parallel_loop3A_1148 : i32 to index
        %parallel_loop3A_1151 = tpu.vector_load %arg4[%parallel_loop3A_1149, %parallel_loop3A_1150] {strides = array<i32>} : memref<8x4096xf32, #tpu.memory_space<vmem>>, vector<16xf32>,
        %parallel_loop3A_1152 = arith.constant 16 : i32
        %parallel_loop3A_1153 = arith.addi %parallel_loop3A_1148, %parallel_loop3A_1152 : i32
        %parallel_loop3A_1154 = arith.index_cast %parallel_loop3A_182 : i32 to index
        %parallel_loop3A_1155 = arith.index_cast %parallel_loop3A_1153 : i32 to index
        %parallel_loop3A_1156 = tpu.vector_load %arg4[%parallel_loop3A_1154, %parallel_loop3A_1155] {strides = array<i32>} : memref<8x4096xf32, #tpu.memory_space<vmem>>, vector<16xf32>,
        %parallel_loop3A_1157 = arith.constant 512 : i32
        %parallel_loop3A_1158 = arith.addi %parallel_loop3A_1148, %parallel_loop3A_1157 : i32
        %parallel_loop3A_1159 = arith.index_cast %parallel_loop3A_182 : i32 to index
        %parallel_loop3A_1160 = arith.index_cast %parallel_loop3A_1158 : i32 to index
        %parallel_loop3A_1161 = tpu.vector_load %arg4[%parallel_loop3A_1159, %parallel_loop3A_1160] {strides = array<i32>} : memref<8x4096xf32, #tpu.memory_space<vmem>>, vector<16xf32>,
        %parallel_loop3A_1162 = arith.constant 512 : i32
        %parallel_loop3A_1163 = arith.addi %parallel_loop3A_1148, %parallel_loop3A_1162 : i32
        %parallel_loop3A_1164 = arith.constant 16 : i32
        %parallel_loop3A_1165 = arith.addi %parallel_loop3A_1163, %parallel_loop3A_1164 : i32
        %parallel_loop3A_1166 = arith.index_cast %parallel_loop3A_182 : i32 to index
        %parallel_loop3A_1167 = arith.index_cast %parallel_loop3A_1165 : i32 to index
        %parallel_loop3A_1168 = tpu.vector_load %arg4[%parallel_loop3A_1166, %parallel_loop3A_1167] {strides = array<i32>} : memref<8x4096xf32, #tpu.memory_space<vmem>>, vector<16xf32>,
        %parallel_loop3A_1169 = arith.maximumf %parallel_loop3A_1151, %parallel_loop3A_1161 : vector<16xf32>
        %parallel_loop3A_1170 = arith.maximumf %parallel_loop3A_1156, %parallel_loop3A_1168 : vector<16xf32>
        %parallel_loop3A_1171 = arith.constant 0 : i32
        %parallel_loop3A_1172 = vector.broadcast %parallel_loop3A_1171 : i32 to vector<16xi32>
        %parallel_loop3A_1173 = arith.cmpi slt, %select_n3A_72, %parallel_loop3A_1172 : vector<16xi32>
        %parallel_loop3A_1174 = arith.constant 16 : i32
        %parallel_loop3A_1175 = vector.broadcast %parallel_loop3A_1174 : i32 to vector<16xi32>
        %parallel_loop3A_1176 = arith.addi %select_n3A_72, %parallel_loop3A_1175 : vector<16xi32>
        %parallel_loop3A_1177 = arith.select %parallel_loop3A_1173, %parallel_loop3A_1176, %select_n3A_72 : vector<16xi1>, vector<16xi32>
        %parallel_loop3A_1178 = vector.shape_cast %parallel_loop3A_1177 : vector<16xi32> to vector<16x1xi32>
        %parallel_loop3A_1179 = vector.shape_cast %parallel_loop3A_1178 : vector<16x1xi32> to vector<16xi32>
        %parallel_loop3A_1180 = tpu.dynamic_gather %parallel_loop3A_1169[%parallel_loop3A_1179] in [0] : vector<16xf32>, vector<16xi32> -> vector<16xf32>
        %parallel_loop3A_1181 = arith.constant 0 : i32
        %parallel_loop3A_1182 = vector.broadcast %parallel_loop3A_1181 : i32 to vector<16xi32>
        %parallel_loop3A_1183 = arith.cmpi slt, %select_n3A_72, %parallel_loop3A_1182 : vector<16xi32>
        %parallel_loop3A_1184 = arith.constant 16 : i32
        %parallel_loop3A_1185 = vector.broadcast %parallel_loop3A_1184 : i32 to vector<16xi32>
        %parallel_loop3A_1186 = arith.addi %select_n3A_72, %parallel_loop3A_1185 : vector<16xi32>
        %parallel_loop3A_1187 = arith.select %parallel_loop3A_1183, %parallel_loop3A_1186, %select_n3A_72 : vector<16xi1>, vector<16xi32>
        %parallel_loop3A_1188 = vector.shape_cast %parallel_loop3A_1187 : vector<16xi32> to vector<16x1xi32>
        %parallel_loop3A_1189 = vector.shape_cast %parallel_loop3A_1188 : vector<16x1xi32> to vector<16xi32>
        %parallel_loop3A_1190 = tpu.dynamic_gather %parallel_loop3A_1170[%parallel_loop3A_1189] in [0] : vector<16xf32>, vector<16xi32> -> vector<16xf32>
        %parallel_loop3A_1191 = arith.select %lt3A_78, %parallel_loop3A_1180, %parallel_loop3A_1190 : vector<16xi1>, vector<16xf32>
        %parallel_loop3A_1192 = arith.constant 0 : i32
        %parallel_loop3A_1193 = vector.broadcast %parallel_loop3A_1192 : i32 to vector<16xi32>
        %parallel_loop3A_1194 = arith.cmpi slt, %add3A_75, %parallel_loop3A_1193 : vector<16xi32>
        %parallel_loop3A_1195 = arith.constant 16 : i32
        %parallel_loop3A_1196 = vector.broadcast %parallel_loop3A_1195 : i32 to vector<16xi32>
        %parallel_loop3A_1197 = arith.addi %add3A_75, %parallel_loop3A_1196 : vector<16xi32>
        %parallel_loop3A_1198 = arith.select %parallel_loop3A_1194, %parallel_loop3A_1197, %add3A_75 : vector<16xi1>, vector<16xi32>
        %parallel_loop3A_1199 = vector.shape_cast %parallel_loop3A_1198 : vector<16xi32> to vector<16x1xi32>
        %parallel_loop3A_1200 = vector.shape_cast %parallel_loop3A_1199 : vector<16x1xi32> to vector<16xi32>
        %parallel_loop3A_1201 = tpu.dynamic_gather %parallel_loop3A_1169[%parallel_loop3A_1200] in [0] : vector<16xf32>, vector<16xi32> -> vector<16xf32>
        %parallel_loop3A_1202 = arith.constant 0 : i32
        %parallel_loop3A_1203 = vector.broadcast %parallel_loop3A_1202 : i32 to vector<16xi32>
        %parallel_loop3A_1204 = arith.cmpi slt, %add3A_75, %parallel_loop3A_1203 : vector<16xi32>
        %parallel_loop3A_1205 = arith.constant 16 : i32
        %parallel_loop3A_1206 = vector.broadcast %parallel_loop3A_1205 : i32 to vector<16xi32>
        %parallel_loop3A_1207 = arith.addi %add3A_75, %parallel_loop3A_1206 : vector<16xi32>
        %parallel_loop3A_1208 = arith.select %parallel_loop3A_1204, %parallel_loop3A_1207, %add3A_75 : vector<16xi1>, vector<16xi32>
        %parallel_loop3A_1209 = vector.shape_cast %parallel_loop3A_1208 : vector<16xi32> to vector<16x1xi32>
        %parallel_loop3A_1210 = vector.shape_cast %parallel_loop3A_1209 : vector<16x1xi32> to vector<16xi32>
        %parallel_loop3A_1211 = tpu.dynamic_gather %parallel_loop3A_1170[%parallel_loop3A_1210] in [0] : vector<16xf32>, vector<16xi32> -> vector<16xf32>
        %parallel_loop3A_1212 = arith.select %lt3A_78, %parallel_loop3A_1201, %parallel_loop3A_1211 : vector<16xi1>, vector<16xf32>
        %parallel_loop3A_1213 = arith.maximumf %parallel_loop3A_1191, %parallel_loop3A_1212 : vector<16xf32>
        %parallel_loop3A_1214 = arith.constant 256 : i32
        %parallel_loop3A_1215 = arith.muli %parallel_loop3A_166, %parallel_loop3A_1214 : i32
        %parallel_loop3A_1216 = arith.constant 208 : i32
        %parallel_loop3A_1217 = arith.addi %parallel_loop3A_1215, %parallel_loop3A_1216 : i32
        %parallel_loop3A_1218 = arith.index_cast %parallel_loop3A_182 : i32 to index
        %parallel_loop3A_1219 = arith.index_cast %parallel_loop3A_1217 : i32 to index
        %parallel_loop3A_1220 = tpu.vector_load %arg6[%parallel_loop3A_1218, %parallel_loop3A_1219] {strides = array<i32>} : memref<8x1024xf32, #tpu.memory_space<vmem>>, vector<16xf32>,
        tpu.vector_store %arg6[%parallel_loop3A_1218, %parallel_loop3A_1219], %parallel_loop3A_1213 {strides = array<i32>} : memref<8x1024xf32, #tpu.memory_space<vmem>>, vector<16xf32>,
        %parallel_loop3A_1221 = arith.constant 448 : i32
        %parallel_loop3A_1222 = arith.addi %parallel_loop3A_184, %parallel_loop3A_1221 : i32
        %parallel_loop3A_1223 = arith.index_cast %parallel_loop3A_182 : i32 to index
        %parallel_loop3A_1224 = arith.index_cast %parallel_loop3A_1222 : i32 to index
        %parallel_loop3A_1225 = tpu.vector_load %arg4[%parallel_loop3A_1223, %parallel_loop3A_1224] {strides = array<i32>} : memref<8x4096xf32, #tpu.memory_space<vmem>>, vector<16xf32>,
        %parallel_loop3A_1226 = arith.constant 16 : i32
        %parallel_loop3A_1227 = arith.addi %parallel_loop3A_1222, %parallel_loop3A_1226 : i32
        %parallel_loop3A_1228 = arith.index_cast %parallel_loop3A_182 : i32 to index
        %parallel_loop3A_1229 = arith.index_cast %parallel_loop3A_1227 : i32 to index
        %parallel_loop3A_1230 = tpu.vector_load %arg4[%parallel_loop3A_1228, %parallel_loop3A_1229] {strides = array<i32>} : memref<8x4096xf32, #tpu.memory_space<vmem>>, vector<16xf32>,
        %parallel_loop3A_1231 = arith.constant 512 : i32
        %parallel_loop3A_1232 = arith.addi %parallel_loop3A_1222, %parallel_loop3A_1231 : i32
        %parallel_loop3A_1233 = arith.index_cast %parallel_loop3A_182 : i32 to index
        %parallel_loop3A_1234 = arith.index_cast %parallel_loop3A_1232 : i32 to index
        %parallel_loop3A_1235 = tpu.vector_load %arg4[%parallel_loop3A_1233, %parallel_loop3A_1234] {strides = array<i32>} : memref<8x4096xf32, #tpu.memory_space<vmem>>, vector<16xf32>,
        %parallel_loop3A_1236 = arith.constant 512 : i32
        %parallel_loop3A_1237 = arith.addi %parallel_loop3A_1222, %parallel_loop3A_1236 : i32
        %parallel_loop3A_1238 = arith.constant 16 : i32
        %parallel_loop3A_1239 = arith.addi %parallel_loop3A_1237, %parallel_loop3A_1238 : i32
        %parallel_loop3A_1240 = arith.index_cast %parallel_loop3A_182 : i32 to index
        %parallel_loop3A_1241 = arith.index_cast %parallel_loop3A_1239 : i32 to index
        %parallel_loop3A_1242 = tpu.vector_load %arg4[%parallel_loop3A_1240, %parallel_loop3A_1241] {strides = array<i32>} : memref<8x4096xf32, #tpu.memory_space<vmem>>, vector<16xf32>,
        %parallel_loop3A_1243 = arith.maximumf %parallel_loop3A_1225, %parallel_loop3A_1235 : vector<16xf32>
        %parallel_loop3A_1244 = arith.maximumf %parallel_loop3A_1230, %parallel_loop3A_1242 : vector<16xf32>
        %parallel_loop3A_1245 = arith.constant 0 : i32
        %parallel_loop3A_1246 = vector.broadcast %parallel_loop3A_1245 : i32 to vector<16xi32>
        %parallel_loop3A_1247 = arith.cmpi slt, %select_n3A_72, %parallel_loop3A_1246 : vector<16xi32>
        %parallel_loop3A_1248 = arith.constant 16 : i32
        %parallel_loop3A_1249 = vector.broadcast %parallel_loop3A_1248 : i32 to vector<16xi32>
        %parallel_loop3A_1250 = arith.addi %select_n3A_72, %parallel_loop3A_1249 : vector<16xi32>
        %parallel_loop3A_1251 = arith.select %parallel_loop3A_1247, %parallel_loop3A_1250, %select_n3A_72 : vector<16xi1>, vector<16xi32>
        %parallel_loop3A_1252 = vector.shape_cast %parallel_loop3A_1251 : vector<16xi32> to vector<16x1xi32>
        %parallel_loop3A_1253 = vector.shape_cast %parallel_loop3A_1252 : vector<16x1xi32> to vector<16xi32>
        %parallel_loop3A_1254 = tpu.dynamic_gather %parallel_loop3A_1243[%parallel_loop3A_1253] in [0] : vector<16xf32>, vector<16xi32> -> vector<16xf32>
        %parallel_loop3A_1255 = arith.constant 0 : i32
        %parallel_loop3A_1256 = vector.broadcast %parallel_loop3A_1255 : i32 to vector<16xi32>
        %parallel_loop3A_1257 = arith.cmpi slt, %select_n3A_72, %parallel_loop3A_1256 : vector<16xi32>
        %parallel_loop3A_1258 = arith.constant 16 : i32
        %parallel_loop3A_1259 = vector.broadcast %parallel_loop3A_1258 : i32 to vector<16xi32>
        %parallel_loop3A_1260 = arith.addi %select_n3A_72, %parallel_loop3A_1259 : vector<16xi32>
        %parallel_loop3A_1261 = arith.select %parallel_loop3A_1257, %parallel_loop3A_1260, %select_n3A_72 : vector<16xi1>, vector<16xi32>
        %parallel_loop3A_1262 = vector.shape_cast %parallel_loop3A_1261 : vector<16xi32> to vector<16x1xi32>
        %parallel_loop3A_1263 = vector.shape_cast %parallel_loop3A_1262 : vector<16x1xi32> to vector<16xi32>
        %parallel_loop3A_1264 = tpu.dynamic_gather %parallel_loop3A_1244[%parallel_loop3A_1263] in [0] : vector<16xf32>, vector<16xi32> -> vector<16xf32>
        %parallel_loop3A_1265 = arith.select %lt3A_78, %parallel_loop3A_1254, %parallel_loop3A_1264 : vector<16xi1>, vector<16xf32>
        %parallel_loop3A_1266 = arith.constant 0 : i32
        %parallel_loop3A_1267 = vector.broadcast %parallel_loop3A_1266 : i32 to vector<16xi32>
        %parallel_loop3A_1268 = arith.cmpi slt, %add3A_75, %parallel_loop3A_1267 : vector<16xi32>
        %parallel_loop3A_1269 = arith.constant 16 : i32
        %parallel_loop3A_1270 = vector.broadcast %parallel_loop3A_1269 : i32 to vector<16xi32>
        %parallel_loop3A_1271 = arith.addi %add3A_75, %parallel_loop3A_1270 : vector<16xi32>
        %parallel_loop3A_1272 = arith.select %parallel_loop3A_1268, %parallel_loop3A_1271, %add3A_75 : vector<16xi1>, vector<16xi32>
        %parallel_loop3A_1273 = vector.shape_cast %parallel_loop3A_1272 : vector<16xi32> to vector<16x1xi32>
        %parallel_loop3A_1274 = vector.shape_cast %parallel_loop3A_1273 : vector<16x1xi32> to vector<16xi32>
        %parallel_loop3A_1275 = tpu.dynamic_gather %parallel_loop3A_1243[%parallel_loop3A_1274] in [0] : vector<16xf32>, vector<16xi32> -> vector<16xf32>
        %parallel_loop3A_1276 = arith.constant 0 : i32
        %parallel_loop3A_1277 = vector.broadcast %parallel_loop3A_1276 : i32 to vector<16xi32>
        %parallel_loop3A_1278 = arith.cmpi slt, %add3A_75, %parallel_loop3A_1277 : vector<16xi32>
        %parallel_loop3A_1279 = arith.constant 16 : i32
        %parallel_loop3A_1280 = vector.broadcast %parallel_loop3A_1279 : i32 to vector<16xi32>
        %parallel_loop3A_1281 = arith.addi %add3A_75, %parallel_loop3A_1280 : vector<16xi32>
        %parallel_loop3A_1282 = arith.select %parallel_loop3A_1278, %parallel_loop3A_1281, %add3A_75 : vector<16xi1>, vector<16xi32>
        %parallel_loop3A_1283 = vector.shape_cast %parallel_loop3A_1282 : vector<16xi32> to vector<16x1xi32>
        %parallel_loop3A_1284 = vector.shape_cast %parallel_loop3A_1283 : vector<16x1xi32> to vector<16xi32>
        %parallel_loop3A_1285 = tpu.dynamic_gather %parallel_loop3A_1244[%parallel_loop3A_1284] in [0] : vector<16xf32>, vector<16xi32> -> vector<16xf32>
        %parallel_loop3A_1286 = arith.select %lt3A_78, %parallel_loop3A_1275, %parallel_loop3A_1285 : vector<16xi1>, vector<16xf32>
        %parallel_loop3A_1287 = arith.maximumf %parallel_loop3A_1265, %parallel_loop3A_1286 : vector<16xf32>
        %parallel_loop3A_1288 = arith.constant 256 : i32
        %parallel_loop3A_1289 = arith.muli %parallel_loop3A_166, %parallel_loop3A_1288 : i32
        %parallel_loop3A_1290 = arith.constant 224 : i32
        %parallel_loop3A_1291 = arith.addi %parallel_loop3A_1289, %parallel_loop3A_1290 : i32
        %parallel_loop3A_1292 = arith.index_cast %parallel_loop3A_182 : i32 to index
        %parallel_loop3A_1293 = arith.index_cast %parallel_loop3A_1291 : i32 to index
        %parallel_loop3A_1294 = tpu.vector_load %arg6[%parallel_loop3A_1292, %parallel_loop3A_1293] {strides = array<i32>} : memref<8x1024xf32, #tpu.memory_space<vmem>>, vector<16xf32>,
        tpu.vector_store %arg6[%parallel_loop3A_1292, %parallel_loop3A_1293], %parallel_loop3A_1287 {strides = array<i32>} : memref<8x1024xf32, #tpu.memory_space<vmem>>, vector<16xf32>,
        %parallel_loop3A_1295 = arith.constant 480 : i32
        %parallel_loop3A_1296 = arith.addi %parallel_loop3A_184, %parallel_loop3A_1295 : i32
        %parallel_loop3A_1297 = arith.index_cast %parallel_loop3A_182 : i32 to index
        %parallel_loop3A_1298 = arith.index_cast %parallel_loop3A_1296 : i32 to index
        %parallel_loop3A_1299 = tpu.vector_load %arg4[%parallel_loop3A_1297, %parallel_loop3A_1298] {strides = array<i32>} : memref<8x4096xf32, #tpu.memory_space<vmem>>, vector<16xf32>,
        %parallel_loop3A_1300 = arith.constant 16 : i32
        %parallel_loop3A_1301 = arith.addi %parallel_loop3A_1296, %parallel_loop3A_1300 : i32
        %parallel_loop3A_1302 = arith.index_cast %parallel_loop3A_182 : i32 to index
        %parallel_loop3A_1303 = arith.index_cast %parallel_loop3A_1301 : i32 to index
        %parallel_loop3A_1304 = tpu.vector_load %arg4[%parallel_loop3A_1302, %parallel_loop3A_1303] {strides = array<i32>} : memref<8x4096xf32, #tpu.memory_space<vmem>>, vector<16xf32>,
        %parallel_loop3A_1305 = arith.constant 512 : i32
        %parallel_loop3A_1306 = arith.addi %parallel_loop3A_1296, %parallel_loop3A_1305 : i32
        %parallel_loop3A_1307 = arith.index_cast %parallel_loop3A_182 : i32 to index
        %parallel_loop3A_1308 = arith.index_cast %parallel_loop3A_1306 : i32 to index
        %parallel_loop3A_1309 = tpu.vector_load %arg4[%parallel_loop3A_1307, %parallel_loop3A_1308] {strides = array<i32>} : memref<8x4096xf32, #tpu.memory_space<vmem>>, vector<16xf32>,
        %parallel_loop3A_1310 = arith.constant 512 : i32
        %parallel_loop3A_1311 = arith.addi %parallel_loop3A_1296, %parallel_loop3A_1310 : i32
        %parallel_loop3A_1312 = arith.constant 16 : i32
        %parallel_loop3A_1313 = arith.addi %parallel_loop3A_1311, %parallel_loop3A_1312 : i32
        %parallel_loop3A_1314 = arith.index_cast %parallel_loop3A_182 : i32 to index
        %parallel_loop3A_1315 = arith.index_cast %parallel_loop3A_1313 : i32 to index
        %parallel_loop3A_1316 = tpu.vector_load %arg4[%parallel_loop3A_1314, %parallel_loop3A_1315] {strides = array<i32>} : memref<8x4096xf32, #tpu.memory_space<vmem>>, vector<16xf32>,
        %parallel_loop3A_1317 = arith.maximumf %parallel_loop3A_1299, %parallel_loop3A_1309 : vector<16xf32>
        %parallel_loop3A_1318 = arith.maximumf %parallel_loop3A_1304, %parallel_loop3A_1316 : vector<16xf32>
        %parallel_loop3A_1319 = arith.constant 0 : i32
        %parallel_loop3A_1320 = vector.broadcast %parallel_loop3A_1319 : i32 to vector<16xi32>
        %parallel_loop3A_1321 = arith.cmpi slt, %select_n3A_72, %parallel_loop3A_1320 : vector<16xi32>
        %parallel_loop3A_1322 = arith.constant 16 : i32
        %parallel_loop3A_1323 = vector.broadcast %parallel_loop3A_1322 : i32 to vector<16xi32>
        %parallel_loop3A_1324 = arith.addi %select_n3A_72, %parallel_loop3A_1323 : vector<16xi32>
        %parallel_loop3A_1325 = arith.select %parallel_loop3A_1321, %parallel_loop3A_1324, %select_n3A_72 : vector<16xi1>, vector<16xi32>
        %parallel_loop3A_1326 = vector.shape_cast %parallel_loop3A_1325 : vector<16xi32> to vector<16x1xi32>
        %parallel_loop3A_1327 = vector.shape_cast %parallel_loop3A_1326 : vector<16x1xi32> to vector<16xi32>
        %parallel_loop3A_1328 = tpu.dynamic_gather %parallel_loop3A_1317[%parallel_loop3A_1327] in [0] : vector<16xf32>, vector<16xi32> -> vector<16xf32>
        %parallel_loop3A_1329 = arith.constant 0 : i32
        %parallel_loop3A_1330 = vector.broadcast %parallel_loop3A_1329 : i32 to vector<16xi32>
        %parallel_loop3A_1331 = arith.cmpi slt, %select_n3A_72, %parallel_loop3A_1330 : vector<16xi32>
        %parallel_loop3A_1332 = arith.constant 16 : i32
        %parallel_loop3A_1333 = vector.broadcast %parallel_loop3A_1332 : i32 to vector<16xi32>
        %parallel_loop3A_1334 = arith.addi %select_n3A_72, %parallel_loop3A_1333 : vector<16xi32>
        %parallel_loop3A_1335 = arith.select %parallel_loop3A_1331, %parallel_loop3A_1334, %select_n3A_72 : vector<16xi1>, vector<16xi32>
        %parallel_loop3A_1336 = vector.shape_cast %parallel_loop3A_1335 : vector<16xi32> to vector<16x1xi32>
        %parallel_loop3A_1337 = vector.shape_cast %parallel_loop3A_1336 : vector<16x1xi32> to vector<16xi32>
        %parallel_loop3A_1338 = tpu.dynamic_gather %parallel_loop3A_1318[%parallel_loop3A_1337] in [0] : vector<16xf32>, vector<16xi32> -> vector<16xf32>
        %parallel_loop3A_1339 = arith.select %lt3A_78, %parallel_loop3A_1328, %parallel_loop3A_1338 : vector<16xi1>, vector<16xf32>
        %parallel_loop3A_1340 = arith.constant 0 : i32
        %parallel_loop3A_1341 = vector.broadcast %parallel_loop3A_1340 : i32 to vector<16xi32>
        %parallel_loop3A_1342 = arith.cmpi slt, %add3A_75, %parallel_loop3A_1341 : vector<16xi32>
        %parallel_loop3A_1343 = arith.constant 16 : i32
        %parallel_loop3A_1344 = vector.broadcast %parallel_loop3A_1343 : i32 to vector<16xi32>
        %parallel_loop3A_1345 = arith.addi %add3A_75, %parallel_loop3A_1344 : vector<16xi32>
        %parallel_loop3A_1346 = arith.select %parallel_loop3A_1342, %parallel_loop3A_1345, %add3A_75 : vector<16xi1>, vector<16xi32>
        %parallel_loop3A_1347 = vector.shape_cast %parallel_loop3A_1346 : vector<16xi32> to vector<16x1xi32>
        %parallel_loop3A_1348 = vector.shape_cast %parallel_loop3A_1347 : vector<16x1xi32> to vector<16xi32>
        %parallel_loop3A_1349 = tpu.dynamic_gather %parallel_loop3A_1317[%parallel_loop3A_1348] in [0] : vector<16xf32>, vector<16xi32> -> vector<16xf32>
        %parallel_loop3A_1350 = arith.constant 0 : i32
        %parallel_loop3A_1351 = vector.broadcast %parallel_loop3A_1350 : i32 to vector<16xi32>
        %parallel_loop3A_1352 = arith.cmpi slt, %add3A_75, %parallel_loop3A_1351 : vector<16xi32>
        %parallel_loop3A_1353 = arith.constant 16 : i32
        %parallel_loop3A_1354 = vector.broadcast %parallel_loop3A_1353 : i32 to vector<16xi32>
        %parallel_loop3A_1355 = arith.addi %add3A_75, %parallel_loop3A_1354 : vector<16xi32>
        %parallel_loop3A_1356 = arith.select %parallel_loop3A_1352, %parallel_loop3A_1355, %add3A_75 : vector<16xi1>, vector<16xi32>
        %parallel_loop3A_1357 = vector.shape_cast %parallel_loop3A_1356 : vector<16xi32> to vector<16x1xi32>
        %parallel_loop3A_1358 = vector.shape_cast %parallel_loop3A_1357 : vector<16x1xi32> to vector<16xi32>
        %parallel_loop3A_1359 = tpu.dynamic_gather %parallel_loop3A_1318[%parallel_loop3A_1358] in [0] : vector<16xf32>, vector<16xi32> -> vector<16xf32>
        %parallel_loop3A_1360 = arith.select %lt3A_78, %parallel_loop3A_1349, %parallel_loop3A_1359 : vector<16xi1>, vector<16xf32>
        %parallel_loop3A_1361 = arith.maximumf %parallel_loop3A_1339, %parallel_loop3A_1360 : vector<16xf32>
        %parallel_loop3A_1362 = arith.constant 256 : i32
        %parallel_loop3A_1363 = arith.muli %parallel_loop3A_166, %parallel_loop3A_1362 : i32
        %parallel_loop3A_1364 = arith.constant 240 : i32
        %parallel_loop3A_1365 = arith.addi %parallel_loop3A_1363, %parallel_loop3A_1364 : i32
        %parallel_loop3A_1366 = arith.index_cast %parallel_loop3A_182 : i32 to index
        %parallel_loop3A_1367 = arith.index_cast %parallel_loop3A_1365 : i32 to index
        %parallel_loop3A_1368 = tpu.vector_load %arg6[%parallel_loop3A_1366, %parallel_loop3A_1367] {strides = array<i32>} : memref<8x1024xf32, #tpu.memory_space<vmem>>, vector<16xf32>,
        tpu.vector_store %arg6[%parallel_loop3A_1366, %parallel_loop3A_1367], %parallel_loop3A_1361 {strides = array<i32>} : memref<8x1024xf32, #tpu.memory_space<vmem>>, vector<16xf32>,
      } {sc.loop_unroll_factor = 2 : i64, sc.parallel_access}
      %mul3A_105 = arith.constant 1024 : i32
      %mul3A_106 = arith.muli %add3A_95, %mul3A_105 : i32
      %add3A_107 = arith.addi %mul3A_36, %mul3A_106 : i32
      %dma_start3A_108 = tpu.memref_slice %arg3[%mul3A_32, %add3A_107] : memref<128x65536xf32, #tpu.memory_space<hbm>> -> memref<8x1024xf32, #tpu.memory_space<hbm>>
      %dma_start3A_109 = tpu.memref_slice %arg3[%mul3A_32, %add3A_107] : memref<128x65536xf32, #tpu.memory_space<hbm>> -> memref<8x1024xf32, #tpu.memory_space<hbm>>
      tpu.enqueue_dma source(%arg6 : memref<8x1024xf32, #tpu.memory_space<vmem>>) target(%dma_start3A_109 : memref<8x1024xf32, #tpu.memory_space<hbm>>) target_semaphore(%arg10 : memref<!tpu.dma_semaphore, #tpu.memory_space<semaphore_mem>>)
      %lt3A_110 = arith.constant 15 : i32
      %lt3A_111 = arith.cmpi slt, %scan3A_91, %lt3A_110 : i32
      %convert_element_type3A_112 = arith.extui %lt3A_111 : i1 to i32
      %cond3A_113 = arith.constant 0 : i32
      %cond3A_114 = arith.cmpi ne, %convert_element_type3A_112, %cond3A_113 : i32
      scf.if %cond3A_114 {
        %add3A_142 = arith.constant 2 : i32
        %add3A_143 = arith.addi %add3A_95, %add3A_142 : i32
        %mul3A_144 = arith.constant 4096 : i32
        %mul3A_145 = arith.muli %add3A_143, %mul3A_144 : i32
        %add3A_146 = arith.addi %mul3A_34, %mul3A_145 : i32
        %dma_start3A_147 = tpu.memref_slice %arg2[%mul3A_32, %add3A_146] : memref<128x262144xf32, #tpu.memory_space<hbm>> -> memref<8x4096xf32, #tpu.memory_space<hbm>>
        %dma_start3A_148 = tpu.memref_slice %arg2[%mul3A_32, %add3A_146] : memref<128x262144xf32, #tpu.memory_space<hbm>> -> memref<8x4096xf32, #tpu.memory_space<hbm>>
        tpu.enqueue_dma source(%dma_start3A_148 : memref<8x4096xf32, #tpu.memory_space<hbm>>) target(%arg4 : memref<8x4096xf32, #tpu.memory_space<vmem>>) target_semaphore(%arg8 : memref<!tpu.dma_semaphore, #tpu.memory_space<semaphore_mem>>)
      } else {
      }
      %mul3A_115 = arith.constant 2 : i32
      %mul3A_116 = arith.muli %mul3A_115, %scan3A_91 : i32
      %add3A_117 = arith.constant 1 : i32
      %add3A_118 = arith.addi %mul3A_116, %add3A_117 : i32
      %mul3A_119 = arith.constant 4096 : i32
      %mul3A_120 = arith.muli %add3A_118, %mul3A_119 : i32
      %add3A_121 = arith.addi %mul3A_34, %mul3A_120 : i32
      %dma_wait3A_122 = tpu.memref_slice %arg2[%mul3A_32, %add3A_121] : memref<128x262144xf32, #tpu.memory_space<hbm>> -> memref<8x4096xf32, #tpu.memory_space<hbm>>
      %dma_wait3A_123 = tpu.memref_slice %arg2[%mul3A_32, %add3A_121] : memref<128x262144xf32, #tpu.memory_space<hbm>> -> memref<8x4096xf32, #tpu.memory_space<hbm>>
      tpu.wait_dma2 semaphore(%arg9 : memref<!tpu.dma_semaphore, #tpu.memory_space<semaphore_mem>>) src(%dma_wait3A_123 : memref<8x4096xf32, #tpu.memory_space<hbm>>) dst(%arg5 : memref<8x4096xf32, #tpu.memory_space<vmem>>)
      %gt3A_124 = arith.constant 0 : i32
      %gt3A_125 = arith.cmpi sgt, %scan3A_91, %gt3A_124 : i32
      %convert_element_type3A_126 = arith.extui %gt3A_125 : i1 to i32
      %cond3A_127 = arith.constant 0 : i32
      %cond3A_128 = arith.cmpi ne, %convert_element_type3A_126, %cond3A_127 : i32
      scf.if %cond3A_128 {
        %sub3A_142 = arith.constant 2 : i32
        %sub3A_143 = arith.subi %add3A_118, %sub3A_142 : i32
        %mul3A_144 = arith.constant 1024 : i32
        %mul3A_145 = arith.muli %sub3A_143, %mul3A_144 : i32
        %add3A_146 = arith.addi %mul3A_36, %mul3A_145 : i32
        %dma_wait3A_147 = tpu.memref_slice %arg3[%mul3A_32, %add3A_146] : memref<128x65536xf32, #tpu.memory_space<hbm>> -> memref<8x1024xf32, #tpu.memory_space<hbm>>
        %dma_wait3A_148 = tpu.memref_slice %arg3[%mul3A_32, %add3A_146] : memref<128x65536xf32, #tpu.memory_space<hbm>> -> memref<8x1024xf32, #tpu.memory_space<hbm>>
        tpu.wait_dma2 semaphore(%arg11 : memref<!tpu.dma_semaphore, #tpu.memory_space<semaphore_mem>>) src(%arg7 : memref<8x1024xf32, #tpu.memory_space<vmem>>) dst(%dma_wait3A_148 : memref<8x1024xf32, #tpu.memory_space<hbm>>)
      } else {
      }
      %parallel_loop3A_129 = arith.constant 0 : i32
      %parallel_loop3A_130 = arith.constant 32 : i32
      %parallel_loop3A_131 = arith.constant 1 : i32
      scf.for %parallel_loop3A_142 = %parallel_loop3A_129 to %parallel_loop3A_130 step %parallel_loop3A_131  : i32 {
        %parallel_loop3A_143 = arith.constant 8 : i32
        %parallel_loop3A_144 = arith.divsi %parallel_loop3A_142, %parallel_loop3A_143 : i32
        %parallel_loop3A_145 = arith.constant 0 : i32
        %parallel_loop3A_146 = arith.cmpi sgt, %parallel_loop3A_142, %parallel_loop3A_145 : i32
        %parallel_loop3A_147 = arith.extui %parallel_loop3A_146 : i1 to i32
        %parallel_loop3A_148 = arith.constant 0 : i32
        %parallel_loop3A_149 = arith.cmpi slt, %parallel_loop3A_142, %parallel_loop3A_148 : i32
        %parallel_loop3A_150 = arith.extui %parallel_loop3A_149 : i1 to i32
        %parallel_loop3A_151 = arith.subi %parallel_loop3A_147, %parallel_loop3A_150 : i32
        %parallel_loop3A_152 = arith.constant 0 : i32
        %parallel_loop3A_153 = arith.cmpi sgt, %parallel_loop3A_143, %parallel_loop3A_152 : i32
        %parallel_loop3A_154 = arith.extui %parallel_loop3A_153 : i1 to i32
        %parallel_loop3A_155 = arith.constant 0 : i32
        %parallel_loop3A_156 = arith.cmpi slt, %parallel_loop3A_143, %parallel_loop3A_155 : i32
        %parallel_loop3A_157 = arith.extui %parallel_loop3A_156 : i1 to i32
        %parallel_loop3A_158 = arith.subi %parallel_loop3A_154, %parallel_loop3A_157 : i32
        %parallel_loop3A_159 = arith.cmpi ne, %parallel_loop3A_151, %parallel_loop3A_158 : i32
        %parallel_loop3A_160 = arith.remsi %parallel_loop3A_142, %parallel_loop3A_143 : i32
        %parallel_loop3A_161 = arith.constant 0 : i32
        %parallel_loop3A_162 = arith.cmpi ne, %parallel_loop3A_160, %parallel_loop3A_161 : i32
        %parallel_loop3A_163 = arith.andi %parallel_loop3A_159, %parallel_loop3A_162 : i1
        %parallel_loop3A_164 = arith.constant 1 : i32
        %parallel_loop3A_165 = arith.subi %parallel_loop3A_144, %parallel_loop3A_164 : i32
        %parallel_loop3A_166 = arith.select %parallel_loop3A_163, %parallel_loop3A_165, %parallel_loop3A_144 : i32
        %parallel_loop3A_167 = arith.constant 8 : i32
        %parallel_loop3A_168 = arith.constant 0 : i32
        %parallel_loop3A_169 = arith.cmpi eq, %parallel_loop3A_167, %parallel_loop3A_168 : i32
        %parallel_loop3A_170 = arith.constant 1 : i32
        %parallel_loop3A_171 = arith.select %parallel_loop3A_169, %parallel_loop3A_170, %parallel_loop3A_167 : i32
        %parallel_loop3A_172 = arith.remsi %parallel_loop3A_142, %parallel_loop3A_171 : i32
        %parallel_loop3A_173 = arith.constant 0 : i32
        %parallel_loop3A_174 = arith.cmpi ne, %parallel_loop3A_172, %parallel_loop3A_173 : i32
        %parallel_loop3A_175 = arith.constant 0 : i32
        %parallel_loop3A_176 = arith.cmpi slt, %parallel_loop3A_172, %parallel_loop3A_175 : i32
        %parallel_loop3A_177 = arith.constant 0 : i32
        %parallel_loop3A_178 = arith.cmpi slt, %parallel_loop3A_171, %parallel_loop3A_177 : i32
        %parallel_loop3A_179 = arith.xori %parallel_loop3A_176, %parallel_loop3A_178 : i1
        %parallel_loop3A_180 = arith.andi %parallel_loop3A_179, %parallel_loop3A_174 : i1
        %parallel_loop3A_181 = arith.addi %parallel_loop3A_172, %parallel_loop3A_171 : i32
        %parallel_loop3A_182 = arith.select %parallel_loop3A_180, %parallel_loop3A_181, %parallel_loop3A_172 : i32
        %parallel_loop3A_183 = arith.constant 1024 : i32
        %parallel_loop3A_184 = arith.muli %parallel_loop3A_166, %parallel_loop3A_183 : i32
        %parallel_loop3A_185 = arith.constant 0 : i32
        %parallel_loop3A_186 = arith.addi %parallel_loop3A_184, %parallel_loop3A_185 : i32
        %parallel_loop3A_187 = arith.index_cast %parallel_loop3A_182 : i32 to index
        %parallel_loop3A_188 = arith.index_cast %parallel_loop3A_186 : i32 to index
        %parallel_loop3A_189 = tpu.vector_load %arg5[%parallel_loop3A_187, %parallel_loop3A_188] {strides = array<i32>} : memref<8x4096xf32, #tpu.memory_space<vmem>>, vector<16xf32>,
        %parallel_loop3A_190 = arith.constant 16 : i32
        %parallel_loop3A_191 = arith.addi %parallel_loop3A_186, %parallel_loop3A_190 : i32
        %parallel_loop3A_192 = arith.index_cast %parallel_loop3A_182 : i32 to index
        %parallel_loop3A_193 = arith.index_cast %parallel_loop3A_191 : i32 to index
        %parallel_loop3A_194 = tpu.vector_load %arg5[%parallel_loop3A_192, %parallel_loop3A_193] {strides = array<i32>} : memref<8x4096xf32, #tpu.memory_space<vmem>>, vector<16xf32>,
        %parallel_loop3A_195 = arith.constant 512 : i32
        %parallel_loop3A_196 = arith.addi %parallel_loop3A_186, %parallel_loop3A_195 : i32
        %parallel_loop3A_197 = arith.index_cast %parallel_loop3A_182 : i32 to index
        %parallel_loop3A_198 = arith.index_cast %parallel_loop3A_196 : i32 to index
        %parallel_loop3A_199 = tpu.vector_load %arg5[%parallel_loop3A_197, %parallel_loop3A_198] {strides = array<i32>} : memref<8x4096xf32, #tpu.memory_space<vmem>>, vector<16xf32>,
        %parallel_loop3A_200 = arith.constant 512 : i32
        %parallel_loop3A_201 = arith.addi %parallel_loop3A_186, %parallel_loop3A_200 : i32
        %parallel_loop3A_202 = arith.constant 16 : i32
        %parallel_loop3A_203 = arith.addi %parallel_loop3A_201, %parallel_loop3A_202 : i32
        %parallel_loop3A_204 = arith.index_cast %parallel_loop3A_182 : i32 to index
        %parallel_loop3A_205 = arith.index_cast %parallel_loop3A_203 : i32 to index
        %parallel_loop3A_206 = tpu.vector_load %arg5[%parallel_loop3A_204, %parallel_loop3A_205] {strides = array<i32>} : memref<8x4096xf32, #tpu.memory_space<vmem>>, vector<16xf32>,
        %parallel_loop3A_207 = arith.maximumf %parallel_loop3A_189, %parallel_loop3A_199 : vector<16xf32>
        %parallel_loop3A_208 = arith.maximumf %parallel_loop3A_194, %parallel_loop3A_206 : vector<16xf32>
        %parallel_loop3A_209 = arith.constant 0 : i32
        %parallel_loop3A_210 = vector.broadcast %parallel_loop3A_209 : i32 to vector<16xi32>
        %parallel_loop3A_211 = arith.cmpi slt, %select_n3A_72, %parallel_loop3A_210 : vector<16xi32>
        %parallel_loop3A_212 = arith.constant 16 : i32
        %parallel_loop3A_213 = vector.broadcast %parallel_loop3A_212 : i32 to vector<16xi32>
        %parallel_loop3A_214 = arith.addi %select_n3A_72, %parallel_loop3A_213 : vector<16xi32>
        %parallel_loop3A_215 = arith.select %parallel_loop3A_211, %parallel_loop3A_214, %select_n3A_72 : vector<16xi1>, vector<16xi32>
        %parallel_loop3A_216 = vector.shape_cast %parallel_loop3A_215 : vector<16xi32> to vector<16x1xi32>
        %parallel_loop3A_217 = vector.shape_cast %parallel_loop3A_216 : vector<16x1xi32> to vector<16xi32>
        %parallel_loop3A_218 = tpu.dynamic_gather %parallel_loop3A_207[%parallel_loop3A_217] in [0] : vector<16xf32>, vector<16xi32> -> vector<16xf32>
        %parallel_loop3A_219 = arith.constant 0 : i32
        %parallel_loop3A_220 = vector.broadcast %parallel_loop3A_219 : i32 to vector<16xi32>
        %parallel_loop3A_221 = arith.cmpi slt, %select_n3A_72, %parallel_loop3A_220 : vector<16xi32>
        %parallel_loop3A_222 = arith.constant 16 : i32
        %parallel_loop3A_223 = vector.broadcast %parallel_loop3A_222 : i32 to vector<16xi32>
        %parallel_loop3A_224 = arith.addi %select_n3A_72, %parallel_loop3A_223 : vector<16xi32>
        %parallel_loop3A_225 = arith.select %parallel_loop3A_221, %parallel_loop3A_224, %select_n3A_72 : vector<16xi1>, vector<16xi32>
        %parallel_loop3A_226 = vector.shape_cast %parallel_loop3A_225 : vector<16xi32> to vector<16x1xi32>
        %parallel_loop3A_227 = vector.shape_cast %parallel_loop3A_226 : vector<16x1xi32> to vector<16xi32>
        %parallel_loop3A_228 = tpu.dynamic_gather %parallel_loop3A_208[%parallel_loop3A_227] in [0] : vector<16xf32>, vector<16xi32> -> vector<16xf32>
        %parallel_loop3A_229 = arith.select %lt3A_78, %parallel_loop3A_218, %parallel_loop3A_228 : vector<16xi1>, vector<16xf32>
        %parallel_loop3A_230 = arith.constant 0 : i32
        %parallel_loop3A_231 = vector.broadcast %parallel_loop3A_230 : i32 to vector<16xi32>
        %parallel_loop3A_232 = arith.cmpi slt, %add3A_75, %parallel_loop3A_231 : vector<16xi32>
        %parallel_loop3A_233 = arith.constant 16 : i32
        %parallel_loop3A_234 = vector.broadcast %parallel_loop3A_233 : i32 to vector<16xi32>
        %parallel_loop3A_235 = arith.addi %add3A_75, %parallel_loop3A_234 : vector<16xi32>
        %parallel_loop3A_236 = arith.select %parallel_loop3A_232, %parallel_loop3A_235, %add3A_75 : vector<16xi1>, vector<16xi32>
        %parallel_loop3A_237 = vector.shape_cast %parallel_loop3A_236 : vector<16xi32> to vector<16x1xi32>
        %parallel_loop3A_238 = vector.shape_cast %parallel_loop3A_237 : vector<16x1xi32> to vector<16xi32>
        %parallel_loop3A_239 = tpu.dynamic_gather %parallel_loop3A_207[%parallel_loop3A_238] in [0] : vector<16xf32>, vector<16xi32> -> vector<16xf32>
        %parallel_loop3A_240 = arith.constant 0 : i32
        %parallel_loop3A_241 = vector.broadcast %parallel_loop3A_240 : i32 to vector<16xi32>
        %parallel_loop3A_242 = arith.cmpi slt, %add3A_75, %parallel_loop3A_241 : vector<16xi32>
        %parallel_loop3A_243 = arith.constant 16 : i32
        %parallel_loop3A_244 = vector.broadcast %parallel_loop3A_243 : i32 to vector<16xi32>
        %parallel_loop3A_245 = arith.addi %add3A_75, %parallel_loop3A_244 : vector<16xi32>
        %parallel_loop3A_246 = arith.select %parallel_loop3A_242, %parallel_loop3A_245, %add3A_75 : vector<16xi1>, vector<16xi32>
        %parallel_loop3A_247 = vector.shape_cast %parallel_loop3A_246 : vector<16xi32> to vector<16x1xi32>
        %parallel_loop3A_248 = vector.shape_cast %parallel_loop3A_247 : vector<16x1xi32> to vector<16xi32>
        %parallel_loop3A_249 = tpu.dynamic_gather %parallel_loop3A_208[%parallel_loop3A_248] in [0] : vector<16xf32>, vector<16xi32> -> vector<16xf32>
        %parallel_loop3A_250 = arith.select %lt3A_78, %parallel_loop3A_239, %parallel_loop3A_249 : vector<16xi1>, vector<16xf32>
        %parallel_loop3A_251 = arith.maximumf %parallel_loop3A_229, %parallel_loop3A_250 : vector<16xf32>
        %parallel_loop3A_252 = arith.constant 256 : i32
        %parallel_loop3A_253 = arith.muli %parallel_loop3A_166, %parallel_loop3A_252 : i32
        %parallel_loop3A_254 = arith.constant 0 : i32
        %parallel_loop3A_255 = arith.addi %parallel_loop3A_253, %parallel_loop3A_254 : i32
        %parallel_loop3A_256 = arith.index_cast %parallel_loop3A_182 : i32 to index
        %parallel_loop3A_257 = arith.index_cast %parallel_loop3A_255 : i32 to index
        %parallel_loop3A_258 = tpu.vector_load %arg7[%parallel_loop3A_256, %parallel_loop3A_257] {strides = array<i32>} : memref<8x1024xf32, #tpu.memory_space<vmem>>, vector<16xf32>,
        tpu.vector_store %arg7[%parallel_loop3A_256, %parallel_loop3A_257], %parallel_loop3A_251 {strides = array<i32>} : memref<8x1024xf32, #tpu.memory_space<vmem>>, vector<16xf32>,
        %parallel_loop3A_259 = arith.constant 32 : i32
        %parallel_loop3A_260 = arith.addi %parallel_loop3A_184, %parallel_loop3A_259 : i32
        %parallel_loop3A_261 = arith.index_cast %parallel_loop3A_182 : i32 to index
        %parallel_loop3A_262 = arith.index_cast %parallel_loop3A_260 : i32 to index
        %parallel_loop3A_263 = tpu.vector_load %arg5[%parallel_loop3A_261, %parallel_loop3A_262] {strides = array<i32>} : memref<8x4096xf32, #tpu.memory_space<vmem>>, vector<16xf32>,
        %parallel_loop3A_264 = arith.constant 16 : i32
        %parallel_loop3A_265 = arith.addi %parallel_loop3A_260, %parallel_loop3A_264 : i32
        %parallel_loop3A_266 = arith.index_cast %parallel_loop3A_182 : i32 to index
        %parallel_loop3A_267 = arith.index_cast %parallel_loop3A_265 : i32 to index
        %parallel_loop3A_268 = tpu.vector_load %arg5[%parallel_loop3A_266, %parallel_loop3A_267] {strides = array<i32>} : memref<8x4096xf32, #tpu.memory_space<vmem>>, vector<16xf32>,
        %parallel_loop3A_269 = arith.constant 512 : i32
        %parallel_loop3A_270 = arith.addi %parallel_loop3A_260, %parallel_loop3A_269 : i32
        %parallel_loop3A_271 = arith.index_cast %parallel_loop3A_182 : i32 to index
        %parallel_loop3A_272 = arith.index_cast %parallel_loop3A_270 : i32 to index
        %parallel_loop3A_273 = tpu.vector_load %arg5[%parallel_loop3A_271, %parallel_loop3A_272] {strides = array<i32>} : memref<8x4096xf32, #tpu.memory_space<vmem>>, vector<16xf32>,
        %parallel_loop3A_274 = arith.constant 512 : i32
        %parallel_loop3A_275 = arith.addi %parallel_loop3A_260, %parallel_loop3A_274 : i32
        %parallel_loop3A_276 = arith.constant 16 : i32
        %parallel_loop3A_277 = arith.addi %parallel_loop3A_275, %parallel_loop3A_276 : i32
        %parallel_loop3A_278 = arith.index_cast %parallel_loop3A_182 : i32 to index
        %parallel_loop3A_279 = arith.index_cast %parallel_loop3A_277 : i32 to index
        %parallel_loop3A_280 = tpu.vector_load %arg5[%parallel_loop3A_278, %parallel_loop3A_279] {strides = array<i32>} : memref<8x4096xf32, #tpu.memory_space<vmem>>, vector<16xf32>,
        %parallel_loop3A_281 = arith.maximumf %parallel_loop3A_263, %parallel_loop3A_273 : vector<16xf32>
        %parallel_loop3A_282 = arith.maximumf %parallel_loop3A_268, %parallel_loop3A_280 : vector<16xf32>
        %parallel_loop3A_283 = arith.constant 0 : i32
        %parallel_loop3A_284 = vector.broadcast %parallel_loop3A_283 : i32 to vector<16xi32>
        %parallel_loop3A_285 = arith.cmpi slt, %select_n3A_72, %parallel_loop3A_284 : vector<16xi32>
        %parallel_loop3A_286 = arith.constant 16 : i32
        %parallel_loop3A_287 = vector.broadcast %parallel_loop3A_286 : i32 to vector<16xi32>
        %parallel_loop3A_288 = arith.addi %select_n3A_72, %parallel_loop3A_287 : vector<16xi32>
        %parallel_loop3A_289 = arith.select %parallel_loop3A_285, %parallel_loop3A_288, %select_n3A_72 : vector<16xi1>, vector<16xi32>
        %parallel_loop3A_290 = vector.shape_cast %parallel_loop3A_289 : vector<16xi32> to vector<16x1xi32>
        %parallel_loop3A_291 = vector.shape_cast %parallel_loop3A_290 : vector<16x1xi32> to vector<16xi32>
        %parallel_loop3A_292 = tpu.dynamic_gather %parallel_loop3A_281[%parallel_loop3A_291] in [0] : vector<16xf32>, vector<16xi32> -> vector<16xf32>
        %parallel_loop3A_293 = arith.constant 0 : i32
        %parallel_loop3A_294 = vector.broadcast %parallel_loop3A_293 : i32 to vector<16xi32>
        %parallel_loop3A_295 = arith.cmpi slt, %select_n3A_72, %parallel_loop3A_294 : vector<16xi32>
        %parallel_loop3A_296 = arith.constant 16 : i32
        %parallel_loop3A_297 = vector.broadcast %parallel_loop3A_296 : i32 to vector<16xi32>
        %parallel_loop3A_298 = arith.addi %select_n3A_72, %parallel_loop3A_297 : vector<16xi32>
        %parallel_loop3A_299 = arith.select %parallel_loop3A_295, %parallel_loop3A_298, %select_n3A_72 : vector<16xi1>, vector<16xi32>
        %parallel_loop3A_300 = vector.shape_cast %parallel_loop3A_299 : vector<16xi32> to vector<16x1xi32>
        %parallel_loop3A_301 = vector.shape_cast %parallel_loop3A_300 : vector<16x1xi32> to vector<16xi32>
        %parallel_loop3A_302 = tpu.dynamic_gather %parallel_loop3A_282[%parallel_loop3A_301] in [0] : vector<16xf32>, vector<16xi32> -> vector<16xf32>
        %parallel_loop3A_303 = arith.select %lt3A_78, %parallel_loop3A_292, %parallel_loop3A_302 : vector<16xi1>, vector<16xf32>
        %parallel_loop3A_304 = arith.constant 0 : i32
        %parallel_loop3A_305 = vector.broadcast %parallel_loop3A_304 : i32 to vector<16xi32>
        %parallel_loop3A_306 = arith.cmpi slt, %add3A_75, %parallel_loop3A_305 : vector<16xi32>
        %parallel_loop3A_307 = arith.constant 16 : i32
        %parallel_loop3A_308 = vector.broadcast %parallel_loop3A_307 : i32 to vector<16xi32>
        %parallel_loop3A_309 = arith.addi %add3A_75, %parallel_loop3A_308 : vector<16xi32>
        %parallel_loop3A_310 = arith.select %parallel_loop3A_306, %parallel_loop3A_309, %add3A_75 : vector<16xi1>, vector<16xi32>
        %parallel_loop3A_311 = vector.shape_cast %parallel_loop3A_310 : vector<16xi32> to vector<16x1xi32>
        %parallel_loop3A_312 = vector.shape_cast %parallel_loop3A_311 : vector<16x1xi32> to vector<16xi32>
        %parallel_loop3A_313 = tpu.dynamic_gather %parallel_loop3A_281[%parallel_loop3A_312] in [0] : vector<16xf32>, vector<16xi32> -> vector<16xf32>
        %parallel_loop3A_314 = arith.constant 0 : i32
        %parallel_loop3A_315 = vector.broadcast %parallel_loop3A_314 : i32 to vector<16xi32>
        %parallel_loop3A_316 = arith.cmpi slt, %add3A_75, %parallel_loop3A_315 : vector<16xi32>
        %parallel_loop3A_317 = arith.constant 16 : i32
        %parallel_loop3A_318 = vector.broadcast %parallel_loop3A_317 : i32 to vector<16xi32>
        %parallel_loop3A_319 = arith.addi %add3A_75, %parallel_loop3A_318 : vector<16xi32>
        %parallel_loop3A_320 = arith.select %parallel_loop3A_316, %parallel_loop3A_319, %add3A_75 : vector<16xi1>, vector<16xi32>
        %parallel_loop3A_321 = vector.shape_cast %parallel_loop3A_320 : vector<16xi32> to vector<16x1xi32>
        %parallel_loop3A_322 = vector.shape_cast %parallel_loop3A_321 : vector<16x1xi32> to vector<16xi32>
        %parallel_loop3A_323 = tpu.dynamic_gather %parallel_loop3A_282[%parallel_loop3A_322] in [0] : vector<16xf32>, vector<16xi32> -> vector<16xf32>
        %parallel_loop3A_324 = arith.select %lt3A_78, %parallel_loop3A_313, %parallel_loop3A_323 : vector<16xi1>, vector<16xf32>
        %parallel_loop3A_325 = arith.maximumf %parallel_loop3A_303, %parallel_loop3A_324 : vector<16xf32>
        %parallel_loop3A_326 = arith.constant 256 : i32
        %parallel_loop3A_327 = arith.muli %parallel_loop3A_166, %parallel_loop3A_326 : i32
        %parallel_loop3A_328 = arith.constant 16 : i32
        %parallel_loop3A_329 = arith.addi %parallel_loop3A_327, %parallel_loop3A_328 : i32
        %parallel_loop3A_330 = arith.index_cast %parallel_loop3A_182 : i32 to index
        %parallel_loop3A_331 = arith.index_cast %parallel_loop3A_329 : i32 to index
        %parallel_loop3A_332 = tpu.vector_load %arg7[%parallel_loop3A_330, %parallel_loop3A_331] {strides = array<i32>} : memref<8x1024xf32, #tpu.memory_space<vmem>>, vector<16xf32>,
        tpu.vector_store %arg7[%parallel_loop3A_330, %parallel_loop3A_331], %parallel_loop3A_325 {strides = array<i32>} : memref<8x1024xf32, #tpu.memory_space<vmem>>, vector<16xf32>,
        %parallel_loop3A_333 = arith.constant 64 : i32
        %parallel_loop3A_334 = arith.addi %parallel_loop3A_184, %parallel_loop3A_333 : i32
        %parallel_loop3A_335 = arith.index_cast %parallel_loop3A_182 : i32 to index
        %parallel_loop3A_336 = arith.index_cast %parallel_loop3A_334 : i32 to index
        %parallel_loop3A_337 = tpu.vector_load %arg5[%parallel_loop3A_335, %parallel_loop3A_336] {strides = array<i32>} : memref<8x4096xf32, #tpu.memory_space<vmem>>, vector<16xf32>,
        %parallel_loop3A_338 = arith.constant 16 : i32
        %parallel_loop3A_339 = arith.addi %parallel_loop3A_334, %parallel_loop3A_338 : i32
        %parallel_loop3A_340 = arith.index_cast %parallel_loop3A_182 : i32 to index
        %parallel_loop3A_341 = arith.index_cast %parallel_loop3A_339 : i32 to index
        %parallel_loop3A_342 = tpu.vector_load %arg5[%parallel_loop3A_340, %parallel_loop3A_341] {strides = array<i32>} : memref<8x4096xf32, #tpu.memory_space<vmem>>, vector<16xf32>,
        %parallel_loop3A_343 = arith.constant 512 : i32
        %parallel_loop3A_344 = arith.addi %parallel_loop3A_334, %parallel_loop3A_343 : i32
        %parallel_loop3A_345 = arith.index_cast %parallel_loop3A_182 : i32 to index
        %parallel_loop3A_346 = arith.index_cast %parallel_loop3A_344 : i32 to index
        %parallel_loop3A_347 = tpu.vector_load %arg5[%parallel_loop3A_345, %parallel_loop3A_346] {strides = array<i32>} : memref<8x4096xf32, #tpu.memory_space<vmem>>, vector<16xf32>,
        %parallel_loop3A_348 = arith.constant 512 : i32
        %parallel_loop3A_349 = arith.addi %parallel_loop3A_334, %parallel_loop3A_348 : i32
        %parallel_loop3A_350 = arith.constant 16 : i32
        %parallel_loop3A_351 = arith.addi %parallel_loop3A_349, %parallel_loop3A_350 : i32
        %parallel_loop3A_352 = arith.index_cast %parallel_loop3A_182 : i32 to index
        %parallel_loop3A_353 = arith.index_cast %parallel_loop3A_351 : i32 to index
        %parallel_loop3A_354 = tpu.vector_load %arg5[%parallel_loop3A_352, %parallel_loop3A_353] {strides = array<i32>} : memref<8x4096xf32, #tpu.memory_space<vmem>>, vector<16xf32>,
        %parallel_loop3A_355 = arith.maximumf %parallel_loop3A_337, %parallel_loop3A_347 : vector<16xf32>
        %parallel_loop3A_356 = arith.maximumf %parallel_loop3A_342, %parallel_loop3A_354 : vector<16xf32>
        %parallel_loop3A_357 = arith.constant 0 : i32
        %parallel_loop3A_358 = vector.broadcast %parallel_loop3A_357 : i32 to vector<16xi32>
        %parallel_loop3A_359 = arith.cmpi slt, %select_n3A_72, %parallel_loop3A_358 : vector<16xi32>
        %parallel_loop3A_360 = arith.constant 16 : i32
        %parallel_loop3A_361 = vector.broadcast %parallel_loop3A_360 : i32 to vector<16xi32>
        %parallel_loop3A_362 = arith.addi %select_n3A_72, %parallel_loop3A_361 : vector<16xi32>
        %parallel_loop3A_363 = arith.select %parallel_loop3A_359, %parallel_loop3A_362, %select_n3A_72 : vector<16xi1>, vector<16xi32>
        %parallel_loop3A_364 = vector.shape_cast %parallel_loop3A_363 : vector<16xi32> to vector<16x1xi32>
        %parallel_loop3A_365 = vector.shape_cast %parallel_loop3A_364 : vector<16x1xi32> to vector<16xi32>
        %parallel_loop3A_366 = tpu.dynamic_gather %parallel_loop3A_355[%parallel_loop3A_365] in [0] : vector<16xf32>, vector<16xi32> -> vector<16xf32>
        %parallel_loop3A_367 = arith.constant 0 : i32
        %parallel_loop3A_368 = vector.broadcast %parallel_loop3A_367 : i32 to vector<16xi32>
        %parallel_loop3A_369 = arith.cmpi slt, %select_n3A_72, %parallel_loop3A_368 : vector<16xi32>
        %parallel_loop3A_370 = arith.constant 16 : i32
        %parallel_loop3A_371 = vector.broadcast %parallel_loop3A_370 : i32 to vector<16xi32>
        %parallel_loop3A_372 = arith.addi %select_n3A_72, %parallel_loop3A_371 : vector<16xi32>
        %parallel_loop3A_373 = arith.select %parallel_loop3A_369, %parallel_loop3A_372, %select_n3A_72 : vector<16xi1>, vector<16xi32>
        %parallel_loop3A_374 = vector.shape_cast %parallel_loop3A_373 : vector<16xi32> to vector<16x1xi32>
        %parallel_loop3A_375 = vector.shape_cast %parallel_loop3A_374 : vector<16x1xi32> to vector<16xi32>
        %parallel_loop3A_376 = tpu.dynamic_gather %parallel_loop3A_356[%parallel_loop3A_375] in [0] : vector<16xf32>, vector<16xi32> -> vector<16xf32>
        %parallel_loop3A_377 = arith.select %lt3A_78, %parallel_loop3A_366, %parallel_loop3A_376 : vector<16xi1>, vector<16xf32>
        %parallel_loop3A_378 = arith.constant 0 : i32
        %parallel_loop3A_379 = vector.broadcast %parallel_loop3A_378 : i32 to vector<16xi32>
        %parallel_loop3A_380 = arith.cmpi slt, %add3A_75, %parallel_loop3A_379 : vector<16xi32>
        %parallel_loop3A_381 = arith.constant 16 : i32
        %parallel_loop3A_382 = vector.broadcast %parallel_loop3A_381 : i32 to vector<16xi32>
        %parallel_loop3A_383 = arith.addi %add3A_75, %parallel_loop3A_382 : vector<16xi32>
        %parallel_loop3A_384 = arith.select %parallel_loop3A_380, %parallel_loop3A_383, %add3A_75 : vector<16xi1>, vector<16xi32>
        %parallel_loop3A_385 = vector.shape_cast %parallel_loop3A_384 : vector<16xi32> to vector<16x1xi32>
        %parallel_loop3A_386 = vector.shape_cast %parallel_loop3A_385 : vector<16x1xi32> to vector<16xi32>
        %parallel_loop3A_387 = tpu.dynamic_gather %parallel_loop3A_355[%parallel_loop3A_386] in [0] : vector<16xf32>, vector<16xi32> -> vector<16xf32>
        %parallel_loop3A_388 = arith.constant 0 : i32
        %parallel_loop3A_389 = vector.broadcast %parallel_loop3A_388 : i32 to vector<16xi32>
        %parallel_loop3A_390 = arith.cmpi slt, %add3A_75, %parallel_loop3A_389 : vector<16xi32>
        %parallel_loop3A_391 = arith.constant 16 : i32
        %parallel_loop3A_392 = vector.broadcast %parallel_loop3A_391 : i32 to vector<16xi32>
        %parallel_loop3A_393 = arith.addi %add3A_75, %parallel_loop3A_392 : vector<16xi32>
        %parallel_loop3A_394 = arith.select %parallel_loop3A_390, %parallel_loop3A_393, %add3A_75 : vector<16xi1>, vector<16xi32>
        %parallel_loop3A_395 = vector.shape_cast %parallel_loop3A_394 : vector<16xi32> to vector<16x1xi32>
        %parallel_loop3A_396 = vector.shape_cast %parallel_loop3A_395 : vector<16x1xi32> to vector<16xi32>
        %parallel_loop3A_397 = tpu.dynamic_gather %parallel_loop3A_356[%parallel_loop3A_396] in [0] : vector<16xf32>, vector<16xi32> -> vector<16xf32>
        %parallel_loop3A_398 = arith.select %lt3A_78, %parallel_loop3A_387, %parallel_loop3A_397 : vector<16xi1>, vector<16xf32>
        %parallel_loop3A_399 = arith.maximumf %parallel_loop3A_377, %parallel_loop3A_398 : vector<16xf32>
        %parallel_loop3A_400 = arith.constant 256 : i32
        %parallel_loop3A_401 = arith.muli %parallel_loop3A_166, %parallel_loop3A_400 : i32
        %parallel_loop3A_402 = arith.constant 32 : i32
        %parallel_loop3A_403 = arith.addi %parallel_loop3A_401, %parallel_loop3A_402 : i32
        %parallel_loop3A_404 = arith.index_cast %parallel_loop3A_182 : i32 to index
        %parallel_loop3A_405 = arith.index_cast %parallel_loop3A_403 : i32 to index
        %parallel_loop3A_406 = tpu.vector_load %arg7[%parallel_loop3A_404, %parallel_loop3A_405] {strides = array<i32>} : memref<8x1024xf32, #tpu.memory_space<vmem>>, vector<16xf32>,
        tpu.vector_store %arg7[%parallel_loop3A_404, %parallel_loop3A_405], %parallel_loop3A_399 {strides = array<i32>} : memref<8x1024xf32, #tpu.memory_space<vmem>>, vector<16xf32>,
        %parallel_loop3A_407 = arith.constant 96 : i32
        %parallel_loop3A_408 = arith.addi %parallel_loop3A_184, %parallel_loop3A_407 : i32
        %parallel_loop3A_409 = arith.index_cast %parallel_loop3A_182 : i32 to index
        %parallel_loop3A_410 = arith.index_cast %parallel_loop3A_408 : i32 to index
        %parallel_loop3A_411 = tpu.vector_load %arg5[%parallel_loop3A_409, %parallel_loop3A_410] {strides = array<i32>} : memref<8x4096xf32, #tpu.memory_space<vmem>>, vector<16xf32>,
        %parallel_loop3A_412 = arith.constant 16 : i32
        %parallel_loop3A_413 = arith.addi %parallel_loop3A_408, %parallel_loop3A_412 : i32
        %parallel_loop3A_414 = arith.index_cast %parallel_loop3A_182 : i32 to index
        %parallel_loop3A_415 = arith.index_cast %parallel_loop3A_413 : i32 to index
        %parallel_loop3A_416 = tpu.vector_load %arg5[%parallel_loop3A_414, %parallel_loop3A_415] {strides = array<i32>} : memref<8x4096xf32, #tpu.memory_space<vmem>>, vector<16xf32>,
        %parallel_loop3A_417 = arith.constant 512 : i32
        %parallel_loop3A_418 = arith.addi %parallel_loop3A_408, %parallel_loop3A_417 : i32
        %parallel_loop3A_419 = arith.index_cast %parallel_loop3A_182 : i32 to index
        %parallel_loop3A_420 = arith.index_cast %parallel_loop3A_418 : i32 to index
        %parallel_loop3A_421 = tpu.vector_load %arg5[%parallel_loop3A_419, %parallel_loop3A_420] {strides = array<i32>} : memref<8x4096xf32, #tpu.memory_space<vmem>>, vector<16xf32>,
        %parallel_loop3A_422 = arith.constant 512 : i32
        %parallel_loop3A_423 = arith.addi %parallel_loop3A_408, %parallel_loop3A_422 : i32
        %parallel_loop3A_424 = arith.constant 16 : i32
        %parallel_loop3A_425 = arith.addi %parallel_loop3A_423, %parallel_loop3A_424 : i32
        %parallel_loop3A_426 = arith.index_cast %parallel_loop3A_182 : i32 to index
        %parallel_loop3A_427 = arith.index_cast %parallel_loop3A_425 : i32 to index
        %parallel_loop3A_428 = tpu.vector_load %arg5[%parallel_loop3A_426, %parallel_loop3A_427] {strides = array<i32>} : memref<8x4096xf32, #tpu.memory_space<vmem>>, vector<16xf32>,
        %parallel_loop3A_429 = arith.maximumf %parallel_loop3A_411, %parallel_loop3A_421 : vector<16xf32>
        %parallel_loop3A_430 = arith.maximumf %parallel_loop3A_416, %parallel_loop3A_428 : vector<16xf32>
        %parallel_loop3A_431 = arith.constant 0 : i32
        %parallel_loop3A_432 = vector.broadcast %parallel_loop3A_431 : i32 to vector<16xi32>
        %parallel_loop3A_433 = arith.cmpi slt, %select_n3A_72, %parallel_loop3A_432 : vector<16xi32>
        %parallel_loop3A_434 = arith.constant 16 : i32
        %parallel_loop3A_435 = vector.broadcast %parallel_loop3A_434 : i32 to vector<16xi32>
        %parallel_loop3A_436 = arith.addi %select_n3A_72, %parallel_loop3A_435 : vector<16xi32>
        %parallel_loop3A_437 = arith.select %parallel_loop3A_433, %parallel_loop3A_436, %select_n3A_72 : vector<16xi1>, vector<16xi32>
        %parallel_loop3A_438 = vector.shape_cast %parallel_loop3A_437 : vector<16xi32> to vector<16x1xi32>
        %parallel_loop3A_439 = vector.shape_cast %parallel_loop3A_438 : vector<16x1xi32> to vector<16xi32>
        %parallel_loop3A_440 = tpu.dynamic_gather %parallel_loop3A_429[%parallel_loop3A_439] in [0] : vector<16xf32>, vector<16xi32> -> vector<16xf32>
        %parallel_loop3A_441 = arith.constant 0 : i32
        %parallel_loop3A_442 = vector.broadcast %parallel_loop3A_441 : i32 to vector<16xi32>
        %parallel_loop3A_443 = arith.cmpi slt, %select_n3A_72, %parallel_loop3A_442 : vector<16xi32>
        %parallel_loop3A_444 = arith.constant 16 : i32
        %parallel_loop3A_445 = vector.broadcast %parallel_loop3A_444 : i32 to vector<16xi32>
        %parallel_loop3A_446 = arith.addi %select_n3A_72, %parallel_loop3A_445 : vector<16xi32>
        %parallel_loop3A_447 = arith.select %parallel_loop3A_443, %parallel_loop3A_446, %select_n3A_72 : vector<16xi1>, vector<16xi32>
        %parallel_loop3A_448 = vector.shape_cast %parallel_loop3A_447 : vector<16xi32> to vector<16x1xi32>
        %parallel_loop3A_449 = vector.shape_cast %parallel_loop3A_448 : vector<16x1xi32> to vector<16xi32>
        %parallel_loop3A_450 = tpu.dynamic_gather %parallel_loop3A_430[%parallel_loop3A_449] in [0] : vector<16xf32>, vector<16xi32> -> vector<16xf32>
        %parallel_loop3A_451 = arith.select %lt3A_78, %parallel_loop3A_440, %parallel_loop3A_450 : vector<16xi1>, vector<16xf32>
        %parallel_loop3A_452 = arith.constant 0 : i32
        %parallel_loop3A_453 = vector.broadcast %parallel_loop3A_452 : i32 to vector<16xi32>
        %parallel_loop3A_454 = arith.cmpi slt, %add3A_75, %parallel_loop3A_453 : vector<16xi32>
        %parallel_loop3A_455 = arith.constant 16 : i32
        %parallel_loop3A_456 = vector.broadcast %parallel_loop3A_455 : i32 to vector<16xi32>
        %parallel_loop3A_457 = arith.addi %add3A_75, %parallel_loop3A_456 : vector<16xi32>
        %parallel_loop3A_458 = arith.select %parallel_loop3A_454, %parallel_loop3A_457, %add3A_75 : vector<16xi1>, vector<16xi32>
        %parallel_loop3A_459 = vector.shape_cast %parallel_loop3A_458 : vector<16xi32> to vector<16x1xi32>
        %parallel_loop3A_460 = vector.shape_cast %parallel_loop3A_459 : vector<16x1xi32> to vector<16xi32>
        %parallel_loop3A_461 = tpu.dynamic_gather %parallel_loop3A_429[%parallel_loop3A_460] in [0] : vector<16xf32>, vector<16xi32> -> vector<16xf32>
        %parallel_loop3A_462 = arith.constant 0 : i32
        %parallel_loop3A_463 = vector.broadcast %parallel_loop3A_462 : i32 to vector<16xi32>
        %parallel_loop3A_464 = arith.cmpi slt, %add3A_75, %parallel_loop3A_463 : vector<16xi32>
        %parallel_loop3A_465 = arith.constant 16 : i32
        %parallel_loop3A_466 = vector.broadcast %parallel_loop3A_465 : i32 to vector<16xi32>
        %parallel_loop3A_467 = arith.addi %add3A_75, %parallel_loop3A_466 : vector<16xi32>
        %parallel_loop3A_468 = arith.select %parallel_loop3A_464, %parallel_loop3A_467, %add3A_75 : vector<16xi1>, vector<16xi32>
        %parallel_loop3A_469 = vector.shape_cast %parallel_loop3A_468 : vector<16xi32> to vector<16x1xi32>
        %parallel_loop3A_470 = vector.shape_cast %parallel_loop3A_469 : vector<16x1xi32> to vector<16xi32>
        %parallel_loop3A_471 = tpu.dynamic_gather %parallel_loop3A_430[%parallel_loop3A_470] in [0] : vector<16xf32>, vector<16xi32> -> vector<16xf32>
        %parallel_loop3A_472 = arith.select %lt3A_78, %parallel_loop3A_461, %parallel_loop3A_471 : vector<16xi1>, vector<16xf32>
        %parallel_loop3A_473 = arith.maximumf %parallel_loop3A_451, %parallel_loop3A_472 : vector<16xf32>
        %parallel_loop3A_474 = arith.constant 256 : i32
        %parallel_loop3A_475 = arith.muli %parallel_loop3A_166, %parallel_loop3A_474 : i32
        %parallel_loop3A_476 = arith.constant 48 : i32
        %parallel_loop3A_477 = arith.addi %parallel_loop3A_475, %parallel_loop3A_476 : i32
        %parallel_loop3A_478 = arith.index_cast %parallel_loop3A_182 : i32 to index
        %parallel_loop3A_479 = arith.index_cast %parallel_loop3A_477 : i32 to index
        %parallel_loop3A_480 = tpu.vector_load %arg7[%parallel_loop3A_478, %parallel_loop3A_479] {strides = array<i32>} : memref<8x1024xf32, #tpu.memory_space<vmem>>, vector<16xf32>,
        tpu.vector_store %arg7[%parallel_loop3A_478, %parallel_loop3A_479], %parallel_loop3A_473 {strides = array<i32>} : memref<8x1024xf32, #tpu.memory_space<vmem>>, vector<16xf32>,
        %parallel_loop3A_481 = arith.constant 128 : i32
        %parallel_loop3A_482 = arith.addi %parallel_loop3A_184, %parallel_loop3A_481 : i32
        %parallel_loop3A_483 = arith.index_cast %parallel_loop3A_182 : i32 to index
        %parallel_loop3A_484 = arith.index_cast %parallel_loop3A_482 : i32 to index
        %parallel_loop3A_485 = tpu.vector_load %arg5[%parallel_loop3A_483, %parallel_loop3A_484] {strides = array<i32>} : memref<8x4096xf32, #tpu.memory_space<vmem>>, vector<16xf32>,
        %parallel_loop3A_486 = arith.constant 16 : i32
        %parallel_loop3A_487 = arith.addi %parallel_loop3A_482, %parallel_loop3A_486 : i32
        %parallel_loop3A_488 = arith.index_cast %parallel_loop3A_182 : i32 to index
        %parallel_loop3A_489 = arith.index_cast %parallel_loop3A_487 : i32 to index
        %parallel_loop3A_490 = tpu.vector_load %arg5[%parallel_loop3A_488, %parallel_loop3A_489] {strides = array<i32>} : memref<8x4096xf32, #tpu.memory_space<vmem>>, vector<16xf32>,
        %parallel_loop3A_491 = arith.constant 512 : i32
        %parallel_loop3A_492 = arith.addi %parallel_loop3A_482, %parallel_loop3A_491 : i32
        %parallel_loop3A_493 = arith.index_cast %parallel_loop3A_182 : i32 to index
        %parallel_loop3A_494 = arith.index_cast %parallel_loop3A_492 : i32 to index
        %parallel_loop3A_495 = tpu.vector_load %arg5[%parallel_loop3A_493, %parallel_loop3A_494] {strides = array<i32>} : memref<8x4096xf32, #tpu.memory_space<vmem>>, vector<16xf32>,
        %parallel_loop3A_496 = arith.constant 512 : i32
        %parallel_loop3A_497 = arith.addi %parallel_loop3A_482, %parallel_loop3A_496 : i32
        %parallel_loop3A_498 = arith.constant 16 : i32
        %parallel_loop3A_499 = arith.addi %parallel_loop3A_497, %parallel_loop3A_498 : i32
        %parallel_loop3A_500 = arith.index_cast %parallel_loop3A_182 : i32 to index
        %parallel_loop3A_501 = arith.index_cast %parallel_loop3A_499 : i32 to index
        %parallel_loop3A_502 = tpu.vector_load %arg5[%parallel_loop3A_500, %parallel_loop3A_501] {strides = array<i32>} : memref<8x4096xf32, #tpu.memory_space<vmem>>, vector<16xf32>,
        %parallel_loop3A_503 = arith.maximumf %parallel_loop3A_485, %parallel_loop3A_495 : vector<16xf32>
        %parallel_loop3A_504 = arith.maximumf %parallel_loop3A_490, %parallel_loop3A_502 : vector<16xf32>
        %parallel_loop3A_505 = arith.constant 0 : i32
        %parallel_loop3A_506 = vector.broadcast %parallel_loop3A_505 : i32 to vector<16xi32>
        %parallel_loop3A_507 = arith.cmpi slt, %select_n3A_72, %parallel_loop3A_506 : vector<16xi32>
        %parallel_loop3A_508 = arith.constant 16 : i32
        %parallel_loop3A_509 = vector.broadcast %parallel_loop3A_508 : i32 to vector<16xi32>
        %parallel_loop3A_510 = arith.addi %select_n3A_72, %parallel_loop3A_509 : vector<16xi32>
        %parallel_loop3A_511 = arith.select %parallel_loop3A_507, %parallel_loop3A_510, %select_n3A_72 : vector<16xi1>, vector<16xi32>
        %parallel_loop3A_512 = vector.shape_cast %parallel_loop3A_511 : vector<16xi32> to vector<16x1xi32>
        %parallel_loop3A_513 = vector.shape_cast %parallel_loop3A_512 : vector<16x1xi32> to vector<16xi32>
        %parallel_loop3A_514 = tpu.dynamic_gather %parallel_loop3A_503[%parallel_loop3A_513] in [0] : vector<16xf32>, vector<16xi32> -> vector<16xf32>
        %parallel_loop3A_515 = arith.constant 0 : i32
        %parallel_loop3A_516 = vector.broadcast %parallel_loop3A_515 : i32 to vector<16xi32>
        %parallel_loop3A_517 = arith.cmpi slt, %select_n3A_72, %parallel_loop3A_516 : vector<16xi32>
        %parallel_loop3A_518 = arith.constant 16 : i32
        %parallel_loop3A_519 = vector.broadcast %parallel_loop3A_518 : i32 to vector<16xi32>
        %parallel_loop3A_520 = arith.addi %select_n3A_72, %parallel_loop3A_519 : vector<16xi32>
        %parallel_loop3A_521 = arith.select %parallel_loop3A_517, %parallel_loop3A_520, %select_n3A_72 : vector<16xi1>, vector<16xi32>
        %parallel_loop3A_522 = vector.shape_cast %parallel_loop3A_521 : vector<16xi32> to vector<16x1xi32>
        %parallel_loop3A_523 = vector.shape_cast %parallel_loop3A_522 : vector<16x1xi32> to vector<16xi32>
        %parallel_loop3A_524 = tpu.dynamic_gather %parallel_loop3A_504[%parallel_loop3A_523] in [0] : vector<16xf32>, vector<16xi32> -> vector<16xf32>
        %parallel_loop3A_525 = arith.select %lt3A_78, %parallel_loop3A_514, %parallel_loop3A_524 : vector<16xi1>, vector<16xf32>
        %parallel_loop3A_526 = arith.constant 0 : i32
        %parallel_loop3A_527 = vector.broadcast %parallel_loop3A_526 : i32 to vector<16xi32>
        %parallel_loop3A_528 = arith.cmpi slt, %add3A_75, %parallel_loop3A_527 : vector<16xi32>
        %parallel_loop3A_529 = arith.constant 16 : i32
        %parallel_loop3A_530 = vector.broadcast %parallel_loop3A_529 : i32 to vector<16xi32>
        %parallel_loop3A_531 = arith.addi %add3A_75, %parallel_loop3A_530 : vector<16xi32>
        %parallel_loop3A_532 = arith.select %parallel_loop3A_528, %parallel_loop3A_531, %add3A_75 : vector<16xi1>, vector<16xi32>
        %parallel_loop3A_533 = vector.shape_cast %parallel_loop3A_532 : vector<16xi32> to vector<16x1xi32>
        %parallel_loop3A_534 = vector.shape_cast %parallel_loop3A_533 : vector<16x1xi32> to vector<16xi32>
        %parallel_loop3A_535 = tpu.dynamic_gather %parallel_loop3A_503[%parallel_loop3A_534] in [0] : vector<16xf32>, vector<16xi32> -> vector<16xf32>
        %parallel_loop3A_536 = arith.constant 0 : i32
        %parallel_loop3A_537 = vector.broadcast %parallel_loop3A_536 : i32 to vector<16xi32>
        %parallel_loop3A_538 = arith.cmpi slt, %add3A_75, %parallel_loop3A_537 : vector<16xi32>
        %parallel_loop3A_539 = arith.constant 16 : i32
        %parallel_loop3A_540 = vector.broadcast %parallel_loop3A_539 : i32 to vector<16xi32>
        %parallel_loop3A_541 = arith.addi %add3A_75, %parallel_loop3A_540 : vector<16xi32>
        %parallel_loop3A_542 = arith.select %parallel_loop3A_538, %parallel_loop3A_541, %add3A_75 : vector<16xi1>, vector<16xi32>
        %parallel_loop3A_543 = vector.shape_cast %parallel_loop3A_542 : vector<16xi32> to vector<16x1xi32>
        %parallel_loop3A_544 = vector.shape_cast %parallel_loop3A_543 : vector<16x1xi32> to vector<16xi32>
        %parallel_loop3A_545 = tpu.dynamic_gather %parallel_loop3A_504[%parallel_loop3A_544] in [0] : vector<16xf32>, vector<16xi32> -> vector<16xf32>
        %parallel_loop3A_546 = arith.select %lt3A_78, %parallel_loop3A_535, %parallel_loop3A_545 : vector<16xi1>, vector<16xf32>
        %parallel_loop3A_547 = arith.maximumf %parallel_loop3A_525, %parallel_loop3A_546 : vector<16xf32>
        %parallel_loop3A_548 = arith.constant 256 : i32
        %parallel_loop3A_549 = arith.muli %parallel_loop3A_166, %parallel_loop3A_548 : i32
        %parallel_loop3A_550 = arith.constant 64 : i32
        %parallel_loop3A_551 = arith.addi %parallel_loop3A_549, %parallel_loop3A_550 : i32
        %parallel_loop3A_552 = arith.index_cast %parallel_loop3A_182 : i32 to index
        %parallel_loop3A_553 = arith.index_cast %parallel_loop3A_551 : i32 to index
        %parallel_loop3A_554 = tpu.vector_load %arg7[%parallel_loop3A_552, %parallel_loop3A_553] {strides = array<i32>} : memref<8x1024xf32, #tpu.memory_space<vmem>>, vector<16xf32>,
        tpu.vector_store %arg7[%parallel_loop3A_552, %parallel_loop3A_553], %parallel_loop3A_547 {strides = array<i32>} : memref<8x1024xf32, #tpu.memory_space<vmem>>, vector<16xf32>,
        %parallel_loop3A_555 = arith.constant 160 : i32
        %parallel_loop3A_556 = arith.addi %parallel_loop3A_184, %parallel_loop3A_555 : i32
        %parallel_loop3A_557 = arith.index_cast %parallel_loop3A_182 : i32 to index
        %parallel_loop3A_558 = arith.index_cast %parallel_loop3A_556 : i32 to index
        %parallel_loop3A_559 = tpu.vector_load %arg5[%parallel_loop3A_557, %parallel_loop3A_558] {strides = array<i32>} : memref<8x4096xf32, #tpu.memory_space<vmem>>, vector<16xf32>,
        %parallel_loop3A_560 = arith.constant 16 : i32
        %parallel_loop3A_561 = arith.addi %parallel_loop3A_556, %parallel_loop3A_560 : i32
        %parallel_loop3A_562 = arith.index_cast %parallel_loop3A_182 : i32 to index
        %parallel_loop3A_563 = arith.index_cast %parallel_loop3A_561 : i32 to index
        %parallel_loop3A_564 = tpu.vector_load %arg5[%parallel_loop3A_562, %parallel_loop3A_563] {strides = array<i32>} : memref<8x4096xf32, #tpu.memory_space<vmem>>, vector<16xf32>,
        %parallel_loop3A_565 = arith.constant 512 : i32
        %parallel_loop3A_566 = arith.addi %parallel_loop3A_556, %parallel_loop3A_565 : i32
        %parallel_loop3A_567 = arith.index_cast %parallel_loop3A_182 : i32 to index
        %parallel_loop3A_568 = arith.index_cast %parallel_loop3A_566 : i32 to index
        %parallel_loop3A_569 = tpu.vector_load %arg5[%parallel_loop3A_567, %parallel_loop3A_568] {strides = array<i32>} : memref<8x4096xf32, #tpu.memory_space<vmem>>, vector<16xf32>,
        %parallel_loop3A_570 = arith.constant 512 : i32
        %parallel_loop3A_571 = arith.addi %parallel_loop3A_556, %parallel_loop3A_570 : i32
        %parallel_loop3A_572 = arith.constant 16 : i32
        %parallel_loop3A_573 = arith.addi %parallel_loop3A_571, %parallel_loop3A_572 : i32
        %parallel_loop3A_574 = arith.index_cast %parallel_loop3A_182 : i32 to index
        %parallel_loop3A_575 = arith.index_cast %parallel_loop3A_573 : i32 to index
        %parallel_loop3A_576 = tpu.vector_load %arg5[%parallel_loop3A_574, %parallel_loop3A_575] {strides = array<i32>} : memref<8x4096xf32, #tpu.memory_space<vmem>>, vector<16xf32>,
        %parallel_loop3A_577 = arith.maximumf %parallel_loop3A_559, %parallel_loop3A_569 : vector<16xf32>
        %parallel_loop3A_578 = arith.maximumf %parallel_loop3A_564, %parallel_loop3A_576 : vector<16xf32>
        %parallel_loop3A_579 = arith.constant 0 : i32
        %parallel_loop3A_580 = vector.broadcast %parallel_loop3A_579 : i32 to vector<16xi32>
        %parallel_loop3A_581 = arith.cmpi slt, %select_n3A_72, %parallel_loop3A_580 : vector<16xi32>
        %parallel_loop3A_582 = arith.constant 16 : i32
        %parallel_loop3A_583 = vector.broadcast %parallel_loop3A_582 : i32 to vector<16xi32>
        %parallel_loop3A_584 = arith.addi %select_n3A_72, %parallel_loop3A_583 : vector<16xi32>
        %parallel_loop3A_585 = arith.select %parallel_loop3A_581, %parallel_loop3A_584, %select_n3A_72 : vector<16xi1>, vector<16xi32>
        %parallel_loop3A_586 = vector.shape_cast %parallel_loop3A_585 : vector<16xi32> to vector<16x1xi32>
        %parallel_loop3A_587 = vector.shape_cast %parallel_loop3A_586 : vector<16x1xi32> to vector<16xi32>
        %parallel_loop3A_588 = tpu.dynamic_gather %parallel_loop3A_577[%parallel_loop3A_587] in [0] : vector<16xf32>, vector<16xi32> -> vector<16xf32>
        %parallel_loop3A_589 = arith.constant 0 : i32
        %parallel_loop3A_590 = vector.broadcast %parallel_loop3A_589 : i32 to vector<16xi32>
        %parallel_loop3A_591 = arith.cmpi slt, %select_n3A_72, %parallel_loop3A_590 : vector<16xi32>
        %parallel_loop3A_592 = arith.constant 16 : i32
        %parallel_loop3A_593 = vector.broadcast %parallel_loop3A_592 : i32 to vector<16xi32>
        %parallel_loop3A_594 = arith.addi %select_n3A_72, %parallel_loop3A_593 : vector<16xi32>
        %parallel_loop3A_595 = arith.select %parallel_loop3A_591, %parallel_loop3A_594, %select_n3A_72 : vector<16xi1>, vector<16xi32>
        %parallel_loop3A_596 = vector.shape_cast %parallel_loop3A_595 : vector<16xi32> to vector<16x1xi32>
        %parallel_loop3A_597 = vector.shape_cast %parallel_loop3A_596 : vector<16x1xi32> to vector<16xi32>
        %parallel_loop3A_598 = tpu.dynamic_gather %parallel_loop3A_578[%parallel_loop3A_597] in [0] : vector<16xf32>, vector<16xi32> -> vector<16xf32>
        %parallel_loop3A_599 = arith.select %lt3A_78, %parallel_loop3A_588, %parallel_loop3A_598 : vector<16xi1>, vector<16xf32>
        %parallel_loop3A_600 = arith.constant 0 : i32
        %parallel_loop3A_601 = vector.broadcast %parallel_loop3A_600 : i32 to vector<16xi32>
        %parallel_loop3A_602 = arith.cmpi slt, %add3A_75, %parallel_loop3A_601 : vector<16xi32>
        %parallel_loop3A_603 = arith.constant 16 : i32
        %parallel_loop3A_604 = vector.broadcast %parallel_loop3A_603 : i32 to vector<16xi32>
        %parallel_loop3A_605 = arith.addi %add3A_75, %parallel_loop3A_604 : vector<16xi32>
        %parallel_loop3A_606 = arith.select %parallel_loop3A_602, %parallel_loop3A_605, %add3A_75 : vector<16xi1>, vector<16xi32>
        %parallel_loop3A_607 = vector.shape_cast %parallel_loop3A_606 : vector<16xi32> to vector<16x1xi32>
        %parallel_loop3A_608 = vector.shape_cast %parallel_loop3A_607 : vector<16x1xi32> to vector<16xi32>
        %parallel_loop3A_609 = tpu.dynamic_gather %parallel_loop3A_577[%parallel_loop3A_608] in [0] : vector<16xf32>, vector<16xi32> -> vector<16xf32>
        %parallel_loop3A_610 = arith.constant 0 : i32
        %parallel_loop3A_611 = vector.broadcast %parallel_loop3A_610 : i32 to vector<16xi32>
        %parallel_loop3A_612 = arith.cmpi slt, %add3A_75, %parallel_loop3A_611 : vector<16xi32>
        %parallel_loop3A_613 = arith.constant 16 : i32
        %parallel_loop3A_614 = vector.broadcast %parallel_loop3A_613 : i32 to vector<16xi32>
        %parallel_loop3A_615 = arith.addi %add3A_75, %parallel_loop3A_614 : vector<16xi32>
        %parallel_loop3A_616 = arith.select %parallel_loop3A_612, %parallel_loop3A_615, %add3A_75 : vector<16xi1>, vector<16xi32>
        %parallel_loop3A_617 = vector.shape_cast %parallel_loop3A_616 : vector<16xi32> to vector<16x1xi32>
        %parallel_loop3A_618 = vector.shape_cast %parallel_loop3A_617 : vector<16x1xi32> to vector<16xi32>
        %parallel_loop3A_619 = tpu.dynamic_gather %parallel_loop3A_578[%parallel_loop3A_618] in [0] : vector<16xf32>, vector<16xi32> -> vector<16xf32>
        %parallel_loop3A_620 = arith.select %lt3A_78, %parallel_loop3A_609, %parallel_loop3A_619 : vector<16xi1>, vector<16xf32>
        %parallel_loop3A_621 = arith.maximumf %parallel_loop3A_599, %parallel_loop3A_620 : vector<16xf32>
        %parallel_loop3A_622 = arith.constant 256 : i32
        %parallel_loop3A_623 = arith.muli %parallel_loop3A_166, %parallel_loop3A_622 : i32
        %parallel_loop3A_624 = arith.constant 80 : i32
        %parallel_loop3A_625 = arith.addi %parallel_loop3A_623, %parallel_loop3A_624 : i32
        %parallel_loop3A_626 = arith.index_cast %parallel_loop3A_182 : i32 to index
        %parallel_loop3A_627 = arith.index_cast %parallel_loop3A_625 : i32 to index
        %parallel_loop3A_628 = tpu.vector_load %arg7[%parallel_loop3A_626, %parallel_loop3A_627] {strides = array<i32>} : memref<8x1024xf32, #tpu.memory_space<vmem>>, vector<16xf32>,
        tpu.vector_store %arg7[%parallel_loop3A_626, %parallel_loop3A_627], %parallel_loop3A_621 {strides = array<i32>} : memref<8x1024xf32, #tpu.memory_space<vmem>>, vector<16xf32>,
        %parallel_loop3A_629 = arith.constant 192 : i32
        %parallel_loop3A_630 = arith.addi %parallel_loop3A_184, %parallel_loop3A_629 : i32
        %parallel_loop3A_631 = arith.index_cast %parallel_loop3A_182 : i32 to index
        %parallel_loop3A_632 = arith.index_cast %parallel_loop3A_630 : i32 to index
        %parallel_loop3A_633 = tpu.vector_load %arg5[%parallel_loop3A_631, %parallel_loop3A_632] {strides = array<i32>} : memref<8x4096xf32, #tpu.memory_space<vmem>>, vector<16xf32>,
        %parallel_loop3A_634 = arith.constant 16 : i32
        %parallel_loop3A_635 = arith.addi %parallel_loop3A_630, %parallel_loop3A_634 : i32
        %parallel_loop3A_636 = arith.index_cast %parallel_loop3A_182 : i32 to index
        %parallel_loop3A_637 = arith.index_cast %parallel_loop3A_635 : i32 to index
        %parallel_loop3A_638 = tpu.vector_load %arg5[%parallel_loop3A_636, %parallel_loop3A_637] {strides = array<i32>} : memref<8x4096xf32, #tpu.memory_space<vmem>>, vector<16xf32>,
        %parallel_loop3A_639 = arith.constant 512 : i32
        %parallel_loop3A_640 = arith.addi %parallel_loop3A_630, %parallel_loop3A_639 : i32
        %parallel_loop3A_641 = arith.index_cast %parallel_loop3A_182 : i32 to index
        %parallel_loop3A_642 = arith.index_cast %parallel_loop3A_640 : i32 to index
        %parallel_loop3A_643 = tpu.vector_load %arg5[%parallel_loop3A_641, %parallel_loop3A_642] {strides = array<i32>} : memref<8x4096xf32, #tpu.memory_space<vmem>>, vector<16xf32>,
        %parallel_loop3A_644 = arith.constant 512 : i32
        %parallel_loop3A_645 = arith.addi %parallel_loop3A_630, %parallel_loop3A_644 : i32
        %parallel_loop3A_646 = arith.constant 16 : i32
        %parallel_loop3A_647 = arith.addi %parallel_loop3A_645, %parallel_loop3A_646 : i32
        %parallel_loop3A_648 = arith.index_cast %parallel_loop3A_182 : i32 to index
        %parallel_loop3A_649 = arith.index_cast %parallel_loop3A_647 : i32 to index
        %parallel_loop3A_650 = tpu.vector_load %arg5[%parallel_loop3A_648, %parallel_loop3A_649] {strides = array<i32>} : memref<8x4096xf32, #tpu.memory_space<vmem>>, vector<16xf32>,
        %parallel_loop3A_651 = arith.maximumf %parallel_loop3A_633, %parallel_loop3A_643 : vector<16xf32>
        %parallel_loop3A_652 = arith.maximumf %parallel_loop3A_638, %parallel_loop3A_650 : vector<16xf32>
        %parallel_loop3A_653 = arith.constant 0 : i32
        %parallel_loop3A_654 = vector.broadcast %parallel_loop3A_653 : i32 to vector<16xi32>
        %parallel_loop3A_655 = arith.cmpi slt, %select_n3A_72, %parallel_loop3A_654 : vector<16xi32>
        %parallel_loop3A_656 = arith.constant 16 : i32
        %parallel_loop3A_657 = vector.broadcast %parallel_loop3A_656 : i32 to vector<16xi32>
        %parallel_loop3A_658 = arith.addi %select_n3A_72, %parallel_loop3A_657 : vector<16xi32>
        %parallel_loop3A_659 = arith.select %parallel_loop3A_655, %parallel_loop3A_658, %select_n3A_72 : vector<16xi1>, vector<16xi32>
        %parallel_loop3A_660 = vector.shape_cast %parallel_loop3A_659 : vector<16xi32> to vector<16x1xi32>
        %parallel_loop3A_661 = vector.shape_cast %parallel_loop3A_660 : vector<16x1xi32> to vector<16xi32>
        %parallel_loop3A_662 = tpu.dynamic_gather %parallel_loop3A_651[%parallel_loop3A_661] in [0] : vector<16xf32>, vector<16xi32> -> vector<16xf32>
        %parallel_loop3A_663 = arith.constant 0 : i32
        %parallel_loop3A_664 = vector.broadcast %parallel_loop3A_663 : i32 to vector<16xi32>
        %parallel_loop3A_665 = arith.cmpi slt, %select_n3A_72, %parallel_loop3A_664 : vector<16xi32>
        %parallel_loop3A_666 = arith.constant 16 : i32
        %parallel_loop3A_667 = vector.broadcast %parallel_loop3A_666 : i32 to vector<16xi32>
        %parallel_loop3A_668 = arith.addi %select_n3A_72, %parallel_loop3A_667 : vector<16xi32>
        %parallel_loop3A_669 = arith.select %parallel_loop3A_665, %parallel_loop3A_668, %select_n3A_72 : vector<16xi1>, vector<16xi32>
        %parallel_loop3A_670 = vector.shape_cast %parallel_loop3A_669 : vector<16xi32> to vector<16x1xi32>
        %parallel_loop3A_671 = vector.shape_cast %parallel_loop3A_670 : vector<16x1xi32> to vector<16xi32>
        %parallel_loop3A_672 = tpu.dynamic_gather %parallel_loop3A_652[%parallel_loop3A_671] in [0] : vector<16xf32>, vector<16xi32> -> vector<16xf32>
        %parallel_loop3A_673 = arith.select %lt3A_78, %parallel_loop3A_662, %parallel_loop3A_672 : vector<16xi1>, vector<16xf32>
        %parallel_loop3A_674 = arith.constant 0 : i32
        %parallel_loop3A_675 = vector.broadcast %parallel_loop3A_674 : i32 to vector<16xi32>
        %parallel_loop3A_676 = arith.cmpi slt, %add3A_75, %parallel_loop3A_675 : vector<16xi32>
        %parallel_loop3A_677 = arith.constant 16 : i32
        %parallel_loop3A_678 = vector.broadcast %parallel_loop3A_677 : i32 to vector<16xi32>
        %parallel_loop3A_679 = arith.addi %add3A_75, %parallel_loop3A_678 : vector<16xi32>
        %parallel_loop3A_680 = arith.select %parallel_loop3A_676, %parallel_loop3A_679, %add3A_75 : vector<16xi1>, vector<16xi32>
        %parallel_loop3A_681 = vector.shape_cast %parallel_loop3A_680 : vector<16xi32> to vector<16x1xi32>
        %parallel_loop3A_682 = vector.shape_cast %parallel_loop3A_681 : vector<16x1xi32> to vector<16xi32>
        %parallel_loop3A_683 = tpu.dynamic_gather %parallel_loop3A_651[%parallel_loop3A_682] in [0] : vector<16xf32>, vector<16xi32> -> vector<16xf32>
        %parallel_loop3A_684 = arith.constant 0 : i32
        %parallel_loop3A_685 = vector.broadcast %parallel_loop3A_684 : i32 to vector<16xi32>
        %parallel_loop3A_686 = arith.cmpi slt, %add3A_75, %parallel_loop3A_685 : vector<16xi32>
        %parallel_loop3A_687 = arith.constant 16 : i32
        %parallel_loop3A_688 = vector.broadcast %parallel_loop3A_687 : i32 to vector<16xi32>
        %parallel_loop3A_689 = arith.addi %add3A_75, %parallel_loop3A_688 : vector<16xi32>
        %parallel_loop3A_690 = arith.select %parallel_loop3A_686, %parallel_loop3A_689, %add3A_75 : vector<16xi1>, vector<16xi32>
        %parallel_loop3A_691 = vector.shape_cast %parallel_loop3A_690 : vector<16xi32> to vector<16x1xi32>
        %parallel_loop3A_692 = vector.shape_cast %parallel_loop3A_691 : vector<16x1xi32> to vector<16xi32>
        %parallel_loop3A_693 = tpu.dynamic_gather %parallel_loop3A_652[%parallel_loop3A_692] in [0] : vector<16xf32>, vector<16xi32> -> vector<16xf32>
        %parallel_loop3A_694 = arith.select %lt3A_78, %parallel_loop3A_683, %parallel_loop3A_693 : vector<16xi1>, vector<16xf32>
        %parallel_loop3A_695 = arith.maximumf %parallel_loop3A_673, %parallel_loop3A_694 : vector<16xf32>
        %parallel_loop3A_696 = arith.constant 256 : i32
        %parallel_loop3A_697 = arith.muli %parallel_loop3A_166, %parallel_loop3A_696 : i32
        %parallel_loop3A_698 = arith.constant 96 : i32
        %parallel_loop3A_699 = arith.addi %parallel_loop3A_697, %parallel_loop3A_698 : i32
        %parallel_loop3A_700 = arith.index_cast %parallel_loop3A_182 : i32 to index
        %parallel_loop3A_701 = arith.index_cast %parallel_loop3A_699 : i32 to index
        %parallel_loop3A_702 = tpu.vector_load %arg7[%parallel_loop3A_700, %parallel_loop3A_701] {strides = array<i32>} : memref<8x1024xf32, #tpu.memory_space<vmem>>, vector<16xf32>,
        tpu.vector_store %arg7[%parallel_loop3A_700, %parallel_loop3A_701], %parallel_loop3A_695 {strides = array<i32>} : memref<8x1024xf32, #tpu.memory_space<vmem>>, vector<16xf32>,
        %parallel_loop3A_703 = arith.constant 224 : i32
        %parallel_loop3A_704 = arith.addi %parallel_loop3A_184, %parallel_loop3A_703 : i32
        %parallel_loop3A_705 = arith.index_cast %parallel_loop3A_182 : i32 to index
        %parallel_loop3A_706 = arith.index_cast %parallel_loop3A_704 : i32 to index
        %parallel_loop3A_707 = tpu.vector_load %arg5[%parallel_loop3A_705, %parallel_loop3A_706] {strides = array<i32>} : memref<8x4096xf32, #tpu.memory_space<vmem>>, vector<16xf32>,
        %parallel_loop3A_708 = arith.constant 16 : i32
        %parallel_loop3A_709 = arith.addi %parallel_loop3A_704, %parallel_loop3A_708 : i32
        %parallel_loop3A_710 = arith.index_cast %parallel_loop3A_182 : i32 to index
        %parallel_loop3A_711 = arith.index_cast %parallel_loop3A_709 : i32 to index
        %parallel_loop3A_712 = tpu.vector_load %arg5[%parallel_loop3A_710, %parallel_loop3A_711] {strides = array<i32>} : memref<8x4096xf32, #tpu.memory_space<vmem>>, vector<16xf32>,
        %parallel_loop3A_713 = arith.constant 512 : i32
        %parallel_loop3A_714 = arith.addi %parallel_loop3A_704, %parallel_loop3A_713 : i32
        %parallel_loop3A_715 = arith.index_cast %parallel_loop3A_182 : i32 to index
        %parallel_loop3A_716 = arith.index_cast %parallel_loop3A_714 : i32 to index
        %parallel_loop3A_717 = tpu.vector_load %arg5[%parallel_loop3A_715, %parallel_loop3A_716] {strides = array<i32>} : memref<8x4096xf32, #tpu.memory_space<vmem>>, vector<16xf32>,
        %parallel_loop3A_718 = arith.constant 512 : i32
        %parallel_loop3A_719 = arith.addi %parallel_loop3A_704, %parallel_loop3A_718 : i32
        %parallel_loop3A_720 = arith.constant 16 : i32
        %parallel_loop3A_721 = arith.addi %parallel_loop3A_719, %parallel_loop3A_720 : i32
        %parallel_loop3A_722 = arith.index_cast %parallel_loop3A_182 : i32 to index
        %parallel_loop3A_723 = arith.index_cast %parallel_loop3A_721 : i32 to index
        %parallel_loop3A_724 = tpu.vector_load %arg5[%parallel_loop3A_722, %parallel_loop3A_723] {strides = array<i32>} : memref<8x4096xf32, #tpu.memory_space<vmem>>, vector<16xf32>,
        %parallel_loop3A_725 = arith.maximumf %parallel_loop3A_707, %parallel_loop3A_717 : vector<16xf32>
        %parallel_loop3A_726 = arith.maximumf %parallel_loop3A_712, %parallel_loop3A_724 : vector<16xf32>
        %parallel_loop3A_727 = arith.constant 0 : i32
        %parallel_loop3A_728 = vector.broadcast %parallel_loop3A_727 : i32 to vector<16xi32>
        %parallel_loop3A_729 = arith.cmpi slt, %select_n3A_72, %parallel_loop3A_728 : vector<16xi32>
        %parallel_loop3A_730 = arith.constant 16 : i32
        %parallel_loop3A_731 = vector.broadcast %parallel_loop3A_730 : i32 to vector<16xi32>
        %parallel_loop3A_732 = arith.addi %select_n3A_72, %parallel_loop3A_731 : vector<16xi32>
        %parallel_loop3A_733 = arith.select %parallel_loop3A_729, %parallel_loop3A_732, %select_n3A_72 : vector<16xi1>, vector<16xi32>
        %parallel_loop3A_734 = vector.shape_cast %parallel_loop3A_733 : vector<16xi32> to vector<16x1xi32>
        %parallel_loop3A_735 = vector.shape_cast %parallel_loop3A_734 : vector<16x1xi32> to vector<16xi32>
        %parallel_loop3A_736 = tpu.dynamic_gather %parallel_loop3A_725[%parallel_loop3A_735] in [0] : vector<16xf32>, vector<16xi32> -> vector<16xf32>
        %parallel_loop3A_737 = arith.constant 0 : i32
        %parallel_loop3A_738 = vector.broadcast %parallel_loop3A_737 : i32 to vector<16xi32>
        %parallel_loop3A_739 = arith.cmpi slt, %select_n3A_72, %parallel_loop3A_738 : vector<16xi32>
        %parallel_loop3A_740 = arith.constant 16 : i32
        %parallel_loop3A_741 = vector.broadcast %parallel_loop3A_740 : i32 to vector<16xi32>
        %parallel_loop3A_742 = arith.addi %select_n3A_72, %parallel_loop3A_741 : vector<16xi32>
        %parallel_loop3A_743 = arith.select %parallel_loop3A_739, %parallel_loop3A_742, %select_n3A_72 : vector<16xi1>, vector<16xi32>
        %parallel_loop3A_744 = vector.shape_cast %parallel_loop3A_743 : vector<16xi32> to vector<16x1xi32>
        %parallel_loop3A_745 = vector.shape_cast %parallel_loop3A_744 : vector<16x1xi32> to vector<16xi32>
        %parallel_loop3A_746 = tpu.dynamic_gather %parallel_loop3A_726[%parallel_loop3A_745] in [0] : vector<16xf32>, vector<16xi32> -> vector<16xf32>
        %parallel_loop3A_747 = arith.select %lt3A_78, %parallel_loop3A_736, %parallel_loop3A_746 : vector<16xi1>, vector<16xf32>
        %parallel_loop3A_748 = arith.constant 0 : i32
        %parallel_loop3A_749 = vector.broadcast %parallel_loop3A_748 : i32 to vector<16xi32>
        %parallel_loop3A_750 = arith.cmpi slt, %add3A_75, %parallel_loop3A_749 : vector<16xi32>
        %parallel_loop3A_751 = arith.constant 16 : i32
        %parallel_loop3A_752 = vector.broadcast %parallel_loop3A_751 : i32 to vector<16xi32>
        %parallel_loop3A_753 = arith.addi %add3A_75, %parallel_loop3A_752 : vector<16xi32>
        %parallel_loop3A_754 = arith.select %parallel_loop3A_750, %parallel_loop3A_753, %add3A_75 : vector<16xi1>, vector<16xi32>
        %parallel_loop3A_755 = vector.shape_cast %parallel_loop3A_754 : vector<16xi32> to vector<16x1xi32>
        %parallel_loop3A_756 = vector.shape_cast %parallel_loop3A_755 : vector<16x1xi32> to vector<16xi32>
        %parallel_loop3A_757 = tpu.dynamic_gather %parallel_loop3A_725[%parallel_loop3A_756] in [0] : vector<16xf32>, vector<16xi32> -> vector<16xf32>
        %parallel_loop3A_758 = arith.constant 0 : i32
        %parallel_loop3A_759 = vector.broadcast %parallel_loop3A_758 : i32 to vector<16xi32>
        %parallel_loop3A_760 = arith.cmpi slt, %add3A_75, %parallel_loop3A_759 : vector<16xi32>
        %parallel_loop3A_761 = arith.constant 16 : i32
        %parallel_loop3A_762 = vector.broadcast %parallel_loop3A_761 : i32 to vector<16xi32>
        %parallel_loop3A_763 = arith.addi %add3A_75, %parallel_loop3A_762 : vector<16xi32>
        %parallel_loop3A_764 = arith.select %parallel_loop3A_760, %parallel_loop3A_763, %add3A_75 : vector<16xi1>, vector<16xi32>
        %parallel_loop3A_765 = vector.shape_cast %parallel_loop3A_764 : vector<16xi32> to vector<16x1xi32>
        %parallel_loop3A_766 = vector.shape_cast %parallel_loop3A_765 : vector<16x1xi32> to vector<16xi32>
        %parallel_loop3A_767 = tpu.dynamic_gather %parallel_loop3A_726[%parallel_loop3A_766] in [0] : vector<16xf32>, vector<16xi32> -> vector<16xf32>
        %parallel_loop3A_768 = arith.select %lt3A_78, %parallel_loop3A_757, %parallel_loop3A_767 : vector<16xi1>, vector<16xf32>
        %parallel_loop3A_769 = arith.maximumf %parallel_loop3A_747, %parallel_loop3A_768 : vector<16xf32>
        %parallel_loop3A_770 = arith.constant 256 : i32
        %parallel_loop3A_771 = arith.muli %parallel_loop3A_166, %parallel_loop3A_770 : i32
        %parallel_loop3A_772 = arith.constant 112 : i32
        %parallel_loop3A_773 = arith.addi %parallel_loop3A_771, %parallel_loop3A_772 : i32
        %parallel_loop3A_774 = arith.index_cast %parallel_loop3A_182 : i32 to index
        %parallel_loop3A_775 = arith.index_cast %parallel_loop3A_773 : i32 to index
        %parallel_loop3A_776 = tpu.vector_load %arg7[%parallel_loop3A_774, %parallel_loop3A_775] {strides = array<i32>} : memref<8x1024xf32, #tpu.memory_space<vmem>>, vector<16xf32>,
        tpu.vector_store %arg7[%parallel_loop3A_774, %parallel_loop3A_775], %parallel_loop3A_769 {strides = array<i32>} : memref<8x1024xf32, #tpu.memory_space<vmem>>, vector<16xf32>,
        %parallel_loop3A_777 = arith.constant 256 : i32
        %parallel_loop3A_778 = arith.addi %parallel_loop3A_184, %parallel_loop3A_777 : i32
        %parallel_loop3A_779 = arith.index_cast %parallel_loop3A_182 : i32 to index
        %parallel_loop3A_780 = arith.index_cast %parallel_loop3A_778 : i32 to index
        %parallel_loop3A_781 = tpu.vector_load %arg5[%parallel_loop3A_779, %parallel_loop3A_780] {strides = array<i32>} : memref<8x4096xf32, #tpu.memory_space<vmem>>, vector<16xf32>,
        %parallel_loop3A_782 = arith.constant 16 : i32
        %parallel_loop3A_783 = arith.addi %parallel_loop3A_778, %parallel_loop3A_782 : i32
        %parallel_loop3A_784 = arith.index_cast %parallel_loop3A_182 : i32 to index
        %parallel_loop3A_785 = arith.index_cast %parallel_loop3A_783 : i32 to index
        %parallel_loop3A_786 = tpu.vector_load %arg5[%parallel_loop3A_784, %parallel_loop3A_785] {strides = array<i32>} : memref<8x4096xf32, #tpu.memory_space<vmem>>, vector<16xf32>,
        %parallel_loop3A_787 = arith.constant 512 : i32
        %parallel_loop3A_788 = arith.addi %parallel_loop3A_778, %parallel_loop3A_787 : i32
        %parallel_loop3A_789 = arith.index_cast %parallel_loop3A_182 : i32 to index
        %parallel_loop3A_790 = arith.index_cast %parallel_loop3A_788 : i32 to index
        %parallel_loop3A_791 = tpu.vector_load %arg5[%parallel_loop3A_789, %parallel_loop3A_790] {strides = array<i32>} : memref<8x4096xf32, #tpu.memory_space<vmem>>, vector<16xf32>,
        %parallel_loop3A_792 = arith.constant 512 : i32
        %parallel_loop3A_793 = arith.addi %parallel_loop3A_778, %parallel_loop3A_792 : i32
        %parallel_loop3A_794 = arith.constant 16 : i32
        %parallel_loop3A_795 = arith.addi %parallel_loop3A_793, %parallel_loop3A_794 : i32
        %parallel_loop3A_796 = arith.index_cast %parallel_loop3A_182 : i32 to index
        %parallel_loop3A_797 = arith.index_cast %parallel_loop3A_795 : i32 to index
        %parallel_loop3A_798 = tpu.vector_load %arg5[%parallel_loop3A_796, %parallel_loop3A_797] {strides = array<i32>} : memref<8x4096xf32, #tpu.memory_space<vmem>>, vector<16xf32>,
        %parallel_loop3A_799 = arith.maximumf %parallel_loop3A_781, %parallel_loop3A_791 : vector<16xf32>
        %parallel_loop3A_800 = arith.maximumf %parallel_loop3A_786, %parallel_loop3A_798 : vector<16xf32>
        %parallel_loop3A_801 = arith.constant 0 : i32
        %parallel_loop3A_802 = vector.broadcast %parallel_loop3A_801 : i32 to vector<16xi32>
        %parallel_loop3A_803 = arith.cmpi slt, %select_n3A_72, %parallel_loop3A_802 : vector<16xi32>
        %parallel_loop3A_804 = arith.constant 16 : i32
        %parallel_loop3A_805 = vector.broadcast %parallel_loop3A_804 : i32 to vector<16xi32>
        %parallel_loop3A_806 = arith.addi %select_n3A_72, %parallel_loop3A_805 : vector<16xi32>
        %parallel_loop3A_807 = arith.select %parallel_loop3A_803, %parallel_loop3A_806, %select_n3A_72 : vector<16xi1>, vector<16xi32>
        %parallel_loop3A_808 = vector.shape_cast %parallel_loop3A_807 : vector<16xi32> to vector<16x1xi32>
        %parallel_loop3A_809 = vector.shape_cast %parallel_loop3A_808 : vector<16x1xi32> to vector<16xi32>
        %parallel_loop3A_810 = tpu.dynamic_gather %parallel_loop3A_799[%parallel_loop3A_809] in [0] : vector<16xf32>, vector<16xi32> -> vector<16xf32>
        %parallel_loop3A_811 = arith.constant 0 : i32
        %parallel_loop3A_812 = vector.broadcast %parallel_loop3A_811 : i32 to vector<16xi32>
        %parallel_loop3A_813 = arith.cmpi slt, %select_n3A_72, %parallel_loop3A_812 : vector<16xi32>
        %parallel_loop3A_814 = arith.constant 16 : i32
        %parallel_loop3A_815 = vector.broadcast %parallel_loop3A_814 : i32 to vector<16xi32>
        %parallel_loop3A_816 = arith.addi %select_n3A_72, %parallel_loop3A_815 : vector<16xi32>
        %parallel_loop3A_817 = arith.select %parallel_loop3A_813, %parallel_loop3A_816, %select_n3A_72 : vector<16xi1>, vector<16xi32>
        %parallel_loop3A_818 = vector.shape_cast %parallel_loop3A_817 : vector<16xi32> to vector<16x1xi32>
        %parallel_loop3A_819 = vector.shape_cast %parallel_loop3A_818 : vector<16x1xi32> to vector<16xi32>
        %parallel_loop3A_820 = tpu.dynamic_gather %parallel_loop3A_800[%parallel_loop3A_819] in [0] : vector<16xf32>, vector<16xi32> -> vector<16xf32>
        %parallel_loop3A_821 = arith.select %lt3A_78, %parallel_loop3A_810, %parallel_loop3A_820 : vector<16xi1>, vector<16xf32>
        %parallel_loop3A_822 = arith.constant 0 : i32
        %parallel_loop3A_823 = vector.broadcast %parallel_loop3A_822 : i32 to vector<16xi32>
        %parallel_loop3A_824 = arith.cmpi slt, %add3A_75, %parallel_loop3A_823 : vector<16xi32>
        %parallel_loop3A_825 = arith.constant 16 : i32
        %parallel_loop3A_826 = vector.broadcast %parallel_loop3A_825 : i32 to vector<16xi32>
        %parallel_loop3A_827 = arith.addi %add3A_75, %parallel_loop3A_826 : vector<16xi32>
        %parallel_loop3A_828 = arith.select %parallel_loop3A_824, %parallel_loop3A_827, %add3A_75 : vector<16xi1>, vector<16xi32>
        %parallel_loop3A_829 = vector.shape_cast %parallel_loop3A_828 : vector<16xi32> to vector<16x1xi32>
        %parallel_loop3A_830 = vector.shape_cast %parallel_loop3A_829 : vector<16x1xi32> to vector<16xi32>
        %parallel_loop3A_831 = tpu.dynamic_gather %parallel_loop3A_799[%parallel_loop3A_830] in [0] : vector<16xf32>, vector<16xi32> -> vector<16xf32>
        %parallel_loop3A_832 = arith.constant 0 : i32
        %parallel_loop3A_833 = vector.broadcast %parallel_loop3A_832 : i32 to vector<16xi32>
        %parallel_loop3A_834 = arith.cmpi slt, %add3A_75, %parallel_loop3A_833 : vector<16xi32>
        %parallel_loop3A_835 = arith.constant 16 : i32
        %parallel_loop3A_836 = vector.broadcast %parallel_loop3A_835 : i32 to vector<16xi32>
        %parallel_loop3A_837 = arith.addi %add3A_75, %parallel_loop3A_836 : vector<16xi32>
        %parallel_loop3A_838 = arith.select %parallel_loop3A_834, %parallel_loop3A_837, %add3A_75 : vector<16xi1>, vector<16xi32>
        %parallel_loop3A_839 = vector.shape_cast %parallel_loop3A_838 : vector<16xi32> to vector<16x1xi32>
        %parallel_loop3A_840 = vector.shape_cast %parallel_loop3A_839 : vector<16x1xi32> to vector<16xi32>
        %parallel_loop3A_841 = tpu.dynamic_gather %parallel_loop3A_800[%parallel_loop3A_840] in [0] : vector<16xf32>, vector<16xi32> -> vector<16xf32>
        %parallel_loop3A_842 = arith.select %lt3A_78, %parallel_loop3A_831, %parallel_loop3A_841 : vector<16xi1>, vector<16xf32>
        %parallel_loop3A_843 = arith.maximumf %parallel_loop3A_821, %parallel_loop3A_842 : vector<16xf32>
        %parallel_loop3A_844 = arith.constant 256 : i32
        %parallel_loop3A_845 = arith.muli %parallel_loop3A_166, %parallel_loop3A_844 : i32
        %parallel_loop3A_846 = arith.constant 128 : i32
        %parallel_loop3A_847 = arith.addi %parallel_loop3A_845, %parallel_loop3A_846 : i32
        %parallel_loop3A_848 = arith.index_cast %parallel_loop3A_182 : i32 to index
        %parallel_loop3A_849 = arith.index_cast %parallel_loop3A_847 : i32 to index
        %parallel_loop3A_850 = tpu.vector_load %arg7[%parallel_loop3A_848, %parallel_loop3A_849] {strides = array<i32>} : memref<8x1024xf32, #tpu.memory_space<vmem>>, vector<16xf32>,
        tpu.vector_store %arg7[%parallel_loop3A_848, %parallel_loop3A_849], %parallel_loop3A_843 {strides = array<i32>} : memref<8x1024xf32, #tpu.memory_space<vmem>>, vector<16xf32>,
        %parallel_loop3A_851 = arith.constant 288 : i32
        %parallel_loop3A_852 = arith.addi %parallel_loop3A_184, %parallel_loop3A_851 : i32
        %parallel_loop3A_853 = arith.index_cast %parallel_loop3A_182 : i32 to index
        %parallel_loop3A_854 = arith.index_cast %parallel_loop3A_852 : i32 to index
        %parallel_loop3A_855 = tpu.vector_load %arg5[%parallel_loop3A_853, %parallel_loop3A_854] {strides = array<i32>} : memref<8x4096xf32, #tpu.memory_space<vmem>>, vector<16xf32>,
        %parallel_loop3A_856 = arith.constant 16 : i32
        %parallel_loop3A_857 = arith.addi %parallel_loop3A_852, %parallel_loop3A_856 : i32
        %parallel_loop3A_858 = arith.index_cast %parallel_loop3A_182 : i32 to index
        %parallel_loop3A_859 = arith.index_cast %parallel_loop3A_857 : i32 to index
        %parallel_loop3A_860 = tpu.vector_load %arg5[%parallel_loop3A_858, %parallel_loop3A_859] {strides = array<i32>} : memref<8x4096xf32, #tpu.memory_space<vmem>>, vector<16xf32>,
        %parallel_loop3A_861 = arith.constant 512 : i32
        %parallel_loop3A_862 = arith.addi %parallel_loop3A_852, %parallel_loop3A_861 : i32
        %parallel_loop3A_863 = arith.index_cast %parallel_loop3A_182 : i32 to index
        %parallel_loop3A_864 = arith.index_cast %parallel_loop3A_862 : i32 to index
        %parallel_loop3A_865 = tpu.vector_load %arg5[%parallel_loop3A_863, %parallel_loop3A_864] {strides = array<i32>} : memref<8x4096xf32, #tpu.memory_space<vmem>>, vector<16xf32>,
        %parallel_loop3A_866 = arith.constant 512 : i32
        %parallel_loop3A_867 = arith.addi %parallel_loop3A_852, %parallel_loop3A_866 : i32
        %parallel_loop3A_868 = arith.constant 16 : i32
        %parallel_loop3A_869 = arith.addi %parallel_loop3A_867, %parallel_loop3A_868 : i32
        %parallel_loop3A_870 = arith.index_cast %parallel_loop3A_182 : i32 to index
        %parallel_loop3A_871 = arith.index_cast %parallel_loop3A_869 : i32 to index
        %parallel_loop3A_872 = tpu.vector_load %arg5[%parallel_loop3A_870, %parallel_loop3A_871] {strides = array<i32>} : memref<8x4096xf32, #tpu.memory_space<vmem>>, vector<16xf32>,
        %parallel_loop3A_873 = arith.maximumf %parallel_loop3A_855, %parallel_loop3A_865 : vector<16xf32>
        %parallel_loop3A_874 = arith.maximumf %parallel_loop3A_860, %parallel_loop3A_872 : vector<16xf32>
        %parallel_loop3A_875 = arith.constant 0 : i32
        %parallel_loop3A_876 = vector.broadcast %parallel_loop3A_875 : i32 to vector<16xi32>
        %parallel_loop3A_877 = arith.cmpi slt, %select_n3A_72, %parallel_loop3A_876 : vector<16xi32>
        %parallel_loop3A_878 = arith.constant 16 : i32
        %parallel_loop3A_879 = vector.broadcast %parallel_loop3A_878 : i32 to vector<16xi32>
        %parallel_loop3A_880 = arith.addi %select_n3A_72, %parallel_loop3A_879 : vector<16xi32>
        %parallel_loop3A_881 = arith.select %parallel_loop3A_877, %parallel_loop3A_880, %select_n3A_72 : vector<16xi1>, vector<16xi32>
        %parallel_loop3A_882 = vector.shape_cast %parallel_loop3A_881 : vector<16xi32> to vector<16x1xi32>
        %parallel_loop3A_883 = vector.shape_cast %parallel_loop3A_882 : vector<16x1xi32> to vector<16xi32>
        %parallel_loop3A_884 = tpu.dynamic_gather %parallel_loop3A_873[%parallel_loop3A_883] in [0] : vector<16xf32>, vector<16xi32> -> vector<16xf32>
        %parallel_loop3A_885 = arith.constant 0 : i32
        %parallel_loop3A_886 = vector.broadcast %parallel_loop3A_885 : i32 to vector<16xi32>
        %parallel_loop3A_887 = arith.cmpi slt, %select_n3A_72, %parallel_loop3A_886 : vector<16xi32>
        %parallel_loop3A_888 = arith.constant 16 : i32
        %parallel_loop3A_889 = vector.broadcast %parallel_loop3A_888 : i32 to vector<16xi32>
        %parallel_loop3A_890 = arith.addi %select_n3A_72, %parallel_loop3A_889 : vector<16xi32>
        %parallel_loop3A_891 = arith.select %parallel_loop3A_887, %parallel_loop3A_890, %select_n3A_72 : vector<16xi1>, vector<16xi32>
        %parallel_loop3A_892 = vector.shape_cast %parallel_loop3A_891 : vector<16xi32> to vector<16x1xi32>
        %parallel_loop3A_893 = vector.shape_cast %parallel_loop3A_892 : vector<16x1xi32> to vector<16xi32>
        %parallel_loop3A_894 = tpu.dynamic_gather %parallel_loop3A_874[%parallel_loop3A_893] in [0] : vector<16xf32>, vector<16xi32> -> vector<16xf32>
        %parallel_loop3A_895 = arith.select %lt3A_78, %parallel_loop3A_884, %parallel_loop3A_894 : vector<16xi1>, vector<16xf32>
        %parallel_loop3A_896 = arith.constant 0 : i32
        %parallel_loop3A_897 = vector.broadcast %parallel_loop3A_896 : i32 to vector<16xi32>
        %parallel_loop3A_898 = arith.cmpi slt, %add3A_75, %parallel_loop3A_897 : vector<16xi32>
        %parallel_loop3A_899 = arith.constant 16 : i32
        %parallel_loop3A_900 = vector.broadcast %parallel_loop3A_899 : i32 to vector<16xi32>
        %parallel_loop3A_901 = arith.addi %add3A_75, %parallel_loop3A_900 : vector<16xi32>
        %parallel_loop3A_902 = arith.select %parallel_loop3A_898, %parallel_loop3A_901, %add3A_75 : vector<16xi1>, vector<16xi32>
        %parallel_loop3A_903 = vector.shape_cast %parallel_loop3A_902 : vector<16xi32> to vector<16x1xi32>
        %parallel_loop3A_904 = vector.shape_cast %parallel_loop3A_903 : vector<16x1xi32> to vector<16xi32>
        %parallel_loop3A_905 = tpu.dynamic_gather %parallel_loop3A_873[%parallel_loop3A_904] in [0] : vector<16xf32>, vector<16xi32> -> vector<16xf32>
        %parallel_loop3A_906 = arith.constant 0 : i32
        %parallel_loop3A_907 = vector.broadcast %parallel_loop3A_906 : i32 to vector<16xi32>
        %parallel_loop3A_908 = arith.cmpi slt, %add3A_75, %parallel_loop3A_907 : vector<16xi32>
        %parallel_loop3A_909 = arith.constant 16 : i32
        %parallel_loop3A_910 = vector.broadcast %parallel_loop3A_909 : i32 to vector<16xi32>
        %parallel_loop3A_911 = arith.addi %add3A_75, %parallel_loop3A_910 : vector<16xi32>
        %parallel_loop3A_912 = arith.select %parallel_loop3A_908, %parallel_loop3A_911, %add3A_75 : vector<16xi1>, vector<16xi32>
        %parallel_loop3A_913 = vector.shape_cast %parallel_loop3A_912 : vector<16xi32> to vector<16x1xi32>
        %parallel_loop3A_914 = vector.shape_cast %parallel_loop3A_913 : vector<16x1xi32> to vector<16xi32>
        %parallel_loop3A_915 = tpu.dynamic_gather %parallel_loop3A_874[%parallel_loop3A_914] in [0] : vector<16xf32>, vector<16xi32> -> vector<16xf32>
        %parallel_loop3A_916 = arith.select %lt3A_78, %parallel_loop3A_905, %parallel_loop3A_915 : vector<16xi1>, vector<16xf32>
        %parallel_loop3A_917 = arith.maximumf %parallel_loop3A_895, %parallel_loop3A_916 : vector<16xf32>
        %parallel_loop3A_918 = arith.constant 256 : i32
        %parallel_loop3A_919 = arith.muli %parallel_loop3A_166, %parallel_loop3A_918 : i32
        %parallel_loop3A_920 = arith.constant 144 : i32
        %parallel_loop3A_921 = arith.addi %parallel_loop3A_919, %parallel_loop3A_920 : i32
        %parallel_loop3A_922 = arith.index_cast %parallel_loop3A_182 : i32 to index
        %parallel_loop3A_923 = arith.index_cast %parallel_loop3A_921 : i32 to index
        %parallel_loop3A_924 = tpu.vector_load %arg7[%parallel_loop3A_922, %parallel_loop3A_923] {strides = array<i32>} : memref<8x1024xf32, #tpu.memory_space<vmem>>, vector<16xf32>,
        tpu.vector_store %arg7[%parallel_loop3A_922, %parallel_loop3A_923], %parallel_loop3A_917 {strides = array<i32>} : memref<8x1024xf32, #tpu.memory_space<vmem>>, vector<16xf32>,
        %parallel_loop3A_925 = arith.constant 320 : i32
        %parallel_loop3A_926 = arith.addi %parallel_loop3A_184, %parallel_loop3A_925 : i32
        %parallel_loop3A_927 = arith.index_cast %parallel_loop3A_182 : i32 to index
        %parallel_loop3A_928 = arith.index_cast %parallel_loop3A_926 : i32 to index
        %parallel_loop3A_929 = tpu.vector_load %arg5[%parallel_loop3A_927, %parallel_loop3A_928] {strides = array<i32>} : memref<8x4096xf32, #tpu.memory_space<vmem>>, vector<16xf32>,
        %parallel_loop3A_930 = arith.constant 16 : i32
        %parallel_loop3A_931 = arith.addi %parallel_loop3A_926, %parallel_loop3A_930 : i32
        %parallel_loop3A_932 = arith.index_cast %parallel_loop3A_182 : i32 to index
        %parallel_loop3A_933 = arith.index_cast %parallel_loop3A_931 : i32 to index
        %parallel_loop3A_934 = tpu.vector_load %arg5[%parallel_loop3A_932, %parallel_loop3A_933] {strides = array<i32>} : memref<8x4096xf32, #tpu.memory_space<vmem>>, vector<16xf32>,
        %parallel_loop3A_935 = arith.constant 512 : i32
        %parallel_loop3A_936 = arith.addi %parallel_loop3A_926, %parallel_loop3A_935 : i32
        %parallel_loop3A_937 = arith.index_cast %parallel_loop3A_182 : i32 to index
        %parallel_loop3A_938 = arith.index_cast %parallel_loop3A_936 : i32 to index
        %parallel_loop3A_939 = tpu.vector_load %arg5[%parallel_loop3A_937, %parallel_loop3A_938] {strides = array<i32>} : memref<8x4096xf32, #tpu.memory_space<vmem>>, vector<16xf32>,
        %parallel_loop3A_940 = arith.constant 512 : i32
        %parallel_loop3A_941 = arith.addi %parallel_loop3A_926, %parallel_loop3A_940 : i32
        %parallel_loop3A_942 = arith.constant 16 : i32
        %parallel_loop3A_943 = arith.addi %parallel_loop3A_941, %parallel_loop3A_942 : i32
        %parallel_loop3A_944 = arith.index_cast %parallel_loop3A_182 : i32 to index
        %parallel_loop3A_945 = arith.index_cast %parallel_loop3A_943 : i32 to index
        %parallel_loop3A_946 = tpu.vector_load %arg5[%parallel_loop3A_944, %parallel_loop3A_945] {strides = array<i32>} : memref<8x4096xf32, #tpu.memory_space<vmem>>, vector<16xf32>,
        %parallel_loop3A_947 = arith.maximumf %parallel_loop3A_929, %parallel_loop3A_939 : vector<16xf32>
        %parallel_loop3A_948 = arith.maximumf %parallel_loop3A_934, %parallel_loop3A_946 : vector<16xf32>
        %parallel_loop3A_949 = arith.constant 0 : i32
        %parallel_loop3A_950 = vector.broadcast %parallel_loop3A_949 : i32 to vector<16xi32>
        %parallel_loop3A_951 = arith.cmpi slt, %select_n3A_72, %parallel_loop3A_950 : vector<16xi32>
        %parallel_loop3A_952 = arith.constant 16 : i32
        %parallel_loop3A_953 = vector.broadcast %parallel_loop3A_952 : i32 to vector<16xi32>
        %parallel_loop3A_954 = arith.addi %select_n3A_72, %parallel_loop3A_953 : vector<16xi32>
        %parallel_loop3A_955 = arith.select %parallel_loop3A_951, %parallel_loop3A_954, %select_n3A_72 : vector<16xi1>, vector<16xi32>
        %parallel_loop3A_956 = vector.shape_cast %parallel_loop3A_955 : vector<16xi32> to vector<16x1xi32>
        %parallel_loop3A_957 = vector.shape_cast %parallel_loop3A_956 : vector<16x1xi32> to vector<16xi32>
        %parallel_loop3A_958 = tpu.dynamic_gather %parallel_loop3A_947[%parallel_loop3A_957] in [0] : vector<16xf32>, vector<16xi32> -> vector<16xf32>
        %parallel_loop3A_959 = arith.constant 0 : i32
        %parallel_loop3A_960 = vector.broadcast %parallel_loop3A_959 : i32 to vector<16xi32>
        %parallel_loop3A_961 = arith.cmpi slt, %select_n3A_72, %parallel_loop3A_960 : vector<16xi32>
        %parallel_loop3A_962 = arith.constant 16 : i32
        %parallel_loop3A_963 = vector.broadcast %parallel_loop3A_962 : i32 to vector<16xi32>
        %parallel_loop3A_964 = arith.addi %select_n3A_72, %parallel_loop3A_963 : vector<16xi32>
        %parallel_loop3A_965 = arith.select %parallel_loop3A_961, %parallel_loop3A_964, %select_n3A_72 : vector<16xi1>, vector<16xi32>
        %parallel_loop3A_966 = vector.shape_cast %parallel_loop3A_965 : vector<16xi32> to vector<16x1xi32>
        %parallel_loop3A_967 = vector.shape_cast %parallel_loop3A_966 : vector<16x1xi32> to vector<16xi32>
        %parallel_loop3A_968 = tpu.dynamic_gather %parallel_loop3A_948[%parallel_loop3A_967] in [0] : vector<16xf32>, vector<16xi32> -> vector<16xf32>
        %parallel_loop3A_969 = arith.select %lt3A_78, %parallel_loop3A_958, %parallel_loop3A_968 : vector<16xi1>, vector<16xf32>
        %parallel_loop3A_970 = arith.constant 0 : i32
        %parallel_loop3A_971 = vector.broadcast %parallel_loop3A_970 : i32 to vector<16xi32>
        %parallel_loop3A_972 = arith.cmpi slt, %add3A_75, %parallel_loop3A_971 : vector<16xi32>
        %parallel_loop3A_973 = arith.constant 16 : i32
        %parallel_loop3A_974 = vector.broadcast %parallel_loop3A_973 : i32 to vector<16xi32>
        %parallel_loop3A_975 = arith.addi %add3A_75, %parallel_loop3A_974 : vector<16xi32>
        %parallel_loop3A_976 = arith.select %parallel_loop3A_972, %parallel_loop3A_975, %add3A_75 : vector<16xi1>, vector<16xi32>
        %parallel_loop3A_977 = vector.shape_cast %parallel_loop3A_976 : vector<16xi32> to vector<16x1xi32>
        %parallel_loop3A_978 = vector.shape_cast %parallel_loop3A_977 : vector<16x1xi32> to vector<16xi32>
        %parallel_loop3A_979 = tpu.dynamic_gather %parallel_loop3A_947[%parallel_loop3A_978] in [0] : vector<16xf32>, vector<16xi32> -> vector<16xf32>
        %parallel_loop3A_980 = arith.constant 0 : i32
        %parallel_loop3A_981 = vector.broadcast %parallel_loop3A_980 : i32 to vector<16xi32>
        %parallel_loop3A_982 = arith.cmpi slt, %add3A_75, %parallel_loop3A_981 : vector<16xi32>
        %parallel_loop3A_983 = arith.constant 16 : i32
        %parallel_loop3A_984 = vector.broadcast %parallel_loop3A_983 : i32 to vector<16xi32>
        %parallel_loop3A_985 = arith.addi %add3A_75, %parallel_loop3A_984 : vector<16xi32>
        %parallel_loop3A_986 = arith.select %parallel_loop3A_982, %parallel_loop3A_985, %add3A_75 : vector<16xi1>, vector<16xi32>
        %parallel_loop3A_987 = vector.shape_cast %parallel_loop3A_986 : vector<16xi32> to vector<16x1xi32>
        %parallel_loop3A_988 = vector.shape_cast %parallel_loop3A_987 : vector<16x1xi32> to vector<16xi32>
        %parallel_loop3A_989 = tpu.dynamic_gather %parallel_loop3A_948[%parallel_loop3A_988] in [0] : vector<16xf32>, vector<16xi32> -> vector<16xf32>
        %parallel_loop3A_990 = arith.select %lt3A_78, %parallel_loop3A_979, %parallel_loop3A_989 : vector<16xi1>, vector<16xf32>
        %parallel_loop3A_991 = arith.maximumf %parallel_loop3A_969, %parallel_loop3A_990 : vector<16xf32>
        %parallel_loop3A_992 = arith.constant 256 : i32
        %parallel_loop3A_993 = arith.muli %parallel_loop3A_166, %parallel_loop3A_992 : i32
        %parallel_loop3A_994 = arith.constant 160 : i32
        %parallel_loop3A_995 = arith.addi %parallel_loop3A_993, %parallel_loop3A_994 : i32
        %parallel_loop3A_996 = arith.index_cast %parallel_loop3A_182 : i32 to index
        %parallel_loop3A_997 = arith.index_cast %parallel_loop3A_995 : i32 to index
        %parallel_loop3A_998 = tpu.vector_load %arg7[%parallel_loop3A_996, %parallel_loop3A_997] {strides = array<i32>} : memref<8x1024xf32, #tpu.memory_space<vmem>>, vector<16xf32>,
        tpu.vector_store %arg7[%parallel_loop3A_996, %parallel_loop3A_997], %parallel_loop3A_991 {strides = array<i32>} : memref<8x1024xf32, #tpu.memory_space<vmem>>, vector<16xf32>,
        %parallel_loop3A_999 = arith.constant 352 : i32
        %parallel_loop3A_1000 = arith.addi %parallel_loop3A_184, %parallel_loop3A_999 : i32
        %parallel_loop3A_1001 = arith.index_cast %parallel_loop3A_182 : i32 to index
        %parallel_loop3A_1002 = arith.index_cast %parallel_loop3A_1000 : i32 to index
        %parallel_loop3A_1003 = tpu.vector_load %arg5[%parallel_loop3A_1001, %parallel_loop3A_1002] {strides = array<i32>} : memref<8x4096xf32, #tpu.memory_space<vmem>>, vector<16xf32>,
        %parallel_loop3A_1004 = arith.constant 16 : i32
        %parallel_loop3A_1005 = arith.addi %parallel_loop3A_1000, %parallel_loop3A_1004 : i32
        %parallel_loop3A_1006 = arith.index_cast %parallel_loop3A_182 : i32 to index
        %parallel_loop3A_1007 = arith.index_cast %parallel_loop3A_1005 : i32 to index
        %parallel_loop3A_1008 = tpu.vector_load %arg5[%parallel_loop3A_1006, %parallel_loop3A_1007] {strides = array<i32>} : memref<8x4096xf32, #tpu.memory_space<vmem>>, vector<16xf32>,
        %parallel_loop3A_1009 = arith.constant 512 : i32
        %parallel_loop3A_1010 = arith.addi %parallel_loop3A_1000, %parallel_loop3A_1009 : i32
        %parallel_loop3A_1011 = arith.index_cast %parallel_loop3A_182 : i32 to index
        %parallel_loop3A_1012 = arith.index_cast %parallel_loop3A_1010 : i32 to index
        %parallel_loop3A_1013 = tpu.vector_load %arg5[%parallel_loop3A_1011, %parallel_loop3A_1012] {strides = array<i32>} : memref<8x4096xf32, #tpu.memory_space<vmem>>, vector<16xf32>,
        %parallel_loop3A_1014 = arith.constant 512 : i32
        %parallel_loop3A_1015 = arith.addi %parallel_loop3A_1000, %parallel_loop3A_1014 : i32
        %parallel_loop3A_1016 = arith.constant 16 : i32
        %parallel_loop3A_1017 = arith.addi %parallel_loop3A_1015, %parallel_loop3A_1016 : i32
        %parallel_loop3A_1018 = arith.index_cast %parallel_loop3A_182 : i32 to index
        %parallel_loop3A_1019 = arith.index_cast %parallel_loop3A_1017 : i32 to index
        %parallel_loop3A_1020 = tpu.vector_load %arg5[%parallel_loop3A_1018, %parallel_loop3A_1019] {strides = array<i32>} : memref<8x4096xf32, #tpu.memory_space<vmem>>, vector<16xf32>,
        %parallel_loop3A_1021 = arith.maximumf %parallel_loop3A_1003, %parallel_loop3A_1013 : vector<16xf32>
        %parallel_loop3A_1022 = arith.maximumf %parallel_loop3A_1008, %parallel_loop3A_1020 : vector<16xf32>
        %parallel_loop3A_1023 = arith.constant 0 : i32
        %parallel_loop3A_1024 = vector.broadcast %parallel_loop3A_1023 : i32 to vector<16xi32>
        %parallel_loop3A_1025 = arith.cmpi slt, %select_n3A_72, %parallel_loop3A_1024 : vector<16xi32>
        %parallel_loop3A_1026 = arith.constant 16 : i32
        %parallel_loop3A_1027 = vector.broadcast %parallel_loop3A_1026 : i32 to vector<16xi32>
        %parallel_loop3A_1028 = arith.addi %select_n3A_72, %parallel_loop3A_1027 : vector<16xi32>
        %parallel_loop3A_1029 = arith.select %parallel_loop3A_1025, %parallel_loop3A_1028, %select_n3A_72 : vector<16xi1>, vector<16xi32>
        %parallel_loop3A_1030 = vector.shape_cast %parallel_loop3A_1029 : vector<16xi32> to vector<16x1xi32>
        %parallel_loop3A_1031 = vector.shape_cast %parallel_loop3A_1030 : vector<16x1xi32> to vector<16xi32>
        %parallel_loop3A_1032 = tpu.dynamic_gather %parallel_loop3A_1021[%parallel_loop3A_1031] in [0] : vector<16xf32>, vector<16xi32> -> vector<16xf32>
        %parallel_loop3A_1033 = arith.constant 0 : i32
        %parallel_loop3A_1034 = vector.broadcast %parallel_loop3A_1033 : i32 to vector<16xi32>
        %parallel_loop3A_1035 = arith.cmpi slt, %select_n3A_72, %parallel_loop3A_1034 : vector<16xi32>
        %parallel_loop3A_1036 = arith.constant 16 : i32
        %parallel_loop3A_1037 = vector.broadcast %parallel_loop3A_1036 : i32 to vector<16xi32>
        %parallel_loop3A_1038 = arith.addi %select_n3A_72, %parallel_loop3A_1037 : vector<16xi32>
        %parallel_loop3A_1039 = arith.select %parallel_loop3A_1035, %parallel_loop3A_1038, %select_n3A_72 : vector<16xi1>, vector<16xi32>
        %parallel_loop3A_1040 = vector.shape_cast %parallel_loop3A_1039 : vector<16xi32> to vector<16x1xi32>
        %parallel_loop3A_1041 = vector.shape_cast %parallel_loop3A_1040 : vector<16x1xi32> to vector<16xi32>
        %parallel_loop3A_1042 = tpu.dynamic_gather %parallel_loop3A_1022[%parallel_loop3A_1041] in [0] : vector<16xf32>, vector<16xi32> -> vector<16xf32>
        %parallel_loop3A_1043 = arith.select %lt3A_78, %parallel_loop3A_1032, %parallel_loop3A_1042 : vector<16xi1>, vector<16xf32>
        %parallel_loop3A_1044 = arith.constant 0 : i32
        %parallel_loop3A_1045 = vector.broadcast %parallel_loop3A_1044 : i32 to vector<16xi32>
        %parallel_loop3A_1046 = arith.cmpi slt, %add3A_75, %parallel_loop3A_1045 : vector<16xi32>
        %parallel_loop3A_1047 = arith.constant 16 : i32
        %parallel_loop3A_1048 = vector.broadcast %parallel_loop3A_1047 : i32 to vector<16xi32>
        %parallel_loop3A_1049 = arith.addi %add3A_75, %parallel_loop3A_1048 : vector<16xi32>
        %parallel_loop3A_1050 = arith.select %parallel_loop3A_1046, %parallel_loop3A_1049, %add3A_75 : vector<16xi1>, vector<16xi32>
        %parallel_loop3A_1051 = vector.shape_cast %parallel_loop3A_1050 : vector<16xi32> to vector<16x1xi32>
        %parallel_loop3A_1052 = vector.shape_cast %parallel_loop3A_1051 : vector<16x1xi32> to vector<16xi32>
        %parallel_loop3A_1053 = tpu.dynamic_gather %parallel_loop3A_1021[%parallel_loop3A_1052] in [0] : vector<16xf32>, vector<16xi32> -> vector<16xf32>
        %parallel_loop3A_1054 = arith.constant 0 : i32
        %parallel_loop3A_1055 = vector.broadcast %parallel_loop3A_1054 : i32 to vector<16xi32>
        %parallel_loop3A_1056 = arith.cmpi slt, %add3A_75, %parallel_loop3A_1055 : vector<16xi32>
        %parallel_loop3A_1057 = arith.constant 16 : i32
        %parallel_loop3A_1058 = vector.broadcast %parallel_loop3A_1057 : i32 to vector<16xi32>
        %parallel_loop3A_1059 = arith.addi %add3A_75, %parallel_loop3A_1058 : vector<16xi32>
        %parallel_loop3A_1060 = arith.select %parallel_loop3A_1056, %parallel_loop3A_1059, %add3A_75 : vector<16xi1>, vector<16xi32>
        %parallel_loop3A_1061 = vector.shape_cast %parallel_loop3A_1060 : vector<16xi32> to vector<16x1xi32>
        %parallel_loop3A_1062 = vector.shape_cast %parallel_loop3A_1061 : vector<16x1xi32> to vector<16xi32>
        %parallel_loop3A_1063 = tpu.dynamic_gather %parallel_loop3A_1022[%parallel_loop3A_1062] in [0] : vector<16xf32>, vector<16xi32> -> vector<16xf32>
        %parallel_loop3A_1064 = arith.select %lt3A_78, %parallel_loop3A_1053, %parallel_loop3A_1063 : vector<16xi1>, vector<16xf32>
        %parallel_loop3A_1065 = arith.maximumf %parallel_loop3A_1043, %parallel_loop3A_1064 : vector<16xf32>
        %parallel_loop3A_1066 = arith.constant 256 : i32
        %parallel_loop3A_1067 = arith.muli %parallel_loop3A_166, %parallel_loop3A_1066 : i32
        %parallel_loop3A_1068 = arith.constant 176 : i32
        %parallel_loop3A_1069 = arith.addi %parallel_loop3A_1067, %parallel_loop3A_1068 : i32
        %parallel_loop3A_1070 = arith.index_cast %parallel_loop3A_182 : i32 to index
        %parallel_loop3A_1071 = arith.index_cast %parallel_loop3A_1069 : i32 to index
        %parallel_loop3A_1072 = tpu.vector_load %arg7[%parallel_loop3A_1070, %parallel_loop3A_1071] {strides = array<i32>} : memref<8x1024xf32, #tpu.memory_space<vmem>>, vector<16xf32>,
        tpu.vector_store %arg7[%parallel_loop3A_1070, %parallel_loop3A_1071], %parallel_loop3A_1065 {strides = array<i32>} : memref<8x1024xf32, #tpu.memory_space<vmem>>, vector<16xf32>,
        %parallel_loop3A_1073 = arith.constant 384 : i32
        %parallel_loop3A_1074 = arith.addi %parallel_loop3A_184, %parallel_loop3A_1073 : i32
        %parallel_loop3A_1075 = arith.index_cast %parallel_loop3A_182 : i32 to index
        %parallel_loop3A_1076 = arith.index_cast %parallel_loop3A_1074 : i32 to index
        %parallel_loop3A_1077 = tpu.vector_load %arg5[%parallel_loop3A_1075, %parallel_loop3A_1076] {strides = array<i32>} : memref<8x4096xf32, #tpu.memory_space<vmem>>, vector<16xf32>,
        %parallel_loop3A_1078 = arith.constant 16 : i32
        %parallel_loop3A_1079 = arith.addi %parallel_loop3A_1074, %parallel_loop3A_1078 : i32
        %parallel_loop3A_1080 = arith.index_cast %parallel_loop3A_182 : i32 to index
        %parallel_loop3A_1081 = arith.index_cast %parallel_loop3A_1079 : i32 to index
        %parallel_loop3A_1082 = tpu.vector_load %arg5[%parallel_loop3A_1080, %parallel_loop3A_1081] {strides = array<i32>} : memref<8x4096xf32, #tpu.memory_space<vmem>>, vector<16xf32>,
        %parallel_loop3A_1083 = arith.constant 512 : i32
        %parallel_loop3A_1084 = arith.addi %parallel_loop3A_1074, %parallel_loop3A_1083 : i32
        %parallel_loop3A_1085 = arith.index_cast %parallel_loop3A_182 : i32 to index
        %parallel_loop3A_1086 = arith.index_cast %parallel_loop3A_1084 : i32 to index
        %parallel_loop3A_1087 = tpu.vector_load %arg5[%parallel_loop3A_1085, %parallel_loop3A_1086] {strides = array<i32>} : memref<8x4096xf32, #tpu.memory_space<vmem>>, vector<16xf32>,
        %parallel_loop3A_1088 = arith.constant 512 : i32
        %parallel_loop3A_1089 = arith.addi %parallel_loop3A_1074, %parallel_loop3A_1088 : i32
        %parallel_loop3A_1090 = arith.constant 16 : i32
        %parallel_loop3A_1091 = arith.addi %parallel_loop3A_1089, %parallel_loop3A_1090 : i32
        %parallel_loop3A_1092 = arith.index_cast %parallel_loop3A_182 : i32 to index
        %parallel_loop3A_1093 = arith.index_cast %parallel_loop3A_1091 : i32 to index
        %parallel_loop3A_1094 = tpu.vector_load %arg5[%parallel_loop3A_1092, %parallel_loop3A_1093] {strides = array<i32>} : memref<8x4096xf32, #tpu.memory_space<vmem>>, vector<16xf32>,
        %parallel_loop3A_1095 = arith.maximumf %parallel_loop3A_1077, %parallel_loop3A_1087 : vector<16xf32>
        %parallel_loop3A_1096 = arith.maximumf %parallel_loop3A_1082, %parallel_loop3A_1094 : vector<16xf32>
        %parallel_loop3A_1097 = arith.constant 0 : i32
        %parallel_loop3A_1098 = vector.broadcast %parallel_loop3A_1097 : i32 to vector<16xi32>
        %parallel_loop3A_1099 = arith.cmpi slt, %select_n3A_72, %parallel_loop3A_1098 : vector<16xi32>
        %parallel_loop3A_1100 = arith.constant 16 : i32
        %parallel_loop3A_1101 = vector.broadcast %parallel_loop3A_1100 : i32 to vector<16xi32>
        %parallel_loop3A_1102 = arith.addi %select_n3A_72, %parallel_loop3A_1101 : vector<16xi32>
        %parallel_loop3A_1103 = arith.select %parallel_loop3A_1099, %parallel_loop3A_1102, %select_n3A_72 : vector<16xi1>, vector<16xi32>
        %parallel_loop3A_1104 = vector.shape_cast %parallel_loop3A_1103 : vector<16xi32> to vector<16x1xi32>
        %parallel_loop3A_1105 = vector.shape_cast %parallel_loop3A_1104 : vector<16x1xi32> to vector<16xi32>
        %parallel_loop3A_1106 = tpu.dynamic_gather %parallel_loop3A_1095[%parallel_loop3A_1105] in [0] : vector<16xf32>, vector<16xi32> -> vector<16xf32>
        %parallel_loop3A_1107 = arith.constant 0 : i32
        %parallel_loop3A_1108 = vector.broadcast %parallel_loop3A_1107 : i32 to vector<16xi32>
        %parallel_loop3A_1109 = arith.cmpi slt, %select_n3A_72, %parallel_loop3A_1108 : vector<16xi32>
        %parallel_loop3A_1110 = arith.constant 16 : i32
        %parallel_loop3A_1111 = vector.broadcast %parallel_loop3A_1110 : i32 to vector<16xi32>
        %parallel_loop3A_1112 = arith.addi %select_n3A_72, %parallel_loop3A_1111 : vector<16xi32>
        %parallel_loop3A_1113 = arith.select %parallel_loop3A_1109, %parallel_loop3A_1112, %select_n3A_72 : vector<16xi1>, vector<16xi32>
        %parallel_loop3A_1114 = vector.shape_cast %parallel_loop3A_1113 : vector<16xi32> to vector<16x1xi32>
        %parallel_loop3A_1115 = vector.shape_cast %parallel_loop3A_1114 : vector<16x1xi32> to vector<16xi32>
        %parallel_loop3A_1116 = tpu.dynamic_gather %parallel_loop3A_1096[%parallel_loop3A_1115] in [0] : vector<16xf32>, vector<16xi32> -> vector<16xf32>
        %parallel_loop3A_1117 = arith.select %lt3A_78, %parallel_loop3A_1106, %parallel_loop3A_1116 : vector<16xi1>, vector<16xf32>
        %parallel_loop3A_1118 = arith.constant 0 : i32
        %parallel_loop3A_1119 = vector.broadcast %parallel_loop3A_1118 : i32 to vector<16xi32>
        %parallel_loop3A_1120 = arith.cmpi slt, %add3A_75, %parallel_loop3A_1119 : vector<16xi32>
        %parallel_loop3A_1121 = arith.constant 16 : i32
        %parallel_loop3A_1122 = vector.broadcast %parallel_loop3A_1121 : i32 to vector<16xi32>
        %parallel_loop3A_1123 = arith.addi %add3A_75, %parallel_loop3A_1122 : vector<16xi32>
        %parallel_loop3A_1124 = arith.select %parallel_loop3A_1120, %parallel_loop3A_1123, %add3A_75 : vector<16xi1>, vector<16xi32>
        %parallel_loop3A_1125 = vector.shape_cast %parallel_loop3A_1124 : vector<16xi32> to vector<16x1xi32>
        %parallel_loop3A_1126 = vector.shape_cast %parallel_loop3A_1125 : vector<16x1xi32> to vector<16xi32>
        %parallel_loop3A_1127 = tpu.dynamic_gather %parallel_loop3A_1095[%parallel_loop3A_1126] in [0] : vector<16xf32>, vector<16xi32> -> vector<16xf32>
        %parallel_loop3A_1128 = arith.constant 0 : i32
        %parallel_loop3A_1129 = vector.broadcast %parallel_loop3A_1128 : i32 to vector<16xi32>
        %parallel_loop3A_1130 = arith.cmpi slt, %add3A_75, %parallel_loop3A_1129 : vector<16xi32>
        %parallel_loop3A_1131 = arith.constant 16 : i32
        %parallel_loop3A_1132 = vector.broadcast %parallel_loop3A_1131 : i32 to vector<16xi32>
        %parallel_loop3A_1133 = arith.addi %add3A_75, %parallel_loop3A_1132 : vector<16xi32>
        %parallel_loop3A_1134 = arith.select %parallel_loop3A_1130, %parallel_loop3A_1133, %add3A_75 : vector<16xi1>, vector<16xi32>
        %parallel_loop3A_1135 = vector.shape_cast %parallel_loop3A_1134 : vector<16xi32> to vector<16x1xi32>
        %parallel_loop3A_1136 = vector.shape_cast %parallel_loop3A_1135 : vector<16x1xi32> to vector<16xi32>
        %parallel_loop3A_1137 = tpu.dynamic_gather %parallel_loop3A_1096[%parallel_loop3A_1136] in [0] : vector<16xf32>, vector<16xi32> -> vector<16xf32>
        %parallel_loop3A_1138 = arith.select %lt3A_78, %parallel_loop3A_1127, %parallel_loop3A_1137 : vector<16xi1>, vector<16xf32>
        %parallel_loop3A_1139 = arith.maximumf %parallel_loop3A_1117, %parallel_loop3A_1138 : vector<16xf32>
        %parallel_loop3A_1140 = arith.constant 256 : i32
        %parallel_loop3A_1141 = arith.muli %parallel_loop3A_166, %parallel_loop3A_1140 : i32
        %parallel_loop3A_1142 = arith.constant 192 : i32
        %parallel_loop3A_1143 = arith.addi %parallel_loop3A_1141, %parallel_loop3A_1142 : i32
        %parallel_loop3A_1144 = arith.index_cast %parallel_loop3A_182 : i32 to index
        %parallel_loop3A_1145 = arith.index_cast %parallel_loop3A_1143 : i32 to index
        %parallel_loop3A_1146 = tpu.vector_load %arg7[%parallel_loop3A_1144, %parallel_loop3A_1145] {strides = array<i32>} : memref<8x1024xf32, #tpu.memory_space<vmem>>, vector<16xf32>,
        tpu.vector_store %arg7[%parallel_loop3A_1144, %parallel_loop3A_1145], %parallel_loop3A_1139 {strides = array<i32>} : memref<8x1024xf32, #tpu.memory_space<vmem>>, vector<16xf32>,
        %parallel_loop3A_1147 = arith.constant 416 : i32
        %parallel_loop3A_1148 = arith.addi %parallel_loop3A_184, %parallel_loop3A_1147 : i32
        %parallel_loop3A_1149 = arith.index_cast %parallel_loop3A_182 : i32 to index
        %parallel_loop3A_1150 = arith.index_cast %parallel_loop3A_1148 : i32 to index
        %parallel_loop3A_1151 = tpu.vector_load %arg5[%parallel_loop3A_1149, %parallel_loop3A_1150] {strides = array<i32>} : memref<8x4096xf32, #tpu.memory_space<vmem>>, vector<16xf32>,
        %parallel_loop3A_1152 = arith.constant 16 : i32
        %parallel_loop3A_1153 = arith.addi %parallel_loop3A_1148, %parallel_loop3A_1152 : i32
        %parallel_loop3A_1154 = arith.index_cast %parallel_loop3A_182 : i32 to index
        %parallel_loop3A_1155 = arith.index_cast %parallel_loop3A_1153 : i32 to index
        %parallel_loop3A_1156 = tpu.vector_load %arg5[%parallel_loop3A_1154, %parallel_loop3A_1155] {strides = array<i32>} : memref<8x4096xf32, #tpu.memory_space<vmem>>, vector<16xf32>,
        %parallel_loop3A_1157 = arith.constant 512 : i32
        %parallel_loop3A_1158 = arith.addi %parallel_loop3A_1148, %parallel_loop3A_1157 : i32
        %parallel_loop3A_1159 = arith.index_cast %parallel_loop3A_182 : i32 to index
        %parallel_loop3A_1160 = arith.index_cast %parallel_loop3A_1158 : i32 to index
        %parallel_loop3A_1161 = tpu.vector_load %arg5[%parallel_loop3A_1159, %parallel_loop3A_1160] {strides = array<i32>} : memref<8x4096xf32, #tpu.memory_space<vmem>>, vector<16xf32>,
        %parallel_loop3A_1162 = arith.constant 512 : i32
        %parallel_loop3A_1163 = arith.addi %parallel_loop3A_1148, %parallel_loop3A_1162 : i32
        %parallel_loop3A_1164 = arith.constant 16 : i32
        %parallel_loop3A_1165 = arith.addi %parallel_loop3A_1163, %parallel_loop3A_1164 : i32
        %parallel_loop3A_1166 = arith.index_cast %parallel_loop3A_182 : i32 to index
        %parallel_loop3A_1167 = arith.index_cast %parallel_loop3A_1165 : i32 to index
        %parallel_loop3A_1168 = tpu.vector_load %arg5[%parallel_loop3A_1166, %parallel_loop3A_1167] {strides = array<i32>} : memref<8x4096xf32, #tpu.memory_space<vmem>>, vector<16xf32>,
        %parallel_loop3A_1169 = arith.maximumf %parallel_loop3A_1151, %parallel_loop3A_1161 : vector<16xf32>
        %parallel_loop3A_1170 = arith.maximumf %parallel_loop3A_1156, %parallel_loop3A_1168 : vector<16xf32>
        %parallel_loop3A_1171 = arith.constant 0 : i32
        %parallel_loop3A_1172 = vector.broadcast %parallel_loop3A_1171 : i32 to vector<16xi32>
        %parallel_loop3A_1173 = arith.cmpi slt, %select_n3A_72, %parallel_loop3A_1172 : vector<16xi32>
        %parallel_loop3A_1174 = arith.constant 16 : i32
        %parallel_loop3A_1175 = vector.broadcast %parallel_loop3A_1174 : i32 to vector<16xi32>
        %parallel_loop3A_1176 = arith.addi %select_n3A_72, %parallel_loop3A_1175 : vector<16xi32>
        %parallel_loop3A_1177 = arith.select %parallel_loop3A_1173, %parallel_loop3A_1176, %select_n3A_72 : vector<16xi1>, vector<16xi32>
        %parallel_loop3A_1178 = vector.shape_cast %parallel_loop3A_1177 : vector<16xi32> to vector<16x1xi32>
        %parallel_loop3A_1179 = vector.shape_cast %parallel_loop3A_1178 : vector<16x1xi32> to vector<16xi32>
        %parallel_loop3A_1180 = tpu.dynamic_gather %parallel_loop3A_1169[%parallel_loop3A_1179] in [0] : vector<16xf32>, vector<16xi32> -> vector<16xf32>
        %parallel_loop3A_1181 = arith.constant 0 : i32
        %parallel_loop3A_1182 = vector.broadcast %parallel_loop3A_1181 : i32 to vector<16xi32>
        %parallel_loop3A_1183 = arith.cmpi slt, %select_n3A_72, %parallel_loop3A_1182 : vector<16xi32>
        %parallel_loop3A_1184 = arith.constant 16 : i32
        %parallel_loop3A_1185 = vector.broadcast %parallel_loop3A_1184 : i32 to vector<16xi32>
        %parallel_loop3A_1186 = arith.addi %select_n3A_72, %parallel_loop3A_1185 : vector<16xi32>
        %parallel_loop3A_1187 = arith.select %parallel_loop3A_1183, %parallel_loop3A_1186, %select_n3A_72 : vector<16xi1>, vector<16xi32>
        %parallel_loop3A_1188 = vector.shape_cast %parallel_loop3A_1187 : vector<16xi32> to vector<16x1xi32>
        %parallel_loop3A_1189 = vector.shape_cast %parallel_loop3A_1188 : vector<16x1xi32> to vector<16xi32>
        %parallel_loop3A_1190 = tpu.dynamic_gather %parallel_loop3A_1170[%parallel_loop3A_1189] in [0] : vector<16xf32>, vector<16xi32> -> vector<16xf32>
        %parallel_loop3A_1191 = arith.select %lt3A_78, %parallel_loop3A_1180, %parallel_loop3A_1190 : vector<16xi1>, vector<16xf32>
        %parallel_loop3A_1192 = arith.constant 0 : i32
        %parallel_loop3A_1193 = vector.broadcast %parallel_loop3A_1192 : i32 to vector<16xi32>
        %parallel_loop3A_1194 = arith.cmpi slt, %add3A_75, %parallel_loop3A_1193 : vector<16xi32>
        %parallel_loop3A_1195 = arith.constant 16 : i32
        %parallel_loop3A_1196 = vector.broadcast %parallel_loop3A_1195 : i32 to vector<16xi32>
        %parallel_loop3A_1197 = arith.addi %add3A_75, %parallel_loop3A_1196 : vector<16xi32>
        %parallel_loop3A_1198 = arith.select %parallel_loop3A_1194, %parallel_loop3A_1197, %add3A_75 : vector<16xi1>, vector<16xi32>
        %parallel_loop3A_1199 = vector.shape_cast %parallel_loop3A_1198 : vector<16xi32> to vector<16x1xi32>
        %parallel_loop3A_1200 = vector.shape_cast %parallel_loop3A_1199 : vector<16x1xi32> to vector<16xi32>
        %parallel_loop3A_1201 = tpu.dynamic_gather %parallel_loop3A_1169[%parallel_loop3A_1200] in [0] : vector<16xf32>, vector<16xi32> -> vector<16xf32>
        %parallel_loop3A_1202 = arith.constant 0 : i32
        %parallel_loop3A_1203 = vector.broadcast %parallel_loop3A_1202 : i32 to vector<16xi32>
        %parallel_loop3A_1204 = arith.cmpi slt, %add3A_75, %parallel_loop3A_1203 : vector<16xi32>
        %parallel_loop3A_1205 = arith.constant 16 : i32
        %parallel_loop3A_1206 = vector.broadcast %parallel_loop3A_1205 : i32 to vector<16xi32>
        %parallel_loop3A_1207 = arith.addi %add3A_75, %parallel_loop3A_1206 : vector<16xi32>
        %parallel_loop3A_1208 = arith.select %parallel_loop3A_1204, %parallel_loop3A_1207, %add3A_75 : vector<16xi1>, vector<16xi32>
        %parallel_loop3A_1209 = vector.shape_cast %parallel_loop3A_1208 : vector<16xi32> to vector<16x1xi32>
        %parallel_loop3A_1210 = vector.shape_cast %parallel_loop3A_1209 : vector<16x1xi32> to vector<16xi32>
        %parallel_loop3A_1211 = tpu.dynamic_gather %parallel_loop3A_1170[%parallel_loop3A_1210] in [0] : vector<16xf32>, vector<16xi32> -> vector<16xf32>
        %parallel_loop3A_1212 = arith.select %lt3A_78, %parallel_loop3A_1201, %parallel_loop3A_1211 : vector<16xi1>, vector<16xf32>
        %parallel_loop3A_1213 = arith.maximumf %parallel_loop3A_1191, %parallel_loop3A_1212 : vector<16xf32>
        %parallel_loop3A_1214 = arith.constant 256 : i32
        %parallel_loop3A_1215 = arith.muli %parallel_loop3A_166, %parallel_loop3A_1214 : i32
        %parallel_loop3A_1216 = arith.constant 208 : i32
        %parallel_loop3A_1217 = arith.addi %parallel_loop3A_1215, %parallel_loop3A_1216 : i32
        %parallel_loop3A_1218 = arith.index_cast %parallel_loop3A_182 : i32 to index
        %parallel_loop3A_1219 = arith.index_cast %parallel_loop3A_1217 : i32 to index
        %parallel_loop3A_1220 = tpu.vector_load %arg7[%parallel_loop3A_1218, %parallel_loop3A_1219] {strides = array<i32>} : memref<8x1024xf32, #tpu.memory_space<vmem>>, vector<16xf32>,
        tpu.vector_store %arg7[%parallel_loop3A_1218, %parallel_loop3A_1219], %parallel_loop3A_1213 {strides = array<i32>} : memref<8x1024xf32, #tpu.memory_space<vmem>>, vector<16xf32>,
        %parallel_loop3A_1221 = arith.constant 448 : i32
        %parallel_loop3A_1222 = arith.addi %parallel_loop3A_184, %parallel_loop3A_1221 : i32
        %parallel_loop3A_1223 = arith.index_cast %parallel_loop3A_182 : i32 to index
        %parallel_loop3A_1224 = arith.index_cast %parallel_loop3A_1222 : i32 to index
        %parallel_loop3A_1225 = tpu.vector_load %arg5[%parallel_loop3A_1223, %parallel_loop3A_1224] {strides = array<i32>} : memref<8x4096xf32, #tpu.memory_space<vmem>>, vector<16xf32>,
        %parallel_loop3A_1226 = arith.constant 16 : i32
        %parallel_loop3A_1227 = arith.addi %parallel_loop3A_1222, %parallel_loop3A_1226 : i32
        %parallel_loop3A_1228 = arith.index_cast %parallel_loop3A_182 : i32 to index
        %parallel_loop3A_1229 = arith.index_cast %parallel_loop3A_1227 : i32 to index
        %parallel_loop3A_1230 = tpu.vector_load %arg5[%parallel_loop3A_1228, %parallel_loop3A_1229] {strides = array<i32>} : memref<8x4096xf32, #tpu.memory_space<vmem>>, vector<16xf32>,
        %parallel_loop3A_1231 = arith.constant 512 : i32
        %parallel_loop3A_1232 = arith.addi %parallel_loop3A_1222, %parallel_loop3A_1231 : i32
        %parallel_loop3A_1233 = arith.index_cast %parallel_loop3A_182 : i32 to index
        %parallel_loop3A_1234 = arith.index_cast %parallel_loop3A_1232 : i32 to index
        %parallel_loop3A_1235 = tpu.vector_load %arg5[%parallel_loop3A_1233, %parallel_loop3A_1234] {strides = array<i32>} : memref<8x4096xf32, #tpu.memory_space<vmem>>, vector<16xf32>,
        %parallel_loop3A_1236 = arith.constant 512 : i32
        %parallel_loop3A_1237 = arith.addi %parallel_loop3A_1222, %parallel_loop3A_1236 : i32
        %parallel_loop3A_1238 = arith.constant 16 : i32
        %parallel_loop3A_1239 = arith.addi %parallel_loop3A_1237, %parallel_loop3A_1238 : i32
        %parallel_loop3A_1240 = arith.index_cast %parallel_loop3A_182 : i32 to index
        %parallel_loop3A_1241 = arith.index_cast %parallel_loop3A_1239 : i32 to index
        %parallel_loop3A_1242 = tpu.vector_load %arg5[%parallel_loop3A_1240, %parallel_loop3A_1241] {strides = array<i32>} : memref<8x4096xf32, #tpu.memory_space<vmem>>, vector<16xf32>,
        %parallel_loop3A_1243 = arith.maximumf %parallel_loop3A_1225, %parallel_loop3A_1235 : vector<16xf32>
        %parallel_loop3A_1244 = arith.maximumf %parallel_loop3A_1230, %parallel_loop3A_1242 : vector<16xf32>
        %parallel_loop3A_1245 = arith.constant 0 : i32
        %parallel_loop3A_1246 = vector.broadcast %parallel_loop3A_1245 : i32 to vector<16xi32>
        %parallel_loop3A_1247 = arith.cmpi slt, %select_n3A_72, %parallel_loop3A_1246 : vector<16xi32>
        %parallel_loop3A_1248 = arith.constant 16 : i32
        %parallel_loop3A_1249 = vector.broadcast %parallel_loop3A_1248 : i32 to vector<16xi32>
        %parallel_loop3A_1250 = arith.addi %select_n3A_72, %parallel_loop3A_1249 : vector<16xi32>
        %parallel_loop3A_1251 = arith.select %parallel_loop3A_1247, %parallel_loop3A_1250, %select_n3A_72 : vector<16xi1>, vector<16xi32>
        %parallel_loop3A_1252 = vector.shape_cast %parallel_loop3A_1251 : vector<16xi32> to vector<16x1xi32>
        %parallel_loop3A_1253 = vector.shape_cast %parallel_loop3A_1252 : vector<16x1xi32> to vector<16xi32>
        %parallel_loop3A_1254 = tpu.dynamic_gather %parallel_loop3A_1243[%parallel_loop3A_1253] in [0] : vector<16xf32>, vector<16xi32> -> vector<16xf32>
        %parallel_loop3A_1255 = arith.constant 0 : i32
        %parallel_loop3A_1256 = vector.broadcast %parallel_loop3A_1255 : i32 to vector<16xi32>
        %parallel_loop3A_1257 = arith.cmpi slt, %select_n3A_72, %parallel_loop3A_1256 : vector<16xi32>
        %parallel_loop3A_1258 = arith.constant 16 : i32
        %parallel_loop3A_1259 = vector.broadcast %parallel_loop3A_1258 : i32 to vector<16xi32>
        %parallel_loop3A_1260 = arith.addi %select_n3A_72, %parallel_loop3A_1259 : vector<16xi32>
        %parallel_loop3A_1261 = arith.select %parallel_loop3A_1257, %parallel_loop3A_1260, %select_n3A_72 : vector<16xi1>, vector<16xi32>
        %parallel_loop3A_1262 = vector.shape_cast %parallel_loop3A_1261 : vector<16xi32> to vector<16x1xi32>
        %parallel_loop3A_1263 = vector.shape_cast %parallel_loop3A_1262 : vector<16x1xi32> to vector<16xi32>
        %parallel_loop3A_1264 = tpu.dynamic_gather %parallel_loop3A_1244[%parallel_loop3A_1263] in [0] : vector<16xf32>, vector<16xi32> -> vector<16xf32>
        %parallel_loop3A_1265 = arith.select %lt3A_78, %parallel_loop3A_1254, %parallel_loop3A_1264 : vector<16xi1>, vector<16xf32>
        %parallel_loop3A_1266 = arith.constant 0 : i32
        %parallel_loop3A_1267 = vector.broadcast %parallel_loop3A_1266 : i32 to vector<16xi32>
        %parallel_loop3A_1268 = arith.cmpi slt, %add3A_75, %parallel_loop3A_1267 : vector<16xi32>
        %parallel_loop3A_1269 = arith.constant 16 : i32
        %parallel_loop3A_1270 = vector.broadcast %parallel_loop3A_1269 : i32 to vector<16xi32>
        %parallel_loop3A_1271 = arith.addi %add3A_75, %parallel_loop3A_1270 : vector<16xi32>
        %parallel_loop3A_1272 = arith.select %parallel_loop3A_1268, %parallel_loop3A_1271, %add3A_75 : vector<16xi1>, vector<16xi32>
        %parallel_loop3A_1273 = vector.shape_cast %parallel_loop3A_1272 : vector<16xi32> to vector<16x1xi32>
        %parallel_loop3A_1274 = vector.shape_cast %parallel_loop3A_1273 : vector<16x1xi32> to vector<16xi32>
        %parallel_loop3A_1275 = tpu.dynamic_gather %parallel_loop3A_1243[%parallel_loop3A_1274] in [0] : vector<16xf32>, vector<16xi32> -> vector<16xf32>
        %parallel_loop3A_1276 = arith.constant 0 : i32
        %parallel_loop3A_1277 = vector.broadcast %parallel_loop3A_1276 : i32 to vector<16xi32>
        %parallel_loop3A_1278 = arith.cmpi slt, %add3A_75, %parallel_loop3A_1277 : vector<16xi32>
        %parallel_loop3A_1279 = arith.constant 16 : i32
        %parallel_loop3A_1280 = vector.broadcast %parallel_loop3A_1279 : i32 to vector<16xi32>
        %parallel_loop3A_1281 = arith.addi %add3A_75, %parallel_loop3A_1280 : vector<16xi32>
        %parallel_loop3A_1282 = arith.select %parallel_loop3A_1278, %parallel_loop3A_1281, %add3A_75 : vector<16xi1>, vector<16xi32>
        %parallel_loop3A_1283 = vector.shape_cast %parallel_loop3A_1282 : vector<16xi32> to vector<16x1xi32>
        %parallel_loop3A_1284 = vector.shape_cast %parallel_loop3A_1283 : vector<16x1xi32> to vector<16xi32>
        %parallel_loop3A_1285 = tpu.dynamic_gather %parallel_loop3A_1244[%parallel_loop3A_1284] in [0] : vector<16xf32>, vector<16xi32> -> vector<16xf32>
        %parallel_loop3A_1286 = arith.select %lt3A_78, %parallel_loop3A_1275, %parallel_loop3A_1285 : vector<16xi1>, vector<16xf32>
        %parallel_loop3A_1287 = arith.maximumf %parallel_loop3A_1265, %parallel_loop3A_1286 : vector<16xf32>
        %parallel_loop3A_1288 = arith.constant 256 : i32
        %parallel_loop3A_1289 = arith.muli %parallel_loop3A_166, %parallel_loop3A_1288 : i32
        %parallel_loop3A_1290 = arith.constant 224 : i32
        %parallel_loop3A_1291 = arith.addi %parallel_loop3A_1289, %parallel_loop3A_1290 : i32
        %parallel_loop3A_1292 = arith.index_cast %parallel_loop3A_182 : i32 to index
        %parallel_loop3A_1293 = arith.index_cast %parallel_loop3A_1291 : i32 to index
        %parallel_loop3A_1294 = tpu.vector_load %arg7[%parallel_loop3A_1292, %parallel_loop3A_1293] {strides = array<i32>} : memref<8x1024xf32, #tpu.memory_space<vmem>>, vector<16xf32>,
        tpu.vector_store %arg7[%parallel_loop3A_1292, %parallel_loop3A_1293], %parallel_loop3A_1287 {strides = array<i32>} : memref<8x1024xf32, #tpu.memory_space<vmem>>, vector<16xf32>,
        %parallel_loop3A_1295 = arith.constant 480 : i32
        %parallel_loop3A_1296 = arith.addi %parallel_loop3A_184, %parallel_loop3A_1295 : i32
        %parallel_loop3A_1297 = arith.index_cast %parallel_loop3A_182 : i32 to index
        %parallel_loop3A_1298 = arith.index_cast %parallel_loop3A_1296 : i32 to index
        %parallel_loop3A_1299 = tpu.vector_load %arg5[%parallel_loop3A_1297, %parallel_loop3A_1298] {strides = array<i32>} : memref<8x4096xf32, #tpu.memory_space<vmem>>, vector<16xf32>,
        %parallel_loop3A_1300 = arith.constant 16 : i32
        %parallel_loop3A_1301 = arith.addi %parallel_loop3A_1296, %parallel_loop3A_1300 : i32
        %parallel_loop3A_1302 = arith.index_cast %parallel_loop3A_182 : i32 to index
        %parallel_loop3A_1303 = arith.index_cast %parallel_loop3A_1301 : i32 to index
        %parallel_loop3A_1304 = tpu.vector_load %arg5[%parallel_loop3A_1302, %parallel_loop3A_1303] {strides = array<i32>} : memref<8x4096xf32, #tpu.memory_space<vmem>>, vector<16xf32>,
        %parallel_loop3A_1305 = arith.constant 512 : i32
        %parallel_loop3A_1306 = arith.addi %parallel_loop3A_1296, %parallel_loop3A_1305 : i32
        %parallel_loop3A_1307 = arith.index_cast %parallel_loop3A_182 : i32 to index
        %parallel_loop3A_1308 = arith.index_cast %parallel_loop3A_1306 : i32 to index
        %parallel_loop3A_1309 = tpu.vector_load %arg5[%parallel_loop3A_1307, %parallel_loop3A_1308] {strides = array<i32>} : memref<8x4096xf32, #tpu.memory_space<vmem>>, vector<16xf32>,
        %parallel_loop3A_1310 = arith.constant 512 : i32
        %parallel_loop3A_1311 = arith.addi %parallel_loop3A_1296, %parallel_loop3A_1310 : i32
        %parallel_loop3A_1312 = arith.constant 16 : i32
        %parallel_loop3A_1313 = arith.addi %parallel_loop3A_1311, %parallel_loop3A_1312 : i32
        %parallel_loop3A_1314 = arith.index_cast %parallel_loop3A_182 : i32 to index
        %parallel_loop3A_1315 = arith.index_cast %parallel_loop3A_1313 : i32 to index
        %parallel_loop3A_1316 = tpu.vector_load %arg5[%parallel_loop3A_1314, %parallel_loop3A_1315] {strides = array<i32>} : memref<8x4096xf32, #tpu.memory_space<vmem>>, vector<16xf32>,
        %parallel_loop3A_1317 = arith.maximumf %parallel_loop3A_1299, %parallel_loop3A_1309 : vector<16xf32>
        %parallel_loop3A_1318 = arith.maximumf %parallel_loop3A_1304, %parallel_loop3A_1316 : vector<16xf32>
        %parallel_loop3A_1319 = arith.constant 0 : i32
        %parallel_loop3A_1320 = vector.broadcast %parallel_loop3A_1319 : i32 to vector<16xi32>
        %parallel_loop3A_1321 = arith.cmpi slt, %select_n3A_72, %parallel_loop3A_1320 : vector<16xi32>
        %parallel_loop3A_1322 = arith.constant 16 : i32
        %parallel_loop3A_1323 = vector.broadcast %parallel_loop3A_1322 : i32 to vector<16xi32>
        %parallel_loop3A_1324 = arith.addi %select_n3A_72, %parallel_loop3A_1323 : vector<16xi32>
        %parallel_loop3A_1325 = arith.select %parallel_loop3A_1321, %parallel_loop3A_1324, %select_n3A_72 : vector<16xi1>, vector<16xi32>
        %parallel_loop3A_1326 = vector.shape_cast %parallel_loop3A_1325 : vector<16xi32> to vector<16x1xi32>
        %parallel_loop3A_1327 = vector.shape_cast %parallel_loop3A_1326 : vector<16x1xi32> to vector<16xi32>
        %parallel_loop3A_1328 = tpu.dynamic_gather %parallel_loop3A_1317[%parallel_loop3A_1327] in [0] : vector<16xf32>, vector<16xi32> -> vector<16xf32>
        %parallel_loop3A_1329 = arith.constant 0 : i32
        %parallel_loop3A_1330 = vector.broadcast %parallel_loop3A_1329 : i32 to vector<16xi32>
        %parallel_loop3A_1331 = arith.cmpi slt, %select_n3A_72, %parallel_loop3A_1330 : vector<16xi32>
        %parallel_loop3A_1332 = arith.constant 16 : i32
        %parallel_loop3A_1333 = vector.broadcast %parallel_loop3A_1332 : i32 to vector<16xi32>
        %parallel_loop3A_1334 = arith.addi %select_n3A_72, %parallel_loop3A_1333 : vector<16xi32>
        %parallel_loop3A_1335 = arith.select %parallel_loop3A_1331, %parallel_loop3A_1334, %select_n3A_72 : vector<16xi1>, vector<16xi32>
        %parallel_loop3A_1336 = vector.shape_cast %parallel_loop3A_1335 : vector<16xi32> to vector<16x1xi32>
        %parallel_loop3A_1337 = vector.shape_cast %parallel_loop3A_1336 : vector<16x1xi32> to vector<16xi32>
        %parallel_loop3A_1338 = tpu.dynamic_gather %parallel_loop3A_1318[%parallel_loop3A_1337] in [0] : vector<16xf32>, vector<16xi32> -> vector<16xf32>
        %parallel_loop3A_1339 = arith.select %lt3A_78, %parallel_loop3A_1328, %parallel_loop3A_1338 : vector<16xi1>, vector<16xf32>
        %parallel_loop3A_1340 = arith.constant 0 : i32
        %parallel_loop3A_1341 = vector.broadcast %parallel_loop3A_1340 : i32 to vector<16xi32>
        %parallel_loop3A_1342 = arith.cmpi slt, %add3A_75, %parallel_loop3A_1341 : vector<16xi32>
        %parallel_loop3A_1343 = arith.constant 16 : i32
        %parallel_loop3A_1344 = vector.broadcast %parallel_loop3A_1343 : i32 to vector<16xi32>
        %parallel_loop3A_1345 = arith.addi %add3A_75, %parallel_loop3A_1344 : vector<16xi32>
        %parallel_loop3A_1346 = arith.select %parallel_loop3A_1342, %parallel_loop3A_1345, %add3A_75 : vector<16xi1>, vector<16xi32>
        %parallel_loop3A_1347 = vector.shape_cast %parallel_loop3A_1346 : vector<16xi32> to vector<16x1xi32>
        %parallel_loop3A_1348 = vector.shape_cast %parallel_loop3A_1347 : vector<16x1xi32> to vector<16xi32>
        %parallel_loop3A_1349 = tpu.dynamic_gather %parallel_loop3A_1317[%parallel_loop3A_1348] in [0] : vector<16xf32>, vector<16xi32> -> vector<16xf32>
        %parallel_loop3A_1350 = arith.constant 0 : i32
        %parallel_loop3A_1351 = vector.broadcast %parallel_loop3A_1350 : i32 to vector<16xi32>
        %parallel_loop3A_1352 = arith.cmpi slt, %add3A_75, %parallel_loop3A_1351 : vector<16xi32>
        %parallel_loop3A_1353 = arith.constant 16 : i32
        %parallel_loop3A_1354 = vector.broadcast %parallel_loop3A_1353 : i32 to vector<16xi32>
        %parallel_loop3A_1355 = arith.addi %add3A_75, %parallel_loop3A_1354 : vector<16xi32>
        %parallel_loop3A_1356 = arith.select %parallel_loop3A_1352, %parallel_loop3A_1355, %add3A_75 : vector<16xi1>, vector<16xi32>
        %parallel_loop3A_1357 = vector.shape_cast %parallel_loop3A_1356 : vector<16xi32> to vector<16x1xi32>
        %parallel_loop3A_1358 = vector.shape_cast %parallel_loop3A_1357 : vector<16x1xi32> to vector<16xi32>
        %parallel_loop3A_1359 = tpu.dynamic_gather %parallel_loop3A_1318[%parallel_loop3A_1358] in [0] : vector<16xf32>, vector<16xi32> -> vector<16xf32>
        %parallel_loop3A_1360 = arith.select %lt3A_78, %parallel_loop3A_1349, %parallel_loop3A_1359 : vector<16xi1>, vector<16xf32>
        %parallel_loop3A_1361 = arith.maximumf %parallel_loop3A_1339, %parallel_loop3A_1360 : vector<16xf32>
        %parallel_loop3A_1362 = arith.constant 256 : i32
        %parallel_loop3A_1363 = arith.muli %parallel_loop3A_166, %parallel_loop3A_1362 : i32
        %parallel_loop3A_1364 = arith.constant 240 : i32
        %parallel_loop3A_1365 = arith.addi %parallel_loop3A_1363, %parallel_loop3A_1364 : i32
        %parallel_loop3A_1366 = arith.index_cast %parallel_loop3A_182 : i32 to index
        %parallel_loop3A_1367 = arith.index_cast %parallel_loop3A_1365 : i32 to index
        %parallel_loop3A_1368 = tpu.vector_load %arg7[%parallel_loop3A_1366, %parallel_loop3A_1367] {strides = array<i32>} : memref<8x1024xf32, #tpu.memory_space<vmem>>, vector<16xf32>,
        tpu.vector_store %arg7[%parallel_loop3A_1366, %parallel_loop3A_1367], %parallel_loop3A_1361 {strides = array<i32>} : memref<8x1024xf32, #tpu.memory_space<vmem>>, vector<16xf32>,
      } {sc.loop_unroll_factor = 2 : i64, sc.parallel_access}
      %mul3A_132 = arith.constant 1024 : i32
      %mul3A_133 = arith.muli %add3A_118, %mul3A_132 : i32
      %add3A_134 = arith.addi %mul3A_36, %mul3A_133 : i32
      %dma_start3A_135 = tpu.memref_slice %arg3[%mul3A_32, %add3A_134] : memref<128x65536xf32, #tpu.memory_space<hbm>> -> memref<8x1024xf32, #tpu.memory_space<hbm>>
      %dma_start3A_136 = tpu.memref_slice %arg3[%mul3A_32, %add3A_134] : memref<128x65536xf32, #tpu.memory_space<hbm>> -> memref<8x1024xf32, #tpu.memory_space<hbm>>
      tpu.enqueue_dma source(%arg7 : memref<8x1024xf32, #tpu.memory_space<vmem>>) target(%dma_start3A_136 : memref<8x1024xf32, #tpu.memory_space<hbm>>) target_semaphore(%arg11 : memref<!tpu.dma_semaphore, #tpu.memory_space<semaphore_mem>>)
      %lt3A_137 = arith.constant 15 : i32
      %lt3A_138 = arith.cmpi slt, %scan3A_91, %lt3A_137 : i32
      %convert_element_type3A_139 = arith.extui %lt3A_138 : i1 to i32
      %cond3A_140 = arith.constant 0 : i32
      %cond3A_141 = arith.cmpi ne, %convert_element_type3A_139, %cond3A_140 : i32
      scf.if %cond3A_141 {
        %add3A_142 = arith.constant 2 : i32
        %add3A_143 = arith.addi %add3A_118, %add3A_142 : i32
        %mul3A_144 = arith.constant 4096 : i32
        %mul3A_145 = arith.muli %add3A_143, %mul3A_144 : i32
        %add3A_146 = arith.addi %mul3A_34, %mul3A_145 : i32
        %dma_start3A_147 = tpu.memref_slice %arg2[%mul3A_32, %add3A_146] : memref<128x262144xf32, #tpu.memory_space<hbm>> -> memref<8x4096xf32, #tpu.memory_space<hbm>>
        %dma_start3A_148 = tpu.memref_slice %arg2[%mul3A_32, %add3A_146] : memref<128x262144xf32, #tpu.memory_space<hbm>> -> memref<8x4096xf32, #tpu.memory_space<hbm>>
        tpu.enqueue_dma source(%dma_start3A_148 : memref<8x4096xf32, #tpu.memory_space<hbm>>) target(%arg5 : memref<8x4096xf32, #tpu.memory_space<vmem>>) target_semaphore(%arg9 : memref<!tpu.dma_semaphore, #tpu.memory_space<semaphore_mem>>)
      } else {
      }
    }
    %scan3A_83 = arith.constant 16 : i32
    %add3A_84 = arith.constant 30720 : i32
    %add3A_85 = arith.addi %mul3A_36, %add3A_84 : i32
    %dma_wait3A = tpu.memref_slice %arg3[%mul3A_32, %add3A_85] : memref<128x65536xf32, #tpu.memory_space<hbm>> -> memref<8x1024xf32, #tpu.memory_space<hbm>>
    %dma_wait3A_86 = tpu.memref_slice %arg3[%mul3A_32, %add3A_85] : memref<128x65536xf32, #tpu.memory_space<hbm>> -> memref<8x1024xf32, #tpu.memory_space<hbm>>
    tpu.wait_dma2 semaphore(%arg10 : memref<!tpu.dma_semaphore, #tpu.memory_space<semaphore_mem>>) src(%arg6 : memref<8x1024xf32, #tpu.memory_space<vmem>>) dst(%dma_wait3A_86 : memref<8x1024xf32, #tpu.memory_space<hbm>>)
    %add3A_87 = arith.constant 31744 : i32
    %add3A_88 = arith.addi %mul3A_36, %add3A_87 : i32
    %dma_wait3A_89 = tpu.memref_slice %arg3[%mul3A_32, %add3A_88] : memref<128x65536xf32, #tpu.memory_space<hbm>> -> memref<8x1024xf32, #tpu.memory_space<hbm>>
    %dma_wait3A_90 = tpu.memref_slice %arg3[%mul3A_32, %add3A_88] : memref<128x65536xf32, #tpu.memory_space<hbm>> -> memref<8x1024xf32, #tpu.memory_space<hbm>>
    tpu.wait_dma2 semaphore(%arg11 : memref<!tpu.dma_semaphore, #tpu.memory_space<semaphore_mem>>) src(%arg7 : memref<8x1024xf32, #tpu.memory_space<vmem>>) dst(%dma_wait3A_90 : memref<8x1024xf32, #tpu.memory_space<hbm>>)
    return
  }
}

</mosaic_0001>

<sc_bundles>
// kernel: kernel.3.cloned.1.call-start
scs
__scs_entry_jumppad:
0x0: {  	(pc) =	sbr.rel $0x88, $3  }
0x1: {  	(tag) =	ssettag $0x0;
	lr =	simm.s32 $0x1  }
0x2: {  	[smem:$0x3FA0] =	sst lr;
	_ =	strace $0xD0000000  }
0x3: {  	_ = 	snop  }
0x4: {  	_ = 	snop  }
0x5: {  	_ = 	snop  }
0x6: {  	_ = 	snop  }
0x7: {  	_ = 	snop  }
__scs_overlays_trampoline_lowered:
0x8: {  	[smem:$0x3FAF] =	sst s0  }
0x9: {  	[smem:$0x3FB0] =	sst s1  }
0xa: {  	[smem:$0x3FB1] =	sst s2  }
0xb: {  	[smem:$0x3FB2] =	sst s3  }
0xc: {  	[smem:$0x3FB3] =	sst s4  }
0xd: {  	[smem:$0x3FB4] =	sst s5  }
0xe: {  	[smem:$0x3FB5] =	sst s6  }
0xf: {  	[smem:$0x3FB6] =	sst s7  }
0x10: {  	[smem:$0x3FB7] =	sst s8  }
0x11: {  	[smem:$0x3FB8] =	sst s9;
	s0 =	simm.s32 @!p0 $0x0  }
0x12: {  	s1 =	sld [smem:$0x3F9E];
	s0 =	simm.s32 @p0 $0x1  }
0x13: {  	[smem:$0x3FB9] =	sst s0;
	s0 =	simm.s32 @!p1 $0x0  }
0x14: {  	s2 =	sld [smem:$0x3F9D];
	s0 =	simm.s32 @p1 $0x1  }
0x15: {  	[smem:$0x3FBA] =	sst s0;
	s0 =	simm.s32 @!p2 $0x0  }
0x16: {  	s3 =	sld [smem:$0x3FDB];
	s0 =	simm.s32 @p2 $0x1  }
0x17: {  	s4 =	simm.s32 $0x1BF5;
	[smem:$0x3FBC] =	sst s0  }
0x18: {  	s0 =	sld [smem:$0x3F9F];
	_ =	swait.ge [sflag:s4], $0x0  }
0x19: {  	s7 =	sld [smem:$0x3FA0]  }
0x1a: {  	s8 =	sadd.s32 $0xFFFFE003, lr  }
0x1b: {  	s9 =	sadd.s32 $0xFFFFFEF7, lr;
	s5 =	simm.s32 $0xFFFFFFFF;
	p2 =	slt.u32 s8, $0xFFFFF086  }
0x1c: {  	p1 =	slt.u32 s9, $0xF7A;
	s5 =	simm.s32 @!p2 $0x0  }
0x1d: {  	s5 =	simm.s32 @p1 $0x1;
	p0 =	seq.s32 s7, s2  }
0x1e: {  	s7 =	smul.u32 @!p0 $0xF7A, s2;
	p2 =	seq.s32 @!p0 s5, $0x0  }
0x1f: {  	s9 =	smul.u32 $0xF7A, s1;
	s8 =	simm.s32 @!p0 $0x1BF5;
	p2 =	por !p2, p0  }
0x20: {  	[sflag:s8] =	ssyncset.s32 @!p0 $0xFFFFF086;
	s6 =	sadd.s32 @!p0 s3, s7;
	s7 =	simm.s32 @!p0 $0x108  }
0x21: {  	s3 =	sadd.s32 s3, s9;
	s6 =	sadd.s32 @!p0 $0x88, s6;
	s7 =	simm.s32 @p2 $0x1082  }
0x22: {  	[simem:s7], [sflag:s8] =	dma.local @!p0 [hbm:s6], $0xF7A  }
0x23: {  	s9 =	sor.u32 $0xD0000000, s2;
	s6 =	simm.s32 $0x108;
	_ =	swait.ge @!p0 [sflag:s8], $0x0  }
0x24: {  	s3 =	sadd.s32 $0x88, s3;
	s6 =	simm.s32 @!p1 $0x1082;
	[sflag:s4] =	ssyncset.s32 $0xFFFFF086  }
0x25: {  	[simem:s6], [sflag:s4] =	dma.local [hbm:s3], $0xF7A  }
0x26: {  	[smem:$0x3FA0] =	sst s1;
	(tag) =	ssettag s2;
	_ =	strace s9  }
0x27: {  	s1 =	sld [smem:$0x3FB0]  }
0x28: {  	s2 =	sld [smem:$0x3FB1]  }
0x29: {  	s4 =	sld [smem:$0x3FB3]  }
0x2a: {  	p0 =	seq.s32 s5, $0x0;
	s5 =	sld [smem:$0x3FB4]  }
0x2b: {  	s6 =	sld [smem:$0x3FB5]  }
0x2c: {  	s7 =	sld [smem:$0x3FB6]  }
0x2d: {  	s3 =	simm.s32 $0x108;
	s8 =	sld [smem:$0x3FB7]  }
0x2e: {  	s3 =	simm.s32 @!p0 $0x1082;
	s9 =	sld [smem:$0x3FB8]  }
0x2f: {  	lr =	sadd.s32 s0, s3;
	s0 =	sld [smem:$0x3FAF]  }
0x30: {  	s3 =	sld [smem:$0x3FB2]  }
0x31: {  	[smem:$0x3FBB] =	sst s10  }
0x32: {  	s10 =	sld [smem:$0x3FB9];
	_ =	sdelay $0x3  }
0x33: {  	p0 =	seq.s32 s10, $0x1;
	s10 =	sld [smem:$0x3FBB];
	_ =	sdelay $0x3  }
0x34: {  	[smem:$0x3FBB] =	sst s10  }
0x35: {  	s10 =	sld [smem:$0x3FBA];
	_ =	sdelay $0x3  }
0x36: {  	p1 =	seq.s32 s10, $0x1;
	s10 =	sld [smem:$0x3FBB];
	_ =	sdelay $0x3  }
0x37: {  	[smem:$0x3FBB] =	sst s10  }
0x38: {  	s10 =	sld [smem:$0x3FBC]  }
0x39: {  	_ = 	snop;
	(pc) =	sbr.ind lr, $3  }
0x3a: {  	_ = 	snop  }
0x3b: {  	_ = 	snop  }
0x3c: {  	p2 =	seq.s32 s10, $0x1;
	s10 =	sld [smem:$0x3FBB]  }
0x3d: {  	_ =	shalt  }
0x3e: {  	_ =	shalt  }
0x3f: {  	_ =	shalt  }
0x40: {  	_ =	shalt  }
0x41: {  	_ =	shalt  }
0x42: {  	_ =	shalt  }
0x43: {  	_ =	shalt  }
0x44: {  	_ =	shalt  }
0x45: {  	_ =	shalt  }
0x46: {  	_ =	shalt  }
0x47: {  	_ =	shalt  }
0x48: {  	_ =	shalt  }
0x49: {  	_ =	shalt  }
0x4a: {  	_ =	shalt  }
0x4b: {  	_ =	shalt  }
0x4c: {  	_ =	shalt  }
0x4d: {  	_ =	shalt  }
0x4e: {  	_ =	shalt  }
0x4f: {  	_ =	shalt  }
0x50: {  	_ =	shalt  }
0x51: {  	_ =	shalt  }
0x52: {  	_ =	shalt  }
0x53: {  	_ =	shalt  }
0x54: {  	_ =	shalt  }
0x55: {  	_ =	shalt  }
0x56: {  	_ =	shalt  }
0x57: {  	_ =	shalt  }
0x58: {  	_ =	shalt  }
0x59: {  	_ =	shalt  }
0x5a: {  	_ =	shalt  }
0x5b: {  	_ =	shalt  }
0x5c: {  	_ =	shalt  }
0x5d: {  	_ =	shalt  }
0x5e: {  	_ =	shalt  }
0x5f: {  	_ =	shalt  }
0x60: {  	_ =	shalt  }
0x61: {  	_ =	shalt  }
0x62: {  	_ =	shalt  }
0x63: {  	_ =	shalt  }
0x64: {  	_ =	shalt  }
0x65: {  	_ =	shalt  }
0x66: {  	_ =	shalt  }
0x67: {  	_ =	shalt  }
0x68: {  	_ =	shalt  }
0x69: {  	_ =	shalt  }
0x6a: {  	_ =	shalt  }
0x6b: {  	_ =	shalt  }
0x6c: {  	_ =	shalt  }
0x6d: {  	_ =	shalt  }
0x6e: {  	_ =	shalt  }
0x6f: {  	_ =	shalt  }
0x70: {  	_ =	shalt  }
0x71: {  	_ =	shalt  }
0x72: {  	_ =	shalt  }
0x73: {  	_ =	shalt  }
0x74: {  	_ =	shalt  }
0x75: {  	_ =	shalt  }
0x76: {  	_ =	shalt  }
0x77: {  	_ =	shalt  }
0x78: {  	_ =	shalt  }
0x79: {  	_ =	shalt  }
0x7a: {  	_ =	shalt  }
0x7b: {  	_ =	shalt  }
0x7c: {  	_ =	shalt  }
0x7d: {  	_ =	shalt  }
0x7e: {  	_ =	shalt  }
0x7f: {  	_ =	shalt  }
0x80: {  	_ =	shalt  }
0x81: {  	_ =	shalt  }
0x82: {  	_ =	shalt  }
0x83: {  	_ =	shalt  }
0x84: {  	_ =	shalt  }
0x85: {  	_ =	shalt  }
0x86: {  	_ =	shalt  }
0x87: {  	_ =	shalt  }
.Lfunc_end0:
.L_simem_size_0:
called_computation_lowered:
.L_overlay_start_0:
0x88: {  	s2 =	sld [smem:$0x3FD9]  }
0x89: {  	s3 =	sld [smem:$0x3FFE];
	_ =	sdelay $0x1  }
0x8a: {  	s1 =	srdreg.scid  }
0x8b: {  	s0 =	sand.u32 $0x1, s1  }
0x8c: {  	s18 =	sshll.u32 s0, $0xA;
	s2 =	sadd.s32 s3, s2  }
0x8d: {  	s2 =	sadd.s32 s2, s18  }
0x8e: {  	[smem:$0x3FC7] =	sst s2  }
0x8f: {  	_ = 	snop  }
0x90: {  	s2 =	sld [smem:$0x3FC9]  }
0x91: {  	s19 =	sld [smem:$0x3FD0];
	(tm) =	ssettm $0x1  }
0x92: {  	s4 =	sld [smem:$0x3FFB];
	_ =	sdelay $0x3  }
0x93: {  	_ =	strace s4  }
0x94: {  	s4 =	sld [smem:$0x3FFC];
	_ =	sdelay $0x3  }
0x95: {  	_ =	strace s4  }
0x96: {  	s4 =	sld [smem:$0x3FFD];
	_ =	sdelay $0x3  }
0x97: {  	_ =	strace s4  }
0x98: {  	_ =	strace $0x8FFFFFFF  }
0x99: {  	s20 =	sld [smem:$0x3FDB];
	_ =	sdelay $0x1  }
0x9a: {  	s5 =	simm.s32 $_scs_section_size  }
0x9b: {  	s6 =	simm.s32 $_size__tile_overlayer_lowered;
	s7 =	simm.s32 $_tile_overlayer_lowered  }
0x9c: {  	s23 =	simm.s32 $0x1BFF;
	s22 =	sshll.u32 s7, $0x1;
	s4 =	sadd.s32 s5, s20  }
0x9d: {  	s8 =	simm.s32 $0x0;
	s21 =	sshll.u32 s6, $0x1;
	s6 =	sadd.s32 s22, s4  }
0x9e: {  	[timem:s8], [sflag:s23] =	dma.local [hbm:s6], s21  }
0x9f: {  	_ =	swait.ge [sflag:s23], s21  }
0xa0: {  	s5 =	ssub.s32 $0x0, s21;
	[sflag:s23] =	ssyncset.done $0x0  }
0xa1: {  	[sflag:s23] =	ssyncadd.s32 s5;
	_ =	sdelay $0x1  }
0xa2: {  	s24 =	simm.s32 $0x1B8B  }
0xa3: {  	_ =	swait.ge [sflag:s24], $0x1  }
0xa4: {  	[sflag:s24] =	ssyncset.done $0x0  }
0xa5: {  	s25 =	simm.s32 $0x1B8E;
	[sflag:s24] =	ssyncadd.s32 $0xFFFFFFFF  }
0xa6: {  	s26 =	simm.s32 $execute0_lowered;
	[smem:$0x3FD2] =	sst s25  }
0xa7: {  	s5 =	sshll.u32 s26, $0x1;
	_ =	strace $0x80000046;
	[dreg:$0x1] =	wrdreg $0xFFFFFFFF  }
0xa8: {  	s28 =	simm.s32 $_size_execute0_lowered;
	s4 =	sadd.s32 s4, s5;
	[dreg:$0x0] =	wrdreg $0x0  }
0xa9: {  	s5 =	sshll.u32 s28, $0x1;
	[dreg:$0x2] =	wrdreg s4  }
0xaa: {  	[dreg:$0x3] =	wrdreg s5  }
0xab: {  	[dreg:$0x4] =	wrdreg $0xC0  }
0xac: {  	_ =	task [dreg:s8], $0x5FFFF  }
0xad: {  	[dreg:$0x1] =	wrdreg $0xFFFFFFFF  }
0xae: {  	[dreg:$0x0] =	wrdreg $0x60  }
0xaf: {  	[dreg:$0x2] =	wrdreg s2  }
0xb0: {  	[dreg:$0x3] =	wrdreg s19  }
0xb1: {  	[dreg:$0x4] =	wrdreg $0x9  }
0xb2: {  	_ =	task.clear_ibuf [dreg:s8], $0x5FFFF;
	_ =	strace $0x90000046  }
0xb3: {  	s29 =	simm.s32 $0x9;
	_ =	strace $0x80000048  }
0xb4: {  	_ =	swait.ge [sflag:s29], $0x1  }
0xb5: {  	[sflag:s29] =	ssyncadd.s32 $0xFFFFFFFF  }
0xb6: {  	_ =	strace $0x90000048  }
0xb7: {  	_ =	sfence  }
0xb8: {  	s30 =	sld [smem:$0x0];
	_ =	sdelay $0x2  }
0xb9: {  	s31 =	sshll.u32 s1, $0xD;
	s1 =	sshrl.u32 s1, $0x2  }
0xba: {  	s3 =	sand.u32 $0x4000, s31;
	s1 =	sadd.s32 s1, s30  }
0xbb: {  	s0 =	sor.u32 s3, s0;
	s1 =	sshll.u32 s1, $0x11  }
0xbc: {  	s0 =	sor.u32 s1, s0  }
0xbd: {  	s0 =	sadd.s32 $0x8F2B, s0  }
0xbe: {  	[sflag:s0] =	ssyncadd.remote.s32 $0x1  }
0xbf: {  	_ =	sfence.sel $0xFFFF  }
0xc0: {  	[dreg:$0x0] =	wrdreg $0xFFFFFFFF;
	(pc) =	sbr.abs _section_cstart, $3  }
0xc1: {  	[dreg:$0x1] =	wrdreg $0xFFFFFFFF  }
0xc2: {  	_ =	task.clear_ibuf [dreg:s8], $0x2FFFF;
	_ =	strace $0x9FFFFFFF  }
0xc3: {  	(tm) =	ssettm $0x7FFFFFFF  }
tec
execute0_lowered:
.L_overlay_start_1:
0x0: {  	(tag) =	ssettag $0x1  }
0x1: {  	s0 =	srdreg.scid;
	s1 =	rddreg [dreg:$0x0]  }
0x2: {  	s7 =	stileid.u32;
	s2 =	rddreg [dreg:$0x1]  }
0x3: {  	s5 =	simm.s32 $0x1;
	s11 =	simm.s32 $0x8000;
	s12 =	simm.s32 $0x10000  }
0x4: {  	s13 =	simm.s32 $0x2;
	s14 =	simm.s32 $0x4;
	s0 =	sand.u32 $0x1, s0  }
0x5: {  	s15 =	simm.s32 $0x12000;
	s17 =	simm.s32 $0x0;
	s3 =	sor.u32 s0, s7  }
0x6: {  	p1 =	seq.s32 s0, $0x1;
	s4 =	ssub.s32 $0x2, s0;
	p0 =	seq.s32 s3, $0x0  }
0x7: {  	s8 =	sshll.u32 s0, $0x14;
	s9 =	sshll.u32 s0, $0x11;
	p0 =	por !p0, !p1  }
0x8: {  	s0 =	sshll.u32 s0, $0x12;
	s3 =	simm.s32 $0x0;
	p0 =	por !p0, !p0  }
0x9: {  	s6 =	sshrl.u32 s4, $0x1;
	s9 =	sadd.s32 s9, s1;
	s5 =	simm.s32 @!p0 $0x0  }
0xa: {  	[smem:$0x7FF] =	sst s3;
	s6 =	ssub.s32 s4, s6;
	s5 =	ssub.s32 s7, s5  }
0xb: {  	s4 =	simm.s32 $0x1;
	_ =	strace $0x80000047;
	s7 =	sshll.u32 s5, $0x15  }
.Ltmp0:
0xc: {  	v0 =	vlaneseq.u32;
	s31 =	smax.u32 s6, $0x1;
	s8 =	sor.u32 s8, s7;
	(pc) =	sbr.rel .LBB2_1-.Ltmp0, $4  }
0xd: {  	v0 =	vand.u32 $0x7, v0;
	[dreg:$0x5] =	wrdreg s31;
	s7 =	sshrl.u32 s7, $0x3;
	s8 =	sshrl.u32 s8, $0x3  }
0xe: {  	v0 =	vmul.u32 $0x2, v0;
	s28 =	sshll.u32 s5, $0x13;
	s29 =	sadd.s32 s7, s9;
	s8 =	sadd.s32 s1, s8  }
0xf: {  	s7 =	sor.u32 s0, s28;
	[dreg:$0x3] =	wrdreg s8;
	s30 =	sadd.s32 $0x1000, s8  }
0x10: {  	vm0 =	vmmov $0xff;
	v1 =	vor.u32 $0x1, v0;
	s9 =	sadd.s32 $0x3000, s29;
	s8 =	sadd.s32 $0x2000, s29;
	[dreg:$0x4] =	wrdreg s30  }
.LBB2_12:
0x11: {  	s0 =	simm.s32 $0x3  }
0x12: {  	_ =	swait.ge [sflag:s0], $0x2000  }
0x13: {  	[sflag:s0] =	ssyncset.done $0x0  }
0x14: {  	[sflag:s0] =	ssyncadd.s32 $0xFFFFE000  }
0x15: {  	_ =	swait.ge [sflag:s14], $0x2000  }
0x16: {  	s17 =	sadd.s32 $0x1, s17;
	s31 =	rddreg [dreg:$0x5]  }
0x17: {  	p0 =	sne.s32 s17, s31  }
.Ltmp1:
0x18: {  	_ = 	snop;
	(pc) =	sbr.rel @!p0 .LBB2_13-.Ltmp1, $3  }
0x19: {  	_ =	sdelay $0x1  }
0x1a: {  	[sflag:s14] =	ssyncset.done $0x0  }
0x1b: {  	[sflag:s14] =	ssyncadd.s32 $0xFFFFE000  }
.LBB2_1:
0x1c: {  	s0 =	rddreg [dreg:$0x3]  }
0x1d: {  	[tilespmem:s3], [sflag:$0x1] =	stream.linear.gather [hbm4b:s0+s3], $0x8000, $0x38;
	[tilespmem:$0x14000] =	vst v63  }
0x1e: {  	s31 =	rddreg [dreg:$0x4];
	s18 =	simm.s32 $0x0  }
0x1f: {  	[tilespmem:s11], [sflag:$0x2] =	stream.linear.gather [hbm4b:s31+s3], $0x8000, $0x38;
	[tilespmem:$0x14000] =	vst v63  }
.LBB2_2:
0x20: {  	_ =	swait.ge [sflag:s4], $0x8000  }
0x21: {  	p0 =	seq.s32 s18, $0x0;
	[sflag:s4] =	ssyncset.done $0x0  }
0x22: {  	s1 =	simm.s32 $0x0;
	s0 =	simm.s32 @!p0 $0x3;
	[sflag:s4] =	ssyncadd.s32 $0xFFFF8000  }
0x23: {  	s20 =	simm.s32 $0x0;
	s5 =	sand.u32 $0x300, s1;
	_ =	swait.ge @!p0 [sflag:s0], $0x2000  }
0x24: {  	s6 =	sand.u32 $0x3FFFE000, s20;
	s10 =	sor.u32 $0x80, s5;
	[sflag:s0] =	ssyncset.done @!p0 $0x0  }
0x25: {  	s1 =	sor.u32 s10, s6;
	[sflag:s0] =	ssyncadd.s32 @!p0 $0xFFFFE000  }
0x26: {  	v2 =	vld [tilespmem:s1+$0x0]  }
0x27: {  	v3 =	vld [tilespmem:s1+$0x10]  }
0x28: {  	v4 =	vld [tilespmem:s1+$0x1000]  }
0x29: {  	v5 =	vld [tilespmem:s1+$0x1010];
	_ =	sdelay $0x4  }
0x2a: {  	v2 =	vmax.f32 v2, v4;
	v3 =	vmax.f32 v3, v5  }
0x2b: {  	v4 =	vperm.xlane v2, v0;
	v5 =	vperm.xlane v3, v0  }
0x2c: {  	s21 =	simm.s32 $0x0;
	s25 =	sor.u32 s5, s6;
	v2 =	vperm.xlane v2, v1;
	v3 =	vperm.xlane v3, v1  }
0x2d: {  	s0 =	sand.u32 $0x3FFFF800, s21;
	v6 =	vld [tilespmem:s25+$0x0]  }
0x2e: {  	v7 =	vld [tilespmem:s25+$0x10];
	s0 =	sadd.s32 $0x10000, s0;
	v4 =	vsel vm0, v4, v5;
	v2 =	vsel vm0, v2, v3  }
0x2f: {  	s19 =	sor.u32 s10, s0;
	v3 =	vld [tilespmem:s25+$0x1000];
	v2 =	vmax.f32 v4, v2  }
0x30: {  	v4 =	vld [tilespmem:s25+$0x1010];
	[tilespmem:s19+$0x0] =	vst v2  }
0x31: {  	v2 =	vld [tilespmem:s1+$0x20]  }
0x32: {  	v5 =	vld [tilespmem:s1+$0x30]  }
0x33: {  	v8 =	vld [tilespmem:s1+$0x1020]  }
0x34: {  	v9 =	vld [tilespmem:s1+$0x1030]  }
0x35: {  	v3 =	vmax.f32 v6, v3  }
0x36: {  	v4 =	vmax.f32 v7, v4;
	v6 =	vperm.xlane v3, v0;
	v3 =	vperm.xlane v3, v1  }
0x37: {  	v7 =	vperm.xlane v4, v0;
	v4 =	vperm.xlane v4, v1  }
0x38: {  	v2 =	vmax.f32 v2, v8  }
0x39: {  	v6 =	vsel vm0, v6, v7;
	v3 =	vsel vm0, v3, v4;
	v4 =	vmax.f32 v5, v9  }
0x3a: {  	s20 =	sor.u32 s5, s0;
	v5 =	vperm.xlane v2, v0;
	v2 =	vperm.xlane v2, v1;
	v3 =	vmax.f32 v6, v3  }
0x3b: {  	v6 =	vperm.xlane v4, v0;
	[tilespmem:s20+$0x0] =	vst v3;
	v3 =	vperm.xlane v4, v1  }
0x3c: {  	v4 =	vld [tilespmem:s25+$0x20]  }
0x3d: {  	v7 =	vld [tilespmem:s25+$0x30];
	v5 =	vsel vm0, v5, v6;
	v2 =	vsel vm0, v2, v3  }
0x3e: {  	v3 =	vld [tilespmem:s25+$0x1020];
	v2 =	vmax.f32 v5, v2  }
0x3f: {  	v5 =	vld [tilespmem:s25+$0x1030];
	[tilespmem:s19+$0x10] =	vst v2  }
0x40: {  	v2 =	vld [tilespmem:s1+$0x40]  }
0x41: {  	v6 =	vld [tilespmem:s1+$0x50]  }
0x42: {  	v8 =	vld [tilespmem:s1+$0x1040]  }
0x43: {  	v9 =	vld [tilespmem:s1+$0x1050]  }
0x44: {  	v3 =	vmax.f32 v4, v3  }
0x45: {  	v4 =	vmax.f32 v7, v5;
	v5 =	vperm.xlane v3, v0;
	v3 =	vperm.xlane v3, v1  }
0x46: {  	v7 =	vperm.xlane v4, v0;
	v4 =	vperm.xlane v4, v1  }
0x47: {  	v2 =	vmax.f32 v2, v8  }
0x48: {  	v5 =	vsel vm0, v5, v7;
	v3 =	vsel vm0, v3, v4;
	v4 =	vmax.f32 v6, v9  }
0x49: {  	v3 =	vmax.f32 v5, v3;
	v5 =	vperm.xlane v2, v0;
	v6 =	vperm.xlane v4, v0  }
0x4a: {  	v2 =	vperm.xlane v2, v1;
	[tilespmem:s20+$0x10] =	vst v3;
	v3 =	vperm.xlane v4, v1  }
0x4b: {  	v4 =	vld [tilespmem:s25+$0x40]  }
0x4c: {  	v7 =	vld [tilespmem:s25+$0x50];
	v5 =	vsel vm0, v5, v6;
	v2 =	vsel vm0, v2, v3  }
0x4d: {  	v3 =	vld [tilespmem:s25+$0x1040];
	v2 =	vmax.f32 v5, v2  }
0x4e: {  	v5 =	vld [tilespmem:s25+$0x1050];
	[tilespmem:s19+$0x20] =	vst v2  }
0x4f: {  	v2 =	vld [tilespmem:s1+$0x60]  }
0x50: {  	v6 =	vld [tilespmem:s1+$0x70]  }
0x51: {  	v8 =	vld [tilespmem:s1+$0x1060]  }
0x52: {  	v9 =	vld [tilespmem:s1+$0x1070]  }
0x53: {  	v3 =	vmax.f32 v4, v3  }
0x54: {  	v4 =	vmax.f32 v7, v5;
	v5 =	vperm.xlane v3, v0;
	v3 =	vperm.xlane v3, v1  }
0x55: {  	v7 =	vperm.xlane v4, v0;
	v4 =	vperm.xlane v4, v1  }
0x56: {  	v2 =	vmax.f32 v2, v8  }
0x57: {  	v5 =	vsel vm0, v5, v7;
	v3 =	vsel vm0, v3, v4;
	v4 =	vmax.f32 v6, v9  }
0x58: {  	v3 =	vmax.f32 v5, v3;
	v5 =	vperm.xlane v2, v0;
	v6 =	vperm.xlane v4, v0  }
0x59: {  	v2 =	vperm.xlane v2, v1;
	[tilespmem:s20+$0x20] =	vst v3;
	v3 =	vperm.xlane v4, v1;
	_ =	sdelay $0x1  }
0x5a: {  	v4 =	vld [tilespmem:s25+$0x60];
	v5 =	vsel vm0, v5, v6;
	v2 =	vsel vm0, v2, v3  }
0x5b: {  	v7 =	vld [tilespmem:s25+$0x70];
	v2 =	vmax.f32 v5, v2  }
0x5c: {  	v3 =	vld [tilespmem:s25+$0x1060];
	[tilespmem:s19+$0x30] =	vst v2  }
0x5d: {  	v2 =	vld [tilespmem:s1+$0x400]  }
0x5e: {  	v5 =	vld [tilespmem:s1+$0x410]  }
0x5f: {  	v6 =	vld [tilespmem:s1+$0x1400]  }
0x60: {  	v8 =	vld [tilespmem:s1+$0x1410];
	_ =	sdelay $0x4  }
0x61: {  	v2 =	vmax.f32 v2, v6;
	v5 =	vmax.f32 v5, v8  }
0x62: {  	v6 =	vperm.xlane v2, v0;
	v8 =	vperm.xlane v5, v0  }
0x63: {  	v2 =	vperm.xlane v2, v1;
	v5 =	vperm.xlane v5, v1;
	_ =	sdelay $0x1  }
0x64: {  	v6 =	vsel vm0, v6, v8;
	v2 =	vsel vm0, v2, v5  }
0x65: {  	v5 =	vld [tilespmem:s25+$0x1070];
	v2 =	vmax.f32 v6, v2  }
0x66: {  	[tilespmem:s19+$0x40] =	vst v2  }
0x67: {  	v2 =	vld [tilespmem:s1+$0x420]  }
0x68: {  	v6 =	vld [tilespmem:s1+$0x430]  }
0x69: {  	v3 =	vmax.f32 v4, v3;
	v8 =	vld [tilespmem:s1+$0x1420]  }
0x6a: {  	v4 =	vmax.f32 v7, v5;
	v5 =	vld [tilespmem:s1+$0x1430];
	v7 =	vperm.xlane v3, v0;
	v3 =	vperm.xlane v3, v1  }
0x6b: {  	v9 =	vperm.xlane v4, v0;
	v4 =	vperm.xlane v4, v1;
	_ =	sdelay $0x1  }
0x6c: {  	v7 =	vsel vm0, v7, v9;
	v3 =	vsel vm0, v3, v4  }
0x6d: {  	v2 =	vmax.f32 v2, v8;
	v3 =	vmax.f32 v7, v3  }
0x6e: {  	v4 =	vmax.f32 v6, v5;
	[tilespmem:s20+$0x30] =	vst v3;
	v3 =	vperm.xlane v2, v0;
	v2 =	vperm.xlane v2, v1  }
0x6f: {  	v5 =	vperm.xlane v4, v0;
	v6 =	vld [tilespmem:s25+$0x400];
	v4 =	vperm.xlane v4, v1  }
0x70: {  	v7 =	vld [tilespmem:s25+$0x410]  }
0x71: {  	v8 =	vld [tilespmem:s25+$0x1400];
	v3 =	vsel vm0, v3, v5;
	v2 =	vsel vm0, v2, v4  }
0x72: {  	v4 =	vld [tilespmem:s25+$0x1410];
	v2 =	vmax.f32 v3, v2  }
0x73: {  	[tilespmem:s19+$0x50] =	vst v2  }
0x74: {  	v2 =	vld [tilespmem:s1+$0x440]  }
0x75: {  	v3 =	vld [tilespmem:s1+$0x450]  }
0x76: {  	v5 =	vld [tilespmem:s1+$0x1440];
	v6 =	vmax.f32 v6, v8  }
0x77: {  	v8 =	vperm.xlane v6, v0;
	v6 =	vperm.xlane v6, v1;
	v4 =	vmax.f32 v7, v4;
	v7 =	vld [tilespmem:s1+$0x1450]  }
0x78: {  	v9 =	vperm.xlane v4, v0;
	v4 =	vperm.xlane v4, v1;
	_ =	sdelay $0x1  }
0x79: {  	v8 =	vsel vm0, v8, v9;
	v4 =	vsel vm0, v6, v4  }
0x7a: {  	v2 =	vmax.f32 v2, v5;
	v4 =	vmax.f32 v8, v4  }
0x7b: {  	v3 =	vmax.f32 v3, v7;
	[tilespmem:s20+$0x40] =	vst v4;
	v4 =	vperm.xlane v2, v0;
	v2 =	vperm.xlane v2, v1  }
0x7c: {  	v5 =	vperm.xlane v3, v0;
	v6 =	vld [tilespmem:s25+$0x420];
	v3 =	vperm.xlane v3, v1  }
0x7d: {  	v7 =	vld [tilespmem:s25+$0x430]  }
0x7e: {  	v8 =	vld [tilespmem:s25+$0x1420];
	v4 =	vsel vm0, v4, v5;
	v2 =	vsel vm0, v2, v3  }
0x7f: {  	v3 =	vld [tilespmem:s25+$0x1430];
	v2 =	vmax.f32 v4, v2  }
0x80: {  	[tilespmem:s19+$0x60] =	vst v2  }
0x81: {  	v2 =	vld [tilespmem:s1+$0x460]  }
0x82: {  	v4 =	vld [tilespmem:s1+$0x470]  }
0x83: {  	v5 =	vld [tilespmem:s1+$0x1460];
	v6 =	vmax.f32 v6, v8  }
0x84: {  	v8 =	vperm.xlane v6, v0;
	v6 =	vperm.xlane v6, v1;
	v3 =	vmax.f32 v7, v3;
	v7 =	vld [tilespmem:s1+$0x1470]  }
0x85: {  	v9 =	vperm.xlane v3, v0;
	v3 =	vperm.xlane v3, v1;
	_ =	sdelay $0x1  }
0x86: {  	v8 =	vsel vm0, v8, v9;
	v3 =	vsel vm0, v6, v3  }
0x87: {  	v2 =	vmax.f32 v2, v5;
	v3 =	vmax.f32 v8, v3  }
0x88: {  	v4 =	vmax.f32 v4, v7;
	[tilespmem:s20+$0x50] =	vst v3;
	v3 =	vperm.xlane v2, v0;
	v2 =	vperm.xlane v2, v1  }
0x89: {  	s22 =	simm.s32 $0x100;
	v5 =	vperm.xlane v4, v0;
	v6 =	vld [tilespmem:s25+$0x440];
	v4 =	vperm.xlane v4, v1  }
0x8a: {  	s24 =	simm.s32 $0x800;
	s23 =	sand.u32 $0x300, s22;
	v7 =	vld [tilespmem:s25+$0x450]  }
0x8b: {  	s26 =	sand.u32 $0x3FFFE000, s24;
	s30 =	sor.u32 $0x80, s23;
	v8 =	vld [tilespmem:s25+$0x1440];
	v3 =	vsel vm0, v3, v5;
	v2 =	vsel vm0, v2, v4  }
0x8c: {  	s0 =	sor.u32 s30, s26;
	v4 =	vld [tilespmem:s25+$0x1450];
	v2 =	vmax.f32 v3, v2  }
0x8d: {  	v10 =	vld [tilespmem:s0+$0x0];
	[tilespmem:s19+$0x70] =	vst v2  }
0x8e: {  	v2 =	vld [tilespmem:s1+$0x800]  }
0x8f: {  	v3 =	vld [tilespmem:s1+$0x810]  }
0x90: {  	v5 =	vld [tilespmem:s1+$0x1800];
	v6 =	vmax.f32 v6, v8  }
0x91: {  	v8 =	vperm.xlane v6, v0;
	v6 =	vperm.xlane v6, v1;
	v4 =	vmax.f32 v7, v4;
	v7 =	vld [tilespmem:s1+$0x1810]  }
0x92: {  	v11 =	vld [tilespmem:s0+$0x10];
	v9 =	vperm.xlane v4, v0;
	v4 =	vperm.xlane v4, v1  }
0x93: {  	v12 =	vld [tilespmem:s0+$0x1000]  }
0x94: {  	v4 =	vsel vm0, v6, v4;
	v6 =	vld [tilespmem:s0+$0x1010]  }
0x95: {  	v8 =	vsel vm0, v8, v9  }
0x96: {  	s22 =	sor.u32 s23, s26;
	v2 =	vmax.f32 v2, v5;
	v4 =	vmax.f32 v8, v4;
	v3 =	vmax.f32 v3, v7  }
0x97: {  	v13 =	vld [tilespmem:s22+$0x0];
	v5 =	vperm.xlane v2, v0;
	[tilespmem:s20+$0x60] =	vst v4;
	v8 =	vperm.xlane v3, v0  }
0x98: {  	v2 =	vperm.xlane v2, v1;
	v4 =	vld [tilespmem:s25+$0x460];
	v3 =	vperm.xlane v3, v1  }
0x99: {  	v10 =	vmax.f32 v10, v12;
	v7 =	vld [tilespmem:s25+$0x470];
	v6 =	vmax.f32 v11, v6;
	v5 =	vsel vm0, v5, v8  }
0x9a: {  	v9 =	vld [tilespmem:s25+$0x1460];
	v8 =	vperm.xlane v10, v0;
	v2 =	vsel vm0, v2, v3;
	v3 =	vperm.xlane v10, v1  }
0x9b: {  	s31 =	simm.s32 $0x200;
	v11 =	vld [tilespmem:s25+$0x1470];
	v12 =	vperm.xlane v6, v0;
	v6 =	vperm.xlane v6, v1  }
0x9c: {  	s6 =	sand.u32 $0x3FFFF800, s31;
	v10 =	vld [tilespmem:s22+$0x10];
	v2 =	vmax.f32 v5, v2  }
0x9d: {  	s6 =	sadd.s32 $0x10000, s6;
	v5 =	vld [tilespmem:s22+$0x1000];
	[tilespmem:s19+$0x400] =	vst v2;
	v2 =	vsel vm0, v8, v12;
	v3 =	vsel vm0, v3, v6  }
0x9e: {  	s30 =	sor.u32 s30, s6;
	v6 =	vld [tilespmem:s1+$0x820];
	v2 =	vmax.f32 v2, v3  }
0x9f: {  	v3 =	vld [tilespmem:s22+$0x1010];
	[tilespmem:s30+$0x0] =	vst v2  }
0xa0: {  	v2 =	vmax.f32 v4, v9;
	v4 =	vmax.f32 v7, v11;
	v7 =	vld [tilespmem:s0+$0x20]  }
0xa1: {  	v8 =	vperm.xlane v2, v0;
	v9 =	vperm.xlane v4, v0;
	v11 =	vld [tilespmem:s0+$0x30]  }
0xa2: {  	v2 =	vperm.xlane v2, v1;
	v4 =	vperm.xlane v4, v1;
	v12 =	vld [tilespmem:s0+$0x1020]  }
0xa3: {  	v8 =	vsel vm0, v8, v9;
	v9 =	vld [tilespmem:s0+$0x1030]  }
0xa4: {  	v5 =	vmax.f32 v13, v5;
	v2 =	vsel vm0, v2, v4;
	v4 =	vld [tilespmem:s1+$0x830];
	v3 =	vmax.f32 v10, v3  }
0xa5: {  	v2 =	vmax.f32 v8, v2;
	v8 =	vld [tilespmem:s1+$0x1820];
	v10 =	vperm.xlane v5, v0;
	v13 =	vperm.xlane v3, v0  }
0xa6: {  	v5 =	vperm.xlane v5, v1;
	[tilespmem:s20+$0x70] =	vst v2;
	v2 =	vld [tilespmem:s1+$0x1830];
	v3 =	vperm.xlane v3, v1  }
0xa7: {  	v14 =	vld [tilespmem:s25+$0x800];
	v10 =	vsel vm0, v10, v13  }
0xa8: {  	v13 =	vld [tilespmem:s25+$0x810];
	v3 =	vsel vm0, v5, v3;
	v5 =	vmax.f32 v7, v12;
	v7 =	vmax.f32 v11, v9  }
0xa9: {  	s21 =	sor.u32 s23, s6;
	v12 =	vld [tilespmem:s25+$0x1810];
	v3 =	vmax.f32 v10, v3;
	v10 =	vperm.xlane v5, v0;
	v11 =	vperm.xlane v7, v0  }
0xaa: {  	v9 =	vld [tilespmem:s25+$0x1800];
	[tilespmem:s21+$0x0] =	vst v3;
	v3 =	vperm.xlane v5, v1;
	v5 =	vperm.xlane v7, v1  }
0xab: {  	v7 =	vld [tilespmem:s22+$0x20]  }
0xac: {  	v15 =	vld [tilespmem:s22+$0x30];
	v10 =	vsel vm0, v10, v11;
	v3 =	vsel vm0, v3, v5  }
0xad: {  	v2 =	vmax.f32 v4, v2;
	v4 =	vld [tilespmem:s22+$0x1020];
	v5 =	vmax.f32 v6, v8;
	v3 =	vmax.f32 v10, v3  }
0xae: {  	v8 =	vperm.xlane v2, v0;
	v6 =	vperm.xlane v5, v0;
	v10 =	vld [tilespmem:s22+$0x1030];
	[tilespmem:s30+$0x10] =	vst v3  }
0xaf: {  	v2 =	vperm.xlane v2, v1;
	v3 =	vperm.xlane v5, v1;
	v5 =	vld [tilespmem:s0+$0x40]  }
0xb0: {  	v9 =	vmax.f32 v14, v9;
	v6 =	vsel vm0, v6, v8;
	v8 =	vld [tilespmem:s0+$0x50]  }
0xb1: {  	v11 =	vmax.f32 v13, v12;
	v12 =	vld [tilespmem:s0+$0x1040];
	v2 =	vsel vm0, v3, v2;
	v3 =	vperm.xlane v9, v0  }
0xb2: {  	v13 =	vld [tilespmem:s0+$0x1050];
	v2 =	vmax.f32 v6, v2;
	v6 =	vperm.xlane v9, v1;
	v9 =	vperm.xlane v11, v0  }
0xb3: {  	v4 =	vmax.f32 v7, v4;
	[tilespmem:s19+$0x410] =	vst v2;
	v2 =	vperm.xlane v11, v1;
	v7 =	vmax.f32 v15, v10  }
0xb4: {  	v10 =	vld [tilespmem:s1+$0x840];
	v3 =	vsel vm0, v3, v9;
	v9 =	vperm.xlane v4, v0;
	v11 =	vperm.xlane v7, v0  }
0xb5: {  	v14 =	vld [tilespmem:s1+$0x850];
	v4 =	vperm.xlane v4, v1;
	v2 =	vsel vm0, v6, v2;
	v6 =	vperm.xlane v7, v1  }
0xb6: {  	v7 =	vld [tilespmem:s1+$0x1840];
	v5 =	vmax.f32 v5, v12;
	v2 =	vmax.f32 v3, v2  }
0xb7: {  	v3 =	vsel vm0, v9, v11;
	v9 =	vld [tilespmem:s1+$0x1850];
	v4 =	vsel vm0, v4, v6;
	v6 =	vmax.f32 v8, v13  }
0xb8: {  	[tilespmem:s20+$0x400] =	vst v2;
	v2 =	vmax.f32 v3, v4;
	v3 =	vperm.xlane v5, v0;
	v4 =	vperm.xlane v6, v0  }
0xb9: {  	v8 =	vld [tilespmem:s25+$0x820];
	[tilespmem:s21+$0x10] =	vst v2;
	v2 =	vperm.xlane v5, v1;
	v5 =	vperm.xlane v6, v1  }
0xba: {  	v6 =	vld [tilespmem:s22+$0x40]  }
0xbb: {  	v11 =	vld [tilespmem:s22+$0x50];
	v3 =	vsel vm0, v3, v4;
	v2 =	vsel vm0, v2, v5  }
0xbc: {  	v4 =	vmax.f32 v10, v7;
	v7 =	vld [tilespmem:s22+$0x1040];
	v5 =	vmax.f32 v14, v9;
	v2 =	vmax.f32 v3, v2  }
0xbd: {  	v10 =	vld [tilespmem:s22+$0x1050];
	v3 =	vperm.xlane v4, v0;
	v9 =	vperm.xlane v5, v0;
	[tilespmem:s30+$0x20] =	vst v2  }
0xbe: {  	v2 =	vperm.xlane v4, v1;
	v4 =	vperm.xlane v5, v1;
	v5 =	vld [tilespmem:s0+$0x60]  }
0xbf: {  	v12 =	vld [tilespmem:s0+$0x70]  }
0xc0: {  	v3 =	vsel vm0, v3, v9;
	v2 =	vsel vm0, v2, v4;
	v4 =	vld [tilespmem:s0+$0x1060]  }
0xc1: {  	v2 =	vmax.f32 v3, v2;
	v3 =	vld [tilespmem:s0+$0x1070]  }
0xc2: {  	v9 =	vld [tilespmem:s25+$0x830];
	[tilespmem:s19+$0x420] =	vst v2;
	v2 =	vmax.f32 v6, v7;
	v6 =	vmax.f32 v11, v10  }
0xc3: {  	v7 =	vld [tilespmem:s1+$0x860];
	v10 =	vperm.xlane v2, v0;
	v11 =	vperm.xlane v6, v0  }
0xc4: {  	v13 =	vld [tilespmem:s1+$0x870];
	v2 =	vperm.xlane v2, v1;
	v6 =	vperm.xlane v6, v1  }
0xc5: {  	v14 =	vld [tilespmem:s1+$0x1860];
	v10 =	vsel vm0, v10, v11  }
0xc6: {  	v11 =	vld [tilespmem:s1+$0x1870];
	v2 =	vsel vm0, v2, v6;
	v4 =	vmax.f32 v5, v4;
	v3 =	vmax.f32 v12, v3  }
0xc7: {  	v5 =	vld [tilespmem:s25+$0x1820];
	v2 =	vmax.f32 v10, v2;
	v6 =	vperm.xlane v4, v0;
	v10 =	vperm.xlane v3, v0  }
0xc8: {  	v12 =	vld [tilespmem:s25+$0x1830];
	[tilespmem:s21+$0x20] =	vst v2;
	v2 =	vperm.xlane v4, v1;
	v3 =	vperm.xlane v3, v1  }
0xc9: {  	v4 =	vld [tilespmem:s22+$0x60]  }
0xca: {  	v15 =	vld [tilespmem:s22+$0x70];
	v6 =	vsel vm0, v6, v10;
	v2 =	vsel vm0, v2, v3  }
0xcb: {  	v3 =	vmax.f32 v7, v14;
	v10 =	vld [tilespmem:s22+$0x1060];
	v2 =	vmax.f32 v6, v2  }
0xcc: {  	v7 =	vmax.f32 v13, v11;
	v6 =	vperm.xlane v3, v0;
	v13 =	vld [tilespmem:s22+$0x1070];
	v3 =	vperm.xlane v3, v1;
	[tilespmem:s30+$0x30] =	vst v2  }
0xcd: {  	v11 =	vperm.xlane v7, v0;
	v2 =	vmax.f32 v8, v5;
	v5 =	vperm.xlane v7, v1;
	v7 =	vld [tilespmem:s0+$0x400]  }
0xce: {  	v8 =	vperm.xlane v2, v0;
	v14 =	vld [tilespmem:s0+$0x410]  }
0xcf: {  	v6 =	vsel vm0, v6, v11;
	v3 =	vsel vm0, v3, v5;
	v5 =	vmax.f32 v9, v12;
	v9 =	vld [tilespmem:s0+$0x1400]  }
0xd0: {  	v2 =	vperm.xlane v2, v1;
	v11 =	vld [tilespmem:s0+$0x1410];
	v3 =	vmax.f32 v6, v3;
	v6 =	vperm.xlane v5, v0  }
0xd1: {  	v4 =	vmax.f32 v4, v10;
	[tilespmem:s19+$0x430] =	vst v3;
	v3 =	vperm.xlane v5, v1;
	v5 =	vmax.f32 v15, v13  }
0xd2: {  	v10 =	vld [tilespmem:s1+$0xC00];
	v6 =	vsel vm0, v8, v6;
	v8 =	vperm.xlane v4, v0;
	v12 =	vperm.xlane v5, v0  }
0xd3: {  	v13 =	vld [tilespmem:s1+$0xC10];
	v2 =	vsel vm0, v2, v3;
	v3 =	vperm.xlane v4, v1;
	v4 =	vperm.xlane v5, v1  }
0xd4: {  	v5 =	vld [tilespmem:s1+$0x1C00];
	v2 =	vmax.f32 v6, v2;
	v6 =	vsel vm0, v8, v12  }
0xd5: {  	v8 =	vld [tilespmem:s1+$0x1C10];
	v3 =	vsel vm0, v3, v4;
	v4 =	vmax.f32 v7, v9;
	v7 =	vmax.f32 v14, v11  }
0xd6: {  	[tilespmem:s20+$0x410] =	vst v2;
	v2 =	vmax.f32 v6, v3;
	v3 =	vperm.xlane v4, v0;
	v6 =	vperm.xlane v7, v0  }
0xd7: {  	v9 =	vld [tilespmem:s25+$0x840];
	[tilespmem:s21+$0x30] =	vst v2;
	v2 =	vperm.xlane v4, v1;
	v4 =	vperm.xlane v7, v1  }
0xd8: {  	v7 =	vld [tilespmem:s22+$0x400]  }
0xd9: {  	v11 =	vld [tilespmem:s22+$0x410];
	v3 =	vsel vm0, v3, v6;
	v2 =	vsel vm0, v2, v4  }
0xda: {  	v6 =	vld [tilespmem:s22+$0x1400];
	v4 =	vmax.f32 v10, v5;
	v5 =	vmax.f32 v13, v8;
	v2 =	vmax.f32 v3, v2  }
0xdb: {  	v10 =	vld [tilespmem:s22+$0x1410];
	v3 =	vperm.xlane v4, v0;
	v8 =	vperm.xlane v5, v0;
	[tilespmem:s30+$0x40] =	vst v2  }
0xdc: {  	v2 =	vperm.xlane v4, v1;
	v4 =	vperm.xlane v5, v1;
	v5 =	vld [tilespmem:s0+$0x420]  }
0xdd: {  	v12 =	vld [tilespmem:s0+$0x430]  }
0xde: {  	v3 =	vsel vm0, v3, v8;
	v2 =	vsel vm0, v2, v4;
	v4 =	vld [tilespmem:s0+$0x1420]  }
0xdf: {  	v2 =	vmax.f32 v3, v2;
	v3 =	vld [tilespmem:s0+$0x1430]  }
0xe0: {  	v8 =	vld [tilespmem:s25+$0x850];
	[tilespmem:s19+$0x440] =	vst v2;
	v2 =	vmax.f32 v7, v6;
	v6 =	vmax.f32 v11, v10  }
0xe1: {  	v7 =	vld [tilespmem:s1+$0xC20];
	v10 =	vperm.xlane v2, v0;
	v11 =	vperm.xlane v6, v0  }
0xe2: {  	v13 =	vld [tilespmem:s1+$0xC30];
	v2 =	vperm.xlane v2, v1;
	v6 =	vperm.xlane v6, v1  }
0xe3: {  	v14 =	vld [tilespmem:s1+$0x1C20];
	v10 =	vsel vm0, v10, v11  }
0xe4: {  	v11 =	vld [tilespmem:s1+$0x1C30];
	v2 =	vsel vm0, v2, v6;
	v4 =	vmax.f32 v5, v4;
	v3 =	vmax.f32 v12, v3  }
0xe5: {  	v5 =	vld [tilespmem:s25+$0x1840];
	v2 =	vmax.f32 v10, v2;
	v6 =	vperm.xlane v4, v0;
	v10 =	vperm.xlane v3, v0  }
0xe6: {  	v12 =	vld [tilespmem:s25+$0x1850];
	[tilespmem:s21+$0x40] =	vst v2;
	v2 =	vperm.xlane v4, v1;
	v3 =	vperm.xlane v3, v1  }
0xe7: {  	v4 =	vld [tilespmem:s22+$0x420]  }
0xe8: {  	v15 =	vld [tilespmem:s22+$0x430];
	v6 =	vsel vm0, v6, v10;
	v2 =	vsel vm0, v2, v3  }
0xe9: {  	v3 =	vmax.f32 v7, v14;
	v10 =	vld [tilespmem:s22+$0x1420];
	v2 =	vmax.f32 v6, v2  }
0xea: {  	v7 =	vmax.f32 v13, v11;
	v6 =	vperm.xlane v3, v0;
	v13 =	vld [tilespmem:s22+$0x1430];
	v3 =	vperm.xlane v3, v1;
	[tilespmem:s30+$0x50] =	vst v2  }
0xeb: {  	v11 =	vperm.xlane v7, v0;
	v2 =	vmax.f32 v9, v5;
	v5 =	vperm.xlane v7, v1;
	v7 =	vld [tilespmem:s0+$0x440]  }
0xec: {  	v9 =	vperm.xlane v2, v0;
	v14 =	vld [tilespmem:s0+$0x450]  }
0xed: {  	v6 =	vsel vm0, v6, v11;
	v3 =	vsel vm0, v3, v5;
	v5 =	vmax.f32 v8, v12;
	v8 =	vld [tilespmem:s0+$0x1440]  }
0xee: {  	v2 =	vperm.xlane v2, v1;
	v11 =	vld [tilespmem:s0+$0x1450];
	v3 =	vmax.f32 v6, v3;
	v6 =	vperm.xlane v5, v0  }
0xef: {  	v5 =	vperm.xlane v5, v1;
	v4 =	vmax.f32 v4, v10;
	v10 =	vmax.f32 v15, v13  }
0xf0: {  	[tilespmem:s19+$0x450] =	vst v3;
	v3 =	vsel vm0, v9, v6;
	v6 =	vperm.xlane v4, v0;
	v9 =	vperm.xlane v10, v0  }
0xf1: {  	v12 =	vld [tilespmem:s1+$0xC40];
	v2 =	vsel vm0, v2, v5;
	v4 =	vperm.xlane v4, v1;
	v5 =	vperm.xlane v10, v1  }
0xf2: {  	v10 =	vld [tilespmem:s1+$0xC50];
	v2 =	vmax.f32 v3, v2;
	v3 =	vsel vm0, v6, v9  }
0xf3: {  	v6 =	vld [tilespmem:s1+$0x1C40];
	v4 =	vsel vm0, v4, v5;
	v5 =	vmax.f32 v7, v8;
	v7 =	vmax.f32 v14, v11  }
0xf4: {  	v8 =	vld [tilespmem:s1+$0x1C50];
	[tilespmem:s20+$0x420] =	vst v2;
	v2 =	vmax.f32 v3, v4;
	v3 =	vperm.xlane v5, v0;
	v4 =	vperm.xlane v7, v0  }
0xf5: {  	[tilespmem:s21+$0x50] =	vst v2;
	v2 =	vperm.xlane v5, v1;
	v5 =	vperm.xlane v7, v1  }
0xf6: {  	v7 =	vld [tilespmem:s22+$0x440]  }
0xf7: {  	v11 =	vld [tilespmem:s22+$0x450];
	v3 =	vsel vm0, v3, v4;
	v2 =	vsel vm0, v2, v5  }
0xf8: {  	v4 =	vld [tilespmem:s22+$0x1440];
	v2 =	vmax.f32 v3, v2  }
0xf9: {  	v3 =	vmax.f32 v12, v6;
	v5 =	vmax.f32 v10, v8;
	v6 =	vld [tilespmem:s22+$0x1450];
	[tilespmem:s30+$0x60] =	vst v2  }
0xfa: {  	v2 =	vperm.xlane v3, v0;
	v8 =	vperm.xlane v5, v0;
	v10 =	vld [tilespmem:s0+$0x460]  }
0xfb: {  	v3 =	vperm.xlane v3, v1;
	v5 =	vperm.xlane v5, v1;
	v12 =	vld [tilespmem:s0+$0x470]  }
0xfc: {  	v13 =	vld [tilespmem:s0+$0x1460]  }
0xfd: {  	v2 =	vsel vm0, v2, v8;
	v3 =	vsel vm0, v3, v5;
	v8 =	vld [tilespmem:s0+$0x1470]  }
0xfe: {  	v9 =	vld [tilespmem:s25+$0x860];
	v2 =	vmax.f32 v2, v3;
	v3 =	vmax.f32 v7, v4  }
0xff: {  	v14 =	vld [tilespmem:s25+$0x870];
	v5 =	vmax.f32 v11, v6;
	v7 =	vperm.xlane v3, v0;
	v3 =	vperm.xlane v3, v1  }
0x100: {  	v6 =	vld [tilespmem:s25+$0x1860];
	[tilespmem:s19+$0x460] =	vst v2;
	v11 =	vperm.xlane v5, v0;
	v15 =	vperm.xlane v5, v1  }
0x101: {  	v4 =	vld [tilespmem:s1+$0xC60];
	v10 =	vmax.f32 v10, v13  }
0x102: {  	v2 =	vld [tilespmem:s1+$0xC70];
	v7 =	vsel vm0, v7, v11;
	v11 =	vsel vm0, v3, v15;
	v8 =	vmax.f32 v12, v8  }
0x103: {  	v5 =	vld [tilespmem:s1+$0x1C60];
	v7 =	vmax.f32 v7, v11;
	v11 =	vperm.xlane v10, v0;
	v12 =	vperm.xlane v8, v0  }
0x104: {  	s16 =	simm.s32 $0x200;
	s23 =	simm.s32 $0x1000;
	v13 =	vld [tilespmem:s25+$0x1870];
	v8 =	vperm.xlane v8, v1;
	[tilespmem:s21+$0x60] =	vst v7;
	v7 =	vperm.xlane v10, v1  }
0x105: {  	s24 =	sand.u32 $0x3FFFE000, s23;
	v3 =	vld [tilespmem:s1+$0x1C70];
	s1 =	sand.u32 $0x300, s16  }
0x106: {  	s23 =	sor.u32 s1, s24;
	v11 =	vsel vm0, v11, v12;
	v7 =	vsel vm0, v7, v8  }
0x107: {  	v27 =	vld [tilespmem:s23+$0x0];
	v7 =	vmax.f32 v11, v7  }
0x108: {  	v29 =	vld [tilespmem:s23+$0x1000];
	[tilespmem:s30+$0x70] =	vst v7  }
0x109: {  	v6 =	vmax.f32 v9, v6;
	v7 =	vld [tilespmem:s0+$0x800]  }
0x10a: {  	v12 =	vperm.xlane v6, v0;
	v6 =	vperm.xlane v6, v1;
	v13 =	vmax.f32 v14, v13;
	v9 =	vld [tilespmem:s0+$0x810]  }
0x10b: {  	s26 =	sor.u32 $0x80, s1;
	v16 =	vperm.xlane v13, v0;
	v13 =	vperm.xlane v13, v1;
	v14 =	vld [tilespmem:s0+$0x1800]  }
0x10c: {  	s5 =	sor.u32 s26, s24;
	v17 =	vld [tilespmem:s0+$0x1810]  }
0x10d: {  	v18 =	vld [tilespmem:s5+$0x0];
	v12 =	vsel vm0, v12, v16;
	v6 =	vsel vm0, v6, v13  }
0x10e: {  	v13 =	vld [tilespmem:s5+$0x10];
	v6 =	vmax.f32 v12, v6  }
0x10f: {  	[tilespmem:s20+$0x430] =	vst v6;
	v6 =	vld [tilespmem:s5+$0x1010]  }
0x110: {  	v12 =	vld [tilespmem:s5+$0x1000]  }
0x111: {  	v10 =	vld [tilespmem:s22+$0x460];
	v7 =	vmax.f32 v7, v14;
	v9 =	vmax.f32 v9, v17  }
0x112: {  	v15 =	vld [tilespmem:s22+$0x470];
	v26 =	vperm.xlane v7, v0;
	v19 =	vperm.xlane v9, v0  }
0x113: {  	v8 =	vld [tilespmem:s22+$0x1460];
	v7 =	vperm.xlane v7, v1;
	v9 =	vperm.xlane v9, v1  }
0x114: {  	v11 =	vld [tilespmem:s22+$0x1470];
	v6 =	vmax.f32 v13, v6  }
0x115: {  	v25 =	vld [tilespmem:s25+$0xC00];
	v17 =	vsel vm0, v26, v19;
	v7 =	vsel vm0, v7, v9;
	v9 =	vmax.f32 v18, v12  }
0x116: {  	v20 =	vld [tilespmem:s25+$0x1C00];
	v28 =	vperm.xlane v6, v0;
	v6 =	vperm.xlane v6, v1;
	v7 =	vmax.f32 v17, v7  }
0x117: {  	s31 =	simm.s32 $0x400;
	v21 =	vld [tilespmem:s25+$0x1C10];
	v13 =	vperm.xlane v9, v0;
	[tilespmem:s30+$0x400] =	vst v7;
	v7 =	vperm.xlane v9, v1  }
0x118: {  	s6 =	sand.u32 $0x3FFFF800, s31;
	v14 =	vld [tilespmem:s25+$0xC10]  }
0x119: {  	s24 =	sadd.s32 $0x10000, s6;
	v12 =	vld [tilespmem:s23+$0x10];
	v13 =	vsel vm0, v13, v28;
	v6 =	vsel vm0, v7, v6  }
0x11a: {  	s6 =	sor.u32 s26, s24;
	v9 =	vld [tilespmem:s0+$0x820];
	v7 =	vmax.f32 v10, v8;
	v8 =	vmax.f32 v15, v11;
	v6 =	vmax.f32 v13, v6  }
0x11b: {  	v15 =	vld [tilespmem:s23+$0x1010];
	v11 =	vperm.xlane v7, v0;
	v13 =	vperm.xlane v8, v0;
	[tilespmem:s6+$0x0] =	vst v6  }
0x11c: {  	v6 =	vperm.xlane v7, v1;
	v7 =	vperm.xlane v8, v1;
	v8 =	vld [tilespmem:s5+$0x20]  }
0x11d: {  	v11 =	vsel vm0, v11, v13;
	v30 =	vld [tilespmem:s5+$0x30]  }
0x11e: {  	v13 =	vmax.f32 v25, v20;
	v31 =	vld [tilespmem:s5+$0x1020];
	v6 =	vsel vm0, v6, v7;
	v7 =	vmax.f32 v14, v21  }
0x11f: {  	v32 =	vld [tilespmem:s5+$0x1030];
	v14 =	vperm.xlane v13, v0;
	v13 =	vperm.xlane v13, v1;
	v6 =	vmax.f32 v11, v6  }
0x120: {  	v22 =	vld [tilespmem:s0+$0x830];
	v11 =	vperm.xlane v7, v0;
	v12 =	vmax.f32 v12, v15;
	[tilespmem:s21+$0x70] =	vst v6;
	v6 =	vperm.xlane v7, v1  }
0x121: {  	v33 =	vld [tilespmem:s0+$0x1830];
	v7 =	vmax.f32 v27, v29;
	v34 =	vperm.xlane v12, v0;
	v12 =	vperm.xlane v12, v1  }
0x122: {  	v10 =	vld [tilespmem:s0+$0x1820];
	v11 =	vsel vm0, v14, v11;
	v14 =	vperm.xlane v7, v0;
	v7 =	vperm.xlane v7, v1  }
0x123: {  	v15 =	vld [tilespmem:s22+$0x800];
	v6 =	vsel vm0, v13, v6;
	v8 =	vmax.f32 v8, v31  }
0x124: {  	v35 =	vld [tilespmem:s22+$0x1810];
	v14 =	vsel vm0, v14, v34;
	v7 =	vsel vm0, v7, v12;
	v12 =	vmax.f32 v30, v32  }
0x125: {  	s24 =	sor.u32 s1, s24;
	v13 =	vld [tilespmem:s22+$0x810];
	v36 =	vperm.xlane v8, v0;
	v8 =	vperm.xlane v8, v1;
	v14 =	vmax.f32 v14, v7  }
0x126: {  	v6 =	vmax.f32 v11, v6;
	v11 =	vld [tilespmem:s22+$0x1800];
	v37 =	vperm.xlane v12, v0;
	v12 =	vperm.xlane v12, v1;
	[tilespmem:s24+$0x0] =	vst v14  }
0x127: {  	v9 =	vmax.f32 v9, v10;
	v10 =	vld [tilespmem:s23+$0x20]  }
0x128: {  	v14 =	vmax.f32 v22, v33;
	v38 =	vld [tilespmem:s23+$0x30];
	v16 =	vsel vm0, v36, v37;
	v8 =	vsel vm0, v8, v12  }
0x129: {  	v12 =	vperm.xlane v9, v0;
	v39 =	vperm.xlane v14, v0;
	v40 =	vld [tilespmem:s23+$0x1020];
	v8 =	vmax.f32 v16, v8  }
0x12a: {  	v9 =	vperm.xlane v9, v1;
	v14 =	vperm.xlane v14, v1;
	v41 =	vld [tilespmem:s23+$0x1030];
	[tilespmem:s6+$0x10] =	vst v8  }
0x12b: {  	v8 =	vmax.f32 v15, v11;
	v11 =	vld [tilespmem:s5+$0x40]  }
0x12c: {  	v13 =	vmax.f32 v13, v35;
	v12 =	vsel vm0, v12, v39;
	v9 =	vsel vm0, v9, v14;
	v14 =	vld [tilespmem:s5+$0x50]  }
0x12d: {  	v15 =	vperm.xlane v13, v0;
	v9 =	vmax.f32 v12, v9;
	v12 =	vperm.xlane v8, v0;
	v42 =	vld [tilespmem:s5+$0x1040]  }
0x12e: {  	v8 =	vperm.xlane v8, v1;
	[tilespmem:s30+$0x410] =	vst v9;
	v9 =	vperm.xlane v13, v1;
	v13 =	vld [tilespmem:s5+$0x1050]  }
0x12f: {  	v43 =	vld [tilespmem:s0+$0x840];
	v12 =	vsel vm0, v12, v15;
	v10 =	vmax.f32 v10, v40;
	v15 =	vmax.f32 v38, v41  }
0x130: {  	v44 =	vld [tilespmem:s0+$0x850];
	v8 =	vsel vm0, v8, v9;
	v9 =	vperm.xlane v10, v0;
	v19 =	vperm.xlane v15, v0  }
0x131: {  	v45 =	vld [tilespmem:s0+$0x1840];
	v10 =	vperm.xlane v10, v1;
	v8 =	vmax.f32 v12, v8;
	v12 =	vperm.xlane v15, v1  }
0x132: {  	v15 =	vld [tilespmem:s0+$0x1850];
	[tilespmem:s21+$0x400] =	vst v8;
	v8 =	vsel vm0, v9, v19  }
0x133: {  	v11 =	vmax.f32 v11, v42;
	v10 =	vsel vm0, v10, v12;
	v12 =	vmax.f32 v14, v13  }
0x134: {  	[tilespmem:s20+$0x440] =	vst v6;
	v8 =	vmax.f32 v8, v10;
	v10 =	vperm.xlane v11, v0;
	v14 =	vperm.xlane v12, v0  }
0x135: {  	v6 =	vld [tilespmem:s25+$0xC20];
	[tilespmem:s24+$0x10] =	vst v8;
	v8 =	vperm.xlane v11, v1;
	v11 =	vperm.xlane v12, v1  }
0x136: {  	v12 =	vmax.f32 v43, v45;
	v47 =	vld [tilespmem:s23+$0x40]  }
0x137: {  	v15 =	vmax.f32 v44, v15;
	v48 =	vld [tilespmem:s23+$0x50];
	v10 =	vsel vm0, v10, v14;
	v8 =	vsel vm0, v8, v11  }
0x138: {  	v49 =	vld [tilespmem:s23+$0x1040];
	v11 =	vperm.xlane v12, v0;
	v14 =	vperm.xlane v15, v0;
	v8 =	vmax.f32 v10, v8  }
0x139: {  	v10 =	vperm.xlane v12, v1;
	v12 =	vperm.xlane v15, v1;
	v15 =	vld [tilespmem:s23+$0x1050];
	[tilespmem:s6+$0x20] =	vst v8  }
0x13a: {  	v8 =	vld [tilespmem:s5+$0x60]  }
0x13b: {  	v11 =	vsel vm0, v11, v14;
	v10 =	vsel vm0, v10, v12;
	v12 =	vld [tilespmem:s5+$0x70]  }
0x13c: {  	v10 =	vmax.f32 v11, v10;
	v11 =	vld [tilespmem:s5+$0x1060]  }
0x13d: {  	[tilespmem:s30+$0x420] =	vst v10;
	v10 =	vld [tilespmem:s5+$0x1070]  }
0x13e: {  	v14 =	vld [tilespmem:s0+$0x860]  }
0x13f: {  	v18 =	vmax.f32 v47, v49;
	v50 =	vld [tilespmem:s0+$0x870]  }
0x140: {  	v19 =	vperm.xlane v18, v0;
	v18 =	vperm.xlane v18, v1;
	v15 =	vmax.f32 v48, v15;
	v52 =	vld [tilespmem:s0+$0x1860]  }
0x141: {  	v53 =	vld [tilespmem:s0+$0x1870];
	v51 =	vperm.xlane v15, v0;
	v15 =	vperm.xlane v15, v1  }
0x142: {  	v9 =	vld [tilespmem:s22+$0x820]  }
0x143: {  	v13 =	vld [tilespmem:s22+$0x830];
	v19 =	vsel vm0, v19, v51;
	v15 =	vsel vm0, v18, v15;
	v8 =	vmax.f32 v8, v11  }
0x144: {  	v46 =	vld [tilespmem:s22+$0x1820];
	v10 =	vmax.f32 v12, v10;
	v12 =	vmax.f32 v19, v15;
	v15 =	vperm.xlane v8, v0  }
0x145: {  	v54 =	vld [tilespmem:s22+$0x1830];
	v8 =	vperm.xlane v8, v1;
	v55 =	vperm.xlane v10, v0;
	[tilespmem:s24+$0x20] =	vst v12  }
0x146: {  	v10 =	vperm.xlane v10, v1;
	v12 =	vmax.f32 v14, v52;
	v16 =	vmax.f32 v50, v53;
	v14 =	vld [tilespmem:s23+$0x60]  }
0x147: {  	v57 =	vld [tilespmem:s23+$0x70];
	v58 =	vperm.xlane v16, v0  }
0x148: {  	v60 =	vld [tilespmem:s23+$0x1070];
	v15 =	vsel vm0, v15, v55;
	v8 =	vsel vm0, v8, v10;
	v10 =	vperm.xlane v12, v0  }
0x149: {  	v59 =	vld [tilespmem:s23+$0x1060];
	v12 =	vperm.xlane v12, v1;
	v8 =	vmax.f32 v15, v8;
	v15 =	vperm.xlane v16, v1  }
0x14a: {  	v7 =	vld [tilespmem:s25+$0xC30];
	v13 =	vmax.f32 v13, v54;
	[tilespmem:s6+$0x30] =	vst v8  }
0x14b: {  	v8 =	vmax.f32 v9, v46;
	v10 =	vsel vm0, v10, v58;
	v9 =	vld [tilespmem:s5+$0x400];
	v12 =	vsel vm0, v12, v15  }
0x14c: {  	v15 =	vld [tilespmem:s5+$0x410];
	v17 =	vperm.xlane v8, v0;
	v8 =	vperm.xlane v8, v1;
	v10 =	vmax.f32 v10, v12  }
0x14d: {  	v61 =	vld [tilespmem:s5+$0x1400];
	v12 =	vperm.xlane v13, v0;
	v16 =	vmax.f32 v57, v60;
	[tilespmem:s30+$0x430] =	vst v10;
	v10 =	vperm.xlane v13, v1  }
0x14e: {  	v14 =	vmax.f32 v14, v59;
	v13 =	vld [tilespmem:s5+$0x1410];
	v21 =	vperm.xlane v16, v0  }
0x14f: {  	v62 =	vld [tilespmem:s0+$0xC00];
	v12 =	vsel vm0, v17, v12;
	v8 =	vsel vm0, v8, v10;
	v10 =	vperm.xlane v14, v0  }
0x150: {  	v63 =	vld [tilespmem:s0+$0xC10];
	v8 =	vmax.f32 v12, v8;
	v12 =	vperm.xlane v14, v1;
	v14 =	vperm.xlane v16, v1  }
0x151: {  	v25 =	vld [tilespmem:s0+$0x1C10]  }
0x152: {  	v24 =	vld [tilespmem:s0+$0x1C00];
	[tilespmem:s21+$0x410] =	vst v8;
	v8 =	vsel vm0, v10, v21;
	v12 =	vsel vm0, v12, v14  }
0x153: {  	v56 =	vld [tilespmem:s25+$0x1C30];
	v9 =	vmax.f32 v9, v61;
	v13 =	vmax.f32 v15, v13;
	v8 =	vmax.f32 v8, v12  }
0x154: {  	v11 =	vld [tilespmem:s25+$0x1C20];
	v12 =	vperm.xlane v9, v0;
	v15 =	vperm.xlane v13, v0;
	[tilespmem:s24+$0x30] =	vst v8  }
0x155: {  	v8 =	vperm.xlane v9, v1;
	v9 =	vperm.xlane v13, v1;
	v27 =	vld [tilespmem:s23+$0x400]  }
0x156: {  	v16 =	vmax.f32 v63, v25;
	v28 =	vld [tilespmem:s23+$0x410]  }
0x157: {  	v13 =	vmax.f32 v62, v24;
	v12 =	vsel vm0, v12, v15;
	v29 =	vld [tilespmem:s23+$0x1400];
	v8 =	vsel vm0, v8, v9  }
0x158: {  	v15 =	vperm.xlane v16, v0;
	v30 =	vld [tilespmem:s23+$0x1410];
	v9 =	vperm.xlane v13, v0;
	v8 =	vmax.f32 v12, v8  }
0x159: {  	v10 =	vld [tilespmem:s22+$0x840];
	v12 =	vperm.xlane v13, v1;
	v13 =	vperm.xlane v16, v1;
	[tilespmem:s6+$0x40] =	vst v8  }
0x15a: {  	v7 =	vmax.f32 v7, v56;
	v6 =	vmax.f32 v6, v11;
	v8 =	vld [tilespmem:s5+$0x420]  }
0x15b: {  	v9 =	vsel vm0, v9, v15;
	v15 =	vperm.xlane v7, v0;
	v11 =	vsel vm0, v12, v13;
	v12 =	vld [tilespmem:s5+$0x430]  }
0x15c: {  	v7 =	vperm.xlane v7, v1;
	v13 =	vperm.xlane v6, v0;
	v9 =	vmax.f32 v9, v11;
	v11 =	vld [tilespmem:s5+$0x1420]  }
0x15d: {  	v6 =	vperm.xlane v6, v1;
	v20 =	vmax.f32 v27, v29;
	v16 =	vmax.f32 v28, v30;
	[tilespmem:s30+$0x440] =	vst v9;
	v9 =	vld [tilespmem:s5+$0x1430]  }
0x15e: {  	v13 =	vsel vm0, v13, v15;
	v32 =	vperm.xlane v20, v0;
	v33 =	vperm.xlane v16, v0;
	v31 =	vld [tilespmem:s0+$0xC20]  }
0x15f: {  	v6 =	vsel vm0, v6, v7;
	v7 =	vperm.xlane v20, v1;
	v16 =	vperm.xlane v16, v1;
	v15 =	vld [tilespmem:s0+$0xC30]  }
0x160: {  	v34 =	vld [tilespmem:s0+$0x1C20]  }
0x161: {  	v6 =	vmax.f32 v13, v6;
	v13 =	vld [tilespmem:s0+$0x1C30];
	v17 =	vsel vm0, v32, v33;
	v7 =	vsel vm0, v7, v16  }
0x162: {  	v14 =	vld [tilespmem:s22+$0x850];
	v8 =	vmax.f32 v8, v11;
	v11 =	vmax.f32 v17, v7  }
0x163: {  	v26 =	vld [tilespmem:s22+$0x1840];
	v9 =	vmax.f32 v12, v9;
	v12 =	vperm.xlane v8, v0;
	v8 =	vperm.xlane v8, v1  }
0x164: {  	v35 =	vld [tilespmem:s22+$0x1850];
	[tilespmem:s24+$0x40] =	vst v11;
	v36 =	vperm.xlane v9, v0;
	v9 =	vperm.xlane v9, v1  }
0x165: {  	v11 =	vmax.f32 v31, v34;
	v37 =	vld [tilespmem:s23+$0x420]  }
0x166: {  	v13 =	vmax.f32 v15, v13;
	v15 =	vld [tilespmem:s23+$0x430];
	v12 =	vsel vm0, v12, v36;
	v8 =	vsel vm0, v8, v9  }
0x167: {  	v39 =	vld [tilespmem:s23+$0x1420];
	v38 =	vperm.xlane v13, v0;
	v9 =	vperm.xlane v11, v0;
	v8 =	vmax.f32 v12, v8  }
0x168: {  	v11 =	vperm.xlane v11, v1;
	v12 =	vperm.xlane v13, v1;
	v13 =	vld [tilespmem:s23+$0x1430];
	[tilespmem:s6+$0x50] =	vst v8  }
0x169: {  	v8 =	vmax.f32 v10, v26;
	v10 =	vld [tilespmem:s5+$0x440]  }
0x16a: {  	v9 =	vsel vm0, v9, v38;
	v11 =	vsel vm0, v11, v12;
	v12 =	vmax.f32 v14, v35;
	v14 =	vld [tilespmem:s5+$0x450]  }
0x16b: {  	v40 =	vperm.xlane v8, v0;
	v41 =	vld [tilespmem:s5+$0x1440];
	v9 =	vmax.f32 v9, v11;
	v11 =	vperm.xlane v12, v0  }
0x16c: {  	v8 =	vperm.xlane v8, v1;
	[tilespmem:s30+$0x450] =	vst v9;
	v9 =	vperm.xlane v12, v1;
	v12 =	vld [tilespmem:s5+$0x1450]  }
0x16d: {  	v43 =	vmax.f32 v37, v39;
	v42 =	vld [tilespmem:s0+$0xC40];
	v11 =	vsel vm0, v40, v11;
	v13 =	vmax.f32 v15, v13  }
0x16e: {  	v15 =	vld [tilespmem:s0+$0xC50];
	v8 =	vsel vm0, v8, v9;
	v9 =	vperm.xlane v43, v0;
	v44 =	vperm.xlane v13, v0  }
0x16f: {  	v46 =	vld [tilespmem:s0+$0x1C50];
	v13 =	vperm.xlane v13, v1;
	v8 =	vmax.f32 v11, v8;
	v11 =	vperm.xlane v43, v1  }
0x170: {  	[tilespmem:s20+$0x450] =	vst v6;
	v45 =	vld [tilespmem:s0+$0x1C40];
	v10 =	vmax.f32 v10, v41  }
0x171: {  	[tilespmem:s21+$0x420] =	vst v8;
	v8 =	vsel vm0, v9, v44;
	v9 =	vsel vm0, v11, v13;
	v11 =	vmax.f32 v14, v12  }
0x172: {  	v6 =	vld [tilespmem:s25+$0xC40];
	v8 =	vmax.f32 v8, v9;
	v9 =	vperm.xlane v10, v0;
	v12 =	vperm.xlane v11, v0  }
0x173: {  	v47 =	vld [tilespmem:s22+$0x860];
	[tilespmem:s24+$0x50] =	vst v8;
	v8 =	vperm.xlane v10, v1;
	v10 =	vperm.xlane v11, v1  }
0x174: {  	v15 =	vmax.f32 v15, v46;
	v13 =	vld [tilespmem:s23+$0x440]  }
0x175: {  	v11 =	vmax.f32 v42, v45;
	v49 =	vld [tilespmem:s23+$0x450];
	v9 =	vsel vm0, v9, v12;
	v8 =	vsel vm0, v8, v10  }
0x176: {  	v12 =	vperm.xlane v15, v0;
	v50 =	vld [tilespmem:s23+$0x1440];
	v10 =	vperm.xlane v11, v0;
	v8 =	vmax.f32 v9, v8  }
0x177: {  	v9 =	vperm.xlane v11, v1;
	v11 =	vperm.xlane v15, v1;
	v15 =	vld [tilespmem:s23+$0x1450];
	[tilespmem:s6+$0x60] =	vst v8  }
0x178: {  	v8 =	vld [tilespmem:s5+$0x460]  }
0x179: {  	v10 =	vsel vm0, v10, v12;
	v9 =	vsel vm0, v9, v11;
	v51 =	vld [tilespmem:s5+$0x470]  }
0x17a: {  	v52 =	vld [tilespmem:s5+$0x1460];
	v9 =	vmax.f32 v10, v9  }
0x17b: {  	[tilespmem:s30+$0x460] =	vst v9;
	v9 =	vld [tilespmem:s5+$0x1470]  }
0x17c: {  	v14 =	vld [tilespmem:s22+$0x870];
	v11 =	vmax.f32 v13, v50  }
0x17d: {  	v48 =	vld [tilespmem:s22+$0x1860];
	v53 =	vperm.xlane v11, v0;
	v55 =	vperm.xlane v11, v1;
	v15 =	vmax.f32 v49, v15  }
0x17e: {  	v56 =	vld [tilespmem:s22+$0x1870];
	v54 =	vperm.xlane v15, v0;
	v15 =	vperm.xlane v15, v1  }
0x17f: {  	v12 =	vld [tilespmem:s0+$0xC60];
	v21 =	vmax.f32 v8, v52  }
0x180: {  	v10 =	vld [tilespmem:s0+$0xC70];
	v16 =	vsel vm0, v53, v54;
	v15 =	vsel vm0, v55, v15;
	v20 =	vmax.f32 v51, v9  }
0x181: {  	v13 =	vld [tilespmem:s0+$0x1C60];
	v57 =	vperm.xlane v21, v0;
	v15 =	vmax.f32 v16, v15;
	v58 =	vperm.xlane v20, v0  }
0x182: {  	s26 =	simm.s32 $0x1800;
	v11 =	vld [tilespmem:s0+$0x1C70];
	s0 =	simm.s32 $0x300;
	[tilespmem:s24+$0x60] =	vst v15;
	v15 =	vperm.xlane v21, v1;
	v20 =	vperm.xlane v20, v1  }
0x183: {  	s10 =	sand.u32 $0x3FFFE000, s26;
	v7 =	vld [tilespmem:s25+$0xC50];
	v17 =	vmax.f32 v47, v48;
	s16 =	sand.u32 $0x300, s0  }
0x184: {  	v14 =	vmax.f32 v14, v56;
	v8 =	vld [tilespmem:s25+$0x1C40];
	s28 =	sor.u32 $0x80, s16;
	s26 =	sor.u32 s16, s10;
	v16 =	vsel vm0, v57, v58;
	v15 =	vsel vm0, v15, v20  }
0x185: {  	v60 =	vperm.xlane v17, v0;
	v17 =	vperm.xlane v17, v1;
	s29 =	sor.u32 s28, s10;
	v37 =	vld [tilespmem:s26+$0x0];
	v15 =	vmax.f32 v16, v15  }
0x186: {  	v62 =	vperm.xlane v14, v0;
	v14 =	vperm.xlane v14, v1;
	v26 =	vld [tilespmem:s29+$0x0];
	[tilespmem:s6+$0x70] =	vst v15  }
0x187: {  	v15 =	vld [tilespmem:s5+$0x800]  }
0x188: {  	v14 =	vsel vm0, v17, v14;
	v16 =	vsel vm0, v60, v62;
	v31 =	vld [tilespmem:s5+$0x810]  }
0x189: {  	v14 =	vmax.f32 v16, v14;
	v32 =	vld [tilespmem:s5+$0x1800]  }
0x18a: {  	[tilespmem:s21+$0x430] =	vst v14;
	v14 =	vld [tilespmem:s5+$0x1810]  }
0x18b: {  	v35 =	vld [tilespmem:s29+$0x10]  }
0x18c: {  	v28 =	vld [tilespmem:s29+$0x1000]  }
0x18d: {  	v29 =	vld [tilespmem:s29+$0x1010]  }
0x18e: {  	v59 =	vld [tilespmem:s23+$0x460]  }
0x18f: {  	v23 =	vld [tilespmem:s23+$0x470];
	v15 =	vmax.f32 v15, v32;
	v14 =	vmax.f32 v31, v14  }
0x190: {  	v61 =	vld [tilespmem:s23+$0x1460];
	v36 =	vperm.xlane v15, v0;
	v27 =	vperm.xlane v14, v0  }
0x191: {  	v63 =	vld [tilespmem:s23+$0x1470];
	v15 =	vperm.xlane v15, v1;
	v14 =	vperm.xlane v14, v1  }
0x192: {  	v33 =	vld [tilespmem:s22+$0xC00]  }
0x193: {  	v34 =	vld [tilespmem:s22+$0xC10];
	v17 =	vsel vm0, v36, v27;
	v14 =	vsel vm0, v15, v14  }
0x194: {  	v24 =	vld [tilespmem:s22+$0x1C00];
	v14 =	vmax.f32 v17, v14  }
0x195: {  	v16 =	vmax.f32 v35, v29;
	v25 =	vld [tilespmem:s22+$0x1C10];
	[tilespmem:s6+$0x400] =	vst v14  }
0x196: {  	v45 =	vperm.xlane v16, v0;
	v38 =	vmax.f32 v23, v63;
	v15 =	vmax.f32 v59, v61;
	v42 =	vld [tilespmem:s5+$0x820]  }
0x197: {  	v20 =	vperm.xlane v38, v0;
	v40 =	vperm.xlane v15, v0;
	v44 =	vld [tilespmem:s5+$0x830]  }
0x198: {  	v43 =	vmax.f32 v26, v28;
	v14 =	vperm.xlane v15, v1;
	v15 =	vperm.xlane v38, v1;
	v46 =	vld [tilespmem:s5+$0x1820]  }
0x199: {  	v47 =	vperm.xlane v43, v1;
	v16 =	vperm.xlane v16, v1;
	v48 =	vld [tilespmem:s5+$0x1830]  }
0x19a: {  	s31 =	simm.s32 $0x600;
	v39 =	vld [tilespmem:s26+$0x10];
	v17 =	vsel vm0, v40, v20;
	v14 =	vsel vm0, v14, v15;
	v15 =	vperm.xlane v43, v0  }
0x19b: {  	v41 =	vld [tilespmem:s26+$0x1000];
	s10 =	sand.u32 $0x3FFFF800, s31;
	v16 =	vsel vm0, v47, v16;
	v21 =	vmax.f32 v33, v24;
	v14 =	vmax.f32 v17, v14  }
0x19c: {  	s10 =	sadd.s32 $0x10000, s10;
	v22 =	vmax.f32 v34, v25;
	v24 =	vperm.xlane v21, v0;
	[tilespmem:s24+$0x70] =	vst v14;
	v14 =	vld [tilespmem:s26+$0x1010];
	v15 =	vsel vm0, v15, v45  }
0x19d: {  	s28 =	sor.u32 s28, s10;
	v25 =	vperm.xlane v22, v0;
	v21 =	vperm.xlane v21, v1;
	v49 =	vld [tilespmem:s23+$0x800];
	v15 =	vmax.f32 v15, v16  }
0x19e: {  	v50 =	vld [tilespmem:s23+$0x810];
	[tilespmem:s28+$0x0] =	vst v15;
	v15 =	vperm.xlane v22, v1;
	v18 =	vmax.f32 v42, v46;
	v20 =	vmax.f32 v44, v48  }
0x19f: {  	v24 =	vsel vm0, v24, v25;
	v52 =	vld [tilespmem:s29+$0x20];
	v54 =	vperm.xlane v18, v0;
	v55 =	vperm.xlane v20, v0  }
0x1a0: {  	v53 =	vld [tilespmem:s29+$0x30];
	v18 =	vperm.xlane v18, v1;
	v20 =	vperm.xlane v20, v1;
	v15 =	vsel vm0, v21, v15  }
0x1a1: {  	v56 =	vld [tilespmem:s29+$0x1020];
	v15 =	vmax.f32 v24, v15  }
0x1a2: {  	v57 =	vld [tilespmem:s29+$0x1030];
	v18 =	vsel vm0, v18, v20;
	[tilespmem:s21+$0x440] =	vst v15;
	v15 =	vmax.f32 v39, v14;
	v14 =	vsel vm0, v54, v55  }
0x1a3: {  	v23 =	vmax.f32 v37, v41;
	v51 =	vld [tilespmem:s23+$0x1800];
	v18 =	vmax.f32 v14, v18  }
0x1a4: {  	v59 =	vperm.xlane v23, v0;
	v23 =	vperm.xlane v23, v1;
	v58 =	vld [tilespmem:s23+$0x1810];
	[tilespmem:s6+$0x410] =	vst v18  }
0x1a5: {  	v60 =	vperm.xlane v15, v0;
	v61 =	vperm.xlane v15, v1;
	v63 =	vld [tilespmem:s5+$0x840]  }
0x1a6: {  	v21 =	vmax.f32 v52, v56;
	v32 =	vld [tilespmem:s5+$0x850]  }
0x1a7: {  	v31 =	vmax.f32 v53, v57;
	v62 =	vsel vm0, v59, v60;
	v23 =	vsel vm0, v23, v61;
	v34 =	vld [tilespmem:s5+$0x1840]  }
0x1a8: {  	s1 =	sor.u32 s16, s10;
	v33 =	vperm.xlane v21, v0;
	v25 =	vperm.xlane v31, v0;
	v37 =	vld [tilespmem:s5+$0x1850];
	v18 =	vmax.f32 v62, v23  }
0x1a9: {  	v14 =	vld [tilespmem:s22+$0xC20];
	v35 =	vperm.xlane v21, v1;
	v36 =	vperm.xlane v31, v1;
	[tilespmem:s1+$0x0] =	vst v18  }
0x1aa: {  	v17 =	vmax.f32 v49, v51;
	v16 =	vmax.f32 v50, v58;
	v38 =	vld [tilespmem:s26+$0x20]  }
0x1ab: {  	v40 =	vperm.xlane v17, v0;
	v23 =	vsel vm0, v33, v25;
	v18 =	vsel vm0, v35, v36;
	v39 =	vld [tilespmem:s26+$0x30]  }
0x1ac: {  	v41 =	vperm.xlane v16, v0;
	v17 =	vperm.xlane v17, v1;
	v42 =	vld [tilespmem:s26+$0x1020];
	v18 =	vmax.f32 v23, v18  }
0x1ad: {  	v16 =	vperm.xlane v16, v1;
	v43 =	vld [tilespmem:s26+$0x1030];
	[tilespmem:s28+$0x10] =	vst v18;
	v20 =	vmax.f32 v63, v34;
	v22 =	vmax.f32 v32, v37  }
0x1ae: {  	v45 =	vld [tilespmem:s29+$0x40];
	v47 =	vperm.xlane v20, v0;
	v48 =	vperm.xlane v22, v0  }
0x1af: {  	v46 =	vld [tilespmem:s29+$0x50];
	v20 =	vperm.xlane v20, v1;
	v22 =	vperm.xlane v22, v1  }
0x1b0: {  	v44 =	vsel vm0, v40, v41;
	v16 =	vsel vm0, v17, v16;
	v49 =	vld [tilespmem:s29+$0x1040]  }
0x1b1: {  	v16 =	vmax.f32 v44, v16;
	v51 =	vld [tilespmem:s29+$0x1050];
	v24 =	vsel vm0, v47, v48;
	v20 =	vsel vm0, v20, v22  }
0x1b2: {  	v15 =	vld [tilespmem:s22+$0xC30];
	[tilespmem:s24+$0x400] =	vst v16;
	v50 =	vmax.f32 v38, v42;
	v19 =	vmax.f32 v39, v43;
	v20 =	vmax.f32 v24, v20  }
0x1b3: {  	v52 =	vld [tilespmem:s23+$0x820];
	v53 =	vperm.xlane v50, v0;
	v54 =	vperm.xlane v19, v0;
	[tilespmem:s6+$0x420] =	vst v20  }
0x1b4: {  	v16 =	vperm.xlane v50, v1;
	v19 =	vperm.xlane v19, v1;
	v58 =	vld [tilespmem:s5+$0x860]  }
0x1b5: {  	v18 =	vmax.f32 v45, v49;
	v59 =	vld [tilespmem:s5+$0x870]  }
0x1b6: {  	v17 =	vmax.f32 v46, v51;
	v57 =	vsel vm0, v53, v54;
	v16 =	vsel vm0, v16, v19;
	v62 =	vld [tilespmem:s5+$0x1860]  }
0x1b7: {  	v60 =	vperm.xlane v18, v0;
	v61 =	vperm.xlane v17, v0;
	v32 =	vld [tilespmem:s5+$0x1870];
	v16 =	vmax.f32 v57, v16  }
0x1b8: {  	v55 =	vld [tilespmem:s23+$0x830];
	v63 =	vperm.xlane v18, v1;
	v17 =	vperm.xlane v17, v1;
	[tilespmem:s1+$0x10] =	vst v16  }
0x1b9: {  	v33 =	vld [tilespmem:s26+$0x40]  }
0x1ba: {  	v20 =	vsel vm0, v60, v61;
	v16 =	vsel vm0, v63, v17;
	v34 =	vld [tilespmem:s26+$0x50]  }
0x1bb: {  	v35 =	vld [tilespmem:s26+$0x1040];
	v16 =	vmax.f32 v20, v16  }
0x1bc: {  	v36 =	vld [tilespmem:s26+$0x1050];
	[tilespmem:s28+$0x20] =	vst v16;
	v37 =	vmax.f32 v58, v62;
	v18 =	vmax.f32 v59, v32  }
0x1bd: {  	v16 =	vld [tilespmem:s29+$0x60];
	v22 =	vperm.xlane v37, v0;
	v39 =	vperm.xlane v18, v0  }
0x1be: {  	v38 =	vld [tilespmem:s29+$0x70];
	v21 =	vperm.xlane v37, v1;
	v18 =	vperm.xlane v18, v1  }
0x1bf: {  	v40 =	vld [tilespmem:s29+$0x1060]  }
0x1c0: {  	v41 =	vld [tilespmem:s29+$0x1070];
	v22 =	vsel vm0, v22, v39;
	v18 =	vsel vm0, v21, v18  }
0x1c1: {  	v56 =	vld [tilespmem:s23+$0x1820];
	v17 =	vmax.f32 v33, v35;
	v20 =	vmax.f32 v34, v36;
	v18 =	vmax.f32 v22, v18  }
0x1c2: {  	v42 =	vld [tilespmem:s23+$0x1830];
	v43 =	vperm.xlane v17, v0;
	v44 =	vperm.xlane v20, v0;
	[tilespmem:s6+$0x430] =	vst v18  }
0x1c3: {  	v17 =	vperm.xlane v17, v1;
	v20 =	vperm.xlane v20, v1;
	v45 =	vld [tilespmem:s5+$0xC00]  }
0x1c4: {  	v16 =	vmax.f32 v16, v40;
	v46 =	vld [tilespmem:s5+$0xC10]  }
0x1c5: {  	v19 =	vmax.f32 v38, v41;
	v21 =	vsel vm0, v43, v44;
	v17 =	vsel vm0, v17, v20;
	v48 =	vld [tilespmem:s5+$0x1C00]  }
0x1c6: {  	v47 =	vperm.xlane v16, v0;
	v26 =	vperm.xlane v19, v0;
	v50 =	vld [tilespmem:s5+$0x1C10];
	v17 =	vmax.f32 v21, v17  }
0x1c7: {  	v23 =	vmax.f32 v52, v56;
	v22 =	vld [tilespmem:s22+$0x1C20];
	v16 =	vperm.xlane v16, v1;
	v49 =	vperm.xlane v19, v1;
	[tilespmem:s1+$0x20] =	vst v17  }
0x1c8: {  	v53 =	vperm.xlane v23, v0;
	v51 =	vld [tilespmem:s26+$0x60]  }
0x1c9: {  	v27 =	vmax.f32 v55, v42;
	v21 =	vsel vm0, v47, v26;
	v16 =	vsel vm0, v16, v49;
	v52 =	vld [tilespmem:s26+$0x70]  }
0x1ca: {  	v23 =	vperm.xlane v23, v1;
	v54 =	vperm.xlane v27, v0;
	v16 =	vmax.f32 v21, v16;
	v55 =	vld [tilespmem:s26+$0x1060]  }
0x1cb: {  	v27 =	vperm.xlane v27, v1;
	v56 =	vld [tilespmem:s26+$0x1070];
	[tilespmem:s28+$0x30] =	vst v16;
	v25 =	vmax.f32 v45, v48;
	v19 =	vmax.f32 v46, v50  }
0x1cc: {  	v57 =	vld [tilespmem:s29+$0x400];
	v60 =	vperm.xlane v25, v0;
	v61 =	vperm.xlane v19, v0  }
0x1cd: {  	v59 =	vld [tilespmem:s29+$0x410];
	v25 =	vperm.xlane v25, v1;
	v19 =	vperm.xlane v19, v1  }
0x1ce: {  	v58 =	vsel vm0, v23, v27;
	v17 =	vsel vm0, v53, v54;
	v62 =	vld [tilespmem:s29+$0x1400]  }
0x1cf: {  	v17 =	vmax.f32 v17, v58;
	v32 =	vld [tilespmem:s29+$0x1410];
	v27 =	vsel vm0, v60, v61;
	v19 =	vsel vm0, v25, v19  }
0x1d0: {  	v18 =	vld [tilespmem:s22+$0x1C30];
	[tilespmem:s24+$0x410] =	vst v17;
	v63 =	vmax.f32 v51, v55;
	v16 =	vmax.f32 v52, v56;
	v19 =	vmax.f32 v27, v19  }
0x1d1: {  	v24 =	vld [tilespmem:s23+$0x840];
	v33 =	vperm.xlane v63, v0;
	v28 =	vperm.xlane v16, v0;
	[tilespmem:s6+$0x440] =	vst v19  }
0x1d2: {  	v17 =	vperm.xlane v63, v1;
	v16 =	vperm.xlane v16, v1;
	v37 =	vld [tilespmem:s5+$0xC20]  }
0x1d3: {  	v38 =	vmax.f32 v57, v62;
	v40 =	vld [tilespmem:s5+$0xC30]  }
0x1d4: {  	v39 =	vmax.f32 v59, v32;
	v36 =	vsel vm0, v33, v28;
	v16 =	vsel vm0, v17, v16;
	v42 =	vld [tilespmem:s5+$0x1C20]  }
0x1d5: {  	v41 =	vperm.xlane v38, v0;
	v23 =	vperm.xlane v39, v0;
	v45 =	vld [tilespmem:s5+$0x1C30];
	v16 =	vmax.f32 v36, v16  }
0x1d6: {  	v14 =	vmax.f32 v14, v22;
	v34 =	vld [tilespmem:s23+$0x850];
	v43 =	vperm.xlane v38, v1;
	v44 =	vperm.xlane v39, v1;
	[tilespmem:s1+$0x30] =	vst v16  }
0x1d7: {  	v15 =	vmax.f32 v15, v18;
	v48 =	vperm.xlane v14, v0;
	v46 =	vld [tilespmem:s26+$0x400]  }
0x1d8: {  	v50 =	vperm.xlane v15, v0;
	v19 =	vsel vm0, v41, v23;
	v16 =	vsel vm0, v43, v44;
	v47 =	vld [tilespmem:s26+$0x410]  }
0x1d9: {  	v14 =	vperm.xlane v14, v1;
	v15 =	vperm.xlane v15, v1;
	v49 =	vld [tilespmem:s26+$0x1400];
	v16 =	vmax.f32 v19, v16  }
0x1da: {  	v51 =	vld [tilespmem:s26+$0x1410];
	[tilespmem:s28+$0x40] =	vst v16;
	v25 =	vmax.f32 v37, v42;
	v20 =	vmax.f32 v40, v45  }
0x1db: {  	v14 =	vsel vm0, v14, v15;
	v16 =	vld [tilespmem:s29+$0x420];
	v53 =	vperm.xlane v25, v0;
	v54 =	vperm.xlane v20, v0  }
0x1dc: {  	v17 =	vsel vm0, v48, v50;
	v52 =	vld [tilespmem:s29+$0x430];
	v25 =	vperm.xlane v25, v1;
	v20 =	vperm.xlane v20, v1  }
0x1dd: {  	v5 =	vmax.f32 v4, v5;
	v3 =	vmax.f32 v2, v3;
	v4 =	vmax.f32 v17, v14;
	v15 =	vld [tilespmem:s29+$0x1420]  }
0x1de: {  	v60 =	vperm.xlane v3, v0;
	[tilespmem:s21+$0x450] =	vst v4;
	v55 =	vld [tilespmem:s29+$0x1430];
	v4 =	vsel vm0, v53, v54;
	v20 =	vsel vm0, v25, v20  }
0x1df: {  	v35 =	vld [tilespmem:s23+$0x1840];
	v14 =	vmax.f32 v46, v49;
	v56 =	vmax.f32 v47, v51;
	v20 =	vmax.f32 v4, v20  }
0x1e0: {  	v57 =	vld [tilespmem:s23+$0x1850];
	v58 =	vperm.xlane v14, v0;
	v23 =	vperm.xlane v56, v0;
	[tilespmem:s6+$0x450] =	vst v20  }
0x1e1: {  	v14 =	vperm.xlane v14, v1;
	v18 =	vperm.xlane v56, v1;
	v61 =	vld [tilespmem:s5+$0xC40]  }
0x1e2: {  	v3 =	vperm.xlane v3, v1;
	v59 =	vperm.xlane v5, v0;
	v15 =	vmax.f32 v16, v15;
	v63 =	vld [tilespmem:s5+$0xC50]  }
0x1e3: {  	v62 =	vmax.f32 v52, v55;
	v21 =	vsel vm0, v58, v23;
	v14 =	vsel vm0, v14, v18;
	v31 =	vld [tilespmem:s5+$0x1C40]  }
0x1e4: {  	v30 =	vperm.xlane v15, v0;
	v19 =	vperm.xlane v62, v0;
	v32 =	vld [tilespmem:s5+$0x1C50];
	v14 =	vmax.f32 v21, v14  }
0x1e5: {  	v9 =	vld [tilespmem:s25+$0x1C50];
	[tilespmem:s1+$0x40] =	vst v14;
	v14 =	vperm.xlane v15, v1;
	v15 =	vperm.xlane v62, v1  }
0x1e6: {  	v5 =	vperm.xlane v5, v1;
	v24 =	vmax.f32 v24, v35;
	v22 =	vmax.f32 v34, v57;
	v33 =	vld [tilespmem:s26+$0x420]  }
0x1e7: {  	v35 =	vperm.xlane v22, v0;
	v18 =	vsel vm0, v30, v19;
	v34 =	vld [tilespmem:s26+$0x430];
	v14 =	vsel vm0, v14, v15  }
0x1e8: {  	v22 =	vperm.xlane v22, v1;
	v36 =	vld [tilespmem:s26+$0x1420];
	v15 =	vperm.xlane v24, v0;
	v14 =	vmax.f32 v18, v14  }
0x1e9: {  	v24 =	vperm.xlane v24, v1;
	v21 =	vmax.f32 v61, v31;
	v16 =	vmax.f32 v63, v32;
	[tilespmem:s28+$0x50] =	vst v14;
	v14 =	vld [tilespmem:s26+$0x1430]  }
0x1ea: {  	v15 =	vsel vm0, v15, v35;
	v23 =	vperm.xlane v21, v0;
	v40 =	vperm.xlane v16, v0;
	v37 =	vld [tilespmem:s29+$0x440]  }
0x1eb: {  	v38 =	vsel vm0, v24, v22;
	v21 =	vperm.xlane v21, v1;
	v16 =	vperm.xlane v16, v1;
	v39 =	vld [tilespmem:s29+$0x450]  }
0x1ec: {  	v3 =	vsel vm0, v5, v3;
	v5 =	vmax.f32 v12, v13;
	v15 =	vmax.f32 v15, v38;
	v13 =	vld [tilespmem:s29+$0x1450]  }
0x1ed: {  	v41 =	vld [tilespmem:s29+$0x1440];
	[tilespmem:s24+$0x420] =	vst v15;
	v42 =	vsel vm0, v23, v40;
	v16 =	vsel vm0, v21, v16  }
0x1ee: {  	v10 =	vmax.f32 v10, v11;
	v12 =	vmax.f32 v33, v36;
	v15 =	vld [tilespmem:s23+$0x860];
	v16 =	vmax.f32 v42, v16  }
0x1ef: {  	v43 =	vperm.xlane v12, v0;
	v45 =	vld [tilespmem:s23+$0x870];
	v11 =	vperm.xlane v12, v1;
	[tilespmem:s6+$0x460] =	vst v16;
	v14 =	vmax.f32 v34, v14  }
0x1f0: {  	v48 =	vld [tilespmem:s5+$0xC60];
	v44 =	vperm.xlane v14, v0;
	v12 =	vperm.xlane v14, v1  }
0x1f1: {  	v46 =	vperm.xlane v5, v0;
	v47 =	vperm.xlane v10, v0;
	v49 =	vld [tilespmem:s5+$0xC70];
	v13 =	vmax.f32 v39, v13  }
0x1f2: {  	v51 =	vld [tilespmem:s5+$0x1C60];
	v21 =	vsel vm0, v43, v44;
	v11 =	vsel vm0, v11, v12;
	v12 =	vmax.f32 v37, v41  }
0x1f3: {  	v14 =	vld [tilespmem:s23+$0x1860];
	v50 =	vperm.xlane v13, v0;
	v11 =	vmax.f32 v21, v11;
	v19 =	vperm.xlane v12, v0  }
0x1f4: {  	v6 =	vmax.f32 v6, v8;
	[tilespmem:s1+$0x50] =	vst v11;
	v11 =	vperm.xlane v12, v1;
	v12 =	vperm.xlane v13, v1;
	v13 =	vld [tilespmem:s5+$0x1C70]  }
0x1f5: {  	v7 =	vmax.f32 v7, v9;
	v5 =	vperm.xlane v5, v1;
	v10 =	vperm.xlane v10, v1;
	v8 =	vld [tilespmem:s26+$0x440]  }
0x1f6: {  	v53 =	vperm.xlane v7, v0;
	v9 =	vld [tilespmem:s26+$0x450];
	v52 =	vsel vm0, v19, v50;
	v11 =	vsel vm0, v11, v12  }
0x1f7: {  	v5 =	vsel vm0, v5, v10;
	v10 =	vld [tilespmem:s26+$0x1450];
	v12 =	vperm.xlane v6, v0;
	v11 =	vmax.f32 v52, v11  }
0x1f8: {  	v7 =	vperm.xlane v7, v1;
	v54 =	vld [tilespmem:s26+$0x1440];
	v6 =	vperm.xlane v6, v1;
	[tilespmem:s28+$0x60] =	vst v11  }
0x1f9: {  	v14 =	vmax.f32 v15, v14;
	v11 =	vsel vm0, v12, v53;
	v12 =	vld [tilespmem:s29+$0x460]  }
0x1fa: {  	v6 =	vsel vm0, v6, v7;
	v7 =	vmax.f32 v48, v51;
	v13 =	vmax.f32 v49, v13;
	v55 =	vld [tilespmem:s29+$0x470]  }
0x1fb: {  	v6 =	vmax.f32 v11, v6;
	v11 =	vperm.xlane v7, v0;
	v56 =	vld [tilespmem:s29+$0x1460];
	v7 =	vperm.xlane v7, v1  }
0x1fc: {  	v15 =	vld [tilespmem:s29+$0x1470];
	v17 =	vperm.xlane v13, v0;
	v13 =	vperm.xlane v13, v1;
	v9 =	vmax.f32 v9, v10  }
0x1fd: {  	v16 =	vsel vm0, v46, v47;
	v8 =	vmax.f32 v8, v54;
	v10 =	vld [tilespmem:s23+$0x1870];
	v57 =	vperm.xlane v9, v0  }
0x1fe: {  	v2 =	vld [tilespmem:s22+$0xC50];
	v11 =	vsel vm0, v11, v17;
	v7 =	vsel vm0, v7, v13;
	v13 =	vperm.xlane v8, v0  }
0x1ff: {  	v4 =	vld [tilespmem:s22+$0xC40];
	[tilespmem:s20+$0x460] =	vst v6;
	v6 =	vmax.f32 v11, v7;
	v7 =	vperm.xlane v8, v1;
	v8 =	vperm.xlane v9, v1  }
0x200: {  	v20 =	vsel vm0, v59, v60;
	v58 =	vld [tilespmem:s22+$0x1C40];
	v5 =	vmax.f32 v16, v5;
	v11 =	vperm.xlane v14, v0  }
0x201: {  	v9 =	vld [tilespmem:s22+$0x1C50];
	v14 =	vperm.xlane v14, v1;
	v13 =	vsel vm0, v13, v57;
	v7 =	vsel vm0, v7, v8  }
0x202: {  	v59 =	vld [tilespmem:s25+$0xC60];
	v8 =	vmax.f32 v12, v56;
	v12 =	vmax.f32 v55, v15;
	v10 =	vmax.f32 v45, v10  }
0x203: {  	v60 =	vld [tilespmem:s25+$0x1C60];
	v7 =	vmax.f32 v13, v7;
	v13 =	vperm.xlane v8, v0;
	v16 =	vperm.xlane v12, v0  }
0x204: {  	v3 =	vmax.f32 v20, v3;
	v15 =	vld [tilespmem:s25+$0xC70];
	v62 =	vperm.xlane v10, v0;
	v10 =	vperm.xlane v10, v1  }
0x205: {  	v4 =	vmax.f32 v4, v58;
	[tilespmem:s1+$0x60] =	vst v7;
	v7 =	vperm.xlane v8, v1;
	v8 =	vperm.xlane v12, v1;
	v12 =	vld [tilespmem:s25+$0x1C70]  }
0x206: {  	[tilespmem:s19+$0x470] =	vst v3;
	v3 =	vperm.xlane v4, v1;
	v61 =	vld [tilespmem:s26+$0x460];
	v13 =	vsel vm0, v13, v16;
	v2 =	vmax.f32 v2, v9  }
0x207: {  	v11 =	vsel vm0, v11, v62;
	v10 =	vsel vm0, v14, v10;
	v9 =	vld [tilespmem:s26+$0x1470];
	v8 =	vsel vm0, v7, v8  }
0x208: {  	v14 =	vmax.f32 v11, v10;
	v11 =	vperm.xlane v4, v0;
	v8 =	vmax.f32 v13, v8;
	v13 =	vld [tilespmem:s26+$0x1460]  }
0x209: {  	v7 =	vld [tilespmem:s26+$0x470];
	v63 =	vperm.xlane v2, v0;
	v4 =	vperm.xlane v2, v1;
	[tilespmem:s28+$0x70] =	vst v8  }
0x20a: {  	[tilespmem:s30+$0x470] =	vst v5;
	v17 =	vmax.f32 v59, v60;
	v8 =	vld [tilespmem:s29+$0x800]  }
0x20b: {  	[tilespmem:s6+$0x470] =	vst v6;
	v2 =	vperm.xlane v17, v0;
	v5 =	vsel vm0, v11, v63;
	v6 =	vsel vm0, v3, v4;
	v10 =	vld [tilespmem:s29+$0x810]  }
0x20c: {  	v3 =	vperm.xlane v17, v1;
	v15 =	vmax.f32 v15, v12;
	v11 =	vld [tilespmem:s29+$0x1800];
	v6 =	vmax.f32 v5, v6  }
0x20d: {  	s19 =	sshll.u32 s18, $0xD;
	s5 =	simm.s32 $0x6;
	[tilespmem:s24+$0x430] =	vst v14;
	v12 =	vld [tilespmem:s29+$0x1810];
	v4 =	vperm.xlane v15, v0;
	v5 =	vperm.xlane v15, v1;
	v13 =	vmax.f32 v61, v13  }
.LBB2_3:
0x20e: {  	s5 =	sadd.s32 $0x2, s5;
	v7 =	vmax.f32 v7, v9;
	v9 =	vperm.xlane v13, v0;
	v13 =	vperm.xlane v13, v1;
	s0 =	sadd.s32 $0x100, s0;
	v14 =	vld [tilespmem:s23+$0xC00];
	[tilespmem:s21+$0x460] =	vst v6  }
0x20f: {  	v2 =	vsel vm0, v2, v4;
	s25 =	sand.u32 $0x300, s0;
	s6 =	sshll.u32 s5, $0xA;
	p1 =	slt.u32 s5, $0x1E;
	v6 =	vperm.xlane v7, v0;
	v7 =	vperm.xlane v7, v1;
	v15 =	vld [tilespmem:s23+$0xC10]  }
0x210: {  	v3 =	vsel vm0, v3, v5;
	s10 =	sand.u32 $0x3FFFE000, s6;
	s30 =	sor.u32 $0x80, s25;
	v4 =	vld [tilespmem:s23+$0x1C00]  }
0x211: {  	v2 =	vmax.f32 v2, v3;
	s6 =	sor.u32 s25, s10;
	s10 =	sor.u32 s30, s10;
	v5 =	vsel vm0, v9, v6;
	v6 =	vsel vm0, v13, v7;
	v7 =	vld [tilespmem:s23+$0x1C10]  }
0x212: {  	v3 =	vld [tilespmem:s10+$0x0];
	v5 =	vmax.f32 v5, v6;
	v6 =	vmax.f32 v8, v11;
	v8 =	vmax.f32 v10, v12;
	[tilespmem:s20+$0x470] =	vst v2;
	s20 =	smov.u32 s21;
	s21 =	smov.u32 s24;
	s24 =	smov.u32 s1  }
0x213: {  	v2 =	vld [tilespmem:s10+$0x10];
	[tilespmem:s24+$0x70] =	vst v5;
	v5 =	vperm.xlane v6, v0;
	v9 =	vperm.xlane v8, v0  }
0x214: {  	v6 =	vperm.xlane v6, v1;
	v8 =	vperm.xlane v8, v1;
	v10 =	vld [tilespmem:s10+$0x1000]  }
0x215: {  	v11 =	vld [tilespmem:s10+$0x1010];
	v4 =	vmax.f32 v14, v4  }
0x216: {  	v5 =	vsel vm0, v5, v9;
	v6 =	vsel vm0, v6, v8;
	v12 =	vld [tilespmem:s6+$0x0];
	v7 =	vmax.f32 v15, v7  }
0x217: {  	v5 =	vmax.f32 v5, v6;
	v6 =	vperm.xlane v4, v0;
	v8 =	vld [tilespmem:s6+$0x10];
	v9 =	vperm.xlane v7, v0  }
0x218: {  	v4 =	vperm.xlane v4, v1;
	v13 =	vld [tilespmem:s6+$0x1000];
	[tilespmem:s28+$0x400] =	vst v5;
	v5 =	vperm.xlane v7, v1  }
0x219: {  	v7 =	vld [tilespmem:s29+$0x820];
	v6 =	vsel vm0, v6, v9  }
0x21a: {  	v3 =	vmax.f32 v3, v10;
	v2 =	vmax.f32 v2, v11;
	v9 =	vld [tilespmem:s29+$0x830];
	v4 =	vsel vm0, v4, v5  }
0x21b: {  	v5 =	vperm.xlane v3, v0;
	v10 =	vperm.xlane v2, v0;
	v11 =	vld [tilespmem:s29+$0x1820];
	v4 =	vmax.f32 v6, v4  }
0x21c: {  	s1 =	sshll.u32 s5, $0x8;
	v3 =	vperm.xlane v3, v1;
	v2 =	vperm.xlane v2, v1;
	v6 =	vld [tilespmem:s29+$0x1830];
	[tilespmem:s21+$0x440] =	vst v4  }
0x21d: {  	s1 =	sand.u32 $0x3FFFF800, s1;
	v4 =	vld [tilespmem:s6+$0x1010];
	v12 =	vmax.f32 v12, v13  }
0x21e: {  	s31 =	sadd.s32 $0x10000, s1;
	v5 =	vsel vm0, v5, v10;
	v2 =	vsel vm0, v3, v2;
	v13 =	vperm.xlane v12, v0;
	v3 =	vld [tilespmem:s26+$0x800]  }
0x21f: {  	s1 =	sor.u32 s25, s31;
	s25 =	sor.u32 s30, s31;
	v10 =	vperm.xlane v12, v1;
	v2 =	vmax.f32 v5, v2;
	v5 =	vld [tilespmem:s26+$0x810]  }
0x220: {  	[tilespmem:s25+$0x0] =	vst v2;
	v2 =	vld [tilespmem:s26+$0x1800]  }
0x221: {  	v7 =	vmax.f32 v7, v11;
	v12 =	vld [tilespmem:s10+$0x20];
	v6 =	vmax.f32 v9, v6  }
0x222: {  	v9 =	vperm.xlane v7, v0;
	v4 =	vmax.f32 v8, v4;
	v8 =	vld [tilespmem:s10+$0x30];
	v11 =	vperm.xlane v6, v0  }
0x223: {  	v7 =	vperm.xlane v7, v1;
	v6 =	vperm.xlane v6, v1;
	v14 =	vld [tilespmem:s10+$0x1020]  }
0x224: {  	v15 =	vperm.xlane v4, v0;
	v4 =	vperm.xlane v4, v1;
	v16 =	vld [tilespmem:s10+$0x1030]  }
0x225: {  	v6 =	vsel vm0, v7, v6;
	v17 =	vld [tilespmem:s26+$0x1810];
	v3 =	vmax.f32 v3, v2;
	v2 =	vsel vm0, v9, v11  }
0x226: {  	v7 =	vsel vm0, v13, v15;
	v4 =	vsel vm0, v10, v4;
	v6 =	vmax.f32 v2, v6;
	v2 =	vld [tilespmem:s23+$0xC20]  }
0x227: {  	v4 =	vmax.f32 v7, v4;
	v7 =	vperm.xlane v3, v0;
	v9 =	vperm.xlane v3, v1;
	[tilespmem:s28+$0x410] =	vst v6;
	v3 =	vld [tilespmem:s23+$0xC30]  }
0x228: {  	[tilespmem:s1+$0x0] =	vst v4;
	v4 =	vld [tilespmem:s29+$0x840]  }
0x229: {  	v6 =	vmax.f32 v12, v14;
	v8 =	vmax.f32 v8, v16;
	v10 =	vld [tilespmem:s29+$0x850]  }
0x22a: {  	v11 =	vperm.xlane v6, v0;
	v12 =	vperm.xlane v8, v0;
	v5 =	vmax.f32 v5, v17;
	v13 =	vld [tilespmem:s29+$0x1840]  }
0x22b: {  	v6 =	vperm.xlane v6, v1;
	v8 =	vperm.xlane v8, v1;
	v14 =	vld [tilespmem:s29+$0x1850]  }
0x22c: {  	v16 =	vperm.xlane v5, v0;
	v5 =	vperm.xlane v5, v1;
	v15 =	vld [tilespmem:s6+$0x20]  }
0x22d: {  	v11 =	vsel vm0, v11, v12;
	v6 =	vsel vm0, v6, v8;
	v17 =	vld [tilespmem:s6+$0x30]  }
0x22e: {  	v6 =	vmax.f32 v11, v6;
	v7 =	vsel vm0, v7, v16;
	v5 =	vsel vm0, v9, v5;
	v8 =	vld [tilespmem:s6+$0x1020]  }
0x22f: {  	v5 =	vmax.f32 v7, v5;
	v9 =	vld [tilespmem:s6+$0x1030];
	[tilespmem:s25+$0x10] =	vst v6  }
0x230: {  	v4 =	vmax.f32 v4, v13;
	v6 =	vld [tilespmem:s10+$0x40];
	[tilespmem:s24+$0x400] =	vst v5;
	v5 =	vmax.f32 v10, v14  }
0x231: {  	v10 =	vperm.xlane v4, v0;
	v7 =	vld [tilespmem:s10+$0x50];
	v11 =	vperm.xlane v5, v0  }
0x232: {  	v4 =	vperm.xlane v4, v1;
	v5 =	vperm.xlane v5, v1;
	v12 =	vld [tilespmem:s10+$0x1040]  }
0x233: {  	v8 =	vmax.f32 v15, v8;
	v13 =	vld [tilespmem:s10+$0x1050]  }
0x234: {  	v10 =	vsel vm0, v10, v11;
	v4 =	vsel vm0, v4, v5;
	v9 =	vmax.f32 v17, v9;
	v14 =	vld [tilespmem:s26+$0x820]  }
0x235: {  	v5 =	vperm.xlane v8, v0;
	v4 =	vmax.f32 v10, v4;
	v11 =	vperm.xlane v9, v0;
	v15 =	vld [tilespmem:s26+$0x830]  }
0x236: {  	v8 =	vperm.xlane v8, v1;
	v9 =	vperm.xlane v9, v1;
	v10 =	vld [tilespmem:s26+$0x1820];
	[tilespmem:s28+$0x420] =	vst v4  }
0x237: {  	v4 =	vsel vm0, v5, v11;
	v5 =	vld [tilespmem:s29+$0x860]  }
0x238: {  	v8 =	vsel vm0, v8, v9;
	v6 =	vmax.f32 v6, v12;
	v7 =	vmax.f32 v7, v13;
	v9 =	vld [tilespmem:s29+$0x870]  }
0x239: {  	v4 =	vmax.f32 v4, v8;
	v8 =	vperm.xlane v6, v0;
	v11 =	vperm.xlane v7, v0;
	v12 =	vld [tilespmem:s29+$0x1860]  }
0x23a: {  	[tilespmem:s1+$0x10] =	vst v4;
	v4 =	vperm.xlane v6, v1;
	v6 =	vperm.xlane v7, v1;
	v7 =	vld [tilespmem:s29+$0x1870]  }
0x23b: {  	v13 =	vld [tilespmem:s6+$0x40];
	v10 =	vmax.f32 v14, v10  }
0x23c: {  	v8 =	vsel vm0, v8, v11;
	v14 =	vld [tilespmem:s6+$0x50];
	v4 =	vsel vm0, v4, v6;
	v6 =	vperm.xlane v10, v0  }
0x23d: {  	v11 =	vld [tilespmem:s6+$0x1040];
	v4 =	vmax.f32 v8, v4;
	v8 =	vperm.xlane v10, v1  }
0x23e: {  	v10 =	vld [tilespmem:s6+$0x1050];
	[tilespmem:s25+$0x20] =	vst v4  }
0x23f: {  	v5 =	vmax.f32 v5, v12;
	v4 =	vld [tilespmem:s10+$0x60];
	v7 =	vmax.f32 v9, v7  }
0x240: {  	v12 =	vperm.xlane v5, v0;
	v9 =	vld [tilespmem:s10+$0x70];
	v16 =	vperm.xlane v7, v0  }
0x241: {  	v5 =	vperm.xlane v5, v1;
	v7 =	vperm.xlane v7, v1;
	v17 =	vld [tilespmem:s10+$0x1060]  }
0x242: {  	v11 =	vmax.f32 v13, v11;
	v13 =	vld [tilespmem:s10+$0x1070]  }
0x243: {  	v12 =	vsel vm0, v12, v16;
	v5 =	vsel vm0, v5, v7;
	v10 =	vmax.f32 v14, v10;
	v14 =	vld [tilespmem:s26+$0x1830]  }
0x244: {  	v7 =	vperm.xlane v11, v0;
	v5 =	vmax.f32 v12, v5;
	v16 =	vperm.xlane v10, v0;
	v12 =	vld [tilespmem:s23+$0x1C20]  }
0x245: {  	v11 =	vperm.xlane v11, v1;
	v10 =	vperm.xlane v10, v1;
	[tilespmem:s28+$0x430] =	vst v5;
	v5 =	vld [tilespmem:s23+$0x1C30]  }
0x246: {  	v7 =	vsel vm0, v7, v16;
	v16 =	vld [tilespmem:s29+$0xC00]  }
0x247: {  	v10 =	vsel vm0, v11, v10;
	v4 =	vmax.f32 v4, v17;
	v9 =	vmax.f32 v9, v13;
	v11 =	vld [tilespmem:s29+$0xC10]  }
0x248: {  	v7 =	vmax.f32 v7, v10;
	v10 =	vperm.xlane v4, v0;
	v13 =	vperm.xlane v9, v0;
	v17 =	vld [tilespmem:s29+$0x1C00]  }
0x249: {  	v4 =	vperm.xlane v4, v1;
	[tilespmem:s1+$0x20] =	vst v7;
	v7 =	vperm.xlane v9, v1;
	v9 =	vmax.f32 v15, v14;
	v14 =	vld [tilespmem:s29+$0x1C10]  }
0x24a: {  	v2 =	vmax.f32 v2, v12;
	v15 =	vld [tilespmem:s6+$0x60];
	v18 =	vperm.xlane v9, v0;
	v9 =	vperm.xlane v9, v1  }
0x24b: {  	v10 =	vsel vm0, v10, v13;
	v3 =	vmax.f32 v3, v5;
	v12 =	vld [tilespmem:s6+$0x70];
	v4 =	vsel vm0, v4, v7  }
0x24c: {  	v5 =	vld [tilespmem:s6+$0x1060];
	v4 =	vmax.f32 v10, v4;
	v6 =	vsel vm0, v6, v18;
	v7 =	vsel vm0, v8, v9  }
0x24d: {  	v8 =	vld [tilespmem:s6+$0x1070];
	[tilespmem:s25+$0x30] =	vst v4;
	v4 =	vmax.f32 v6, v7;
	v6 =	vperm.xlane v2, v0;
	v7 =	vperm.xlane v3, v0  }
0x24e: {  	v2 =	vperm.xlane v2, v1;
	v9 =	vld [tilespmem:s10+$0x400];
	[tilespmem:s24+$0x410] =	vst v4;
	v4 =	vmax.f32 v16, v17;
	v10 =	vmax.f32 v11, v14  }
0x24f: {  	v11 =	vld [tilespmem:s10+$0x410];
	v13 =	vperm.xlane v4, v0;
	v14 =	vperm.xlane v10, v0;
	v6 =	vsel vm0, v6, v7  }
0x250: {  	v4 =	vperm.xlane v4, v1;
	v10 =	vperm.xlane v10, v1;
	v7 =	vld [tilespmem:s10+$0x1400]  }
0x251: {  	v3 =	vperm.xlane v3, v1;
	v5 =	vmax.f32 v15, v5;
	v15 =	vld [tilespmem:s10+$0x1410]  }
0x252: {  	v13 =	vsel vm0, v13, v14;
	v4 =	vsel vm0, v4, v10;
	v8 =	vmax.f32 v12, v8;
	v12 =	vld [tilespmem:s26+$0x840]  }
0x253: {  	v10 =	vperm.xlane v5, v0;
	v4 =	vmax.f32 v13, v4;
	v14 =	vperm.xlane v8, v0;
	v16 =	vld [tilespmem:s26+$0x850]  }
0x254: {  	v2 =	vsel vm0, v2, v3;
	v5 =	vperm.xlane v5, v1;
	v8 =	vperm.xlane v8, v1;
	v13 =	vld [tilespmem:s26+$0x1840];
	[tilespmem:s28+$0x440] =	vst v4  }
0x255: {  	v2 =	vmax.f32 v6, v2;
	v3 =	vsel vm0, v10, v14;
	v4 =	vld [tilespmem:s29+$0xC20]  }
0x256: {  	v5 =	vsel vm0, v5, v8;
	v6 =	vmax.f32 v9, v7;
	v7 =	vmax.f32 v11, v15;
	v8 =	vld [tilespmem:s29+$0xC30];
	[tilespmem:s21+$0x450] =	vst v2  }
0x257: {  	v2 =	vmax.f32 v3, v5;
	v3 =	vperm.xlane v6, v0;
	v5 =	vperm.xlane v7, v0;
	v9 =	vld [tilespmem:s29+$0x1C20]  }
0x258: {  	[tilespmem:s1+$0x30] =	vst v2;
	v2 =	vperm.xlane v6, v1;
	v6 =	vperm.xlane v7, v1;
	v7 =	vld [tilespmem:s29+$0x1C30]  }
0x259: {  	v10 =	vld [tilespmem:s6+$0x400];
	v11 =	vmax.f32 v12, v13  }
0x25a: {  	v3 =	vsel vm0, v3, v5;
	v12 =	vld [tilespmem:s6+$0x410];
	v2 =	vsel vm0, v2, v6;
	v5 =	vperm.xlane v11, v0  }
0x25b: {  	v11 =	vperm.xlane v11, v1;
	v6 =	vld [tilespmem:s6+$0x1400];
	v2 =	vmax.f32 v3, v2  }
0x25c: {  	v3 =	vld [tilespmem:s6+$0x1410];
	[tilespmem:s25+$0x40] =	vst v2  }
0x25d: {  	v2 =	vmax.f32 v4, v9;
	v13 =	vld [tilespmem:s10+$0x420];
	v4 =	vmax.f32 v8, v7  }
0x25e: {  	v8 =	vperm.xlane v2, v0;
	v7 =	vld [tilespmem:s10+$0x430];
	v9 =	vperm.xlane v4, v0  }
0x25f: {  	v2 =	vperm.xlane v2, v1;
	v4 =	vperm.xlane v4, v1;
	v14 =	vld [tilespmem:s10+$0x1420]  }
0x260: {  	v6 =	vmax.f32 v10, v6;
	v10 =	vld [tilespmem:s10+$0x1430]  }
0x261: {  	v8 =	vsel vm0, v8, v9;
	v2 =	vsel vm0, v2, v4;
	v3 =	vmax.f32 v12, v3;
	v12 =	vld [tilespmem:s26+$0x1850]  }
0x262: {  	v4 =	vperm.xlane v6, v0;
	v8 =	vmax.f32 v8, v2;
	v9 =	vperm.xlane v3, v0;
	v2 =	vld [tilespmem:s23+$0xC40]  }
0x263: {  	v6 =	vperm.xlane v6, v1;
	v15 =	vperm.xlane v3, v1;
	[tilespmem:s28+$0x450] =	vst v8;
	v3 =	vld [tilespmem:s23+$0xC50]  }
0x264: {  	v4 =	vsel vm0, v4, v9;
	v8 =	vld [tilespmem:s29+$0xC40]  }
0x265: {  	v6 =	vsel vm0, v6, v15;
	v9 =	vmax.f32 v13, v14;
	v7 =	vmax.f32 v7, v10;
	v10 =	vld [tilespmem:s29+$0xC50]  }
0x266: {  	v4 =	vmax.f32 v4, v6;
	v6 =	vperm.xlane v9, v0;
	v13 =	vperm.xlane v7, v0;
	v14 =	vld [tilespmem:s29+$0x1C40]  }
0x267: {  	v7 =	vperm.xlane v7, v1;
	[tilespmem:s1+$0x40] =	vst v4;
	v4 =	vperm.xlane v9, v1;
	v9 =	vmax.f32 v16, v12;
	v12 =	vld [tilespmem:s29+$0x1C50]  }
0x268: {  	v15 =	vld [tilespmem:s6+$0x420];
	v16 =	vperm.xlane v9, v0;
	v9 =	vperm.xlane v9, v1  }
0x269: {  	v6 =	vsel vm0, v6, v13;
	v17 =	vld [tilespmem:s6+$0x430];
	v4 =	vsel vm0, v4, v7  }
0x26a: {  	v7 =	vld [tilespmem:s6+$0x1420];
	v4 =	vmax.f32 v6, v4;
	v5 =	vsel vm0, v5, v16;
	v6 =	vsel vm0, v11, v9  }
0x26b: {  	v9 =	vld [tilespmem:s6+$0x1430];
	[tilespmem:s25+$0x50] =	vst v4;
	v4 =	vmax.f32 v5, v6  }
0x26c: {  	v5 =	vld [tilespmem:s10+$0x440];
	[tilespmem:s24+$0x420] =	vst v4;
	v4 =	vmax.f32 v8, v14;
	v6 =	vmax.f32 v10, v12  }
0x26d: {  	v8 =	vld [tilespmem:s10+$0x450];
	v10 =	vperm.xlane v4, v0;
	v11 =	vperm.xlane v6, v0  }
0x26e: {  	v4 =	vperm.xlane v4, v1;
	v6 =	vperm.xlane v6, v1;
	v12 =	vld [tilespmem:s10+$0x1440]  }
0x26f: {  	v7 =	vmax.f32 v15, v7;
	v13 =	vld [tilespmem:s10+$0x1450]  }
0x270: {  	v10 =	vsel vm0, v10, v11;
	v4 =	vsel vm0, v4, v6;
	v9 =	vmax.f32 v17, v9;
	v14 =	vld [tilespmem:s26+$0x860]  }
0x271: {  	v6 =	vperm.xlane v7, v0;
	v4 =	vmax.f32 v10, v4;
	v11 =	vperm.xlane v9, v0;
	v15 =	vld [tilespmem:s26+$0x870]  }
0x272: {  	v7 =	vperm.xlane v7, v1;
	v9 =	vperm.xlane v9, v1;
	v10 =	vld [tilespmem:s26+$0x1860];
	[tilespmem:s28+$0x460] =	vst v4  }
0x273: {  	v4 =	vsel vm0, v6, v11;
	v6 =	vld [tilespmem:s29+$0xC60]  }
0x274: {  	v7 =	vsel vm0, v7, v9;
	v5 =	vmax.f32 v5, v12;
	v8 =	vmax.f32 v8, v13;
	v9 =	vld [tilespmem:s29+$0xC70]  }
0x275: {  	v4 =	vmax.f32 v4, v7;
	v7 =	vperm.xlane v5, v0;
	v11 =	vperm.xlane v8, v0;
	v12 =	vld [tilespmem:s29+$0x1C60]  }
0x276: {  	[tilespmem:s1+$0x50] =	vst v4;
	v4 =	vperm.xlane v5, v1;
	v5 =	vperm.xlane v8, v1;
	v8 =	vld [tilespmem:s29+$0x1C70];
	s29 =	smov.u32 s10  }
0x277: {  	v13 =	vld [tilespmem:s6+$0x440];
	v10 =	vmax.f32 v14, v10  }
0x278: {  	v7 =	vsel vm0, v7, v11;
	v14 =	vld [tilespmem:s6+$0x450];
	v4 =	vsel vm0, v4, v5;
	v5 =	vperm.xlane v10, v0  }
0x279: {  	v10 =	vperm.xlane v10, v1;
	v11 =	vld [tilespmem:s6+$0x1440];
	v4 =	vmax.f32 v7, v4  }
0x27a: {  	v7 =	vld [tilespmem:s6+$0x1450];
	[tilespmem:s25+$0x60] =	vst v4  }
0x27b: {  	v6 =	vmax.f32 v6, v12;
	v4 =	vld [tilespmem:s29+$0x460];
	v8 =	vmax.f32 v9, v8  }
0x27c: {  	v12 =	vperm.xlane v6, v0;
	v9 =	vld [tilespmem:s29+$0x470];
	v16 =	vperm.xlane v8, v0  }
0x27d: {  	v6 =	vperm.xlane v6, v1;
	v8 =	vperm.xlane v8, v1;
	v17 =	vld [tilespmem:s29+$0x1460]  }
0x27e: {  	v11 =	vmax.f32 v13, v11;
	v13 =	vld [tilespmem:s29+$0x1470]  }
0x27f: {  	v12 =	vsel vm0, v12, v16;
	v6 =	vsel vm0, v6, v8;
	v7 =	vmax.f32 v14, v7;
	v14 =	vld [tilespmem:s26+$0x1870]  }
0x280: {  	v8 =	vperm.xlane v11, v0;
	v6 =	vmax.f32 v12, v6;
	v16 =	vperm.xlane v7, v0;
	v12 =	vld [tilespmem:s23+$0x1C40]  }
0x281: {  	v11 =	vperm.xlane v11, v1;
	v7 =	vperm.xlane v7, v1;
	[tilespmem:s28+$0x470] =	vst v6;
	v6 =	vld [tilespmem:s23+$0x1C50];
	s28 =	smov.u32 s25  }
0x282: {  	v8 =	vsel vm0, v8, v16;
	v16 =	vld [tilespmem:s22+$0xC60]  }
0x283: {  	v7 =	vsel vm0, v11, v7;
	v4 =	vmax.f32 v4, v17;
	v9 =	vmax.f32 v9, v13;
	v11 =	vld [tilespmem:s22+$0xC70]  }
0x284: {  	v7 =	vmax.f32 v8, v7;
	v8 =	vperm.xlane v4, v0;
	v13 =	vperm.xlane v9, v0;
	v17 =	vld [tilespmem:s22+$0x1C60]  }
0x285: {  	v4 =	vperm.xlane v4, v1;
	v9 =	vperm.xlane v9, v1;
	[tilespmem:s1+$0x60] =	vst v7;
	v7 =	vmax.f32 v15, v14;
	v14 =	vld [tilespmem:s22+$0x1C70];
	s22 =	smov.u32 s23;
	s23 =	smov.u32 s26;
	s26 =	smov.u32 s6  }
0x286: {  	v2 =	vmax.f32 v2, v12;
	v15 =	vld [tilespmem:s26+$0x460];
	v18 =	vperm.xlane v7, v0;
	v19 =	vperm.xlane v7, v1  }
0x287: {  	v8 =	vsel vm0, v8, v13;
	v4 =	vsel vm0, v4, v9;
	v3 =	vmax.f32 v3, v6;
	v7 =	vld [tilespmem:s26+$0x470]  }
0x288: {  	v4 =	vmax.f32 v8, v4;
	v6 =	vld [tilespmem:s26+$0x1460];
	v5 =	vsel vm0, v5, v18;
	v8 =	vsel vm0, v10, v19  }
.Ltmp2:
0x289: {  	v12 =	vperm.xlane v3, v0;
	v9 =	vld [tilespmem:s26+$0x1470];
	[tilespmem:s28+$0x70] =	vst v4;
	v4 =	vmax.f32 v5, v8;
	v5 =	vperm.xlane v2, v0;
	(pc) =	sbr.rel @p1 .LBB2_3-.Ltmp2, $4  }
0x28a: {  	v3 =	vperm.xlane v3, v1;
	v13 =	vmax.f32 v16, v17;
	v8 =	vld [tilespmem:s29+$0x800];
	[tilespmem:s24+$0x430] =	vst v4;
	v4 =	vperm.xlane v2, v1  }
0x28b: {  	v14 =	vmax.f32 v11, v14;
	v2 =	vperm.xlane v13, v0;
	v10 =	vld [tilespmem:s29+$0x810];
	v5 =	vsel vm0, v5, v12  }
0x28c: {  	v11 =	vld [tilespmem:s29+$0x1800];
	v16 =	vsel vm0, v4, v3;
	v4 =	vperm.xlane v14, v0;
	v3 =	vperm.xlane v13, v1  }
0x28d: {  	v13 =	vmax.f32 v15, v6;
	v12 =	vld [tilespmem:s29+$0x1810];
	v6 =	vmax.f32 v5, v16;
	v5 =	vperm.xlane v14, v1  }
0x28e: {  	_ =	sdelay $0x2  }
0x28f: {  	v8 =	vmax.f32 v8, v11  }
0x290: {  	v10 =	vmax.f32 v10, v12;
	v11 =	vperm.xlane v8, v0;
	v8 =	vperm.xlane v8, v1  }
0x291: {  	v12 =	vperm.xlane v10, v0;
	v10 =	vperm.xlane v10, v1;
	_ =	sdelay $0x1  }
0x292: {  	v11 =	vsel vm0, v11, v12;
	v8 =	vsel vm0, v8, v10  }
0x293: {  	v8 =	vmax.f32 v11, v8  }
0x294: {  	[tilespmem:s28+$0x400] =	vst v8  }
0x295: {  	v8 =	vld [tilespmem:s29+$0x820]  }
0x296: {  	v7 =	vmax.f32 v7, v9;
	v29 =	vperm.xlane v13, v0;
	v30 =	vperm.xlane v13, v1;
	v27 =	vld [tilespmem:s29+$0x830]  }
0x297: {  	v14 =	vperm.xlane v7, v0;
	v7 =	vperm.xlane v7, v1;
	v28 =	vld [tilespmem:s29+$0x1820]  }
0x298: {  	v31 =	vld [tilespmem:s29+$0x1830]  }
0x299: {  	v9 =	vsel vm0, v29, v14;
	v7 =	vsel vm0, v30, v7  }
0x29a: {  	v7 =	vmax.f32 v9, v7  }
0x29b: {  	[tilespmem:s1+$0x70] =	vst v7  }
0x29c: {  	v34 =	vld [tilespmem:s26+$0x800]  }
0x29d: {  	v37 =	vld [tilespmem:s26+$0x810];
	v32 =	vmax.f32 v8, v28;
	v33 =	vmax.f32 v27, v31  }
0x29e: {  	v38 =	vld [tilespmem:s26+$0x1800];
	v35 =	vperm.xlane v32, v0;
	v36 =	vperm.xlane v33, v0  }
0x29f: {  	v39 =	vld [tilespmem:s26+$0x1810];
	v7 =	vperm.xlane v32, v1;
	v8 =	vperm.xlane v33, v1;
	_ =	sdelay $0x1  }
0x2a0: {  	v10 =	vsel vm0, v35, v36;
	v7 =	vsel vm0, v7, v8  }
0x2a1: {  	v7 =	vmax.f32 v10, v7  }
0x2a2: {  	[tilespmem:s28+$0x410] =	vst v7  }
0x2a3: {  	v40 =	vmax.f32 v34, v38;
	v43 =	vmax.f32 v37, v39;
	v7 =	vld [tilespmem:s29+$0x840]  }
0x2a4: {  	v42 =	vperm.xlane v40, v0;
	v14 =	vperm.xlane v43, v0;
	v41 =	vld [tilespmem:s29+$0x850]  }
0x2a5: {  	v11 =	vperm.xlane v43, v1;
	v8 =	vperm.xlane v40, v1;
	v44 =	vld [tilespmem:s29+$0x1840]  }
0x2a6: {  	v45 =	vld [tilespmem:s29+$0x1850]  }
0x2a7: {  	v10 =	vsel vm0, v42, v14;
	v8 =	vsel vm0, v8, v11  }
0x2a8: {  	v8 =	vmax.f32 v10, v8  }
0x2a9: {  	[tilespmem:s1+$0x400] =	vst v8  }
0x2aa: {  	v47 =	vld [tilespmem:s26+$0x820]  }
0x2ab: {  	v50 =	vld [tilespmem:s26+$0x830];
	v7 =	vmax.f32 v7, v44;
	v46 =	vmax.f32 v41, v45  }
0x2ac: {  	v51 =	vld [tilespmem:s26+$0x1820];
	v48 =	vperm.xlane v7, v0;
	v49 =	vperm.xlane v46, v0  }
0x2ad: {  	v52 =	vld [tilespmem:s26+$0x1830];
	v7 =	vperm.xlane v7, v1;
	v8 =	vperm.xlane v46, v1;
	_ =	sdelay $0x1  }
0x2ae: {  	v10 =	vsel vm0, v48, v49;
	v7 =	vsel vm0, v7, v8  }
0x2af: {  	v7 =	vmax.f32 v10, v7  }
0x2b0: {  	v53 =	vmax.f32 v47, v51;
	[tilespmem:s28+$0x420] =	vst v7  }
0x2b1: {  	v56 =	vmax.f32 v50, v52;
	v55 =	vperm.xlane v53, v0;
	v8 =	vperm.xlane v53, v1;
	v7 =	vld [tilespmem:s29+$0x860]  }
0x2b2: {  	v58 =	vperm.xlane v56, v0;
	v11 =	vperm.xlane v56, v1;
	v54 =	vld [tilespmem:s29+$0x870]  }
0x2b3: {  	v57 =	vld [tilespmem:s29+$0x1860]  }
0x2b4: {  	v10 =	vsel vm0, v55, v58;
	v8 =	vsel vm0, v8, v11;
	v59 =	vld [tilespmem:s29+$0x1870]  }
0x2b5: {  	v8 =	vmax.f32 v10, v8  }
0x2b6: {  	[tilespmem:s1+$0x410] =	vst v8  }
0x2b7: {  	v8 =	vld [tilespmem:s26+$0x840]  }
0x2b8: {  	v60 =	vld [tilespmem:s26+$0x850]  }
0x2b9: {  	v63 =	vld [tilespmem:s26+$0x1840];
	v7 =	vmax.f32 v7, v57;
	v9 =	vmax.f32 v54, v59  }
0x2ba: {  	v16 =	vld [tilespmem:s26+$0x1850];
	v61 =	vperm.xlane v7, v0;
	v62 =	vperm.xlane v9, v0  }
0x2bb: {  	v7 =	vperm.xlane v7, v1;
	v9 =	vperm.xlane v9, v1;
	_ =	sdelay $0x1  }
0x2bc: {  	v11 =	vsel vm0, v61, v62;
	v7 =	vsel vm0, v7, v9  }
0x2bd: {  	v7 =	vmax.f32 v11, v7  }
0x2be: {  	v17 =	vmax.f32 v8, v63;
	v10 =	vmax.f32 v60, v16;
	[tilespmem:s28+$0x430] =	vst v7  }
0x2bf: {  	v19 =	vperm.xlane v17, v0;
	v21 =	vperm.xlane v10, v0;
	v18 =	vld [tilespmem:s29+$0xC00]  }
0x2c0: {  	v10 =	vperm.xlane v10, v1;
	v7 =	vperm.xlane v17, v1;
	v20 =	vld [tilespmem:s29+$0xC10]  }
0x2c1: {  	v22 =	vld [tilespmem:s29+$0x1C00]  }
0x2c2: {  	v9 =	vsel vm0, v19, v21;
	v23 =	vld [tilespmem:s29+$0x1C10];
	v7 =	vsel vm0, v7, v10  }
0x2c3: {  	v7 =	vmax.f32 v9, v7  }
0x2c4: {  	[tilespmem:s1+$0x420] =	vst v7  }
0x2c5: {  	v7 =	vld [tilespmem:s26+$0x860]  }
0x2c6: {  	v24 =	vld [tilespmem:s26+$0x870]  }
0x2c7: {  	v26 =	vld [tilespmem:s26+$0x1860];
	v8 =	vmax.f32 v18, v22;
	v25 =	vmax.f32 v20, v23  }
0x2c8: {  	v29 =	vld [tilespmem:s26+$0x1870];
	v27 =	vperm.xlane v8, v0;
	v28 =	vperm.xlane v25, v0  }
0x2c9: {  	v8 =	vperm.xlane v8, v1;
	v10 =	vperm.xlane v25, v1;
	_ =	sdelay $0x1  }
0x2ca: {  	v15 =	vld [tilespmem:s23+$0xC00];
	v12 =	vsel vm0, v27, v28;
	v8 =	vsel vm0, v8, v10  }
0x2cb: {  	v30 =	vld [tilespmem:s23+$0xC10];
	v8 =	vmax.f32 v12, v8;
	v7 =	vmax.f32 v7, v26  }
0x2cc: {  	v31 =	vld [tilespmem:s23+$0x1C00];
	v9 =	vmax.f32 v24, v29;
	v32 =	vperm.xlane v7, v0;
	v7 =	vperm.xlane v7, v1  }
0x2cd: {  	v33 =	vld [tilespmem:s23+$0x1C10];
	[tilespmem:s28+$0x440] =	vst v8;
	v34 =	vperm.xlane v9, v0;
	v9 =	vperm.xlane v9, v1  }
0x2ce: {  	v35 =	vld [tilespmem:s29+$0xC20]  }
0x2cf: {  	v16 =	vld [tilespmem:s29+$0xC30];
	v8 =	vsel vm0, v32, v34;
	v7 =	vsel vm0, v7, v9  }
0x2d0: {  	v36 =	vld [tilespmem:s29+$0x1C20];
	v7 =	vmax.f32 v8, v7  }
0x2d1: {  	v37 =	vld [tilespmem:s29+$0x1C30];
	[tilespmem:s1+$0x430] =	vst v7  }
0x2d2: {  	v39 =	vld [tilespmem:s26+$0xC00]  }
0x2d3: {  	v41 =	vld [tilespmem:s26+$0xC10]  }
0x2d4: {  	v38 =	vmax.f32 v15, v31;
	v10 =	vmax.f32 v30, v33;
	v17 =	vld [tilespmem:s26+$0x1C00]  }
0x2d5: {  	v40 =	vperm.xlane v38, v0;
	v13 =	vperm.xlane v10, v0;
	v42 =	vld [tilespmem:s26+$0x1C10]  }
0x2d6: {  	v10 =	vperm.xlane v10, v1;
	v7 =	vperm.xlane v38, v1  }
0x2d7: {  	v12 =	vsel vm0, v40, v13;
	v9 =	vmax.f32 v35, v36  }
0x2d8: {  	v7 =	vsel vm0, v7, v10;
	v8 =	vmax.f32 v16, v37;
	v43 =	vperm.xlane v9, v0  }
0x2d9: {  	v7 =	vmax.f32 v12, v7;
	v44 =	vperm.xlane v8, v0;
	v45 =	vperm.xlane v9, v1  }
0x2da: {  	v8 =	vperm.xlane v8, v1;
	v48 =	vmax.f32 v39, v17;
	v49 =	vmax.f32 v41, v42  }
0x2db: {  	v10 =	vsel vm0, v43, v44;
	v51 =	vperm.xlane v48, v0;
	v52 =	vperm.xlane v49, v0  }
0x2dc: {  	[tilespmem:s24+$0x440] =	vst v7;
	v7 =	vsel vm0, v45, v8;
	v54 =	vperm.xlane v48, v1;
	v55 =	vperm.xlane v49, v1  }
0x2dd: {  	v46 =	vld [tilespmem:s23+$0xC20];
	v7 =	vmax.f32 v10, v7  }
0x2de: {  	v47 =	vld [tilespmem:s23+$0xC30];
	[tilespmem:s28+$0x450] =	vst v7;
	v10 =	vsel vm0, v51, v52;
	v7 =	vsel vm0, v54, v55  }
0x2df: {  	v50 =	vld [tilespmem:s23+$0x1C20];
	v7 =	vmax.f32 v10, v7  }
0x2e0: {  	v53 =	vld [tilespmem:s23+$0x1C30];
	[tilespmem:s1+$0x440] =	vst v7  }
0x2e1: {  	v7 =	vld [tilespmem:s26+$0xC20]  }
0x2e2: {  	v60 =	vld [tilespmem:s26+$0xC30]  }
0x2e3: {  	v61 =	vld [tilespmem:s26+$0x1C20]  }
0x2e4: {  	v18 =	vld [tilespmem:s26+$0x1C30]  }
0x2e5: {  	v9 =	vmax.f32 v46, v50;
	v12 =	vmax.f32 v47, v53  }
0x2e6: {  	[tilespmem:s21+$0x460] =	vst v6;
	v62 =	vperm.xlane v9, v0;
	v63 =	vperm.xlane v12, v0  }
0x2e7: {  	v33 =	vld [tilespmem:s22+$0xC70];
	v9 =	vperm.xlane v9, v1;
	v12 =	vperm.xlane v12, v1  }
0x2e8: {  	v56 =	vld [tilespmem:s29+$0xC40];
	v15 =	vsel vm0, v62, v63  }
0x2e9: {  	v57 =	vld [tilespmem:s29+$0xC50];
	v9 =	vsel vm0, v9, v12;
	v7 =	vmax.f32 v7, v61;
	v17 =	vmax.f32 v60, v18  }
0x2ea: {  	v58 =	vld [tilespmem:s29+$0x1C40];
	v9 =	vmax.f32 v15, v9;
	v18 =	vperm.xlane v7, v0;
	v19 =	vperm.xlane v17, v0  }
0x2eb: {  	v59 =	vld [tilespmem:s29+$0x1C50];
	[tilespmem:s24+$0x450] =	vst v9;
	v7 =	vperm.xlane v7, v1;
	v21 =	vperm.xlane v17, v1  }
0x2ec: {  	v20 =	vld [tilespmem:s23+$0xC40]  }
0x2ed: {  	v22 =	vld [tilespmem:s23+$0xC50];
	v9 =	vsel vm0, v18, v19;
	v7 =	vsel vm0, v7, v21  }
0x2ee: {  	v23 =	vld [tilespmem:s23+$0x1C40];
	v7 =	vmax.f32 v9, v7  }
0x2ef: {  	v24 =	vld [tilespmem:s23+$0x1C50];
	[tilespmem:s1+$0x450] =	vst v7  }
0x2f0: {  	v8 =	vmax.f32 v56, v58;
	v10 =	vmax.f32 v57, v59;
	v7 =	vld [tilespmem:s26+$0xC40]  }
0x2f1: {  	v11 =	vperm.xlane v8, v0;
	v16 =	vperm.xlane v10, v0;
	v25 =	vld [tilespmem:s26+$0xC50]  }
0x2f2: {  	v8 =	vperm.xlane v8, v1;
	v10 =	vperm.xlane v10, v1;
	v26 =	vld [tilespmem:s26+$0x1C40]  }
0x2f3: {  	v11 =	vsel vm0, v11, v16;
	v27 =	vld [tilespmem:s26+$0x1C50]  }
0x2f4: {  	v32 =	vld [tilespmem:s22+$0xC60];
	v8 =	vsel vm0, v8, v10;
	v10 =	vmax.f32 v20, v23;
	v9 =	vmax.f32 v22, v24  }
0x2f5: {  	v38 =	vld [tilespmem:s22+$0x1C70];
	v8 =	vmax.f32 v11, v8;
	v13 =	vperm.xlane v10, v0;
	v30 =	vperm.xlane v9, v0  }
0x2f6: {  	v35 =	vld [tilespmem:s22+$0x1C60];
	[tilespmem:s28+$0x460] =	vst v8;
	v10 =	vperm.xlane v10, v1;
	v9 =	vperm.xlane v9, v1  }
0x2f7: {  	v8 =	vld [tilespmem:s29+$0xC60];
	v13 =	vsel vm0, v13, v30  }
0x2f8: {  	v28 =	vld [tilespmem:s29+$0xC70];
	v9 =	vsel vm0, v10, v9;
	v7 =	vmax.f32 v7, v26;
	v34 =	vmax.f32 v25, v27  }
0x2f9: {  	v29 =	vld [tilespmem:s29+$0x1C60];
	v9 =	vmax.f32 v13, v9;
	v36 =	vperm.xlane v7, v0;
	v37 =	vperm.xlane v34, v0  }
0x2fa: {  	v31 =	vld [tilespmem:s29+$0x1C70];
	[tilespmem:s24+$0x460] =	vst v9;
	v7 =	vperm.xlane v7, v1;
	v39 =	vperm.xlane v34, v1  }
0x2fb: {  	v40 =	vld [tilespmem:s23+$0xC60]  }
0x2fc: {  	v41 =	vld [tilespmem:s23+$0xC70];
	v13 =	vsel vm0, v36, v37;
	v7 =	vsel vm0, v7, v39  }
0x2fd: {  	v42 =	vld [tilespmem:s23+$0x1C60];
	v7 =	vmax.f32 v13, v7  }
0x2fe: {  	v43 =	vld [tilespmem:s23+$0x1C70];
	[tilespmem:s1+$0x460] =	vst v7  }
0x2ff: {  	v2 =	vsel vm0, v2, v4;
	v51 =	vmax.f32 v32, v35;
	v45 =	vld [tilespmem:s26+$0xC60]  }
0x300: {  	v53 =	vmax.f32 v33, v38;
	v54 =	vperm.xlane v51, v0;
	v6 =	vmax.f32 v28, v31;
	v48 =	vld [tilespmem:s26+$0xC70]  }
0x301: {  	v55 =	vperm.xlane v53, v0;
	v44 =	vmax.f32 v8, v29;
	v47 =	vperm.xlane v6, v0;
	v50 =	vld [tilespmem:s26+$0x1C60]  }
0x302: {  	v3 =	vsel vm0, v3, v5;
	v49 =	vperm.xlane v44, v1;
	v6 =	vperm.xlane v6, v1;
	v52 =	vld [tilespmem:s26+$0x1C70]  }
0x303: {  	v2 =	vmax.f32 v2, v3;
	v4 =	vperm.xlane v51, v1;
	v10 =	vsel vm0, v54, v55  }
0x304: {  	v46 =	vperm.xlane v44, v0;
	v5 =	vsel vm0, v49, v6;
	v9 =	vmax.f32 v40, v42  }
0x305: {  	v6 =	vperm.xlane v53, v1;
	v13 =	vmax.f32 v41, v43;
	v56 =	vperm.xlane v9, v0  }
0x306: {  	v3 =	vsel vm0, v46, v47;
	v57 =	vperm.xlane v13, v0;
	v9 =	vperm.xlane v9, v1  }
0x307: {  	v13 =	vperm.xlane v13, v1;
	v7 =	vmax.f32 v45, v50;
	v58 =	vmax.f32 v48, v52  }
0x308: {  	v3 =	vmax.f32 v3, v5;
	v59 =	vperm.xlane v7, v0;
	v60 =	vperm.xlane v58, v0  }
0x309: {  	p1 =	sne.s32 s18, $0xF;
	[tilespmem:s20+$0x470] =	vst v2;
	v2 =	vsel vm0, v4, v6;
	v61 =	vperm.xlane v7, v1;
	v62 =	vperm.xlane v58, v1  }
.Ltmp3:
0x30a: {  	s0 =	sshll.u32 s18, $0xE;
	[tilespmem:s28+$0x470] =	vst v3;
	v2 =	vmax.f32 v10, v2;
	v3 =	vsel vm0, v56, v57;
	v63 =	vsel vm0, v9, v13;
	(pc) =	sbr.rel @p1 .LBB2_6-.Ltmp3, $4  }
0x30b: {  	s0 =	sor.u32 s0, s7;
	[tilespmem:s21+$0x470] =	vst v2;
	v2 =	vmax.f32 v3, v63;
	v3 =	vsel vm0, v59, v60;
	v4 =	vsel vm0, v61, v62  }
0x30c: {  	s20 =	sshrl.u32 s0, $0x3;
	[tilespmem:s24+$0x470] =	vst v2;
	v2 =	vmax.f32 v3, v4  }
0x30d: {  	s0 =	sadd.s32 s2, s20;
	[tilespmem:s1+$0x470] =	vst v2  }
0x30e: {  	[hbm4b:s0+s3] =	stream.linear.scatter [tilespmem:s12], [sflag:$0x3], $0x2000, $0x38;
	[tilespmem:$0x14000] =	vst v63  }
.Ltmp4:
0x30f: {  	(pc) =	sbr.rel .LBB2_7-.Ltmp4, $4  }
0x310: {  	_ = 	snop  }
0x311: {  	_ =	swait.ge [sflag:s13], $0x8000  }
0x312: {  	[sflag:s13] =	ssyncset.done $0x0  }
0x313: {  	[sflag:s13] =	ssyncadd.s32 $0xFFFF8000  }
.LBB2_6:
.Ltmp5:
0x314: {  	s0 =	sadd.s32 s19, s8;
	(pc) =	sbr.rel @p0 .LBB2_8-.Ltmp5, $4  }
0x315: {  	[tilespmem:s3], [sflag:$0x1] =	stream.linear.gather [hbm4b:s0+s3], $0x8000, $0x38;
	[tilespmem:$0x14000] =	vst v63  }
0x316: {  	_ =	swait.ge [sflag:s13], $0x8000  }
0x317: {  	[sflag:s13] =	ssyncset.done $0x0  }
0x318: {  	[sflag:s13] =	ssyncadd.s32 $0xFFFF8000  }
.LBB2_7:
0x319: {  	_ =	swait.ge [sflag:s14], $0x2000  }
0x31a: {  	[sflag:s14] =	ssyncset.done $0x0  }
0x31b: {  	[sflag:s14] =	ssyncadd.s32 $0xFFFFE000  }
.LBB2_8:
0x31c: {  	s0 =	simm.s32 $0x0;
	s1 =	simm.s32 $0x0  }
0x31d: {  	s0 =	sand.u32 $0x300, s0;
	s1 =	sand.u32 $0x3FFFE000, s1  }
0x31e: {  	s1 =	sadd.s32 $0x8000, s1;
	s6 =	sor.u32 $0x80, s0  }
0x31f: {  	s5 =	sor.u32 s6, s1  }
0x320: {  	v2 =	vld [tilespmem:s5+$0x0]  }
0x321: {  	v3 =	vld [tilespmem:s5+$0x10]  }
0x322: {  	v4 =	vld [tilespmem:s5+$0x1000]  }
0x323: {  	v5 =	vld [tilespmem:s5+$0x1010];
	_ =	sdelay $0x4  }
0x324: {  	v2 =	vmax.f32 v2, v4;
	v3 =	vmax.f32 v3, v5  }
0x325: {  	v4 =	vperm.xlane v2, v0;
	v5 =	vperm.xlane v3, v0  }
0x326: {  	s28 =	simm.s32 $0x0;
	s26 =	sor.u32 s0, s1;
	v2 =	vperm.xlane v2, v1;
	v3 =	vperm.xlane v3, v1  }
0x327: {  	s1 =	sand.u32 $0x3FFFF800, s28;
	v6 =	vld [tilespmem:s26+$0x0]  }
0x328: {  	v7 =	vld [tilespmem:s26+$0x10];
	s1 =	sadd.s32 $0x12000, s1;
	v4 =	vsel vm0, v4, v5;
	v2 =	vsel vm0, v2, v3  }
0x329: {  	s28 =	sor.u32 s6, s1;
	v3 =	vld [tilespmem:s26+$0x1000];
	v2 =	vmax.f32 v4, v2  }
0x32a: {  	v4 =	vld [tilespmem:s26+$0x1010];
	[tilespmem:s28+$0x0] =	vst v2  }
0x32b: {  	v2 =	vld [tilespmem:s5+$0x20]  }
0x32c: {  	v5 =	vld [tilespmem:s5+$0x30]  }
0x32d: {  	v8 =	vld [tilespmem:s5+$0x1020]  }
0x32e: {  	v9 =	vld [tilespmem:s5+$0x1030]  }
0x32f: {  	v3 =	vmax.f32 v6, v3  }
0x330: {  	v4 =	vmax.f32 v7, v4;
	v6 =	vperm.xlane v3, v0;
	v3 =	vperm.xlane v3, v1  }
0x331: {  	v7 =	vperm.xlane v4, v0;
	v4 =	vperm.xlane v4, v1  }
0x332: {  	v2 =	vmax.f32 v2, v8  }
0x333: {  	v6 =	vsel vm0, v6, v7;
	v3 =	vsel vm0, v3, v4;
	v4 =	vmax.f32 v5, v9  }
0x334: {  	s21 =	sor.u32 s0, s1;
	v5 =	vperm.xlane v2, v0;
	v2 =	vperm.xlane v2, v1;
	v3 =	vmax.f32 v6, v3  }
0x335: {  	v6 =	vperm.xlane v4, v0;
	[tilespmem:s21+$0x0] =	vst v3;
	v3 =	vperm.xlane v4, v1  }
0x336: {  	v4 =	vld [tilespmem:s26+$0x20]  }
0x337: {  	v7 =	vld [tilespmem:s26+$0x30];
	v5 =	vsel vm0, v5, v6;
	v2 =	vsel vm0, v2, v3  }
0x338: {  	v3 =	vld [tilespmem:s26+$0x1020];
	v2 =	vmax.f32 v5, v2  }
0x339: {  	v5 =	vld [tilespmem:s26+$0x1030];
	[tilespmem:s28+$0x10] =	vst v2  }
0x33a: {  	v2 =	vld [tilespmem:s5+$0x40]  }
0x33b: {  	v6 =	vld [tilespmem:s5+$0x50]  }
0x33c: {  	v8 =	vld [tilespmem:s5+$0x1040]  }
0x33d: {  	v9 =	vld [tilespmem:s5+$0x1050]  }
0x33e: {  	v3 =	vmax.f32 v4, v3  }
0x33f: {  	v4 =	vmax.f32 v7, v5;
	v5 =	vperm.xlane v3, v0;
	v3 =	vperm.xlane v3, v1  }
0x340: {  	v7 =	vperm.xlane v4, v0;
	v4 =	vperm.xlane v4, v1  }
0x341: {  	v2 =	vmax.f32 v2, v8  }
0x342: {  	v5 =	vsel vm0, v5, v7;
	v3 =	vsel vm0, v3, v4;
	v4 =	vmax.f32 v6, v9  }
0x343: {  	v3 =	vmax.f32 v5, v3;
	v5 =	vperm.xlane v2, v0;
	v6 =	vperm.xlane v4, v0  }
0x344: {  	v2 =	vperm.xlane v2, v1;
	[tilespmem:s21+$0x10] =	vst v3;
	v3 =	vperm.xlane v4, v1  }
0x345: {  	v4 =	vld [tilespmem:s26+$0x40]  }
0x346: {  	v7 =	vld [tilespmem:s26+$0x50];
	v5 =	vsel vm0, v5, v6;
	v2 =	vsel vm0, v2, v3  }
0x347: {  	v3 =	vld [tilespmem:s26+$0x1040];
	v2 =	vmax.f32 v5, v2  }
0x348: {  	v5 =	vld [tilespmem:s26+$0x1050];
	[tilespmem:s28+$0x20] =	vst v2  }
0x349: {  	v2 =	vld [tilespmem:s5+$0x60]  }
0x34a: {  	v6 =	vld [tilespmem:s5+$0x70]  }
0x34b: {  	v8 =	vld [tilespmem:s5+$0x1060]  }
0x34c: {  	v9 =	vld [tilespmem:s5+$0x1070];
	_ =	sdelay $0x1  }
0x34d: {  	v3 =	vmax.f32 v4, v3;
	v4 =	vmax.f32 v7, v5  }
0x34e: {  	v5 =	vperm.xlane v3, v0;
	v7 =	vperm.xlane v4, v0  }
0x34f: {  	v3 =	vperm.xlane v3, v1;
	v4 =	vperm.xlane v4, v1  }
0x350: {  	v2 =	vmax.f32 v2, v8;
	v6 =	vmax.f32 v6, v9;
	v5 =	vsel vm0, v5, v7  }
0x351: {  	v3 =	vsel vm0, v3, v4;
	v4 =	vperm.xlane v2, v0;
	v7 =	vperm.xlane v6, v0  }
0x352: {  	v2 =	vperm.xlane v2, v1;
	v3 =	vmax.f32 v5, v3;
	v5 =	vperm.xlane v6, v1;
	_ =	sdelay $0x1  }
0x353: {  	[tilespmem:s21+$0x20] =	vst v3;
	v4 =	vsel vm0, v4, v7;
	v2 =	vsel vm0, v2, v5  }
0x354: {  	v3 =	vld [tilespmem:s26+$0x60];
	v2 =	vmax.f32 v4, v2  }
0x355: {  	v5 =	vld [tilespmem:s26+$0x70];
	[tilespmem:s28+$0x30] =	vst v2  }
0x356: {  	v2 =	vld [tilespmem:s5+$0x400]  }
0x357: {  	v4 =	vld [tilespmem:s5+$0x410]  }
0x358: {  	v6 =	vld [tilespmem:s5+$0x1400]  }
0x359: {  	v7 =	vld [tilespmem:s5+$0x1410];
	_ =	sdelay $0x4  }
0x35a: {  	v2 =	vmax.f32 v2, v6;
	v4 =	vmax.f32 v4, v7  }
0x35b: {  	v6 =	vperm.xlane v2, v0;
	v7 =	vperm.xlane v4, v0  }
0x35c: {  	v2 =	vperm.xlane v2, v1;
	v4 =	vperm.xlane v4, v1;
	_ =	sdelay $0x1  }
0x35d: {  	v8 =	vld [tilespmem:s26+$0x1060];
	v6 =	vsel vm0, v6, v7;
	v2 =	vsel vm0, v2, v4  }
0x35e: {  	v4 =	vld [tilespmem:s26+$0x1070];
	v2 =	vmax.f32 v6, v2  }
0x35f: {  	[tilespmem:s28+$0x40] =	vst v2  }
0x360: {  	v2 =	vld [tilespmem:s5+$0x420]  }
0x361: {  	v6 =	vld [tilespmem:s5+$0x430]  }
0x362: {  	v3 =	vmax.f32 v3, v8;
	v7 =	vld [tilespmem:s5+$0x1420]  }
0x363: {  	v8 =	vperm.xlane v3, v0;
	v3 =	vperm.xlane v3, v1;
	v4 =	vmax.f32 v5, v4;
	v5 =	vld [tilespmem:s5+$0x1430]  }
0x364: {  	v9 =	vperm.xlane v4, v0;
	v4 =	vperm.xlane v4, v1;
	_ =	sdelay $0x1  }
0x365: {  	v8 =	vsel vm0, v8, v9;
	v3 =	vsel vm0, v3, v4  }
0x366: {  	v2 =	vmax.f32 v2, v7;
	v3 =	vmax.f32 v8, v3  }
0x367: {  	v4 =	vmax.f32 v6, v5;
	[tilespmem:s21+$0x30] =	vst v3;
	v3 =	vperm.xlane v2, v0;
	v2 =	vperm.xlane v2, v1  }
0x368: {  	v5 =	vperm.xlane v4, v0;
	v6 =	vld [tilespmem:s26+$0x400];
	v4 =	vperm.xlane v4, v1  }
0x369: {  	v7 =	vld [tilespmem:s26+$0x410]  }
0x36a: {  	v8 =	vld [tilespmem:s26+$0x1400];
	v3 =	vsel vm0, v3, v5;
	v2 =	vsel vm0, v2, v4  }
0x36b: {  	v4 =	vld [tilespmem:s26+$0x1410];
	v2 =	vmax.f32 v3, v2  }
0x36c: {  	[tilespmem:s28+$0x50] =	vst v2  }
0x36d: {  	v2 =	vld [tilespmem:s5+$0x440]  }
0x36e: {  	v3 =	vld [tilespmem:s5+$0x450]  }
0x36f: {  	v5 =	vld [tilespmem:s5+$0x1440];
	v6 =	vmax.f32 v6, v8  }
0x370: {  	v8 =	vperm.xlane v6, v0;
	v6 =	vperm.xlane v6, v1;
	v4 =	vmax.f32 v7, v4;
	v7 =	vld [tilespmem:s5+$0x1450]  }
0x371: {  	v9 =	vperm.xlane v4, v0;
	v4 =	vperm.xlane v4, v1;
	_ =	sdelay $0x1  }
0x372: {  	v8 =	vsel vm0, v8, v9;
	v4 =	vsel vm0, v6, v4  }
0x373: {  	v2 =	vmax.f32 v2, v5;
	v4 =	vmax.f32 v8, v4  }
0x374: {  	v3 =	vmax.f32 v3, v7;
	[tilespmem:s21+$0x40] =	vst v4;
	v4 =	vperm.xlane v2, v0;
	v2 =	vperm.xlane v2, v1  }
0x375: {  	v5 =	vperm.xlane v3, v0;
	v6 =	vld [tilespmem:s26+$0x420];
	v3 =	vperm.xlane v3, v1  }
0x376: {  	v7 =	vld [tilespmem:s26+$0x430]  }
0x377: {  	v8 =	vld [tilespmem:s26+$0x1420];
	v4 =	vsel vm0, v4, v5;
	v2 =	vsel vm0, v2, v3  }
0x378: {  	v3 =	vld [tilespmem:s26+$0x1430];
	v2 =	vmax.f32 v4, v2  }
0x379: {  	[tilespmem:s28+$0x60] =	vst v2  }
0x37a: {  	v2 =	vld [tilespmem:s5+$0x460]  }
0x37b: {  	v4 =	vld [tilespmem:s5+$0x470]  }
0x37c: {  	v5 =	vld [tilespmem:s5+$0x1460];
	v6 =	vmax.f32 v6, v8  }
0x37d: {  	v8 =	vperm.xlane v6, v0;
	v6 =	vperm.xlane v6, v1;
	v3 =	vmax.f32 v7, v3;
	v7 =	vld [tilespmem:s5+$0x1470]  }
0x37e: {  	v9 =	vperm.xlane v3, v0;
	v3 =	vperm.xlane v3, v1;
	_ =	sdelay $0x1  }
0x37f: {  	v8 =	vsel vm0, v8, v9;
	v3 =	vsel vm0, v6, v3  }
0x380: {  	v2 =	vmax.f32 v2, v5;
	v3 =	vmax.f32 v8, v3  }
0x381: {  	v4 =	vmax.f32 v4, v7;
	[tilespmem:s21+$0x50] =	vst v3;
	v3 =	vperm.xlane v2, v0;
	v2 =	vperm.xlane v2, v1  }
0x382: {  	s10 =	simm.s32 $0x100;
	s6 =	simm.s32 $0x800;
	v5 =	vperm.xlane v4, v0;
	v6 =	vld [tilespmem:s26+$0x440];
	v4 =	vperm.xlane v4, v1  }
0x383: {  	s16 =	sand.u32 $0x300, s10;
	s0 =	sand.u32 $0x3FFFE000, s6;
	v7 =	vld [tilespmem:s26+$0x450]  }
0x384: {  	s10 =	sor.u32 $0x80, s16;
	s24 =	sadd.s32 $0x8000, s0;
	v8 =	vld [tilespmem:s26+$0x1440];
	v3 =	vsel vm0, v3, v5;
	v2 =	vsel vm0, v2, v4  }
0x385: {  	s0 =	sor.u32 s10, s24;
	v4 =	vld [tilespmem:s26+$0x1450];
	v2 =	vmax.f32 v3, v2  }
0x386: {  	v10 =	vld [tilespmem:s0+$0x0];
	[tilespmem:s28+$0x70] =	vst v2  }
0x387: {  	v2 =	vld [tilespmem:s5+$0x800]  }
0x388: {  	v3 =	vld [tilespmem:s5+$0x810]  }
0x389: {  	v5 =	vld [tilespmem:s5+$0x1800];
	v6 =	vmax.f32 v6, v8  }
0x38a: {  	v8 =	vperm.xlane v6, v0;
	v6 =	vperm.xlane v6, v1;
	v4 =	vmax.f32 v7, v4;
	v7 =	vld [tilespmem:s5+$0x1810]  }
0x38b: {  	v11 =	vld [tilespmem:s0+$0x10];
	v9 =	vperm.xlane v4, v0;
	v4 =	vperm.xlane v4, v1  }
0x38c: {  	v12 =	vld [tilespmem:s0+$0x1000]  }
0x38d: {  	v4 =	vsel vm0, v6, v4;
	v6 =	vld [tilespmem:s0+$0x1010]  }
0x38e: {  	v8 =	vsel vm0, v8, v9  }
0x38f: {  	s23 =	sor.u32 s16, s24;
	v2 =	vmax.f32 v2, v5;
	v4 =	vmax.f32 v8, v4;
	v3 =	vmax.f32 v3, v7  }
0x390: {  	v13 =	vld [tilespmem:s23+$0x0];
	v5 =	vperm.xlane v2, v0;
	[tilespmem:s21+$0x60] =	vst v4;
	v8 =	vperm.xlane v3, v0  }
0x391: {  	v2 =	vperm.xlane v2, v1;
	v4 =	vld [tilespmem:s26+$0x460];
	v3 =	vperm.xlane v3, v1  }
0x392: {  	v10 =	vmax.f32 v10, v12;
	v7 =	vld [tilespmem:s26+$0x470];
	v6 =	vmax.f32 v11, v6;
	v5 =	vsel vm0, v5, v8  }
0x393: {  	v9 =	vld [tilespmem:s26+$0x1460];
	v8 =	vperm.xlane v10, v0;
	v2 =	vsel vm0, v2, v3;
	v3 =	vperm.xlane v10, v1  }
0x394: {  	s25 =	simm.s32 $0x200;
	v11 =	vld [tilespmem:s26+$0x1470];
	v12 =	vperm.xlane v6, v0;
	v6 =	vperm.xlane v6, v1  }
0x395: {  	s1 =	sand.u32 $0x3FFFF800, s25;
	v10 =	vld [tilespmem:s23+$0x10];
	v2 =	vmax.f32 v5, v2  }
0x396: {  	s22 =	sadd.s32 $0x12000, s1;
	v5 =	vld [tilespmem:s23+$0x1000];
	[tilespmem:s28+$0x400] =	vst v2;
	v2 =	vsel vm0, v8, v12;
	v3 =	vsel vm0, v3, v6  }
0x397: {  	s1 =	sor.u32 s10, s22;
	v6 =	vld [tilespmem:s5+$0x820];
	v2 =	vmax.f32 v2, v3  }
0x398: {  	v3 =	vld [tilespmem:s23+$0x1010];
	[tilespmem:s1+$0x0] =	vst v2  }
0x399: {  	v2 =	vmax.f32 v4, v9;
	v4 =	vmax.f32 v7, v11;
	v7 =	vld [tilespmem:s0+$0x20]  }
0x39a: {  	v8 =	vperm.xlane v2, v0;
	v9 =	vperm.xlane v4, v0;
	v11 =	vld [tilespmem:s0+$0x30]  }
0x39b: {  	v2 =	vperm.xlane v2, v1;
	v4 =	vperm.xlane v4, v1;
	v12 =	vld [tilespmem:s0+$0x1020]  }
0x39c: {  	v8 =	vsel vm0, v8, v9;
	v9 =	vld [tilespmem:s0+$0x1030]  }
0x39d: {  	v5 =	vmax.f32 v13, v5;
	v2 =	vsel vm0, v2, v4;
	v4 =	vld [tilespmem:s5+$0x830];
	v3 =	vmax.f32 v10, v3  }
0x39e: {  	v2 =	vmax.f32 v8, v2;
	v8 =	vld [tilespmem:s5+$0x1820];
	v10 =	vperm.xlane v5, v0;
	v13 =	vperm.xlane v3, v0  }
0x39f: {  	v5 =	vperm.xlane v5, v1;
	[tilespmem:s21+$0x70] =	vst v2;
	v2 =	vld [tilespmem:s5+$0x1830];
	v3 =	vperm.xlane v3, v1  }
0x3a0: {  	v14 =	vld [tilespmem:s26+$0x800];
	v10 =	vsel vm0, v10, v13  }
0x3a1: {  	v13 =	vld [tilespmem:s26+$0x810];
	v3 =	vsel vm0, v5, v3;
	v5 =	vmax.f32 v7, v12;
	v7 =	vmax.f32 v11, v9  }
0x3a2: {  	s22 =	sor.u32 s16, s22;
	v12 =	vld [tilespmem:s26+$0x1810];
	v3 =	vmax.f32 v10, v3;
	v10 =	vperm.xlane v5, v0;
	v11 =	vperm.xlane v7, v0  }
0x3a3: {  	v9 =	vld [tilespmem:s26+$0x1800];
	[tilespmem:s22+$0x0] =	vst v3;
	v3 =	vperm.xlane v5, v1;
	v5 =	vperm.xlane v7, v1  }
0x3a4: {  	v7 =	vld [tilespmem:s23+$0x20]  }
0x3a5: {  	v15 =	vld [tilespmem:s23+$0x30];
	v10 =	vsel vm0, v10, v11;
	v3 =	vsel vm0, v3, v5  }
0x3a6: {  	v2 =	vmax.f32 v4, v2;
	v4 =	vld [tilespmem:s23+$0x1020];
	v5 =	vmax.f32 v6, v8;
	v3 =	vmax.f32 v10, v3  }
0x3a7: {  	v8 =	vperm.xlane v2, v0;
	v6 =	vperm.xlane v5, v0;
	v10 =	vld [tilespmem:s23+$0x1030];
	[tilespmem:s1+$0x10] =	vst v3  }
0x3a8: {  	v2 =	vperm.xlane v2, v1;
	v3 =	vperm.xlane v5, v1;
	v5 =	vld [tilespmem:s0+$0x40]  }
0x3a9: {  	v9 =	vmax.f32 v14, v9;
	v6 =	vsel vm0, v6, v8;
	v8 =	vld [tilespmem:s0+$0x50]  }
0x3aa: {  	v11 =	vmax.f32 v13, v12;
	v12 =	vld [tilespmem:s0+$0x1040];
	v2 =	vsel vm0, v3, v2;
	v3 =	vperm.xlane v9, v0  }
0x3ab: {  	v13 =	vld [tilespmem:s0+$0x1050];
	v2 =	vmax.f32 v6, v2;
	v6 =	vperm.xlane v9, v1;
	v9 =	vperm.xlane v11, v0  }
0x3ac: {  	v4 =	vmax.f32 v7, v4;
	[tilespmem:s28+$0x410] =	vst v2;
	v2 =	vperm.xlane v11, v1;
	v7 =	vmax.f32 v15, v10  }
0x3ad: {  	v10 =	vld [tilespmem:s5+$0x840];
	v3 =	vsel vm0, v3, v9;
	v9 =	vperm.xlane v4, v0;
	v11 =	vperm.xlane v7, v0  }
0x3ae: {  	v14 =	vld [tilespmem:s5+$0x850];
	v4 =	vperm.xlane v4, v1;
	v2 =	vsel vm0, v6, v2;
	v6 =	vperm.xlane v7, v1  }
0x3af: {  	v7 =	vld [tilespmem:s5+$0x1840];
	v5 =	vmax.f32 v5, v12;
	v2 =	vmax.f32 v3, v2  }
0x3b0: {  	v3 =	vsel vm0, v9, v11;
	v9 =	vld [tilespmem:s5+$0x1850];
	v4 =	vsel vm0, v4, v6;
	v6 =	vmax.f32 v8, v13  }
0x3b1: {  	[tilespmem:s21+$0x400] =	vst v2;
	v2 =	vmax.f32 v3, v4;
	v3 =	vperm.xlane v5, v0;
	v4 =	vperm.xlane v6, v0  }
0x3b2: {  	v8 =	vld [tilespmem:s26+$0x820];
	[tilespmem:s22+$0x10] =	vst v2;
	v2 =	vperm.xlane v5, v1;
	v5 =	vperm.xlane v6, v1  }
0x3b3: {  	v6 =	vld [tilespmem:s23+$0x40]  }
0x3b4: {  	v11 =	vld [tilespmem:s23+$0x50];
	v3 =	vsel vm0, v3, v4;
	v2 =	vsel vm0, v2, v5  }
0x3b5: {  	v4 =	vmax.f32 v10, v7;
	v7 =	vld [tilespmem:s23+$0x1040];
	v5 =	vmax.f32 v14, v9;
	v2 =	vmax.f32 v3, v2  }
0x3b6: {  	v10 =	vld [tilespmem:s23+$0x1050];
	v3 =	vperm.xlane v4, v0;
	v9 =	vperm.xlane v5, v0;
	[tilespmem:s1+$0x20] =	vst v2  }
0x3b7: {  	v2 =	vperm.xlane v4, v1;
	v4 =	vperm.xlane v5, v1;
	v5 =	vld [tilespmem:s0+$0x60]  }
0x3b8: {  	v12 =	vld [tilespmem:s0+$0x70]  }
0x3b9: {  	v3 =	vsel vm0, v3, v9;
	v2 =	vsel vm0, v2, v4;
	v4 =	vld [tilespmem:s0+$0x1060]  }
0x3ba: {  	v2 =	vmax.f32 v3, v2;
	v3 =	vld [tilespmem:s0+$0x1070]  }
0x3bb: {  	v9 =	vld [tilespmem:s26+$0x830];
	[tilespmem:s28+$0x420] =	vst v2;
	v2 =	vmax.f32 v6, v7;
	v6 =	vmax.f32 v11, v10  }
0x3bc: {  	v7 =	vld [tilespmem:s5+$0x860];
	v10 =	vperm.xlane v2, v0;
	v11 =	vperm.xlane v6, v0  }
0x3bd: {  	v13 =	vld [tilespmem:s5+$0x870];
	v2 =	vperm.xlane v2, v1;
	v6 =	vperm.xlane v6, v1  }
0x3be: {  	v14 =	vld [tilespmem:s5+$0x1860];
	v10 =	vsel vm0, v10, v11  }
0x3bf: {  	v11 =	vld [tilespmem:s5+$0x1870];
	v2 =	vsel vm0, v2, v6;
	v4 =	vmax.f32 v5, v4;
	v3 =	vmax.f32 v12, v3  }
0x3c0: {  	v5 =	vld [tilespmem:s26+$0x1820];
	v2 =	vmax.f32 v10, v2;
	v6 =	vperm.xlane v4, v0;
	v10 =	vperm.xlane v3, v0  }
0x3c1: {  	v12 =	vld [tilespmem:s26+$0x1830];
	[tilespmem:s22+$0x20] =	vst v2;
	v2 =	vperm.xlane v4, v1;
	v3 =	vperm.xlane v3, v1  }
0x3c2: {  	v4 =	vld [tilespmem:s23+$0x60]  }
0x3c3: {  	v15 =	vld [tilespmem:s23+$0x70];
	v6 =	vsel vm0, v6, v10;
	v2 =	vsel vm0, v2, v3  }
0x3c4: {  	v3 =	vmax.f32 v7, v14;
	v10 =	vld [tilespmem:s23+$0x1060];
	v2 =	vmax.f32 v6, v2  }
0x3c5: {  	v7 =	vmax.f32 v13, v11;
	v6 =	vperm.xlane v3, v0;
	v13 =	vld [tilespmem:s23+$0x1070];
	v3 =	vperm.xlane v3, v1;
	[tilespmem:s1+$0x30] =	vst v2  }
0x3c6: {  	v11 =	vperm.xlane v7, v0;
	v2 =	vmax.f32 v8, v5;
	v5 =	vperm.xlane v7, v1;
	v7 =	vld [tilespmem:s0+$0x400]  }
0x3c7: {  	v8 =	vperm.xlane v2, v0;
	v14 =	vld [tilespmem:s0+$0x410]  }
0x3c8: {  	v6 =	vsel vm0, v6, v11;
	v3 =	vsel vm0, v3, v5;
	v5 =	vmax.f32 v9, v12;
	v9 =	vld [tilespmem:s0+$0x1400]  }
0x3c9: {  	v2 =	vperm.xlane v2, v1;
	v11 =	vld [tilespmem:s0+$0x1410];
	v3 =	vmax.f32 v6, v3;
	v6 =	vperm.xlane v5, v0  }
0x3ca: {  	v4 =	vmax.f32 v4, v10;
	[tilespmem:s28+$0x430] =	vst v3;
	v3 =	vperm.xlane v5, v1;
	v5 =	vmax.f32 v15, v13  }
0x3cb: {  	v10 =	vld [tilespmem:s5+$0xC00];
	v6 =	vsel vm0, v8, v6;
	v8 =	vperm.xlane v4, v0;
	v12 =	vperm.xlane v5, v0  }
0x3cc: {  	v13 =	vld [tilespmem:s5+$0xC10];
	v2 =	vsel vm0, v2, v3;
	v3 =	vperm.xlane v4, v1;
	v4 =	vperm.xlane v5, v1  }
0x3cd: {  	v5 =	vld [tilespmem:s5+$0x1C00];
	v2 =	vmax.f32 v6, v2;
	v6 =	vsel vm0, v8, v12  }
0x3ce: {  	v8 =	vld [tilespmem:s5+$0x1C10];
	v3 =	vsel vm0, v3, v4;
	v4 =	vmax.f32 v7, v9;
	v7 =	vmax.f32 v14, v11  }
0x3cf: {  	[tilespmem:s21+$0x410] =	vst v2;
	v2 =	vmax.f32 v6, v3;
	v3 =	vperm.xlane v4, v0;
	v6 =	vperm.xlane v7, v0  }
0x3d0: {  	v9 =	vld [tilespmem:s26+$0x840];
	[tilespmem:s22+$0x30] =	vst v2;
	v2 =	vperm.xlane v4, v1;
	v4 =	vperm.xlane v7, v1  }
0x3d1: {  	v7 =	vld [tilespmem:s23+$0x400]  }
0x3d2: {  	v11 =	vld [tilespmem:s23+$0x410];
	v3 =	vsel vm0, v3, v6;
	v2 =	vsel vm0, v2, v4  }
0x3d3: {  	v6 =	vld [tilespmem:s23+$0x1400];
	v4 =	vmax.f32 v10, v5;
	v5 =	vmax.f32 v13, v8;
	v2 =	vmax.f32 v3, v2  }
0x3d4: {  	v10 =	vld [tilespmem:s23+$0x1410];
	v3 =	vperm.xlane v4, v0;
	v8 =	vperm.xlane v5, v0;
	[tilespmem:s1+$0x40] =	vst v2  }
0x3d5: {  	v2 =	vperm.xlane v4, v1;
	v4 =	vperm.xlane v5, v1;
	v5 =	vld [tilespmem:s0+$0x420]  }
0x3d6: {  	v12 =	vld [tilespmem:s0+$0x430]  }
0x3d7: {  	v3 =	vsel vm0, v3, v8;
	v2 =	vsel vm0, v2, v4;
	v4 =	vld [tilespmem:s0+$0x1420]  }
0x3d8: {  	v2 =	vmax.f32 v3, v2;
	v3 =	vld [tilespmem:s0+$0x1430]  }
0x3d9: {  	v8 =	vld [tilespmem:s26+$0x850];
	[tilespmem:s28+$0x440] =	vst v2;
	v2 =	vmax.f32 v7, v6;
	v6 =	vmax.f32 v11, v10  }
0x3da: {  	v7 =	vld [tilespmem:s5+$0xC20];
	v10 =	vperm.xlane v2, v0;
	v11 =	vperm.xlane v6, v0  }
0x3db: {  	v13 =	vld [tilespmem:s5+$0xC30];
	v2 =	vperm.xlane v2, v1;
	v6 =	vperm.xlane v6, v1  }
0x3dc: {  	v14 =	vld [tilespmem:s5+$0x1C20];
	v10 =	vsel vm0, v10, v11  }
0x3dd: {  	v11 =	vld [tilespmem:s5+$0x1C30];
	v2 =	vsel vm0, v2, v6;
	v4 =	vmax.f32 v5, v4;
	v3 =	vmax.f32 v12, v3  }
0x3de: {  	v5 =	vld [tilespmem:s26+$0x1840];
	v2 =	vmax.f32 v10, v2;
	v6 =	vperm.xlane v4, v0;
	v10 =	vperm.xlane v3, v0  }
0x3df: {  	v12 =	vld [tilespmem:s26+$0x1850];
	[tilespmem:s22+$0x40] =	vst v2;
	v2 =	vperm.xlane v4, v1;
	v3 =	vperm.xlane v3, v1  }
0x3e0: {  	v4 =	vld [tilespmem:s23+$0x420]  }
0x3e1: {  	v15 =	vld [tilespmem:s23+$0x430];
	v6 =	vsel vm0, v6, v10;
	v2 =	vsel vm0, v2, v3  }
0x3e2: {  	v3 =	vmax.f32 v7, v14;
	v10 =	vld [tilespmem:s23+$0x1420];
	v2 =	vmax.f32 v6, v2  }
0x3e3: {  	v7 =	vmax.f32 v13, v11;
	v6 =	vperm.xlane v3, v0;
	v13 =	vld [tilespmem:s23+$0x1430];
	v3 =	vperm.xlane v3, v1;
	[tilespmem:s1+$0x50] =	vst v2  }
0x3e4: {  	v11 =	vperm.xlane v7, v0;
	v2 =	vmax.f32 v9, v5;
	v5 =	vperm.xlane v7, v1;
	v7 =	vld [tilespmem:s0+$0x440]  }
0x3e5: {  	v9 =	vperm.xlane v2, v0;
	v14 =	vld [tilespmem:s0+$0x450]  }
0x3e6: {  	v6 =	vsel vm0, v6, v11;
	v3 =	vsel vm0, v3, v5;
	v5 =	vmax.f32 v8, v12;
	v8 =	vld [tilespmem:s0+$0x1440]  }
0x3e7: {  	v2 =	vperm.xlane v2, v1;
	v11 =	vld [tilespmem:s0+$0x1450];
	v3 =	vmax.f32 v6, v3;
	v6 =	vperm.xlane v5, v0  }
0x3e8: {  	v5 =	vperm.xlane v5, v1;
	v4 =	vmax.f32 v4, v10;
	v10 =	vmax.f32 v15, v13  }
0x3e9: {  	[tilespmem:s28+$0x450] =	vst v3;
	v3 =	vsel vm0, v9, v6;
	v6 =	vperm.xlane v4, v0;
	v9 =	vperm.xlane v10, v0  }
0x3ea: {  	v12 =	vld [tilespmem:s5+$0xC40];
	v2 =	vsel vm0, v2, v5;
	v4 =	vperm.xlane v4, v1;
	v5 =	vperm.xlane v10, v1  }
0x3eb: {  	v10 =	vld [tilespmem:s5+$0xC50];
	v2 =	vmax.f32 v3, v2;
	v3 =	vsel vm0, v6, v9  }
0x3ec: {  	v6 =	vld [tilespmem:s5+$0x1C40];
	v4 =	vsel vm0, v4, v5;
	v5 =	vmax.f32 v7, v8;
	v7 =	vmax.f32 v14, v11  }
0x3ed: {  	v8 =	vld [tilespmem:s5+$0x1C50];
	[tilespmem:s21+$0x420] =	vst v2;
	v2 =	vmax.f32 v3, v4;
	v3 =	vperm.xlane v5, v0;
	v4 =	vperm.xlane v7, v0  }
0x3ee: {  	[tilespmem:s22+$0x50] =	vst v2;
	v2 =	vperm.xlane v5, v1;
	v5 =	vperm.xlane v7, v1  }
0x3ef: {  	v7 =	vld [tilespmem:s23+$0x440]  }
0x3f0: {  	v11 =	vld [tilespmem:s23+$0x450];
	v3 =	vsel vm0, v3, v4;
	v2 =	vsel vm0, v2, v5  }
0x3f1: {  	v4 =	vld [tilespmem:s23+$0x1440];
	v2 =	vmax.f32 v3, v2  }
0x3f2: {  	v3 =	vmax.f32 v12, v6;
	v5 =	vmax.f32 v10, v8;
	v6 =	vld [tilespmem:s23+$0x1450];
	[tilespmem:s1+$0x60] =	vst v2  }
0x3f3: {  	v2 =	vperm.xlane v3, v0;
	v8 =	vperm.xlane v5, v0;
	v10 =	vld [tilespmem:s0+$0x460]  }
0x3f4: {  	v3 =	vperm.xlane v3, v1;
	v5 =	vperm.xlane v5, v1;
	v12 =	vld [tilespmem:s0+$0x470]  }
0x3f5: {  	v13 =	vld [tilespmem:s0+$0x1460]  }
0x3f6: {  	v2 =	vsel vm0, v2, v8;
	v3 =	vsel vm0, v3, v5;
	v8 =	vld [tilespmem:s0+$0x1470]  }
0x3f7: {  	v2 =	vmax.f32 v2, v3;
	v3 =	vmax.f32 v7, v4  }
0x3f8: {  	v9 =	vld [tilespmem:s26+$0x860];
	v5 =	vmax.f32 v11, v6;
	v7 =	vperm.xlane v3, v0;
	v3 =	vperm.xlane v3, v1  }
0x3f9: {  	v14 =	vld [tilespmem:s26+$0x870];
	v11 =	vperm.xlane v5, v0;
	v15 =	vperm.xlane v5, v1  }
0x3fa: {  	v6 =	vld [tilespmem:s26+$0x1860];
	[tilespmem:s28+$0x460] =	vst v2;
	v10 =	vmax.f32 v10, v13  }
0x3fb: {  	v4 =	vld [tilespmem:s5+$0xC60];
	v7 =	vsel vm0, v7, v11;
	v11 =	vsel vm0, v3, v15;
	v8 =	vmax.f32 v12, v8  }
0x3fc: {  	v2 =	vld [tilespmem:s5+$0xC70];
	v7 =	vmax.f32 v7, v11;
	v11 =	vperm.xlane v10, v0;
	v12 =	vperm.xlane v8, v0  }
0x3fd: {  	v5 =	vld [tilespmem:s5+$0x1C60];
	v8 =	vperm.xlane v8, v1;
	[tilespmem:s22+$0x60] =	vst v7;
	v7 =	vperm.xlane v10, v1  }
0x3fe: {  	v13 =	vld [tilespmem:s26+$0x1870]  }
0x3ff: {  	v3 =	vld [tilespmem:s5+$0x1C70];
	v11 =	vsel vm0, v11, v12;
	v7 =	vsel vm0, v7, v8  }
0x400: {  	v10 =	vld [tilespmem:s23+$0x460];
	v7 =	vmax.f32 v11, v7  }
0x401: {  	v15 =	vld [tilespmem:s23+$0x470];
	[tilespmem:s1+$0x70] =	vst v7  }
0x402: {  	s10 =	simm.s32 $0x1000;
	s16 =	simm.s32 $0x200;
	v6 =	vmax.f32 v9, v6;
	v7 =	vld [tilespmem:s0+$0x800]  }
0x403: {  	s6 =	sand.u32 $0x300, s16;
	s5 =	sand.u32 $0x3FFFE000, s10;
	v12 =	vperm.xlane v6, v0;
	v6 =	vperm.xlane v6, v1;
	v13 =	vmax.f32 v14, v13;
	v9 =	vld [tilespmem:s0+$0x810]  }
0x404: {  	s25 =	sor.u32 $0x80, s6;
	s24 =	sadd.s32 $0x8000, s5;
	v16 =	vperm.xlane v13, v0;
	v13 =	vperm.xlane v13, v1;
	v14 =	vld [tilespmem:s0+$0x1800]  }
0x405: {  	s5 =	sor.u32 s25, s24;
	v17 =	vld [tilespmem:s0+$0x1810]  }
0x406: {  	v18 =	vld [tilespmem:s5+$0x0];
	v12 =	vsel vm0, v12, v16;
	v6 =	vsel vm0, v6, v13  }
0x407: {  	v13 =	vld [tilespmem:s5+$0x10];
	v6 =	vmax.f32 v12, v6  }
0x408: {  	[tilespmem:s21+$0x430] =	vst v6;
	v6 =	vld [tilespmem:s5+$0x1010]  }
0x409: {  	s24 =	sor.u32 s6, s24;
	v12 =	vld [tilespmem:s5+$0x1000]  }
0x40a: {  	v27 =	vld [tilespmem:s24+$0x0];
	v7 =	vmax.f32 v7, v14;
	v9 =	vmax.f32 v9, v17  }
0x40b: {  	v29 =	vld [tilespmem:s24+$0x1000];
	v26 =	vperm.xlane v7, v0;
	v19 =	vperm.xlane v9, v0  }
0x40c: {  	v8 =	vld [tilespmem:s23+$0x1460];
	v7 =	vperm.xlane v7, v1;
	v9 =	vperm.xlane v9, v1  }
0x40d: {  	v11 =	vld [tilespmem:s23+$0x1470];
	v6 =	vmax.f32 v13, v6  }
0x40e: {  	v25 =	vld [tilespmem:s26+$0xC00];
	v17 =	vsel vm0, v26, v19;
	v7 =	vsel vm0, v7, v9;
	v9 =	vmax.f32 v18, v12  }
0x40f: {  	v20 =	vld [tilespmem:s26+$0x1C00];
	v28 =	vperm.xlane v6, v0;
	v6 =	vperm.xlane v6, v1;
	v7 =	vmax.f32 v17, v7  }
0x410: {  	s16 =	simm.s32 $0x400;
	v21 =	vld [tilespmem:s26+$0x1C10];
	v13 =	vperm.xlane v9, v0;
	[tilespmem:s1+$0x400] =	vst v7;
	v7 =	vperm.xlane v9, v1  }
0x411: {  	s10 =	sand.u32 $0x3FFFF800, s16;
	v14 =	vld [tilespmem:s26+$0xC10]  }
0x412: {  	s29 =	sadd.s32 $0x12000, s10;
	v12 =	vld [tilespmem:s24+$0x10];
	v13 =	vsel vm0, v13, v28;
	v6 =	vsel vm0, v7, v6  }
0x413: {  	s10 =	sor.u32 s25, s29;
	v9 =	vld [tilespmem:s0+$0x820];
	v7 =	vmax.f32 v10, v8;
	v8 =	vmax.f32 v15, v11;
	v6 =	vmax.f32 v13, v6  }
0x414: {  	v15 =	vld [tilespmem:s24+$0x1010];
	v11 =	vperm.xlane v7, v0;
	v13 =	vperm.xlane v8, v0;
	[tilespmem:s10+$0x0] =	vst v6  }
0x415: {  	v6 =	vperm.xlane v7, v1;
	v7 =	vperm.xlane v8, v1;
	v8 =	vld [tilespmem:s5+$0x20]  }
0x416: {  	v11 =	vsel vm0, v11, v13;
	v30 =	vld [tilespmem:s5+$0x30]  }
0x417: {  	v13 =	vmax.f32 v25, v20;
	v31 =	vld [tilespmem:s5+$0x1020];
	v6 =	vsel vm0, v6, v7;
	v7 =	vmax.f32 v14, v21  }
0x418: {  	v32 =	vld [tilespmem:s5+$0x1030];
	v14 =	vperm.xlane v13, v0;
	v13 =	vperm.xlane v13, v1;
	v6 =	vmax.f32 v11, v6  }
0x419: {  	v22 =	vld [tilespmem:s0+$0x830];
	v11 =	vperm.xlane v7, v0;
	v12 =	vmax.f32 v12, v15;
	[tilespmem:s22+$0x70] =	vst v6;
	v6 =	vperm.xlane v7, v1  }
0x41a: {  	v33 =	vld [tilespmem:s0+$0x1830];
	v7 =	vmax.f32 v27, v29;
	v34 =	vperm.xlane v12, v0;
	v12 =	vperm.xlane v12, v1  }
0x41b: {  	v10 =	vld [tilespmem:s0+$0x1820];
	v11 =	vsel vm0, v14, v11;
	v14 =	vperm.xlane v7, v0;
	v7 =	vperm.xlane v7, v1  }
0x41c: {  	v15 =	vld [tilespmem:s23+$0x800];
	v6 =	vsel vm0, v13, v6;
	v8 =	vmax.f32 v8, v31  }
0x41d: {  	v35 =	vld [tilespmem:s23+$0x1810];
	v14 =	vsel vm0, v14, v34;
	v7 =	vsel vm0, v7, v12;
	v12 =	vmax.f32 v30, v32  }
0x41e: {  	s25 =	sor.u32 s6, s29;
	v13 =	vld [tilespmem:s23+$0x810];
	v36 =	vperm.xlane v8, v0;
	v8 =	vperm.xlane v8, v1;
	v14 =	vmax.f32 v14, v7  }
0x41f: {  	v6 =	vmax.f32 v11, v6;
	v11 =	vld [tilespmem:s23+$0x1800];
	v37 =	vperm.xlane v12, v0;
	v12 =	vperm.xlane v12, v1;
	[tilespmem:s25+$0x0] =	vst v14  }
0x420: {  	v9 =	vmax.f32 v9, v10;
	v10 =	vld [tilespmem:s24+$0x20]  }
0x421: {  	v14 =	vmax.f32 v22, v33;
	v38 =	vld [tilespmem:s24+$0x30];
	v16 =	vsel vm0, v36, v37;
	v8 =	vsel vm0, v8, v12  }
0x422: {  	v12 =	vperm.xlane v9, v0;
	v39 =	vperm.xlane v14, v0;
	v40 =	vld [tilespmem:s24+$0x1020];
	v8 =	vmax.f32 v16, v8  }
0x423: {  	v9 =	vperm.xlane v9, v1;
	v14 =	vperm.xlane v14, v1;
	v41 =	vld [tilespmem:s24+$0x1030];
	[tilespmem:s10+$0x10] =	vst v8  }
0x424: {  	v8 =	vmax.f32 v15, v11;
	v11 =	vld [tilespmem:s5+$0x40]  }
0x425: {  	v13 =	vmax.f32 v13, v35;
	v12 =	vsel vm0, v12, v39;
	v9 =	vsel vm0, v9, v14;
	v14 =	vld [tilespmem:s5+$0x50]  }
0x426: {  	v15 =	vperm.xlane v13, v0;
	v9 =	vmax.f32 v12, v9;
	v12 =	vperm.xlane v8, v0;
	v42 =	vld [tilespmem:s5+$0x1040]  }
0x427: {  	v8 =	vperm.xlane v8, v1;
	[tilespmem:s1+$0x410] =	vst v9;
	v9 =	vperm.xlane v13, v1;
	v13 =	vld [tilespmem:s5+$0x1050]  }
0x428: {  	v43 =	vld [tilespmem:s0+$0x840];
	v12 =	vsel vm0, v12, v15;
	v10 =	vmax.f32 v10, v40;
	v15 =	vmax.f32 v38, v41  }
0x429: {  	v44 =	vld [tilespmem:s0+$0x850];
	v8 =	vsel vm0, v8, v9;
	v9 =	vperm.xlane v10, v0;
	v19 =	vperm.xlane v15, v0  }
0x42a: {  	v45 =	vld [tilespmem:s0+$0x1840];
	v10 =	vperm.xlane v10, v1;
	v8 =	vmax.f32 v12, v8;
	v12 =	vperm.xlane v15, v1  }
0x42b: {  	v15 =	vld [tilespmem:s0+$0x1850];
	[tilespmem:s22+$0x400] =	vst v8;
	v8 =	vsel vm0, v9, v19  }
0x42c: {  	[tilespmem:s21+$0x440] =	vst v6;
	v11 =	vmax.f32 v11, v42;
	v10 =	vsel vm0, v10, v12;
	v12 =	vmax.f32 v14, v13  }
0x42d: {  	v6 =	vld [tilespmem:s26+$0xC20];
	v8 =	vmax.f32 v8, v10;
	v10 =	vperm.xlane v11, v0;
	v14 =	vperm.xlane v12, v0  }
0x42e: {  	v7 =	vld [tilespmem:s26+$0xC30];
	[tilespmem:s25+$0x10] =	vst v8;
	v8 =	vperm.xlane v11, v1;
	v11 =	vperm.xlane v12, v1  }
0x42f: {  	v12 =	vmax.f32 v43, v45;
	v47 =	vld [tilespmem:s24+$0x40]  }
0x430: {  	v15 =	vmax.f32 v44, v15;
	v48 =	vld [tilespmem:s24+$0x50];
	v10 =	vsel vm0, v10, v14;
	v8 =	vsel vm0, v8, v11  }
0x431: {  	v49 =	vld [tilespmem:s24+$0x1040];
	v11 =	vperm.xlane v12, v0;
	v14 =	vperm.xlane v15, v0;
	v8 =	vmax.f32 v10, v8  }
0x432: {  	v10 =	vperm.xlane v12, v1;
	v12 =	vperm.xlane v15, v1;
	v15 =	vld [tilespmem:s24+$0x1050];
	[tilespmem:s10+$0x20] =	vst v8  }
0x433: {  	v8 =	vld [tilespmem:s5+$0x60]  }
0x434: {  	v11 =	vsel vm0, v11, v14;
	v10 =	vsel vm0, v10, v12;
	v12 =	vld [tilespmem:s5+$0x70]  }
0x435: {  	v10 =	vmax.f32 v11, v10;
	v11 =	vld [tilespmem:s5+$0x1060]  }
0x436: {  	[tilespmem:s1+$0x420] =	vst v10;
	v10 =	vld [tilespmem:s5+$0x1070]  }
0x437: {  	v14 =	vld [tilespmem:s0+$0x860]  }
0x438: {  	v18 =	vmax.f32 v47, v49;
	v50 =	vld [tilespmem:s0+$0x870]  }
0x439: {  	v19 =	vperm.xlane v18, v0;
	v18 =	vperm.xlane v18, v1;
	v15 =	vmax.f32 v48, v15;
	v52 =	vld [tilespmem:s0+$0x1860]  }
0x43a: {  	v53 =	vld [tilespmem:s0+$0x1870];
	v51 =	vperm.xlane v15, v0;
	v15 =	vperm.xlane v15, v1  }
0x43b: {  	v9 =	vld [tilespmem:s23+$0x820]  }
0x43c: {  	v13 =	vld [tilespmem:s23+$0x830];
	v19 =	vsel vm0, v19, v51;
	v15 =	vsel vm0, v18, v15;
	v8 =	vmax.f32 v8, v11  }
0x43d: {  	v46 =	vld [tilespmem:s23+$0x1820];
	v10 =	vmax.f32 v12, v10;
	v12 =	vmax.f32 v19, v15;
	v15 =	vperm.xlane v8, v0  }
0x43e: {  	v54 =	vld [tilespmem:s23+$0x1830];
	v8 =	vperm.xlane v8, v1;
	v55 =	vperm.xlane v10, v0;
	[tilespmem:s25+$0x20] =	vst v12  }
0x43f: {  	v10 =	vperm.xlane v10, v1;
	v12 =	vmax.f32 v14, v52;
	v16 =	vmax.f32 v50, v53;
	v14 =	vld [tilespmem:s24+$0x60]  }
0x440: {  	v57 =	vld [tilespmem:s24+$0x70];
	v58 =	vperm.xlane v16, v0  }
0x441: {  	v60 =	vld [tilespmem:s24+$0x1070];
	v15 =	vsel vm0, v15, v55;
	v8 =	vsel vm0, v8, v10;
	v10 =	vperm.xlane v12, v0  }
0x442: {  	v59 =	vld [tilespmem:s24+$0x1060];
	v12 =	vperm.xlane v12, v1;
	v8 =	vmax.f32 v15, v8;
	v15 =	vperm.xlane v16, v1  }
0x443: {  	v56 =	vld [tilespmem:s26+$0x1C30];
	v13 =	vmax.f32 v13, v54;
	[tilespmem:s10+$0x30] =	vst v8  }
0x444: {  	v8 =	vmax.f32 v9, v46;
	v10 =	vsel vm0, v10, v58;
	v9 =	vld [tilespmem:s5+$0x400];
	v12 =	vsel vm0, v12, v15  }
0x445: {  	v15 =	vld [tilespmem:s5+$0x410];
	v17 =	vperm.xlane v8, v0;
	v8 =	vperm.xlane v8, v1;
	v10 =	vmax.f32 v10, v12  }
0x446: {  	v61 =	vld [tilespmem:s5+$0x1400];
	v12 =	vperm.xlane v13, v0;
	v16 =	vmax.f32 v57, v60;
	[tilespmem:s1+$0x430] =	vst v10;
	v10 =	vperm.xlane v13, v1  }
0x447: {  	v14 =	vmax.f32 v14, v59;
	v13 =	vld [tilespmem:s5+$0x1410];
	v21 =	vperm.xlane v16, v0  }
0x448: {  	v62 =	vld [tilespmem:s0+$0xC00];
	v12 =	vsel vm0, v17, v12;
	v8 =	vsel vm0, v8, v10;
	v10 =	vperm.xlane v14, v0  }
0x449: {  	v63 =	vld [tilespmem:s0+$0xC10];
	v8 =	vmax.f32 v12, v8;
	v12 =	vperm.xlane v14, v1;
	v14 =	vperm.xlane v16, v1  }
0x44a: {  	v25 =	vld [tilespmem:s0+$0x1C10]  }
0x44b: {  	v24 =	vld [tilespmem:s0+$0x1C00];
	[tilespmem:s22+$0x410] =	vst v8;
	v8 =	vsel vm0, v10, v21;
	v12 =	vsel vm0, v12, v14  }
0x44c: {  	v11 =	vld [tilespmem:s26+$0x1C20];
	v9 =	vmax.f32 v9, v61;
	v13 =	vmax.f32 v15, v13;
	v8 =	vmax.f32 v8, v12  }
0x44d: {  	v10 =	vld [tilespmem:s23+$0x840];
	v12 =	vperm.xlane v9, v0;
	v15 =	vperm.xlane v13, v0;
	[tilespmem:s25+$0x30] =	vst v8  }
0x44e: {  	v8 =	vperm.xlane v9, v1;
	v9 =	vperm.xlane v13, v1;
	v27 =	vld [tilespmem:s24+$0x400]  }
0x44f: {  	v16 =	vmax.f32 v63, v25;
	v28 =	vld [tilespmem:s24+$0x410]  }
0x450: {  	v13 =	vmax.f32 v62, v24;
	v12 =	vsel vm0, v12, v15;
	v29 =	vld [tilespmem:s24+$0x1400];
	v8 =	vsel vm0, v8, v9  }
0x451: {  	v15 =	vperm.xlane v16, v0;
	v30 =	vld [tilespmem:s24+$0x1410];
	v9 =	vperm.xlane v13, v0;
	v8 =	vmax.f32 v12, v8  }
0x452: {  	v14 =	vld [tilespmem:s23+$0x850];
	v12 =	vperm.xlane v13, v1;
	v13 =	vperm.xlane v16, v1;
	[tilespmem:s10+$0x40] =	vst v8  }
0x453: {  	v7 =	vmax.f32 v7, v56;
	v6 =	vmax.f32 v6, v11;
	v8 =	vld [tilespmem:s5+$0x420]  }
0x454: {  	v9 =	vsel vm0, v9, v15;
	v15 =	vperm.xlane v7, v0;
	v11 =	vsel vm0, v12, v13;
	v12 =	vld [tilespmem:s5+$0x430]  }
0x455: {  	v7 =	vperm.xlane v7, v1;
	v13 =	vperm.xlane v6, v0;
	v9 =	vmax.f32 v9, v11;
	v11 =	vld [tilespmem:s5+$0x1420]  }
0x456: {  	v6 =	vperm.xlane v6, v1;
	v20 =	vmax.f32 v27, v29;
	v16 =	vmax.f32 v28, v30;
	[tilespmem:s1+$0x440] =	vst v9;
	v9 =	vld [tilespmem:s5+$0x1430]  }
0x457: {  	v13 =	vsel vm0, v13, v15;
	v32 =	vperm.xlane v20, v0;
	v33 =	vperm.xlane v16, v0;
	v31 =	vld [tilespmem:s0+$0xC20]  }
0x458: {  	v6 =	vsel vm0, v6, v7;
	v7 =	vperm.xlane v20, v1;
	v16 =	vperm.xlane v16, v1;
	v15 =	vld [tilespmem:s0+$0xC30]  }
0x459: {  	v34 =	vld [tilespmem:s0+$0x1C20]  }
0x45a: {  	v6 =	vmax.f32 v13, v6;
	v13 =	vld [tilespmem:s0+$0x1C30];
	v17 =	vsel vm0, v32, v33;
	v7 =	vsel vm0, v7, v16  }
0x45b: {  	v26 =	vld [tilespmem:s23+$0x1840];
	v8 =	vmax.f32 v8, v11;
	v11 =	vmax.f32 v17, v7  }
0x45c: {  	v35 =	vld [tilespmem:s23+$0x1850];
	[tilespmem:s21+$0x450] =	vst v6;
	v9 =	vmax.f32 v12, v9;
	v12 =	vperm.xlane v8, v0;
	v8 =	vperm.xlane v8, v1  }
0x45d: {  	v6 =	vld [tilespmem:s26+$0xC40];
	[tilespmem:s25+$0x40] =	vst v11;
	v36 =	vperm.xlane v9, v0;
	v9 =	vperm.xlane v9, v1  }
0x45e: {  	v11 =	vmax.f32 v31, v34;
	v37 =	vld [tilespmem:s24+$0x420]  }
0x45f: {  	v13 =	vmax.f32 v15, v13;
	v15 =	vld [tilespmem:s24+$0x430];
	v12 =	vsel vm0, v12, v36;
	v8 =	vsel vm0, v8, v9  }
0x460: {  	v39 =	vld [tilespmem:s24+$0x1420];
	v38 =	vperm.xlane v13, v0;
	v9 =	vperm.xlane v11, v0;
	v8 =	vmax.f32 v12, v8  }
0x461: {  	v11 =	vperm.xlane v11, v1;
	v12 =	vperm.xlane v13, v1;
	v13 =	vld [tilespmem:s24+$0x1430];
	[tilespmem:s10+$0x50] =	vst v8  }
0x462: {  	v8 =	vmax.f32 v10, v26;
	v10 =	vld [tilespmem:s5+$0x440]  }
0x463: {  	v9 =	vsel vm0, v9, v38;
	v11 =	vsel vm0, v11, v12;
	v12 =	vmax.f32 v14, v35;
	v14 =	vld [tilespmem:s5+$0x450]  }
0x464: {  	v40 =	vperm.xlane v8, v0;
	v41 =	vld [tilespmem:s5+$0x1440];
	v9 =	vmax.f32 v9, v11;
	v11 =	vperm.xlane v12, v0  }
0x465: {  	v8 =	vperm.xlane v8, v1;
	[tilespmem:s1+$0x450] =	vst v9;
	v9 =	vperm.xlane v12, v1;
	v12 =	vld [tilespmem:s5+$0x1450]  }
0x466: {  	v43 =	vmax.f32 v37, v39;
	v42 =	vld [tilespmem:s0+$0xC40];
	v11 =	vsel vm0, v40, v11;
	v13 =	vmax.f32 v15, v13  }
0x467: {  	v15 =	vld [tilespmem:s0+$0xC50];
	v8 =	vsel vm0, v8, v9;
	v9 =	vperm.xlane v43, v0;
	v44 =	vperm.xlane v13, v0  }
0x468: {  	v46 =	vld [tilespmem:s0+$0x1C50];
	v13 =	vperm.xlane v13, v1;
	v8 =	vmax.f32 v11, v8;
	v11 =	vperm.xlane v43, v1  }
0x469: {  	v45 =	vld [tilespmem:s0+$0x1C40];
	v10 =	vmax.f32 v10, v41;
	[tilespmem:s22+$0x420] =	vst v8  }
0x46a: {  	v8 =	vsel vm0, v9, v44;
	v47 =	vld [tilespmem:s23+$0x860];
	v9 =	vsel vm0, v11, v13;
	v11 =	vmax.f32 v14, v12  }
0x46b: {  	v14 =	vld [tilespmem:s23+$0x870];
	v8 =	vmax.f32 v8, v9;
	v9 =	vperm.xlane v10, v0;
	v12 =	vperm.xlane v11, v0  }
0x46c: {  	v48 =	vld [tilespmem:s23+$0x1860];
	[tilespmem:s25+$0x50] =	vst v8;
	v8 =	vperm.xlane v10, v1;
	v10 =	vperm.xlane v11, v1  }
0x46d: {  	v15 =	vmax.f32 v15, v46;
	v13 =	vld [tilespmem:s24+$0x440]  }
0x46e: {  	v11 =	vmax.f32 v42, v45;
	v49 =	vld [tilespmem:s24+$0x450];
	v9 =	vsel vm0, v9, v12;
	v8 =	vsel vm0, v8, v10  }
0x46f: {  	v12 =	vperm.xlane v15, v0;
	v50 =	vld [tilespmem:s24+$0x1440];
	v10 =	vperm.xlane v11, v0;
	v8 =	vmax.f32 v9, v8  }
0x470: {  	v9 =	vperm.xlane v11, v1;
	v11 =	vperm.xlane v15, v1;
	v15 =	vld [tilespmem:s24+$0x1450];
	[tilespmem:s10+$0x60] =	vst v8  }
0x471: {  	v8 =	vld [tilespmem:s5+$0x460]  }
0x472: {  	v10 =	vsel vm0, v10, v12;
	v9 =	vsel vm0, v9, v11;
	v51 =	vld [tilespmem:s5+$0x470]  }
0x473: {  	v52 =	vld [tilespmem:s5+$0x1460];
	v9 =	vmax.f32 v10, v9  }
0x474: {  	[tilespmem:s1+$0x460] =	vst v9;
	v9 =	vld [tilespmem:s5+$0x1470]  }
0x475: {  	v56 =	vld [tilespmem:s23+$0x1870];
	v11 =	vmax.f32 v13, v50  }
0x476: {  	v53 =	vperm.xlane v11, v0;
	v55 =	vperm.xlane v11, v1;
	v12 =	vld [tilespmem:s0+$0xC60];
	v15 =	vmax.f32 v49, v15  }
0x477: {  	v10 =	vld [tilespmem:s0+$0xC70];
	v54 =	vperm.xlane v15, v0;
	v15 =	vperm.xlane v15, v1  }
0x478: {  	s29 =	simm.s32 $0x1800;
	s6 =	simm.s32 $0x300;
	v13 =	vld [tilespmem:s0+$0x1C60];
	v21 =	vmax.f32 v8, v52  }
0x479: {  	s29 =	sand.u32 $0x3FFFE000, s29;
	v11 =	vld [tilespmem:s0+$0x1C70];
	s0 =	sand.u32 $0x300, s6;
	v16 =	vsel vm0, v53, v54;
	v15 =	vsel vm0, v55, v15;
	v20 =	vmax.f32 v51, v9  }
0x47a: {  	s29 =	sadd.s32 $0x8000, s29;
	v7 =	vld [tilespmem:s26+$0xC50];
	s30 =	sor.u32 $0x80, s0;
	v57 =	vperm.xlane v21, v0;
	v15 =	vmax.f32 v16, v15;
	v58 =	vperm.xlane v20, v0  }
0x47b: {  	v8 =	vld [tilespmem:s26+$0x1C40];
	s31 =	sor.u32 s30, s29;
	[tilespmem:s25+$0x60] =	vst v15;
	v15 =	vperm.xlane v21, v1;
	v20 =	vperm.xlane v20, v1  }
0x47c: {  	v17 =	vmax.f32 v47, v48;
	v26 =	vld [tilespmem:s31+$0x0]  }
0x47d: {  	v14 =	vmax.f32 v14, v56;
	v35 =	vld [tilespmem:s31+$0x10];
	v16 =	vsel vm0, v57, v58;
	v15 =	vsel vm0, v15, v20  }
0x47e: {  	v60 =	vperm.xlane v17, v0;
	v17 =	vperm.xlane v17, v1;
	v28 =	vld [tilespmem:s31+$0x1000];
	v15 =	vmax.f32 v16, v15  }
0x47f: {  	v62 =	vperm.xlane v14, v0;
	v14 =	vperm.xlane v14, v1;
	v29 =	vld [tilespmem:s31+$0x1010];
	[tilespmem:s10+$0x70] =	vst v15  }
0x480: {  	v15 =	vld [tilespmem:s5+$0x800]  }
0x481: {  	v14 =	vsel vm0, v17, v14;
	v16 =	vsel vm0, v60, v62;
	v31 =	vld [tilespmem:s5+$0x810]  }
0x482: {  	v14 =	vmax.f32 v16, v14;
	v32 =	vld [tilespmem:s5+$0x1800]  }
0x483: {  	s29 =	sor.u32 s0, s29;
	[tilespmem:s22+$0x430] =	vst v14;
	v14 =	vld [tilespmem:s5+$0x1810]  }
0x484: {  	v37 =	vld [tilespmem:s29+$0x0]  }
0x485: {  	v39 =	vld [tilespmem:s29+$0x10]  }
0x486: {  	v59 =	vld [tilespmem:s24+$0x460]  }
0x487: {  	v23 =	vld [tilespmem:s24+$0x470]  }
0x488: {  	v61 =	vld [tilespmem:s24+$0x1460];
	v15 =	vmax.f32 v15, v32;
	v14 =	vmax.f32 v31, v14  }
0x489: {  	v63 =	vld [tilespmem:s24+$0x1470];
	v36 =	vperm.xlane v15, v0;
	v27 =	vperm.xlane v14, v0  }
0x48a: {  	v41 =	vld [tilespmem:s29+$0x1000];
	v15 =	vperm.xlane v15, v1;
	v14 =	vperm.xlane v14, v1  }
0x48b: {  	v33 =	vld [tilespmem:s23+$0xC00]  }
0x48c: {  	v34 =	vld [tilespmem:s23+$0xC10];
	v17 =	vsel vm0, v36, v27;
	v14 =	vsel vm0, v15, v14  }
0x48d: {  	v24 =	vld [tilespmem:s23+$0x1C00];
	v14 =	vmax.f32 v17, v14  }
0x48e: {  	v25 =	vld [tilespmem:s23+$0x1C10];
	v38 =	vmax.f32 v23, v63;
	v15 =	vmax.f32 v59, v61;
	[tilespmem:s10+$0x400] =	vst v14  }
0x48f: {  	v43 =	vmax.f32 v26, v28;
	v20 =	vperm.xlane v38, v0;
	v40 =	vperm.xlane v15, v0;
	v42 =	vld [tilespmem:s5+$0x820]  }
0x490: {  	v16 =	vmax.f32 v35, v29;
	v14 =	vperm.xlane v15, v1;
	v15 =	vperm.xlane v38, v1;
	v44 =	vld [tilespmem:s5+$0x830]  }
0x491: {  	v47 =	vperm.xlane v43, v1;
	v45 =	vperm.xlane v16, v0;
	v46 =	vld [tilespmem:s5+$0x1820]  }
0x492: {  	v16 =	vperm.xlane v16, v1;
	v17 =	vsel vm0, v40, v20;
	v48 =	vld [tilespmem:s5+$0x1830];
	v14 =	vsel vm0, v14, v15  }
0x493: {  	s16 =	simm.s32 $0x600;
	v9 =	vld [tilespmem:s26+$0x1C50];
	v15 =	vperm.xlane v43, v0;
	v14 =	vmax.f32 v17, v14  }
0x494: {  	s16 =	sand.u32 $0x3FFFF800, s16;
	v16 =	vsel vm0, v47, v16;
	v21 =	vmax.f32 v33, v24;
	[tilespmem:s25+$0x70] =	vst v14;
	v14 =	vld [tilespmem:s29+$0x1010]  }
0x495: {  	s16 =	sadd.s32 $0x12000, s16;
	v22 =	vmax.f32 v34, v25;
	v24 =	vperm.xlane v21, v0;
	v15 =	vsel vm0, v15, v45;
	v49 =	vld [tilespmem:s24+$0x800]  }
0x496: {  	s30 =	sor.u32 s30, s16;
	v25 =	vperm.xlane v22, v0;
	v21 =	vperm.xlane v21, v1;
	v15 =	vmax.f32 v15, v16;
	v50 =	vld [tilespmem:s24+$0x810]  }
0x497: {  	v51 =	vld [tilespmem:s24+$0x1800];
	[tilespmem:s30+$0x0] =	vst v15;
	v15 =	vperm.xlane v22, v1;
	v18 =	vmax.f32 v42, v46;
	v20 =	vmax.f32 v44, v48  }
0x498: {  	v24 =	vsel vm0, v24, v25;
	v52 =	vld [tilespmem:s31+$0x20];
	v54 =	vperm.xlane v18, v0;
	v55 =	vperm.xlane v20, v0  }
0x499: {  	v53 =	vld [tilespmem:s31+$0x30];
	v18 =	vperm.xlane v18, v1;
	v20 =	vperm.xlane v20, v1;
	v15 =	vsel vm0, v21, v15  }
0x49a: {  	v56 =	vld [tilespmem:s31+$0x1020];
	v15 =	vmax.f32 v24, v15  }
0x49b: {  	v57 =	vld [tilespmem:s31+$0x1030];
	v18 =	vsel vm0, v18, v20;
	[tilespmem:s22+$0x440] =	vst v15;
	v15 =	vmax.f32 v39, v14;
	v14 =	vsel vm0, v54, v55  }
0x49c: {  	v23 =	vmax.f32 v37, v41;
	v58 =	vld [tilespmem:s24+$0x1810];
	v18 =	vmax.f32 v14, v18  }
0x49d: {  	v59 =	vperm.xlane v23, v0;
	v23 =	vperm.xlane v23, v1;
	v14 =	vld [tilespmem:s23+$0xC20];
	[tilespmem:s10+$0x410] =	vst v18  }
0x49e: {  	v60 =	vperm.xlane v15, v0;
	v61 =	vperm.xlane v15, v1;
	v63 =	vld [tilespmem:s5+$0x840]  }
0x49f: {  	v21 =	vmax.f32 v52, v56;
	v32 =	vld [tilespmem:s5+$0x850]  }
0x4a0: {  	v31 =	vmax.f32 v53, v57;
	v62 =	vsel vm0, v59, v60;
	v23 =	vsel vm0, v23, v61;
	v34 =	vld [tilespmem:s5+$0x1840]  }
0x4a1: {  	s0 =	sor.u32 s0, s16;
	v33 =	vperm.xlane v21, v0;
	v25 =	vperm.xlane v31, v0;
	v37 =	vld [tilespmem:s5+$0x1850];
	v18 =	vmax.f32 v62, v23  }
0x4a2: {  	v15 =	vld [tilespmem:s23+$0xC30];
	v35 =	vperm.xlane v21, v1;
	v36 =	vperm.xlane v31, v1;
	[tilespmem:s0+$0x0] =	vst v18  }
0x4a3: {  	v17 =	vmax.f32 v49, v51;
	v16 =	vmax.f32 v50, v58;
	v38 =	vld [tilespmem:s29+$0x20]  }
0x4a4: {  	v40 =	vperm.xlane v17, v0;
	v23 =	vsel vm0, v33, v25;
	v18 =	vsel vm0, v35, v36;
	v39 =	vld [tilespmem:s29+$0x30]  }
0x4a5: {  	v41 =	vperm.xlane v16, v0;
	v17 =	vperm.xlane v17, v1;
	v42 =	vld [tilespmem:s29+$0x1020];
	v18 =	vmax.f32 v23, v18  }
0x4a6: {  	v16 =	vperm.xlane v16, v1;
	v43 =	vld [tilespmem:s29+$0x1030];
	[tilespmem:s30+$0x10] =	vst v18;
	v20 =	vmax.f32 v63, v34;
	v22 =	vmax.f32 v32, v37  }
0x4a7: {  	v44 =	vsel vm0, v40, v41;
	v45 =	vld [tilespmem:s31+$0x40];
	v47 =	vperm.xlane v20, v0;
	v48 =	vperm.xlane v22, v0  }
0x4a8: {  	v16 =	vsel vm0, v17, v16;
	v46 =	vld [tilespmem:s31+$0x50];
	v20 =	vperm.xlane v20, v1;
	v22 =	vperm.xlane v22, v1  }
0x4a9: {  	v16 =	vmax.f32 v44, v16;
	v49 =	vld [tilespmem:s31+$0x1040]  }
0x4aa: {  	[tilespmem:s25+$0x400] =	vst v16;
	v51 =	vld [tilespmem:s31+$0x1050];
	v24 =	vsel vm0, v47, v48;
	v20 =	vsel vm0, v20, v22  }
0x4ab: {  	v52 =	vld [tilespmem:s24+$0x820];
	v50 =	vmax.f32 v38, v42;
	v19 =	vmax.f32 v39, v43;
	v20 =	vmax.f32 v24, v20  }
0x4ac: {  	v55 =	vld [tilespmem:s24+$0x830];
	v53 =	vperm.xlane v50, v0;
	v54 =	vperm.xlane v19, v0;
	[tilespmem:s10+$0x420] =	vst v20  }
0x4ad: {  	v16 =	vperm.xlane v50, v1;
	v19 =	vperm.xlane v19, v1;
	v58 =	vld [tilespmem:s5+$0x860]  }
0x4ae: {  	v18 =	vmax.f32 v45, v49;
	v59 =	vld [tilespmem:s5+$0x870]  }
0x4af: {  	v17 =	vmax.f32 v46, v51;
	v57 =	vsel vm0, v53, v54;
	v16 =	vsel vm0, v16, v19;
	v62 =	vld [tilespmem:s5+$0x1860]  }
0x4b0: {  	v60 =	vperm.xlane v18, v0;
	v61 =	vperm.xlane v17, v0;
	v32 =	vld [tilespmem:s5+$0x1870];
	v16 =	vmax.f32 v57, v16  }
0x4b1: {  	v56 =	vld [tilespmem:s24+$0x1820];
	v63 =	vperm.xlane v18, v1;
	v17 =	vperm.xlane v17, v1;
	[tilespmem:s0+$0x10] =	vst v16  }
0x4b2: {  	v33 =	vld [tilespmem:s29+$0x40]  }
0x4b3: {  	v20 =	vsel vm0, v60, v61;
	v16 =	vsel vm0, v63, v17;
	v34 =	vld [tilespmem:s29+$0x50]  }
0x4b4: {  	v35 =	vld [tilespmem:s29+$0x1040];
	v16 =	vmax.f32 v20, v16  }
0x4b5: {  	v36 =	vld [tilespmem:s29+$0x1050];
	[tilespmem:s30+$0x20] =	vst v16;
	v37 =	vmax.f32 v58, v62;
	v18 =	vmax.f32 v59, v32  }
0x4b6: {  	v16 =	vld [tilespmem:s31+$0x60];
	v22 =	vperm.xlane v37, v0;
	v39 =	vperm.xlane v18, v0  }
0x4b7: {  	v38 =	vld [tilespmem:s31+$0x70];
	v21 =	vperm.xlane v37, v1;
	v18 =	vperm.xlane v18, v1  }
0x4b8: {  	v40 =	vld [tilespmem:s31+$0x1060]  }
0x4b9: {  	v41 =	vld [tilespmem:s31+$0x1070];
	v22 =	vsel vm0, v22, v39;
	v18 =	vsel vm0, v21, v18  }
0x4ba: {  	v42 =	vld [tilespmem:s24+$0x1830];
	v17 =	vmax.f32 v33, v35;
	v20 =	vmax.f32 v34, v36;
	v18 =	vmax.f32 v22, v18  }
0x4bb: {  	v43 =	vperm.xlane v17, v0;
	v44 =	vperm.xlane v20, v0;
	v22 =	vld [tilespmem:s23+$0x1C20];
	[tilespmem:s10+$0x430] =	vst v18  }
0x4bc: {  	v17 =	vperm.xlane v17, v1;
	v20 =	vperm.xlane v20, v1;
	v45 =	vld [tilespmem:s5+$0xC00]  }
0x4bd: {  	v16 =	vmax.f32 v16, v40;
	v46 =	vld [tilespmem:s5+$0xC10]  }
0x4be: {  	v19 =	vmax.f32 v38, v41;
	v21 =	vsel vm0, v43, v44;
	v17 =	vsel vm0, v17, v20;
	v48 =	vld [tilespmem:s5+$0x1C00]  }
0x4bf: {  	v47 =	vperm.xlane v16, v0;
	v26 =	vperm.xlane v19, v0;
	v50 =	vld [tilespmem:s5+$0x1C10];
	v17 =	vmax.f32 v21, v17  }
0x4c0: {  	v23 =	vmax.f32 v52, v56;
	v18 =	vld [tilespmem:s23+$0x1C30];
	v16 =	vperm.xlane v16, v1;
	v49 =	vperm.xlane v19, v1;
	[tilespmem:s0+$0x20] =	vst v17  }
0x4c1: {  	v53 =	vperm.xlane v23, v0;
	v23 =	vperm.xlane v23, v1;
	v51 =	vld [tilespmem:s29+$0x60]  }
0x4c2: {  	v27 =	vmax.f32 v55, v42;
	v21 =	vsel vm0, v47, v26;
	v16 =	vsel vm0, v16, v49;
	v52 =	vld [tilespmem:s29+$0x70]  }
0x4c3: {  	v54 =	vperm.xlane v27, v0;
	v27 =	vperm.xlane v27, v1;
	v16 =	vmax.f32 v21, v16;
	v55 =	vld [tilespmem:s29+$0x1060]  }
0x4c4: {  	v56 =	vld [tilespmem:s29+$0x1070];
	[tilespmem:s30+$0x30] =	vst v16;
	v25 =	vmax.f32 v45, v48;
	v19 =	vmax.f32 v46, v50  }
0x4c5: {  	v58 =	vsel vm0, v23, v27;
	v57 =	vld [tilespmem:s31+$0x400];
	v60 =	vperm.xlane v25, v0;
	v61 =	vperm.xlane v19, v0  }
0x4c6: {  	v17 =	vsel vm0, v53, v54;
	v59 =	vld [tilespmem:s31+$0x410];
	v25 =	vperm.xlane v25, v1;
	v19 =	vperm.xlane v19, v1  }
0x4c7: {  	v17 =	vmax.f32 v17, v58;
	v62 =	vld [tilespmem:s31+$0x1400]  }
0x4c8: {  	[tilespmem:s25+$0x410] =	vst v17;
	v32 =	vld [tilespmem:s31+$0x1410];
	v27 =	vsel vm0, v60, v61;
	v19 =	vsel vm0, v25, v19  }
0x4c9: {  	v24 =	vld [tilespmem:s24+$0x840];
	v63 =	vmax.f32 v51, v55;
	v16 =	vmax.f32 v52, v56;
	v19 =	vmax.f32 v27, v19  }
0x4ca: {  	v34 =	vld [tilespmem:s24+$0x850];
	v33 =	vperm.xlane v63, v0;
	v28 =	vperm.xlane v16, v0;
	[tilespmem:s10+$0x440] =	vst v19  }
0x4cb: {  	v17 =	vperm.xlane v63, v1;
	v16 =	vperm.xlane v16, v1;
	v37 =	vld [tilespmem:s5+$0xC20]  }
0x4cc: {  	v38 =	vmax.f32 v57, v62;
	v40 =	vld [tilespmem:s5+$0xC30]  }
0x4cd: {  	v39 =	vmax.f32 v59, v32;
	v36 =	vsel vm0, v33, v28;
	v16 =	vsel vm0, v17, v16;
	v42 =	vld [tilespmem:s5+$0x1C20]  }
0x4ce: {  	v41 =	vperm.xlane v38, v0;
	v23 =	vperm.xlane v39, v0;
	v45 =	vld [tilespmem:s5+$0x1C30];
	v16 =	vmax.f32 v36, v16  }
0x4cf: {  	v14 =	vmax.f32 v14, v22;
	v35 =	vld [tilespmem:s24+$0x1840];
	v43 =	vperm.xlane v38, v1;
	v44 =	vperm.xlane v39, v1;
	[tilespmem:s0+$0x30] =	vst v16  }
0x4d0: {  	v15 =	vmax.f32 v15, v18;
	v48 =	vperm.xlane v14, v0;
	v46 =	vld [tilespmem:s29+$0x400]  }
0x4d1: {  	v50 =	vperm.xlane v15, v0;
	v19 =	vsel vm0, v41, v23;
	v16 =	vsel vm0, v43, v44;
	v47 =	vld [tilespmem:s29+$0x410]  }
0x4d2: {  	v14 =	vperm.xlane v14, v1;
	v15 =	vperm.xlane v15, v1;
	v49 =	vld [tilespmem:s29+$0x1400];
	v16 =	vmax.f32 v19, v16  }
0x4d3: {  	v51 =	vld [tilespmem:s29+$0x1410];
	[tilespmem:s30+$0x40] =	vst v16;
	v25 =	vmax.f32 v37, v42;
	v20 =	vmax.f32 v40, v45  }
0x4d4: {  	v14 =	vsel vm0, v14, v15;
	v16 =	vld [tilespmem:s31+$0x420];
	v53 =	vperm.xlane v25, v0;
	v54 =	vperm.xlane v20, v0  }
0x4d5: {  	v17 =	vsel vm0, v48, v50;
	v52 =	vld [tilespmem:s31+$0x430];
	v25 =	vperm.xlane v25, v1;
	v20 =	vperm.xlane v20, v1  }
0x4d6: {  	v5 =	vmax.f32 v4, v5;
	v3 =	vmax.f32 v2, v3;
	v4 =	vmax.f32 v17, v14;
	v15 =	vld [tilespmem:s31+$0x1420]  }
0x4d7: {  	v60 =	vperm.xlane v3, v0;
	[tilespmem:s22+$0x450] =	vst v4;
	v55 =	vld [tilespmem:s31+$0x1430];
	v4 =	vsel vm0, v53, v54;
	v20 =	vsel vm0, v25, v20  }
0x4d8: {  	v57 =	vld [tilespmem:s24+$0x1850];
	v14 =	vmax.f32 v46, v49;
	v56 =	vmax.f32 v47, v51;
	v20 =	vmax.f32 v4, v20  }
0x4d9: {  	v2 =	vld [tilespmem:s23+$0xC50];
	v58 =	vperm.xlane v14, v0;
	v23 =	vperm.xlane v56, v0;
	[tilespmem:s10+$0x450] =	vst v20  }
0x4da: {  	v14 =	vperm.xlane v14, v1;
	v18 =	vperm.xlane v56, v1;
	v61 =	vld [tilespmem:s5+$0xC40]  }
0x4db: {  	v3 =	vperm.xlane v3, v1;
	v59 =	vperm.xlane v5, v0;
	v15 =	vmax.f32 v16, v15;
	v63 =	vld [tilespmem:s5+$0xC50]  }
0x4dc: {  	v62 =	vmax.f32 v52, v55;
	v21 =	vsel vm0, v58, v23;
	v14 =	vsel vm0, v14, v18;
	v31 =	vld [tilespmem:s5+$0x1C40]  }
0x4dd: {  	v30 =	vperm.xlane v15, v0;
	v19 =	vperm.xlane v62, v0;
	v32 =	vld [tilespmem:s5+$0x1C50];
	v14 =	vmax.f32 v21, v14  }
0x4de: {  	v4 =	vld [tilespmem:s23+$0xC40];
	[tilespmem:s0+$0x40] =	vst v14;
	v14 =	vperm.xlane v15, v1;
	v15 =	vperm.xlane v62, v1  }
0x4df: {  	v5 =	vperm.xlane v5, v1;
	v24 =	vmax.f32 v24, v35;
	v22 =	vmax.f32 v34, v57;
	v33 =	vld [tilespmem:s29+$0x420]  }
0x4e0: {  	v35 =	vperm.xlane v22, v0;
	v18 =	vsel vm0, v30, v19;
	v34 =	vld [tilespmem:s29+$0x430];
	v14 =	vsel vm0, v14, v15  }
0x4e1: {  	v22 =	vperm.xlane v22, v1;
	v36 =	vld [tilespmem:s29+$0x1420];
	v15 =	vperm.xlane v24, v0;
	v14 =	vmax.f32 v18, v14  }
0x4e2: {  	v24 =	vperm.xlane v24, v1;
	v21 =	vmax.f32 v61, v31;
	v16 =	vmax.f32 v63, v32;
	[tilespmem:s30+$0x50] =	vst v14;
	v14 =	vld [tilespmem:s29+$0x1430]  }
0x4e3: {  	v10 =	vmax.f32 v10, v11;
	v23 =	vperm.xlane v21, v0;
	v40 =	vperm.xlane v16, v0;
	v37 =	vld [tilespmem:s31+$0x440]  }
0x4e4: {  	v3 =	vsel vm0, v5, v3;
	v21 =	vperm.xlane v21, v1;
	v16 =	vperm.xlane v16, v1;
	v39 =	vld [tilespmem:s31+$0x450]  }
0x4e5: {  	v5 =	vmax.f32 v12, v13;
	v15 =	vsel vm0, v15, v35;
	v38 =	vsel vm0, v24, v22;
	v13 =	vld [tilespmem:s31+$0x1450]  }
0x4e6: {  	v15 =	vmax.f32 v15, v38;
	v41 =	vld [tilespmem:s31+$0x1440];
	v42 =	vsel vm0, v23, v40;
	v16 =	vsel vm0, v21, v16  }
0x4e7: {  	v46 =	vperm.xlane v5, v0;
	v58 =	vld [tilespmem:s23+$0x1C40];
	[tilespmem:s25+$0x420] =	vst v15;
	v12 =	vmax.f32 v33, v36;
	v16 =	vmax.f32 v42, v16  }
0x4e8: {  	v15 =	vld [tilespmem:s24+$0x860];
	v43 =	vperm.xlane v12, v0;
	v11 =	vperm.xlane v12, v1;
	[tilespmem:s10+$0x460] =	vst v16;
	v14 =	vmax.f32 v34, v14  }
0x4e9: {  	v48 =	vld [tilespmem:s5+$0xC60];
	v44 =	vperm.xlane v14, v0;
	v12 =	vperm.xlane v14, v1  }
0x4ea: {  	v47 =	vperm.xlane v10, v0;
	v5 =	vperm.xlane v5, v1;
	v49 =	vld [tilespmem:s5+$0xC70];
	v13 =	vmax.f32 v39, v13  }
0x4eb: {  	v51 =	vld [tilespmem:s5+$0x1C60];
	v21 =	vsel vm0, v43, v44;
	v11 =	vsel vm0, v11, v12;
	v12 =	vmax.f32 v37, v41  }
0x4ec: {  	v14 =	vld [tilespmem:s24+$0x1860];
	v50 =	vperm.xlane v13, v0;
	v11 =	vmax.f32 v21, v11;
	v19 =	vperm.xlane v12, v0  }
0x4ed: {  	v7 =	vmax.f32 v7, v9;
	[tilespmem:s0+$0x50] =	vst v11;
	v11 =	vperm.xlane v12, v1;
	v12 =	vperm.xlane v13, v1;
	v13 =	vld [tilespmem:s5+$0x1C70]  }
0x4ee: {  	v6 =	vmax.f32 v6, v8;
	v10 =	vperm.xlane v10, v1;
	v53 =	vperm.xlane v7, v0;
	v8 =	vld [tilespmem:s29+$0x440]  }
0x4ef: {  	v20 =	vsel vm0, v59, v60;
	v9 =	vld [tilespmem:s29+$0x450];
	v52 =	vsel vm0, v19, v50;
	v11 =	vsel vm0, v11, v12  }
0x4f0: {  	v5 =	vsel vm0, v5, v10;
	v10 =	vld [tilespmem:s29+$0x1450];
	v12 =	vperm.xlane v6, v0;
	v11 =	vmax.f32 v52, v11  }
0x4f1: {  	v7 =	vperm.xlane v7, v1;
	v3 =	vmax.f32 v20, v3;
	v54 =	vld [tilespmem:s29+$0x1440];
	v6 =	vperm.xlane v6, v1;
	[tilespmem:s30+$0x60] =	vst v11  }
0x4f2: {  	v16 =	vsel vm0, v46, v47;
	v14 =	vmax.f32 v15, v14;
	v11 =	vsel vm0, v12, v53;
	v12 =	vld [tilespmem:s31+$0x460]  }
0x4f3: {  	v6 =	vsel vm0, v6, v7;
	v7 =	vmax.f32 v48, v51;
	v13 =	vmax.f32 v49, v13;
	v55 =	vld [tilespmem:s31+$0x470]  }
0x4f4: {  	v6 =	vmax.f32 v11, v6;
	v11 =	vperm.xlane v7, v0;
	v56 =	vld [tilespmem:s31+$0x1460];
	v7 =	vperm.xlane v7, v1  }
0x4f5: {  	v15 =	vld [tilespmem:s31+$0x1470];
	v17 =	vperm.xlane v13, v0;
	v13 =	vperm.xlane v13, v1;
	v9 =	vmax.f32 v9, v10  }
0x4f6: {  	v45 =	vld [tilespmem:s24+$0x870];
	v5 =	vmax.f32 v16, v5;
	v8 =	vmax.f32 v8, v54;
	v57 =	vperm.xlane v9, v0  }
0x4f7: {  	v10 =	vld [tilespmem:s24+$0x1870];
	[tilespmem:s21+$0x460] =	vst v6;
	v11 =	vsel vm0, v11, v17;
	v7 =	vsel vm0, v7, v13;
	v13 =	vperm.xlane v8, v0  }
0x4f8: {  	v60 =	vld [tilespmem:s26+$0x1C60];
	v6 =	vmax.f32 v11, v7;
	v7 =	vperm.xlane v8, v1;
	v8 =	vperm.xlane v9, v1  }
0x4f9: {  	v59 =	vperm.xlane v14, v0;
	v14 =	vperm.xlane v14, v1;
	v9 =	vld [tilespmem:s23+$0x1C50];
	v11 =	vsel vm0, v13, v57  }
0x4fa: {  	v61 =	vld [tilespmem:s26+$0x1C70];
	v7 =	vsel vm0, v7, v8;
	v8 =	vmax.f32 v12, v56;
	v12 =	vmax.f32 v55, v15  }
0x4fb: {  	v13 =	vld [tilespmem:s26+$0xC60];
	v7 =	vmax.f32 v11, v7;
	v11 =	vperm.xlane v8, v0;
	v16 =	vperm.xlane v12, v0  }
0x4fc: {  	v15 =	vld [tilespmem:s26+$0xC70];
	v10 =	vmax.f32 v45, v10;
	v12 =	vperm.xlane v12, v1;
	[tilespmem:s0+$0x60] =	vst v7;
	v7 =	vperm.xlane v8, v1  }
0x4fd: {  	v4 =	vmax.f32 v4, v58;
	v62 =	vperm.xlane v10, v0;
	v10 =	vperm.xlane v10, v1;
	v8 =	vld [tilespmem:s29+$0x460]  }
0x4fe: {  	v16 =	vsel vm0, v11, v16;
	v2 =	vmax.f32 v2, v9;
	v9 =	vld [tilespmem:s29+$0x470];
	v7 =	vsel vm0, v7, v12  }
0x4ff: {  	[tilespmem:s28+$0x470] =	vst v3;
	v11 =	vld [tilespmem:s29+$0x1460];
	v10 =	vsel vm0, v14, v10;
	v14 =	vperm.xlane v2, v0;
	v3 =	vmax.f32 v16, v7  }
0x500: {  	v12 =	vld [tilespmem:s29+$0x1470];
	v63 =	vperm.xlane v2, v1;
	v17 =	vmax.f32 v13, v60;
	v7 =	vsel vm0, v59, v62;
	[tilespmem:s30+$0x70] =	vst v3  }
0x501: {  	[tilespmem:s1+$0x470] =	vst v5;
	v3 =	vmax.f32 v7, v10;
	v7 =	vperm.xlane v4, v0;
	v4 =	vperm.xlane v4, v1;
	v10 =	vld [tilespmem:s31+$0x800]  }
0x502: {  	v5 =	vmax.f32 v15, v61;
	v2 =	vperm.xlane v17, v0;
	v13 =	vld [tilespmem:s31+$0x810];
	[tilespmem:s25+$0x430] =	vst v3;
	v3 =	vperm.xlane v17, v1  }
0x503: {  	s1 =	simm.s32 $0x6;
	[tilespmem:s10+$0x470] =	vst v6;
	v6 =	vsel vm0, v7, v14;
	v14 =	vld [tilespmem:s31+$0x1800];
	v7 =	vsel vm0, v4, v63;
	v4 =	vperm.xlane v5, v0  }
.LBB2_9:
0x504: {  	s1 =	sadd.s32 $0x2, s1;
	v8 =	vmax.f32 v8, v11;
	v11 =	vld [tilespmem:s31+$0x1810];
	v6 =	vmax.f32 v6, v7;
	v5 =	vperm.xlane v5, v1  }
0x505: {  	s6 =	sadd.s32 $0x100, s6;
	s5 =	sshll.u32 s1, $0xA;
	p0 =	slt.u32 s1, $0x1E;
	v7 =	vmax.f32 v9, v12;
	v9 =	vperm.xlane v8, v0;
	v8 =	vperm.xlane v8, v1;
	v12 =	vld [tilespmem:s24+$0xC00];
	[tilespmem:s22+$0x460] =	vst v6  }
0x506: {  	s26 =	sand.u32 $0x300, s6;
	v2 =	vsel vm0, v2, v4;
	s5 =	sand.u32 $0x3FFFE000, s5;
	v6 =	vperm.xlane v7, v0;
	v7 =	vperm.xlane v7, v1;
	v15 =	vld [tilespmem:s24+$0xC10]  }
0x507: {  	s28 =	sor.u32 $0x80, s26;
	v3 =	vsel vm0, v3, v5;
	s10 =	sadd.s32 $0x8000, s5;
	v4 =	vld [tilespmem:s24+$0x1C00]  }
0x508: {  	v2 =	vmax.f32 v2, v3;
	s5 =	sor.u32 s26, s10;
	s10 =	sor.u32 s28, s10;
	v5 =	vsel vm0, v9, v6;
	v6 =	vsel vm0, v8, v7;
	v7 =	vld [tilespmem:s24+$0x1C10]  }
0x509: {  	v3 =	vld [tilespmem:s10+$0x0];
	v5 =	vmax.f32 v5, v6;
	v6 =	vmax.f32 v10, v14;
	v8 =	vmax.f32 v13, v11;
	[tilespmem:s21+$0x470] =	vst v2;
	s21 =	smov.u32 s22;
	s22 =	smov.u32 s25;
	s25 =	smov.u32 s0  }
0x50a: {  	v2 =	vld [tilespmem:s10+$0x10];
	[tilespmem:s25+$0x70] =	vst v5;
	v5 =	vperm.xlane v6, v0;
	v9 =	vperm.xlane v8, v0  }
0x50b: {  	v6 =	vperm.xlane v6, v1;
	v8 =	vperm.xlane v8, v1;
	v10 =	vld [tilespmem:s10+$0x1000]  }
0x50c: {  	v11 =	vld [tilespmem:s10+$0x1010];
	v4 =	vmax.f32 v12, v4  }
0x50d: {  	v5 =	vsel vm0, v5, v9;
	v6 =	vsel vm0, v6, v8;
	v12 =	vld [tilespmem:s5+$0x0];
	v7 =	vmax.f32 v15, v7  }
0x50e: {  	v5 =	vmax.f32 v5, v6;
	v6 =	vperm.xlane v4, v0;
	v8 =	vld [tilespmem:s5+$0x10];
	v9 =	vperm.xlane v7, v0  }
0x50f: {  	v4 =	vperm.xlane v4, v1;
	v13 =	vld [tilespmem:s5+$0x1000];
	[tilespmem:s30+$0x400] =	vst v5;
	v5 =	vperm.xlane v7, v1  }
0x510: {  	v7 =	vld [tilespmem:s31+$0x820];
	v6 =	vsel vm0, v6, v9  }
0x511: {  	v3 =	vmax.f32 v3, v10;
	v2 =	vmax.f32 v2, v11;
	v9 =	vld [tilespmem:s31+$0x830];
	v4 =	vsel vm0, v4, v5  }
0x512: {  	v5 =	vperm.xlane v3, v0;
	v10 =	vperm.xlane v2, v0;
	v11 =	vld [tilespmem:s31+$0x1820];
	v4 =	vmax.f32 v6, v4  }
0x513: {  	s0 =	sshll.u32 s1, $0x8;
	v3 =	vperm.xlane v3, v1;
	v2 =	vperm.xlane v2, v1;
	v6 =	vld [tilespmem:s31+$0x1830];
	[tilespmem:s22+$0x440] =	vst v4  }
0x514: {  	s0 =	sand.u32 $0x3FFFF800, s0;
	v4 =	vld [tilespmem:s5+$0x1010];
	v12 =	vmax.f32 v12, v13  }
0x515: {  	s16 =	sadd.s32 $0x12000, s0;
	v5 =	vsel vm0, v5, v10;
	v2 =	vsel vm0, v3, v2;
	v13 =	vperm.xlane v12, v0;
	v3 =	vld [tilespmem:s29+$0x800]  }
0x516: {  	s0 =	sor.u32 s26, s16;
	s26 =	sor.u32 s28, s16;
	v10 =	vperm.xlane v12, v1;
	v2 =	vmax.f32 v5, v2;
	v5 =	vld [tilespmem:s29+$0x810]  }
0x517: {  	[tilespmem:s26+$0x0] =	vst v2;
	v2 =	vld [tilespmem:s29+$0x1800]  }
0x518: {  	v7 =	vmax.f32 v7, v11;
	v12 =	vld [tilespmem:s10+$0x20];
	v6 =	vmax.f32 v9, v6  }
0x519: {  	v9 =	vperm.xlane v7, v0;
	v4 =	vmax.f32 v8, v4;
	v8 =	vld [tilespmem:s10+$0x30];
	v11 =	vperm.xlane v6, v0  }
0x51a: {  	v7 =	vperm.xlane v7, v1;
	v6 =	vperm.xlane v6, v1;
	v14 =	vld [tilespmem:s10+$0x1020]  }
0x51b: {  	v15 =	vperm.xlane v4, v0;
	v4 =	vperm.xlane v4, v1;
	v16 =	vld [tilespmem:s10+$0x1030]  }
0x51c: {  	v6 =	vsel vm0, v7, v6;
	v17 =	vld [tilespmem:s29+$0x1810];
	v3 =	vmax.f32 v3, v2;
	v2 =	vsel vm0, v9, v11  }
0x51d: {  	v7 =	vsel vm0, v13, v15;
	v4 =	vsel vm0, v10, v4;
	v6 =	vmax.f32 v2, v6;
	v2 =	vld [tilespmem:s24+$0xC20]  }
0x51e: {  	v4 =	vmax.f32 v7, v4;
	v7 =	vperm.xlane v3, v0;
	v9 =	vperm.xlane v3, v1;
	[tilespmem:s30+$0x410] =	vst v6;
	v3 =	vld [tilespmem:s24+$0xC30]  }
0x51f: {  	[tilespmem:s0+$0x0] =	vst v4;
	v4 =	vld [tilespmem:s31+$0x840]  }
0x520: {  	v6 =	vmax.f32 v12, v14;
	v8 =	vmax.f32 v8, v16;
	v10 =	vld [tilespmem:s31+$0x850]  }
0x521: {  	v11 =	vperm.xlane v6, v0;
	v12 =	vperm.xlane v8, v0;
	v5 =	vmax.f32 v5, v17;
	v13 =	vld [tilespmem:s31+$0x1840]  }
0x522: {  	v6 =	vperm.xlane v6, v1;
	v8 =	vperm.xlane v8, v1;
	v14 =	vld [tilespmem:s31+$0x1850]  }
0x523: {  	v16 =	vperm.xlane v5, v0;
	v5 =	vperm.xlane v5, v1;
	v15 =	vld [tilespmem:s5+$0x20]  }
0x524: {  	v11 =	vsel vm0, v11, v12;
	v6 =	vsel vm0, v6, v8;
	v17 =	vld [tilespmem:s5+$0x30]  }
0x525: {  	v6 =	vmax.f32 v11, v6;
	v7 =	vsel vm0, v7, v16;
	v5 =	vsel vm0, v9, v5;
	v8 =	vld [tilespmem:s5+$0x1020]  }
0x526: {  	v5 =	vmax.f32 v7, v5;
	v9 =	vld [tilespmem:s5+$0x1030];
	[tilespmem:s26+$0x10] =	vst v6  }
0x527: {  	v4 =	vmax.f32 v4, v13;
	v6 =	vld [tilespmem:s10+$0x40];
	[tilespmem:s25+$0x400] =	vst v5;
	v5 =	vmax.f32 v10, v14  }
0x528: {  	v10 =	vperm.xlane v4, v0;
	v7 =	vld [tilespmem:s10+$0x50];
	v11 =	vperm.xlane v5, v0  }
0x529: {  	v4 =	vperm.xlane v4, v1;
	v5 =	vperm.xlane v5, v1;
	v12 =	vld [tilespmem:s10+$0x1040]  }
0x52a: {  	v8 =	vmax.f32 v15, v8;
	v13 =	vld [tilespmem:s10+$0x1050]  }
0x52b: {  	v10 =	vsel vm0, v10, v11;
	v4 =	vsel vm0, v4, v5;
	v9 =	vmax.f32 v17, v9;
	v14 =	vld [tilespmem:s29+$0x820]  }
0x52c: {  	v5 =	vperm.xlane v8, v0;
	v4 =	vmax.f32 v10, v4;
	v11 =	vperm.xlane v9, v0;
	v15 =	vld [tilespmem:s29+$0x830]  }
0x52d: {  	v8 =	vperm.xlane v8, v1;
	v9 =	vperm.xlane v9, v1;
	v10 =	vld [tilespmem:s29+$0x1820];
	[tilespmem:s30+$0x420] =	vst v4  }
0x52e: {  	v4 =	vsel vm0, v5, v11;
	v5 =	vld [tilespmem:s31+$0x860]  }
0x52f: {  	v8 =	vsel vm0, v8, v9;
	v6 =	vmax.f32 v6, v12;
	v7 =	vmax.f32 v7, v13;
	v9 =	vld [tilespmem:s31+$0x870]  }
0x530: {  	v4 =	vmax.f32 v4, v8;
	v8 =	vperm.xlane v6, v0;
	v11 =	vperm.xlane v7, v0;
	v12 =	vld [tilespmem:s31+$0x1860]  }
0x531: {  	[tilespmem:s0+$0x10] =	vst v4;
	v4 =	vperm.xlane v6, v1;
	v6 =	vperm.xlane v7, v1;
	v7 =	vld [tilespmem:s31+$0x1870]  }
0x532: {  	v13 =	vld [tilespmem:s5+$0x40];
	v10 =	vmax.f32 v14, v10  }
0x533: {  	v8 =	vsel vm0, v8, v11;
	v14 =	vld [tilespmem:s5+$0x50];
	v4 =	vsel vm0, v4, v6;
	v6 =	vperm.xlane v10, v0  }
0x534: {  	v11 =	vld [tilespmem:s5+$0x1040];
	v4 =	vmax.f32 v8, v4;
	v8 =	vperm.xlane v10, v1  }
0x535: {  	v10 =	vld [tilespmem:s5+$0x1050];
	[tilespmem:s26+$0x20] =	vst v4  }
0x536: {  	v5 =	vmax.f32 v5, v12;
	v4 =	vld [tilespmem:s10+$0x60];
	v7 =	vmax.f32 v9, v7  }
0x537: {  	v12 =	vperm.xlane v5, v0;
	v9 =	vld [tilespmem:s10+$0x70];
	v16 =	vperm.xlane v7, v0  }
0x538: {  	v5 =	vperm.xlane v5, v1;
	v7 =	vperm.xlane v7, v1;
	v17 =	vld [tilespmem:s10+$0x1060]  }
0x539: {  	v11 =	vmax.f32 v13, v11;
	v13 =	vld [tilespmem:s10+$0x1070]  }
0x53a: {  	v12 =	vsel vm0, v12, v16;
	v5 =	vsel vm0, v5, v7;
	v10 =	vmax.f32 v14, v10;
	v14 =	vld [tilespmem:s29+$0x1830]  }
0x53b: {  	v7 =	vperm.xlane v11, v0;
	v5 =	vmax.f32 v12, v5;
	v16 =	vperm.xlane v10, v0;
	v12 =	vld [tilespmem:s24+$0x1C20]  }
0x53c: {  	v11 =	vperm.xlane v11, v1;
	v10 =	vperm.xlane v10, v1;
	[tilespmem:s30+$0x430] =	vst v5;
	v5 =	vld [tilespmem:s24+$0x1C30]  }
0x53d: {  	v7 =	vsel vm0, v7, v16;
	v16 =	vld [tilespmem:s31+$0xC00]  }
0x53e: {  	v10 =	vsel vm0, v11, v10;
	v4 =	vmax.f32 v4, v17;
	v9 =	vmax.f32 v9, v13;
	v11 =	vld [tilespmem:s31+$0xC10]  }
0x53f: {  	v7 =	vmax.f32 v7, v10;
	v10 =	vperm.xlane v4, v0;
	v13 =	vperm.xlane v9, v0;
	v17 =	vld [tilespmem:s31+$0x1C00]  }
0x540: {  	v4 =	vperm.xlane v4, v1;
	[tilespmem:s0+$0x20] =	vst v7;
	v7 =	vperm.xlane v9, v1;
	v9 =	vmax.f32 v15, v14;
	v14 =	vld [tilespmem:s31+$0x1C10]  }
0x541: {  	v2 =	vmax.f32 v2, v12;
	v15 =	vld [tilespmem:s5+$0x60];
	v18 =	vperm.xlane v9, v0;
	v9 =	vperm.xlane v9, v1  }
0x542: {  	v10 =	vsel vm0, v10, v13;
	v3 =	vmax.f32 v3, v5;
	v12 =	vld [tilespmem:s5+$0x70];
	v4 =	vsel vm0, v4, v7  }
0x543: {  	v5 =	vld [tilespmem:s5+$0x1060];
	v4 =	vmax.f32 v10, v4;
	v6 =	vsel vm0, v6, v18;
	v7 =	vsel vm0, v8, v9  }
0x544: {  	v8 =	vld [tilespmem:s5+$0x1070];
	[tilespmem:s26+$0x30] =	vst v4;
	v4 =	vmax.f32 v6, v7;
	v6 =	vperm.xlane v2, v0;
	v7 =	vperm.xlane v3, v0  }
0x545: {  	v2 =	vperm.xlane v2, v1;
	v9 =	vld [tilespmem:s10+$0x400];
	[tilespmem:s25+$0x410] =	vst v4;
	v4 =	vmax.f32 v16, v17;
	v10 =	vmax.f32 v11, v14  }
0x546: {  	v11 =	vld [tilespmem:s10+$0x410];
	v13 =	vperm.xlane v4, v0;
	v14 =	vperm.xlane v10, v0;
	v6 =	vsel vm0, v6, v7  }
0x547: {  	v4 =	vperm.xlane v4, v1;
	v10 =	vperm.xlane v10, v1;
	v7 =	vld [tilespmem:s10+$0x1400]  }
0x548: {  	v3 =	vperm.xlane v3, v1;
	v5 =	vmax.f32 v15, v5;
	v15 =	vld [tilespmem:s10+$0x1410]  }
0x549: {  	v13 =	vsel vm0, v13, v14;
	v4 =	vsel vm0, v4, v10;
	v8 =	vmax.f32 v12, v8;
	v12 =	vld [tilespmem:s29+$0x840]  }
0x54a: {  	v10 =	vperm.xlane v5, v0;
	v4 =	vmax.f32 v13, v4;
	v14 =	vperm.xlane v8, v0;
	v16 =	vld [tilespmem:s29+$0x850]  }
0x54b: {  	v2 =	vsel vm0, v2, v3;
	v5 =	vperm.xlane v5, v1;
	v8 =	vperm.xlane v8, v1;
	v13 =	vld [tilespmem:s29+$0x1840];
	[tilespmem:s30+$0x440] =	vst v4  }
0x54c: {  	v2 =	vmax.f32 v6, v2;
	v3 =	vsel vm0, v10, v14;
	v4 =	vld [tilespmem:s31+$0xC20]  }
0x54d: {  	v5 =	vsel vm0, v5, v8;
	v6 =	vmax.f32 v9, v7;
	v7 =	vmax.f32 v11, v15;
	v8 =	vld [tilespmem:s31+$0xC30];
	[tilespmem:s22+$0x450] =	vst v2  }
0x54e: {  	v2 =	vmax.f32 v3, v5;
	v3 =	vperm.xlane v6, v0;
	v5 =	vperm.xlane v7, v0;
	v9 =	vld [tilespmem:s31+$0x1C20]  }
0x54f: {  	[tilespmem:s0+$0x30] =	vst v2;
	v2 =	vperm.xlane v6, v1;
	v6 =	vperm.xlane v7, v1;
	v7 =	vld [tilespmem:s31+$0x1C30]  }
0x550: {  	v10 =	vld [tilespmem:s5+$0x400];
	v11 =	vmax.f32 v12, v13  }
0x551: {  	v3 =	vsel vm0, v3, v5;
	v12 =	vld [tilespmem:s5+$0x410];
	v2 =	vsel vm0, v2, v6;
	v5 =	vperm.xlane v11, v0  }
0x552: {  	v11 =	vperm.xlane v11, v1;
	v6 =	vld [tilespmem:s5+$0x1400];
	v2 =	vmax.f32 v3, v2  }
0x553: {  	v3 =	vld [tilespmem:s5+$0x1410];
	[tilespmem:s26+$0x40] =	vst v2  }
0x554: {  	v2 =	vmax.f32 v4, v9;
	v13 =	vld [tilespmem:s10+$0x420];
	v4 =	vmax.f32 v8, v7  }
0x555: {  	v8 =	vperm.xlane v2, v0;
	v7 =	vld [tilespmem:s10+$0x430];
	v9 =	vperm.xlane v4, v0  }
0x556: {  	v2 =	vperm.xlane v2, v1;
	v4 =	vperm.xlane v4, v1;
	v14 =	vld [tilespmem:s10+$0x1420]  }
0x557: {  	v6 =	vmax.f32 v10, v6;
	v10 =	vld [tilespmem:s10+$0x1430]  }
0x558: {  	v8 =	vsel vm0, v8, v9;
	v2 =	vsel vm0, v2, v4;
	v3 =	vmax.f32 v12, v3;
	v12 =	vld [tilespmem:s29+$0x1850]  }
0x559: {  	v4 =	vperm.xlane v6, v0;
	v8 =	vmax.f32 v8, v2;
	v9 =	vperm.xlane v3, v0;
	v2 =	vld [tilespmem:s24+$0xC40]  }
0x55a: {  	v6 =	vperm.xlane v6, v1;
	v15 =	vperm.xlane v3, v1;
	[tilespmem:s30+$0x450] =	vst v8;
	v3 =	vld [tilespmem:s24+$0xC50]  }
0x55b: {  	v4 =	vsel vm0, v4, v9;
	v8 =	vld [tilespmem:s31+$0xC40]  }
0x55c: {  	v6 =	vsel vm0, v6, v15;
	v9 =	vmax.f32 v13, v14;
	v7 =	vmax.f32 v7, v10;
	v10 =	vld [tilespmem:s31+$0xC50]  }
0x55d: {  	v4 =	vmax.f32 v4, v6;
	v6 =	vperm.xlane v9, v0;
	v13 =	vperm.xlane v7, v0;
	v14 =	vld [tilespmem:s31+$0x1C40]  }
0x55e: {  	v7 =	vperm.xlane v7, v1;
	[tilespmem:s0+$0x40] =	vst v4;
	v4 =	vperm.xlane v9, v1;
	v9 =	vmax.f32 v16, v12;
	v12 =	vld [tilespmem:s31+$0x1C50]  }
0x55f: {  	v15 =	vld [tilespmem:s5+$0x420];
	v16 =	vperm.xlane v9, v0;
	v9 =	vperm.xlane v9, v1  }
0x560: {  	v6 =	vsel vm0, v6, v13;
	v17 =	vld [tilespmem:s5+$0x430];
	v4 =	vsel vm0, v4, v7  }
0x561: {  	v7 =	vld [tilespmem:s5+$0x1420];
	v4 =	vmax.f32 v6, v4;
	v5 =	vsel vm0, v5, v16;
	v6 =	vsel vm0, v11, v9  }
0x562: {  	v9 =	vld [tilespmem:s5+$0x1430];
	[tilespmem:s26+$0x50] =	vst v4;
	v4 =	vmax.f32 v5, v6  }
0x563: {  	v5 =	vld [tilespmem:s10+$0x440];
	[tilespmem:s25+$0x420] =	vst v4;
	v4 =	vmax.f32 v8, v14;
	v6 =	vmax.f32 v10, v12  }
0x564: {  	v8 =	vld [tilespmem:s10+$0x450];
	v10 =	vperm.xlane v4, v0;
	v11 =	vperm.xlane v6, v0  }
0x565: {  	v4 =	vperm.xlane v4, v1;
	v6 =	vperm.xlane v6, v1;
	v12 =	vld [tilespmem:s10+$0x1440]  }
0x566: {  	v7 =	vmax.f32 v15, v7;
	v13 =	vld [tilespmem:s10+$0x1450]  }
0x567: {  	v10 =	vsel vm0, v10, v11;
	v4 =	vsel vm0, v4, v6;
	v9 =	vmax.f32 v17, v9;
	v14 =	vld [tilespmem:s29+$0x860]  }
0x568: {  	v6 =	vperm.xlane v7, v0;
	v4 =	vmax.f32 v10, v4;
	v11 =	vperm.xlane v9, v0;
	v15 =	vld [tilespmem:s29+$0x870]  }
0x569: {  	v7 =	vperm.xlane v7, v1;
	v9 =	vperm.xlane v9, v1;
	v10 =	vld [tilespmem:s29+$0x1860];
	[tilespmem:s30+$0x460] =	vst v4  }
0x56a: {  	v4 =	vsel vm0, v6, v11;
	v6 =	vld [tilespmem:s31+$0xC60]  }
0x56b: {  	v7 =	vsel vm0, v7, v9;
	v5 =	vmax.f32 v5, v12;
	v8 =	vmax.f32 v8, v13;
	v9 =	vld [tilespmem:s31+$0xC70]  }
0x56c: {  	v4 =	vmax.f32 v4, v7;
	v7 =	vperm.xlane v5, v0;
	v11 =	vperm.xlane v8, v0;
	v12 =	vld [tilespmem:s31+$0x1C60]  }
0x56d: {  	[tilespmem:s0+$0x50] =	vst v4;
	v4 =	vperm.xlane v5, v1;
	v5 =	vperm.xlane v8, v1;
	v8 =	vld [tilespmem:s31+$0x1C70];
	s31 =	smov.u32 s10  }
0x56e: {  	v13 =	vld [tilespmem:s5+$0x440];
	v10 =	vmax.f32 v14, v10  }
0x56f: {  	v7 =	vsel vm0, v7, v11;
	v14 =	vld [tilespmem:s5+$0x450];
	v4 =	vsel vm0, v4, v5;
	v5 =	vperm.xlane v10, v0  }
0x570: {  	v11 =	vld [tilespmem:s5+$0x1440];
	v4 =	vmax.f32 v7, v4;
	v7 =	vperm.xlane v10, v1  }
0x571: {  	v10 =	vld [tilespmem:s5+$0x1450];
	[tilespmem:s26+$0x60] =	vst v4  }
0x572: {  	v6 =	vmax.f32 v6, v12;
	v4 =	vld [tilespmem:s31+$0x460];
	v8 =	vmax.f32 v9, v8  }
0x573: {  	v12 =	vperm.xlane v6, v0;
	v9 =	vld [tilespmem:s31+$0x470];
	v16 =	vperm.xlane v8, v0  }
0x574: {  	v6 =	vperm.xlane v6, v1;
	v8 =	vperm.xlane v8, v1;
	v17 =	vld [tilespmem:s31+$0x1460]  }
0x575: {  	v11 =	vmax.f32 v13, v11;
	v13 =	vld [tilespmem:s31+$0x1470]  }
0x576: {  	v12 =	vsel vm0, v12, v16;
	v6 =	vsel vm0, v6, v8;
	v10 =	vmax.f32 v14, v10;
	v14 =	vld [tilespmem:s29+$0x1870]  }
0x577: {  	v8 =	vperm.xlane v11, v0;
	v6 =	vmax.f32 v12, v6;
	v16 =	vperm.xlane v10, v0;
	v12 =	vld [tilespmem:s24+$0x1C40]  }
0x578: {  	v11 =	vperm.xlane v11, v1;
	v10 =	vperm.xlane v10, v1;
	[tilespmem:s30+$0x470] =	vst v6;
	v6 =	vld [tilespmem:s24+$0x1C50];
	s30 =	smov.u32 s26  }
0x579: {  	v8 =	vsel vm0, v8, v16;
	v16 =	vld [tilespmem:s23+$0xC60]  }
0x57a: {  	v10 =	vsel vm0, v11, v10;
	v4 =	vmax.f32 v4, v17;
	v9 =	vmax.f32 v9, v13;
	v17 =	vld [tilespmem:s23+$0xC70]  }
0x57b: {  	v8 =	vmax.f32 v8, v10;
	v10 =	vperm.xlane v4, v0;
	v11 =	vperm.xlane v9, v0;
	v13 =	vld [tilespmem:s23+$0x1C60]  }
0x57c: {  	v4 =	vperm.xlane v4, v1;
	v18 =	vperm.xlane v9, v1;
	v9 =	vmax.f32 v15, v14;
	[tilespmem:s0+$0x60] =	vst v8;
	v14 =	vld [tilespmem:s23+$0x1C70];
	s23 =	smov.u32 s24;
	s24 =	smov.u32 s29;
	s29 =	smov.u32 s5  }
0x57d: {  	v15 =	vperm.xlane v9, v0;
	v19 =	vperm.xlane v9, v1;
	v2 =	vmax.f32 v2, v12;
	v8 =	vld [tilespmem:s29+$0x460]  }
0x57e: {  	v10 =	vsel vm0, v10, v11;
	v4 =	vsel vm0, v4, v18;
	v3 =	vmax.f32 v3, v6;
	v9 =	vld [tilespmem:s29+$0x470]  }
.Ltmp6:
0x57f: {  	v4 =	vmax.f32 v10, v4;
	v5 =	vsel vm0, v5, v15;
	v6 =	vsel vm0, v7, v19;
	v11 =	vld [tilespmem:s29+$0x1460];
	(pc) =	sbr.rel @p0 .LBB2_9-.Ltmp6, $4  }
0x580: {  	v12 =	vld [tilespmem:s29+$0x1470];
	[tilespmem:s30+$0x70] =	vst v4;
	v4 =	vmax.f32 v5, v6;
	v5 =	vperm.xlane v2, v0;
	v6 =	vperm.xlane v3, v0  }
0x581: {  	v3 =	vperm.xlane v3, v1;
	v15 =	vmax.f32 v16, v13;
	v10 =	vld [tilespmem:s31+$0x800];
	[tilespmem:s25+$0x430] =	vst v4;
	v4 =	vperm.xlane v2, v1  }
0x582: {  	v2 =	vperm.xlane v15, v0;
	v13 =	vld [tilespmem:s31+$0x810];
	v6 =	vsel vm0, v5, v6;
	v5 =	vmax.f32 v17, v14  }
0x583: {  	v14 =	vld [tilespmem:s31+$0x1800];
	v7 =	vsel vm0, v4, v3;
	v4 =	vperm.xlane v5, v0;
	v3 =	vperm.xlane v15, v1  }
0x584: {  	v15 =	vld [tilespmem:s31+$0x1810];
	_ =	sdelay $0x3  }
0x585: {  	v10 =	vmax.f32 v10, v14  }
0x586: {  	v13 =	vmax.f32 v13, v15;
	v14 =	vperm.xlane v10, v0;
	v10 =	vperm.xlane v10, v1  }
0x587: {  	v15 =	vperm.xlane v13, v0;
	v13 =	vperm.xlane v13, v1;
	_ =	sdelay $0x1  }
0x588: {  	v14 =	vsel vm0, v14, v15;
	v10 =	vsel vm0, v10, v13  }
0x589: {  	v10 =	vmax.f32 v14, v10  }
0x58a: {  	[tilespmem:s30+$0x400] =	vst v10  }
0x58b: {  	v8 =	vmax.f32 v8, v11;
	v10 =	vld [tilespmem:s31+$0x820]  }
0x58c: {  	v9 =	vmax.f32 v9, v12;
	v29 =	vperm.xlane v8, v0;
	v8 =	vperm.xlane v8, v1;
	v27 =	vld [tilespmem:s31+$0x830]  }
0x58d: {  	v31 =	vperm.xlane v9, v0;
	v9 =	vperm.xlane v9, v1;
	v28 =	vld [tilespmem:s31+$0x1820]  }
0x58e: {  	v30 =	vld [tilespmem:s31+$0x1830]  }
0x58f: {  	v12 =	vsel vm0, v29, v31;
	v8 =	vsel vm0, v8, v9  }
0x590: {  	v8 =	vmax.f32 v12, v8  }
0x591: {  	[tilespmem:s0+$0x70] =	vst v8  }
0x592: {  	v34 =	vld [tilespmem:s29+$0x800]  }
0x593: {  	v36 =	vld [tilespmem:s29+$0x810];
	v32 =	vmax.f32 v10, v28;
	v33 =	vmax.f32 v27, v30  }
0x594: {  	v37 =	vld [tilespmem:s29+$0x1800];
	v11 =	vperm.xlane v32, v0;
	v35 =	vperm.xlane v33, v0  }
0x595: {  	v38 =	vld [tilespmem:s29+$0x1810];
	v8 =	vperm.xlane v32, v1;
	v9 =	vperm.xlane v33, v1;
	_ =	sdelay $0x1  }
0x596: {  	v11 =	vsel vm0, v11, v35;
	v8 =	vsel vm0, v8, v9  }
0x597: {  	v8 =	vmax.f32 v11, v8  }
0x598: {  	[tilespmem:s30+$0x410] =	vst v8  }
0x599: {  	v39 =	vmax.f32 v34, v37;
	v42 =	vmax.f32 v36, v38;
	v8 =	vld [tilespmem:s31+$0x840]  }
0x59a: {  	v41 =	vperm.xlane v39, v0;
	v15 =	vperm.xlane v42, v0;
	v40 =	vld [tilespmem:s31+$0x850]  }
0x59b: {  	v12 =	vperm.xlane v42, v1;
	v9 =	vperm.xlane v39, v1;
	v43 =	vld [tilespmem:s31+$0x1840]  }
0x59c: {  	v44 =	vld [tilespmem:s31+$0x1850]  }
0x59d: {  	v11 =	vsel vm0, v41, v15;
	v9 =	vsel vm0, v9, v12  }
0x59e: {  	v9 =	vmax.f32 v11, v9  }
0x59f: {  	[tilespmem:s0+$0x400] =	vst v9  }
0x5a0: {  	v46 =	vld [tilespmem:s29+$0x820]  }
0x5a1: {  	v49 =	vld [tilespmem:s29+$0x830];
	v8 =	vmax.f32 v8, v43;
	v45 =	vmax.f32 v40, v44  }
0x5a2: {  	v50 =	vld [tilespmem:s29+$0x1820];
	v47 =	vperm.xlane v8, v0;
	v48 =	vperm.xlane v45, v0  }
0x5a3: {  	v51 =	vld [tilespmem:s29+$0x1830];
	v8 =	vperm.xlane v8, v1;
	v9 =	vperm.xlane v45, v1;
	_ =	sdelay $0x1  }
0x5a4: {  	v11 =	vsel vm0, v47, v48;
	v8 =	vsel vm0, v8, v9  }
0x5a5: {  	v8 =	vmax.f32 v11, v8  }
0x5a6: {  	v52 =	vmax.f32 v46, v50;
	[tilespmem:s30+$0x420] =	vst v8  }
0x5a7: {  	v55 =	vmax.f32 v49, v51;
	v54 =	vperm.xlane v52, v0;
	v9 =	vperm.xlane v52, v1;
	v8 =	vld [tilespmem:s31+$0x860]  }
0x5a8: {  	v57 =	vperm.xlane v55, v0;
	v12 =	vperm.xlane v55, v1;
	v53 =	vld [tilespmem:s31+$0x870]  }
0x5a9: {  	v56 =	vld [tilespmem:s31+$0x1860]  }
0x5aa: {  	v11 =	vsel vm0, v54, v57;
	v9 =	vsel vm0, v9, v12;
	v58 =	vld [tilespmem:s31+$0x1870]  }
0x5ab: {  	v9 =	vmax.f32 v11, v9  }
0x5ac: {  	[tilespmem:s0+$0x410] =	vst v9  }
0x5ad: {  	v9 =	vld [tilespmem:s29+$0x840]  }
0x5ae: {  	v59 =	vld [tilespmem:s29+$0x850]  }
0x5af: {  	v62 =	vld [tilespmem:s29+$0x1840];
	v8 =	vmax.f32 v8, v56;
	v10 =	vmax.f32 v53, v58  }
0x5b0: {  	v63 =	vld [tilespmem:s29+$0x1850];
	v60 =	vperm.xlane v8, v0;
	v61 =	vperm.xlane v10, v0  }
0x5b1: {  	v8 =	vperm.xlane v8, v1;
	v10 =	vperm.xlane v10, v1;
	_ =	sdelay $0x1  }
0x5b2: {  	v12 =	vsel vm0, v60, v61;
	v8 =	vsel vm0, v8, v10  }
0x5b3: {  	v8 =	vmax.f32 v12, v8  }
0x5b4: {  	v17 =	vmax.f32 v9, v62;
	v11 =	vmax.f32 v59, v63;
	[tilespmem:s30+$0x430] =	vst v8  }
0x5b5: {  	v19 =	vperm.xlane v17, v0;
	v21 =	vperm.xlane v11, v0;
	v18 =	vld [tilespmem:s31+$0xC00]  }
0x5b6: {  	v11 =	vperm.xlane v11, v1;
	v8 =	vperm.xlane v17, v1;
	v20 =	vld [tilespmem:s31+$0xC10]  }
0x5b7: {  	v22 =	vld [tilespmem:s31+$0x1C00]  }
0x5b8: {  	v10 =	vsel vm0, v19, v21;
	v23 =	vld [tilespmem:s31+$0x1C10];
	v8 =	vsel vm0, v8, v11  }
0x5b9: {  	v8 =	vmax.f32 v10, v8  }
0x5ba: {  	[tilespmem:s0+$0x420] =	vst v8  }
0x5bb: {  	v8 =	vld [tilespmem:s29+$0x860]  }
0x5bc: {  	v24 =	vld [tilespmem:s29+$0x870]  }
0x5bd: {  	v26 =	vld [tilespmem:s29+$0x1860];
	v9 =	vmax.f32 v18, v22;
	v25 =	vmax.f32 v20, v23  }
0x5be: {  	v29 =	vld [tilespmem:s29+$0x1870];
	v27 =	vperm.xlane v9, v0;
	v28 =	vperm.xlane v25, v0  }
0x5bf: {  	v9 =	vperm.xlane v9, v1;
	v11 =	vperm.xlane v25, v1;
	_ =	sdelay $0x1  }
0x5c0: {  	v16 =	vld [tilespmem:s24+$0xC00];
	v13 =	vsel vm0, v27, v28;
	v9 =	vsel vm0, v9, v11  }
0x5c1: {  	v31 =	vld [tilespmem:s24+$0x1C00];
	v9 =	vmax.f32 v13, v9;
	v8 =	vmax.f32 v8, v26  }
0x5c2: {  	v30 =	vld [tilespmem:s24+$0xC10];
	v10 =	vmax.f32 v24, v29;
	v32 =	vperm.xlane v8, v0;
	v8 =	vperm.xlane v8, v1  }
0x5c3: {  	v33 =	vld [tilespmem:s24+$0x1C10];
	[tilespmem:s30+$0x440] =	vst v9;
	v34 =	vperm.xlane v10, v0;
	v10 =	vperm.xlane v10, v1  }
0x5c4: {  	v35 =	vld [tilespmem:s31+$0xC20]  }
0x5c5: {  	v17 =	vld [tilespmem:s31+$0xC30];
	v9 =	vsel vm0, v32, v34;
	v8 =	vsel vm0, v8, v10  }
0x5c6: {  	v36 =	vld [tilespmem:s31+$0x1C20];
	v8 =	vmax.f32 v9, v8  }
0x5c7: {  	v37 =	vld [tilespmem:s31+$0x1C30];
	[tilespmem:s0+$0x430] =	vst v8  }
0x5c8: {  	v39 =	vld [tilespmem:s29+$0xC00]  }
0x5c9: {  	v41 =	vld [tilespmem:s29+$0xC10]  }
0x5ca: {  	v38 =	vmax.f32 v16, v31;
	v11 =	vmax.f32 v30, v33;
	v18 =	vld [tilespmem:s29+$0x1C00]  }
0x5cb: {  	v40 =	vperm.xlane v38, v0;
	v14 =	vperm.xlane v11, v0;
	v42 =	vld [tilespmem:s29+$0x1C10]  }
0x5cc: {  	v11 =	vperm.xlane v11, v1;
	v8 =	vperm.xlane v38, v1  }
0x5cd: {  	v13 =	vsel vm0, v40, v14;
	v10 =	vmax.f32 v35, v36  }
0x5ce: {  	v8 =	vsel vm0, v8, v11;
	v9 =	vmax.f32 v17, v37;
	v43 =	vperm.xlane v10, v0  }
0x5cf: {  	v8 =	vmax.f32 v13, v8;
	v44 =	vperm.xlane v9, v0;
	v45 =	vperm.xlane v10, v1  }
0x5d0: {  	v9 =	vperm.xlane v9, v1;
	v48 =	vmax.f32 v39, v18;
	v49 =	vmax.f32 v41, v42  }
0x5d1: {  	v11 =	vsel vm0, v43, v44;
	v51 =	vperm.xlane v48, v0;
	v52 =	vperm.xlane v49, v0  }
0x5d2: {  	[tilespmem:s25+$0x440] =	vst v8;
	v8 =	vsel vm0, v45, v9;
	v54 =	vperm.xlane v48, v1;
	v55 =	vperm.xlane v49, v1  }
0x5d3: {  	v46 =	vld [tilespmem:s24+$0xC20];
	v8 =	vmax.f32 v11, v8  }
0x5d4: {  	v47 =	vld [tilespmem:s24+$0xC30];
	[tilespmem:s30+$0x450] =	vst v8;
	v11 =	vsel vm0, v51, v52;
	v8 =	vsel vm0, v54, v55  }
0x5d5: {  	v50 =	vld [tilespmem:s24+$0x1C20];
	v8 =	vmax.f32 v11, v8  }
0x5d6: {  	v53 =	vld [tilespmem:s24+$0x1C30];
	[tilespmem:s0+$0x440] =	vst v8  }
0x5d7: {  	v8 =	vld [tilespmem:s29+$0xC20]  }
0x5d8: {  	v60 =	vld [tilespmem:s29+$0xC30]  }
0x5d9: {  	v61 =	vld [tilespmem:s29+$0x1C20]  }
0x5da: {  	v19 =	vld [tilespmem:s29+$0x1C30]  }
0x5db: {  	v6 =	vmax.f32 v6, v7;
	v10 =	vmax.f32 v46, v50;
	v13 =	vmax.f32 v47, v53  }
0x5dc: {  	[tilespmem:s22+$0x460] =	vst v6;
	v62 =	vperm.xlane v10, v0;
	v63 =	vperm.xlane v13, v0  }
0x5dd: {  	v40 =	vld [tilespmem:s23+$0x1C70];
	v10 =	vperm.xlane v10, v1;
	v13 =	vperm.xlane v13, v1  }
0x5de: {  	v56 =	vld [tilespmem:s31+$0xC40];
	v16 =	vsel vm0, v62, v63  }
0x5df: {  	v57 =	vld [tilespmem:s31+$0xC50];
	v10 =	vsel vm0, v10, v13;
	v8 =	vmax.f32 v8, v61;
	v18 =	vmax.f32 v60, v19  }
0x5e0: {  	v58 =	vld [tilespmem:s31+$0x1C40];
	v10 =	vmax.f32 v16, v10;
	v19 =	vperm.xlane v8, v0;
	v20 =	vperm.xlane v18, v0  }
0x5e1: {  	v59 =	vld [tilespmem:s31+$0x1C50];
	[tilespmem:s25+$0x450] =	vst v10;
	v8 =	vperm.xlane v8, v1;
	v22 =	vperm.xlane v18, v1  }
0x5e2: {  	v21 =	vld [tilespmem:s24+$0xC40]  }
0x5e3: {  	v23 =	vld [tilespmem:s24+$0xC50];
	v10 =	vsel vm0, v19, v20;
	v8 =	vsel vm0, v8, v22  }
0x5e4: {  	v24 =	vld [tilespmem:s24+$0x1C40];
	v8 =	vmax.f32 v10, v8  }
0x5e5: {  	v25 =	vld [tilespmem:s24+$0x1C50];
	[tilespmem:s0+$0x450] =	vst v8  }
0x5e6: {  	v9 =	vmax.f32 v56, v58;
	v11 =	vmax.f32 v57, v59;
	v8 =	vld [tilespmem:s29+$0xC40]  }
0x5e7: {  	v12 =	vperm.xlane v9, v0;
	v17 =	vperm.xlane v11, v0;
	v26 =	vld [tilespmem:s29+$0xC50]  }
0x5e8: {  	v9 =	vperm.xlane v9, v1;
	v11 =	vperm.xlane v11, v1;
	v27 =	vld [tilespmem:s29+$0x1C40]  }
0x5e9: {  	v12 =	vsel vm0, v12, v17;
	v28 =	vld [tilespmem:s29+$0x1C50]  }
0x5ea: {  	v34 =	vld [tilespmem:s23+$0xC60];
	v9 =	vsel vm0, v9, v11;
	v11 =	vmax.f32 v21, v24;
	v10 =	vmax.f32 v23, v25  }
0x5eb: {  	v35 =	vld [tilespmem:s23+$0xC70];
	v9 =	vmax.f32 v12, v9;
	v31 =	vperm.xlane v11, v0;
	v32 =	vperm.xlane v10, v0  }
0x5ec: {  	v37 =	vld [tilespmem:s23+$0x1C60];
	[tilespmem:s30+$0x460] =	vst v9;
	v11 =	vperm.xlane v11, v1;
	v10 =	vperm.xlane v10, v1  }
0x5ed: {  	v9 =	vld [tilespmem:s31+$0xC60];
	v13 =	vsel vm0, v31, v32  }
0x5ee: {  	v29 =	vld [tilespmem:s31+$0xC70];
	v10 =	vsel vm0, v11, v10;
	v8 =	vmax.f32 v8, v27;
	v36 =	vmax.f32 v26, v28  }
0x5ef: {  	v30 =	vld [tilespmem:s31+$0x1C60];
	v10 =	vmax.f32 v13, v10;
	v38 =	vperm.xlane v8, v0;
	v39 =	vperm.xlane v36, v0  }
0x5f0: {  	v33 =	vld [tilespmem:s31+$0x1C70];
	[tilespmem:s25+$0x460] =	vst v10;
	v8 =	vperm.xlane v8, v1;
	v41 =	vperm.xlane v36, v1  }
0x5f1: {  	v42 =	vld [tilespmem:s24+$0xC60]  }
0x5f2: {  	v43 =	vld [tilespmem:s24+$0xC70];
	v13 =	vsel vm0, v38, v39;
	v8 =	vsel vm0, v8, v41  }
0x5f3: {  	v44 =	vld [tilespmem:s24+$0x1C60];
	v8 =	vmax.f32 v13, v8  }
0x5f4: {  	v45 =	vld [tilespmem:s24+$0x1C70];
	[tilespmem:s0+$0x460] =	vst v8  }
0x5f5: {  	v5 =	vperm.xlane v5, v1;
	v2 =	vsel vm0, v2, v4;
	v53 =	vmax.f32 v35, v40;
	v8 =	vld [tilespmem:s29+$0xC60]  }
0x5f6: {  	v51 =	vmax.f32 v34, v37;
	v54 =	vperm.xlane v53, v0;
	v6 =	vmax.f32 v29, v33;
	v48 =	vld [tilespmem:s29+$0xC70]  }
0x5f7: {  	v12 =	vperm.xlane v51, v0;
	v7 =	vmax.f32 v9, v30;
	v47 =	vperm.xlane v6, v0;
	v50 =	vld [tilespmem:s29+$0x1C60]  }
0x5f8: {  	v3 =	vsel vm0, v3, v5;
	v49 =	vperm.xlane v7, v1;
	v6 =	vperm.xlane v6, v1;
	v52 =	vld [tilespmem:s29+$0x1C70]  }
0x5f9: {  	v2 =	vmax.f32 v2, v3;
	v4 =	vperm.xlane v51, v1;
	v58 =	vsel vm0, v12, v54  }
0x5fa: {  	v46 =	vperm.xlane v7, v0;
	v5 =	vsel vm0, v49, v6;
	v10 =	vmax.f32 v42, v44  }
0x5fb: {  	v6 =	vperm.xlane v53, v1;
	v13 =	vmax.f32 v43, v45;
	v55 =	vperm.xlane v10, v0  }
0x5fc: {  	v3 =	vsel vm0, v46, v47;
	v56 =	vperm.xlane v13, v0;
	v10 =	vperm.xlane v10, v1  }
0x5fd: {  	v13 =	vperm.xlane v13, v1;
	v7 =	vmax.f32 v8, v50;
	v57 =	vmax.f32 v48, v52  }
0x5fe: {  	v3 =	vmax.f32 v3, v5;
	v59 =	vperm.xlane v7, v0;
	v60 =	vperm.xlane v57, v0  }
0x5ff: {  	p0 =	seq.s32 s18, $0xF;
	[tilespmem:s21+$0x470] =	vst v2;
	v2 =	vsel vm0, v4, v6;
	v61 =	vperm.xlane v7, v1;
	v62 =	vperm.xlane v57, v1  }
.Ltmp7:
0x600: {  	[tilespmem:s30+$0x470] =	vst v3;
	v2 =	vmax.f32 v58, v2;
	v3 =	vsel vm0, v55, v56;
	v63 =	vsel vm0, v10, v13;
	(pc) =	sbr.rel @p0 .LBB2_12-.Ltmp7, $4  }
0x601: {  	[tilespmem:s22+$0x470] =	vst v2;
	v2 =	vmax.f32 v3, v63;
	v3 =	vsel vm0, v59, v60;
	v4 =	vsel vm0, v61, v62  }
0x602: {  	s1 =	sadd.s32 s20, s2;
	[tilespmem:s25+$0x470] =	vst v2;
	v2 =	vmax.f32 v3, v4  }
0x603: {  	s31 =	sadd.s32 $0x400, s1;
	[tilespmem:s0+$0x470] =	vst v2  }
0x604: {  	[hbm4b:s31+s3] =	stream.linear.scatter [tilespmem:s15], [sflag:$0x4], $0x2000, $0x38;
	[tilespmem:$0x14000] =	vst v63  }
.Ltmp8:
0x605: {  	(pc) =	sbr.rel .LBB2_2-.Ltmp8, $3  }
0x606: {  	_ =	sdelay $0x1  }
0x607: {  	s0 =	sadd.s32 s19, s9;
	s18 =	sadd.s32 $0x1, s18  }
0x608: {  	[tilespmem:s11], [sflag:$0x2] =	stream.linear.gather [hbm4b:s0+s3], $0x8000, $0x38;
	[tilespmem:$0x14000] =	vst v63  }
.LBB2_13:
0x609: {  	_ =	sfence.sel $0x180000  }
0x60a: {  	[bflag:$0x0] =	sbarrier.arrive $0xFFFF  }
0x60b: {  	_ =	strace $0x90000047  }
0x60c: {  	s0 =	stileid.u32;
	[bflag:$0x2] =	sbarrier.arrive $0xFFFF  }
0x60d: {  	p0 =	sne.s32 s0, $0x0;
	s0 =	rddreg [dreg:$0x2]  }
0x60e: {  	s0 =	sadd.s32 @!p0 $0x100000, s0  }
0x60f: {  	[sflag:s0] =	ssyncadd.tile.s32 @!p0 $0x1;
	_ =	shalt  }
.Lfunc_end2:
_tile_overlayer_lowered:
.L_overlay_start_2:
0x610: {  	(tag) =	ssettag $0x2  }
0x611: {  	s0 =	rddreg [dreg:$0x0];
	s2 =	stileid.u32  }
0x612: {  	s1 =	rddreg [dreg:$0x1];
	p0 =	sne.s32 s2, $0x0  }
0x613: {  	s3 =	rddreg [dreg:$0x2];
	[bflag:$0x3] =	sbarrier.arrive $0xFFFF;
	s2 =	simm.s32 @!p0 $0x1C05  }
0x614: {  	[timem:s3], [sflag:s2] =	dma.local @!p0 [hbm:s0], s1  }
0x615: {  	s0 =	simm.s32 @!p0 $0x5  }
0x616: {  	_ =	swait.ge @!p0 [sflag:s0], s1  }
0x617: {  	s1 =	ssub.s32 @!p0 $0x0, s1;
	[sflag:s0] =	ssyncset.done @!p0 $0x0  }
0x618: {  	[sflag:s0] =	ssyncadd.s32 @!p0 s1  }
0x619: {  	[bflag:$0x3] =	sbarrier.arrive $0xFFFF  }
0x61a: {  	_ =	shalt  }

</sc_bundles>
